<compile_context>
chip_gen: v7x
topology: tpu7x:2x2x1
jax: 0.10.2.dev20260603
libtpu: 0.0.44.dev20260713+nightly
codegen_flags: <defaults>
</compile_context>

<pallas_src>
import functools

import jax
import jax.numpy as jnp
from jax import lax
from jax.experimental import pallas as pl
from jax.experimental.pallas import tpu as pltpu
from jax.experimental.pallas import tpu_sc as plsc

N = 10000
NPAD = 10240
D = 128
DH = D // 2
E = 320000
NC, NS = 2, 16
NW = NC * NS
EB = 128
NBLK = 160
EPAD = NS * NBLK * EB
CHUNK = 8
NCH = NBLK // CHUNK
HYB = 0
ROWS_T = NPAD // NW
ROWS_S = NPAD // NS

_mesh = plsc.VectorSubcoreMesh(core_axis_name="c", subcore_axis_name="s")
_sc_params = pltpu.CompilerParams(needs_layout_passes=False,
                                  use_tc_tiling_on_sc=False)


@functools.partial(
    pl.kernel,
    out_type=jax.ShapeDtypeStruct((NPAD,), jnp.float32),
    mesh=_mesh,
    compiler_params=_sc_params,
    scratch_types=[
        pltpu.VMEM_SHARED((NPAD,), jnp.float32),
        pltpu.VMEM((NBLK, EB), jnp.int32),
        pltpu.VMEM((EB,), jnp.float32),
        pltpu.VMEM((ROWS_T,), jnp.float32),
        pltpu.SemaphoreType.DMA,
    ],
)
def _sc_prep(dst_hbm, dinv_hbm, deg_sp, idx_v, ones_v, row_v, dsem):
    c = lax.axis_index("c")
    s = lax.axis_index("s")
    wid = c * NS + s

    @pl.loop(0, ROWS_T, step=16)
    def _(k):
        row_v[pl.ds(k, 16)] = jnp.ones((16,), jnp.float32)

    @pl.loop(0, EB, step=16)
    def _(k):
        ones_v[pl.ds(k, 16)] = jnp.ones((16,), jnp.float32)

    pltpu.sync_copy(row_v, deg_sp.at[pl.ds(s * ROWS_S, ROWS_T)])
    pltpu.sync_copy(row_v, deg_sp.at[pl.ds(s * ROWS_S + ROWS_T, ROWS_T)])
    plsc.subcore_barrier()

    pltpu.sync_copy(dst_hbm.at[s], idx_v)

    @pl.loop(0, NBLK)
    def _(j):
        pltpu.async_copy(ones_v, deg_sp.at[idx_v.at[j]], dsem, add=True)

    @pl.loop(0, NBLK)
    def _(j):
        pltpu.make_async_copy(ones_v, deg_sp.at[idx_v.at[0]], dsem).wait()

    plsc.subcore_barrier()

    pltpu.sync_copy(deg_sp.at[pl.ds(wid * ROWS_T, ROWS_T)], row_v)

    @pl.loop(0, ROWS_T, step=16)
    def _(k):
        v = row_v[pl.ds(k, 16)]
        yi = jnp.int32(0x5F3759DF) - (plsc.bitcast(v, jnp.int32) >> 1)
        y = plsc.bitcast(yi, jnp.float32)
        for _ in range(3):
            y = y * (1.5 - 0.5 * v * y * y)
        row_v[pl.ds(k, 16)] = y

    pltpu.sync_copy(row_v, dinv_hbm.at[pl.ds(wid * ROWS_T, ROWS_T)])


@functools.partial(
    pl.kernel,
    out_type=jax.ShapeDtypeStruct((NC, NPAD, DH), jnp.float32),
    mesh=_mesh,
    compiler_params=_sc_params,
    scratch_types=[
        pltpu.VMEM_SHARED((NPAD, DH), jnp.float32),
        pltpu.VMEM_SHARED((NPAD, DH), jnp.float32),
        [pltpu.VMEM((CHUNK, EB), jnp.int32)] * 2,
        [pltpu.VMEM((CHUNK, EB), jnp.int32)] * 2,
        [pltpu.VMEM((EB, DH), jnp.float32)] * 4,
        [pltpu.SemaphoreType.DMA] * 2,
        [pltpu.SemaphoreType.DMA] * 4,
        [pltpu.SemaphoreType.DMA] * 4,
    ],
)
def _sc_agg(g_hbm, src_hbm, dst_hbm, s_hbm, g_sp, acc_sp, srcc, dstc,
            rows, isem, gsem, ssem):
    c = lax.axis_index("c")
    s = lax.axis_index("s")

    pltpu.async_copy(src_hbm.at[s, pl.ds(0, CHUNK)], srcc[0], isem[0])
    pltpu.async_copy(dst_hbm.at[s, pl.ds(0, CHUNK)], dstc[0], isem[0])

    @pl.loop(0, EB)
    def _(r):
        @pl.loop(0, DH, step=16)
        def _(k):
            rows[0][r, pl.ds(k, 16)] = jnp.zeros((16,), jnp.float32)

    @pl.loop(0, ROWS_S, step=EB)
    def _(r):
        pltpu.sync_copy(rows[0], acc_sp.at[pl.ds(s * ROWS_S + r, EB)])

    pltpu.sync_copy(g_hbm.at[c, pl.ds(s * ROWS_S, ROWS_S)],
                    g_sp.at[pl.ds(s * ROWS_S, ROWS_S)])
    plsc.subcore_barrier()

    def _wait_idx(st):
        pltpu.make_async_copy(src_hbm.at[s, pl.ds(0, CHUNK)], srcc[st],
                              isem[st]).wait()
        pltpu.make_async_copy(dst_hbm.at[s, pl.ds(0, CHUNK)], dstc[st],
                              isem[st]).wait()

    _wait_idx(0)
    for k in range(3):
        gsrc = g_hbm.at[c] if k < HYB else g_sp
        pltpu.async_copy(gsrc.at[srcc[0].at[k]], rows[k], gsem[k])

    def _half(ch, st):
        nst = 1 - st

        @pl.when(ch + 1 < NCH)
        def _():
            pltpu.async_copy(src_hbm.at[s, pl.ds((ch + 1) * CHUNK, CHUNK)],
                             srcc[nst], isem[nst])
            pltpu.async_copy(dst_hbm.at[s, pl.ds((ch + 1) * CHUNK, CHUNK)],
                             dstc[nst], isem[nst])

        for i in range(CHUNK):
            b = ch * CHUNK + i
            k = i % 4
            kn = (i + 3) % 4

            pltpu.make_async_copy(g_sp.at[srcc[st].at[i]], rows[k],
                                  gsem[k]).wait()
            pltpu.async_copy(rows[k], acc_sp.at[dstc[st].at[i]], ssem[k],
                             add=True)

            if i < CHUNK - 3:
                @pl.when(b >= 1)
                def _():
                    pltpu.make_async_copy(rows[kn],
                                          acc_sp.at[dstc[st].at[i]],
                                          ssem[kn]).wait()
                pltpu.async_copy(g_sp.at[srcc[st].at[i + 3]], rows[kn],
                                 gsem[kn])
            else:
                pos = i - (CHUNK - 3)
                gsrc = g_hbm.at[c] if pos < HYB else g_sp

                @pl.when(ch + 1 < NCH)
                def _():
                    if i == CHUNK - 3:
                        _wait_idx(nst)
                    pltpu.make_async_copy(rows[kn],
                                          acc_sp.at[dstc[st].at[i]],
                                          ssem[kn]).wait()
                    pltpu.async_copy(gsrc.at[srcc[nst].at[pos]],
                                     rows[kn], gsem[kn])

    @pl.loop(0, NCH, step=2)
    def _(ch):
        _half(ch, 0)
        _half(ch + 1, 1)

    for k in range(4):
        pltpu.make_async_copy(rows[k], acc_sp.at[dstc[1].at[k]],
                              ssem[k]).wait()

    plsc.subcore_barrier()
    pltpu.sync_copy(acc_sp.at[pl.ds(s * ROWS_S, ROWS_S)],
                    s_hbm.at[c, pl.ds(s * ROWS_S, ROWS_S)])


_RB = 1280
_row_spec = pl.BlockSpec((_RB, D), lambda i: (i, 0))
_pair_spec = pl.BlockSpec((NC, _RB, DH), lambda i: (0, i, 0))
_col_spec = pl.BlockSpec((_RB, 1), lambda i: (i, 0))
_w_spec = pl.BlockSpec((D, D), lambda i: (0, 0))
_b_spec = pl.BlockSpec((1, D), lambda i: (0, 0))
_pair_shape = jax.ShapeDtypeStruct((NC, NPAD, DH), jnp.float32)


def _split_store(o_ref, val):
    o_ref[0] = val[:, :DH]
    o_ref[1] = val[:, DH:]


def _tc_project_body(x_ref, w_ref, dinv_ref, g_ref):
    _split_store(g_ref, dinv_ref[...] * jnp.dot(
        x_ref[...], w_ref[...], preferred_element_type=jnp.float32))


def _tc_project(x, w, dinv_col):
    return pl.pallas_call(
        _tc_project_body,
        grid=(NPAD // _RB,),
        in_specs=[_row_spec, _w_spec, _col_spec],
        out_specs=_pair_spec,
        out_shape=_pair_shape,
    )(x, w, dinv_col)


def _agg_concat(s_ref, g_ref):
    return jnp.concatenate(
        [s_ref[0] + g_ref[0], s_ref[1] + g_ref[1]], axis=1)


def _tc_layer_body(s_ref, g_ref, dinv_ref, b_ref, w_ref, o_ref):
    u = jax.nn.relu(dinv_ref[...] * _agg_concat(s_ref, g_ref) + b_ref[...])
    _split_store(o_ref, dinv_ref[...] * jnp.dot(
        u, w_ref[...], preferred_element_type=jnp.float32))


def _tc_layer(s, g, dinv_col, b, w):
    return pl.pallas_call(
        _tc_layer_body,
        grid=(NPAD // _RB,),
        in_specs=[_pair_spec, _pair_spec, _col_spec, _b_spec, _w_spec],
        out_specs=_pair_spec,
        out_shape=_pair_shape,
    )(s, g, dinv_col, b, w)


def _tc_final_body(s_ref, g_ref, dinv_ref, b_ref, o_ref):
    o_ref[...] = jax.nn.relu(
        dinv_ref[...] * _agg_concat(s_ref, g_ref) + b_ref[...])


def _tc_final(s, g, dinv_col, b):
    return pl.pallas_call(
        _tc_final_body,
        grid=(NPAD // _RB,),
        in_specs=[_pair_spec, _pair_spec, _col_spec, _b_spec],
        out_specs=_row_spec,
        out_shape=jax.ShapeDtypeStruct((NPAD, D), jnp.float32),
    )(s, g, dinv_col, b)


def kernel(x, edge_index, W1, b1, W2, b2, W3, b3):
    src = edge_index[0].astype(jnp.int32)
    dst = edge_index[1].astype(jnp.int32)
    src_p = jnp.concatenate(
        [src, jnp.zeros((EPAD - E,), jnp.int32)]).reshape(NS, NBLK, EB)
    dst_p = jnp.concatenate(
        [dst, jnp.full((EPAD - E,), N, jnp.int32)]).reshape(NS, NBLK, EB)
    x_p = jnp.pad(x, ((0, NPAD - N), (0, 0)))

    dinv = _sc_prep(dst_p)
    dinv_col = dinv.reshape(NPAD, 1)

    g = _tc_project(x_p, W1, dinv_col)
    S = _sc_agg(g, src_p, dst_p)
    g = _tc_layer(S, g, dinv_col, b1.reshape(1, D), W2)
    S = _sc_agg(g, src_p, dst_p)
    g = _tc_layer(S, g, dinv_col, b2.reshape(1, D), W3)
    S = _sc_agg(g, src_p, dst_p)
    out = _tc_final(S, g, dinv_col, b3.reshape(1, D))
    return out[:N]

# --- scband reference (transcript-rebuilt; emitter-appended) ---
"""Pipeline reference for scband-gnnembeds-39444979646944 (READ-ONLY COPY).

The authoritative reference and input builder live on the scoring server;
editing this copy changes nothing except your own understanding.
"""

import jax, jax.numpy as jnp
import numpy as np

N_NODES = 10000


def _gcn_norm(src, dst, num_nodes):
    # add self loops
    loop = jnp.arange(num_nodes, dtype=src.dtype)
    src2 = jnp.concatenate([src, loop])
    dst2 = jnp.concatenate([dst, loop])
    ones = jnp.ones(src2.shape[0], dtype=jnp.float32)
    deg = jax.ops.segment_sum(ones, dst2, num_segments=num_nodes)
    dinv = jnp.where(deg > 0, deg ** -0.5, 0.0)
    norm = dinv[src2] * dinv[dst2]
    return src2, dst2, norm


def _gcn_conv(x, src2, dst2, norm, W, b, num_nodes):
    h = x @ W
    msg = h[src2] * norm[:, None]
    agg = jax.ops.segment_sum(msg, dst2, num_segments=num_nodes)
    return agg + b


def setup_inputs(seed: int = 0) -> dict:
    key = jax.random.key(seed)
    ks = jax.random.split(key, 8)
    x = jax.random.normal(ks[0], (N_NODES, 128), dtype=jnp.float32)
    edge_index = jax.random.randint(ks[1], (2, 320000), 0, N_NODES, dtype=jnp.int64 if jax.config.jax_enable_x64 else jnp.int32)
    s = 1.0 / np.sqrt(128)
    W1 = jax.random.uniform(ks[2], (128, 128), jnp.float32, -s, s)
    b1 = jnp.zeros((128,), jnp.float32)
    W2 = jax.random.uniform(ks[3], (128, 128), jnp.float32, -s, s)
    b2 = jnp.zeros((128,), jnp.float32)
    W3 = jax.random.uniform(ks[4], (128, 128), jnp.float32, -s, s)
    b3 = jnp.zeros((128,), jnp.float32)
    return {"x": x, "edge_index": edge_index, "W1": W1, "b1": b1, "W2": W2, "b2": b2, "W3": W3, "b3": b3}


def reference(x, edge_index, W1, b1, W2, b2, W3, b3):
    src, dst = edge_index[0], edge_index[1]
    src2, dst2, norm = _gcn_norm(src, dst, N_NODES)
    h = _gcn_conv(x, src2, dst2, norm, W1, b1, N_NODES)
    h = jax.nn.relu(h)
    h = _gcn_conv(h, src2, dst2, norm, W2, b2, N_NODES)
    h = jax.nn.relu(h)
    h = _gcn_conv(h, src2, dst2, norm, W3, b3, N_NODES)
    h = jax.nn.relu(h)
    return h

if __name__ == "__main__":
    import jax
    _d = setup_inputs()
    print(jax.jit(kernel)(*tuple(_d.values())))

</pallas_src>

<mosaic_0001>
#map = affine_map<(d0, d1) -> (0, 0, 0)>
module attributes {stable_mosaic.version = 14 : i64} {
  func.func @_sc_agg(%arg0: i32, %arg1: i32, %arg2: memref<2x10240x64xf32, #tpu.memory_space<hbm>>, %arg3: memref<16x160x128xi32, #tpu.memory_space<hbm>>, %arg4: memref<16x160x128xi32, #tpu.memory_space<hbm>>, %arg5: memref<2x10240x64xf32, #tpu.memory_space<hbm>>, %arg6: memref<10240x64xf32, #tpu.memory_space<vmem_shared>>, %arg7: memref<10240x64xf32, #tpu.memory_space<vmem_shared>>, %arg8: memref<8x128xi32, #tpu.memory_space<vmem>>, %arg9: memref<8x128xi32, #tpu.memory_space<vmem>>, %arg10: memref<8x128xi32, #tpu.memory_space<vmem>>, %arg11: memref<8x128xi32, #tpu.memory_space<vmem>>, %arg12: memref<128x64xf32, #tpu.memory_space<vmem>>, %arg13: memref<128x64xf32, #tpu.memory_space<vmem>>, %arg14: memref<128x64xf32, #tpu.memory_space<vmem>>, %arg15: memref<128x64xf32, #tpu.memory_space<vmem>>, %arg16: memref<!tpu.dma_semaphore, #tpu.memory_space<semaphore_mem>>, %arg17: memref<!tpu.dma_semaphore, #tpu.memory_space<semaphore_mem>>, %arg18: memref<!tpu.dma_semaphore, #tpu.memory_space<semaphore_mem>>, %arg19: memref<!tpu.dma_semaphore, #tpu.memory_space<semaphore_mem>>, %arg20: memref<!tpu.dma_semaphore, #tpu.memory_space<semaphore_mem>>, %arg21: memref<!tpu.dma_semaphore, #tpu.memory_space<semaphore_mem>>, %arg22: memref<!tpu.dma_semaphore, #tpu.memory_space<semaphore_mem>>, %arg23: memref<!tpu.dma_semaphore, #tpu.memory_space<semaphore_mem>>, %arg24: memref<!tpu.dma_semaphore, #tpu.memory_space<semaphore_mem>>, %arg25: memref<!tpu.dma_semaphore, #tpu.memory_space<semaphore_mem>>) attributes {dimension_semantics = [#tpu.dimension_semantics<core_parallel>, #tpu.dimension_semantics<subcore_parallel>], iteration_bounds = array<i64: 2, 16>, scalar_prefetch = 0 : i64, scratch_operands = 20 : i64, tpu.core_type = #tpu.core_type<sc_vector_subcore>, window_params = [{transform_indices = #map}, {transform_indices = #map}, {transform_indices = #map}, {transform_indices = #map}]} {
    %dma_start3A = arith.constant 0 : i32
    %dma_start3A_0 = arith.constant 0 : i32
    %dma_start3A_1 = tpu.memref_slice %arg3[%arg1, %dma_start3A, %dma_start3A_0] : memref<16x160x128xi32, #tpu.memory_space<hbm>> -> memref<1x8x128xi32, #tpu.memory_space<hbm>>
    %dma_start3A_2 = tpu.memref_squeeze %dma_start3A_1 : memref<1x8x128xi32, #tpu.memory_space<hbm>> -> memref<8x128xi32, #tpu.memory_space<hbm>>
    %dma_start3A_3 = arith.constant 0 : i32
    %dma_start3A_4 = arith.constant 0 : i32
    %dma_start3A_5 = tpu.memref_slice %arg3[%arg1, %dma_start3A_3, %dma_start3A_4] : memref<16x160x128xi32, #tpu.memory_space<hbm>> -> memref<1x8x128xi32, #tpu.memory_space<hbm>>
    %dma_start3A_6 = tpu.memref_squeeze %dma_start3A_5 : memref<1x8x128xi32, #tpu.memory_space<hbm>> -> memref<8x128xi32, #tpu.memory_space<hbm>>
    tpu.enqueue_dma source(%dma_start3A_6 : memref<8x128xi32, #tpu.memory_space<hbm>>) target(%arg8 : memref<8x128xi32, #tpu.memory_space<vmem>>) target_semaphore(%arg16 : memref<!tpu.dma_semaphore, #tpu.memory_space<semaphore_mem>>)
    %dma_start3A_7 = arith.constant 0 : i32
    %dma_start3A_8 = arith.constant 0 : i32
    %dma_start3A_9 = tpu.memref_slice %arg4[%arg1, %dma_start3A_7, %dma_start3A_8] : memref<16x160x128xi32, #tpu.memory_space<hbm>> -> memref<1x8x128xi32, #tpu.memory_space<hbm>>
    %dma_start3A_10 = tpu.memref_squeeze %dma_start3A_9 : memref<1x8x128xi32, #tpu.memory_space<hbm>> -> memref<8x128xi32, #tpu.memory_space<hbm>>
    %dma_start3A_11 = arith.constant 0 : i32
    %dma_start3A_12 = arith.constant 0 : i32
    %dma_start3A_13 = tpu.memref_slice %arg4[%arg1, %dma_start3A_11, %dma_start3A_12] : memref<16x160x128xi32, #tpu.memory_space<hbm>> -> memref<1x8x128xi32, #tpu.memory_space<hbm>>
    %dma_start3A_14 = tpu.memref_squeeze %dma_start3A_13 : memref<1x8x128xi32, #tpu.memory_space<hbm>> -> memref<8x128xi32, #tpu.memory_space<hbm>>
    tpu.enqueue_dma source(%dma_start3A_14 : memref<8x128xi32, #tpu.memory_space<hbm>>) target(%arg10 : memref<8x128xi32, #tpu.memory_space<vmem>>) target_semaphore(%arg16 : memref<!tpu.dma_semaphore, #tpu.memory_space<semaphore_mem>>)
    %scan3A = arith.constant 0 : i32
    %scan3A_15 = arith.constant 128 : i32
    %scan3A_16 = arith.addi %scan3A, %scan3A_15 : i32
    %scan3A_17 = arith.constant 1 : i32
    scf.for %scan3A_101 = %scan3A to %scan3A_16 step %scan3A_17  : i32 {
      %mul3A_102 = arith.constant 1 : i32
      %mul3A_103 = arith.muli %scan3A_101, %mul3A_102 : i32
      %add3A = arith.constant 0 : i32
      %add3A_104 = arith.addi %add3A, %mul3A_103 : i32
      %scan3A_105 = arith.constant 0 : i32
      %scan3A_106 = arith.constant 4 : i32
      %scan3A_107 = arith.addi %scan3A_105, %scan3A_106 : i32
      %scan3A_108 = arith.constant 1 : i32
      scf.for %scan3A_110 = %scan3A_105 to %scan3A_107 step %scan3A_108  : i32 {
        %mul3A_111 = arith.constant 16 : i32
        %mul3A_112 = arith.muli %scan3A_110, %mul3A_111 : i32
        %add3A_113 = arith.constant 0 : i32
        %add3A_114 = arith.addi %add3A_113, %mul3A_112 : i32
        %broadcast_in_dim3A = arith.constant 0.000000e+00 : f32
        %broadcast_in_dim3A_115 = vector.broadcast %broadcast_in_dim3A : f32 to vector<16xf32>
        %swap3A = arith.index_cast %add3A_104 : i32 to index
        %swap3A_116 = arith.index_cast %add3A_114 : i32 to index
        %swap3A_117 = tpu.vector_load %arg12[%swap3A, %swap3A_116] {strides = array<i32>} : memref<128x64xf32, #tpu.memory_space<vmem>>, vector<16xf32>,
        tpu.vector_store %arg12[%swap3A, %swap3A_116], %broadcast_in_dim3A_115 {strides = array<i32>} : memref<128x64xf32, #tpu.memory_space<vmem>>, vector<16xf32>,
      }
      %scan3A_109 = arith.constant 4 : i32
    }
    %scan3A_18 = arith.constant 128 : i32
    %scan3A_19 = arith.constant 0 : i32
    %scan3A_20 = arith.constant 5 : i32
    %scan3A_21 = arith.addi %scan3A_19, %scan3A_20 : i32
    %scan3A_22 = arith.constant 1 : i32
    scf.for %scan3A_101 = %scan3A_19 to %scan3A_21 step %scan3A_22  : i32 {
      %mul3A_102 = arith.constant 128 : i32
      %mul3A_103 = arith.muli %scan3A_101, %mul3A_102 : i32
      %add3A = arith.constant 0 : i32
      %add3A_104 = arith.addi %add3A, %mul3A_103 : i32
      %mul3A_105 = arith.constant 640 : i32
      %mul3A_106 = arith.muli %arg1, %mul3A_105 : i32
      %add3A_107 = arith.addi %mul3A_106, %add3A_104 : i32
      "tpu.region"() ({
        %run_scoped3A = tpu.sem_alloc : memref<!tpu.dma_semaphore, #tpu.memory_space<semaphore_mem>>
        %dma_start3A_108 = arith.constant 0 : i32
        %dma_start3A_109 = tpu.memref_slice %arg7[%add3A_107, %dma_start3A_108] : memref<10240x64xf32, #tpu.memory_space<vmem_shared>> -> memref<128x64xf32, #tpu.memory_space<vmem_shared>>
        %dma_start3A_110 = arith.constant 0 : i32
        %dma_start3A_111 = tpu.memref_slice %arg7[%add3A_107, %dma_start3A_110] : memref<10240x64xf32, #tpu.memory_space<vmem_shared>> -> memref<128x64xf32, #tpu.memory_space<vmem_shared>>
        tpu.enqueue_dma source(%arg12 : memref<128x64xf32, #tpu.memory_space<vmem>>) target(%dma_start3A_111 : memref<128x64xf32, #tpu.memory_space<vmem_shared>>) target_semaphore(%run_scoped3A : memref<!tpu.dma_semaphore, #tpu.memory_space<semaphore_mem>>)
        %dma_wait3A_112 = arith.constant 0 : i32
        %dma_wait3A_113 = tpu.memref_slice %arg7[%add3A_107, %dma_wait3A_112] : memref<10240x64xf32, #tpu.memory_space<vmem_shared>> -> memref<128x64xf32, #tpu.memory_space<vmem_shared>>
        %dma_wait3A_114 = arith.constant 0 : i32
        %dma_wait3A_115 = tpu.memref_slice %arg7[%add3A_107, %dma_wait3A_114] : memref<10240x64xf32, #tpu.memory_space<vmem_shared>> -> memref<128x64xf32, #tpu.memory_space<vmem_shared>>
        tpu.wait_dma2 semaphore(%run_scoped3A : memref<!tpu.dma_semaphore, #tpu.memory_space<semaphore_mem>>) src(%arg12 : memref<128x64xf32, #tpu.memory_space<vmem>>) dst(%dma_wait3A_115 : memref<128x64xf32, #tpu.memory_space<vmem_shared>>)
        tpu.yield
      }) : () -> ()
    }
    %scan3A_23 = arith.constant 5 : i32
    %mul3A = arith.constant 640 : i32
    %mul3A_24 = arith.muli %arg1, %mul3A : i32
    %mul3A_25 = arith.constant 640 : i32
    %mul3A_26 = arith.muli %arg1, %mul3A_25 : i32
    "tpu.region"() ({
      %run_scoped3A = tpu.sem_alloc : memref<!tpu.dma_semaphore, #tpu.memory_space<semaphore_mem>>
      %dma_start3A_101 = arith.constant 0 : i32
      %dma_start3A_102 = tpu.memref_slice %arg6[%mul3A_26, %dma_start3A_101] : memref<10240x64xf32, #tpu.memory_space<vmem_shared>> -> memref<640x64xf32, #tpu.memory_space<vmem_shared>>
      %dma_start3A_103 = arith.constant 0 : i32
      %dma_start3A_104 = tpu.memref_slice %arg2[%arg0, %mul3A_24, %dma_start3A_103] : memref<2x10240x64xf32, #tpu.memory_space<hbm>> -> memref<1x640x64xf32, #tpu.memory_space<hbm>>
      %dma_start3A_105 = tpu.memref_squeeze %dma_start3A_104 : memref<1x640x64xf32, #tpu.memory_space<hbm>> -> memref<640x64xf32, #tpu.memory_space<hbm>>
      tpu.enqueue_dma source(%dma_start3A_105 : memref<640x64xf32, #tpu.memory_space<hbm>>) target(%dma_start3A_102 : memref<640x64xf32, #tpu.memory_space<vmem_shared>>) target_semaphore(%run_scoped3A : memref<!tpu.dma_semaphore, #tpu.memory_space<semaphore_mem>>)
      %dma_wait3A_106 = arith.constant 0 : i32
      %dma_wait3A_107 = tpu.memref_slice %arg6[%mul3A_26, %dma_wait3A_106] : memref<10240x64xf32, #tpu.memory_space<vmem_shared>> -> memref<640x64xf32, #tpu.memory_space<vmem_shared>>
      %dma_wait3A_108 = arith.constant 0 : i32
      %dma_wait3A_109 = tpu.memref_slice %arg2[%arg0, %mul3A_24, %dma_wait3A_108] : memref<2x10240x64xf32, #tpu.memory_space<hbm>> -> memref<1x640x64xf32, #tpu.memory_space<hbm>>
      %dma_wait3A_110 = tpu.memref_squeeze %dma_wait3A_109 : memref<1x640x64xf32, #tpu.memory_space<hbm>> -> memref<640x64xf32, #tpu.memory_space<hbm>>
      tpu.wait_dma2 semaphore(%run_scoped3A : memref<!tpu.dma_semaphore, #tpu.memory_space<semaphore_mem>>) src(%dma_wait3A_110 : memref<640x64xf32, #tpu.memory_space<hbm>>) dst(%dma_wait3A_107 : memref<640x64xf32, #tpu.memory_space<vmem_shared>>)
      tpu.yield
    }) : () -> ()
    %barrier3A = arith.constant 0 : index
    tpu.barrier barrier_id(%barrier3A)
    %dma_wait3A = arith.constant 0 : i32
    %dma_wait3A_27 = arith.constant 0 : i32
    %dma_wait3A_28 = tpu.memref_slice %arg3[%arg1, %dma_wait3A, %dma_wait3A_27] : memref<16x160x128xi32, #tpu.memory_space<hbm>> -> memref<1x8x128xi32, #tpu.memory_space<hbm>>
    %dma_wait3A_29 = tpu.memref_squeeze %dma_wait3A_28 : memref<1x8x128xi32, #tpu.memory_space<hbm>> -> memref<8x128xi32, #tpu.memory_space<hbm>>
    %dma_wait3A_30 = arith.constant 0 : i32
    %dma_wait3A_31 = arith.constant 0 : i32
    %dma_wait3A_32 = tpu.memref_slice %arg3[%arg1, %dma_wait3A_30, %dma_wait3A_31] : memref<16x160x128xi32, #tpu.memory_space<hbm>> -> memref<1x8x128xi32, #tpu.memory_space<hbm>>
    %dma_wait3A_33 = tpu.memref_squeeze %dma_wait3A_32 : memref<1x8x128xi32, #tpu.memory_space<hbm>> -> memref<8x128xi32, #tpu.memory_space<hbm>>
    tpu.wait_dma2 semaphore(%arg16 : memref<!tpu.dma_semaphore, #tpu.memory_space<semaphore_mem>>) src(%dma_wait3A_33 : memref<8x128xi32, #tpu.memory_space<hbm>>) dst(%arg8 : memref<8x128xi32, #tpu.memory_space<vmem>>)
    %dma_wait3A_34 = arith.constant 0 : i32
    %dma_wait3A_35 = arith.constant 0 : i32
    %dma_wait3A_36 = tpu.memref_slice %arg4[%arg1, %dma_wait3A_34, %dma_wait3A_35] : memref<16x160x128xi32, #tpu.memory_space<hbm>> -> memref<1x8x128xi32, #tpu.memory_space<hbm>>
    %dma_wait3A_37 = tpu.memref_squeeze %dma_wait3A_36 : memref<1x8x128xi32, #tpu.memory_space<hbm>> -> memref<8x128xi32, #tpu.memory_space<hbm>>
    %dma_wait3A_38 = arith.constant 0 : i32
    %dma_wait3A_39 = arith.constant 0 : i32
    %dma_wait3A_40 = tpu.memref_slice %arg4[%arg1, %dma_wait3A_38, %dma_wait3A_39] : memref<16x160x128xi32, #tpu.memory_space<hbm>> -> memref<1x8x128xi32, #tpu.memory_space<hbm>>
    %dma_wait3A_41 = tpu.memref_squeeze %dma_wait3A_40 : memref<1x8x128xi32, #tpu.memory_space<hbm>> -> memref<8x128xi32, #tpu.memory_space<hbm>>
    tpu.wait_dma2 semaphore(%arg16 : memref<!tpu.dma_semaphore, #tpu.memory_space<semaphore_mem>>) src(%dma_wait3A_41 : memref<8x128xi32, #tpu.memory_space<hbm>>) dst(%arg10 : memref<8x128xi32, #tpu.memory_space<vmem>>)
    %dma_start3A_42 = arith.constant 0 : i32
    %dma_start3A_43 = arith.constant 0 : i32
    %dma_start3A_44 = tpu.memref_slice %arg8[%dma_start3A_42, %dma_start3A_43] : memref<8x128xi32, #tpu.memory_space<vmem>> -> memref<1x128xi32, #tpu.memory_space<vmem>>
    %dma_start3A_45 = tpu.memref_squeeze %dma_start3A_44 : memref<1x128xi32, #tpu.memory_space<vmem>> -> memref<128xi32, #tpu.memory_space<vmem>>
    %dma_start3A_46 = arith.constant 0 : i32
    %dma_start3A_47 = arith.constant 0 : i32
    %dma_start3A_48 = tpu.memref_slice %arg6[%dma_start3A_46, %dma_start3A_47] : memref<10240x64xf32, #tpu.memory_space<vmem_shared>> -> memref<10240x64xf32, #tpu.memory_space<vmem_shared>>
    tpu.enqueue_indirect_dma source(%dma_start3A_48 : memref<10240x64xf32, #tpu.memory_space<vmem_shared>>) target(%arg12 : memref<128x64xf32, #tpu.memory_space<vmem>>) offsets(%dma_start3A_45 : memref<128xi32, #tpu.memory_space<vmem>>) semaphore(%arg18 : memref<!tpu.dma_semaphore, #tpu.memory_space<semaphore_mem>>)
    %dma_start3A_49 = arith.constant 1 : i32
    %dma_start3A_50 = arith.constant 0 : i32
    %dma_start3A_51 = tpu.memref_slice %arg8[%dma_start3A_49, %dma_start3A_50] : memref<8x128xi32, #tpu.memory_space<vmem>> -> memref<1x128xi32, #tpu.memory_space<vmem>>
    %dma_start3A_52 = tpu.memref_squeeze %dma_start3A_51 : memref<1x128xi32, #tpu.memory_space<vmem>> -> memref<128xi32, #tpu.memory_space<vmem>>
    %dma_start3A_53 = arith.constant 0 : i32
    %dma_start3A_54 = arith.constant 0 : i32
    %dma_start3A_55 = tpu.memref_slice %arg6[%dma_start3A_53, %dma_start3A_54] : memref<10240x64xf32, #tpu.memory_space<vmem_shared>> -> memref<10240x64xf32, #tpu.memory_space<vmem_shared>>
    tpu.enqueue_indirect_dma source(%dma_start3A_55 : memref<10240x64xf32, #tpu.memory_space<vmem_shared>>) target(%arg13 : memref<128x64xf32, #tpu.memory_space<vmem>>) offsets(%dma_start3A_52 : memref<128xi32, #tpu.memory_space<vmem>>) semaphore(%arg19 : memref<!tpu.dma_semaphore, #tpu.memory_space<semaphore_mem>>)
    %dma_start3A_56 = arith.constant 2 : i32
    %dma_start3A_57 = arith.constant 0 : i32
    %dma_start3A_58 = tpu.memref_slice %arg8[%dma_start3A_56, %dma_start3A_57] : memref<8x128xi32, #tpu.memory_space<vmem>> -> memref<1x128xi32, #tpu.memory_space<vmem>>
    %dma_start3A_59 = tpu.memref_squeeze %dma_start3A_58 : memref<1x128xi32, #tpu.memory_space<vmem>> -> memref<128xi32, #tpu.memory_space<vmem>>
    %dma_start3A_60 = arith.constant 0 : i32
    %dma_start3A_61 = arith.constant 0 : i32
    %dma_start3A_62 = tpu.memref_slice %arg6[%dma_start3A_60, %dma_start3A_61] : memref<10240x64xf32, #tpu.memory_space<vmem_shared>> -> memref<10240x64xf32, #tpu.memory_space<vmem_shared>>
    tpu.enqueue_indirect_dma source(%dma_start3A_62 : memref<10240x64xf32, #tpu.memory_space<vmem_shared>>) target(%arg14 : memref<128x64xf32, #tpu.memory_space<vmem>>) offsets(%dma_start3A_59 : memref<128xi32, #tpu.memory_space<vmem>>) semaphore(%arg20 : memref<!tpu.dma_semaphore, #tpu.memory_space<semaphore_mem>>)
    %scan3A_63 = arith.constant 0 : i32
    %scan3A_64 = arith.constant 10 : i32
    %scan3A_65 = arith.addi %scan3A_63, %scan3A_64 : i32
    %scan3A_66 = arith.constant 1 : i32
    scf.for %scan3A_101 = %scan3A_63 to %scan3A_65 step %scan3A_66  : i32 {
      %mul3A_102 = arith.constant 2 : i32
      %mul3A_103 = arith.muli %scan3A_101, %mul3A_102 : i32
      %add3A = arith.constant 0 : i32
      %add3A_104 = arith.addi %add3A, %mul3A_103 : i32
      %add3A_105 = arith.constant 1 : i32
      %add3A_106 = arith.addi %add3A_104, %add3A_105 : i32
      %lt3A = arith.constant 20 : i32
      %lt3A_107 = arith.cmpi slt, %add3A_106, %lt3A : i32
      %convert_element_type3A = arith.extui %lt3A_107 : i1 to i32
      %cond3A = arith.constant 0 : i32
      %cond3A_108 = arith.cmpi ne, %convert_element_type3A, %cond3A : i32
      scf.if %cond3A_108 {
        %add3A_567 = arith.constant 1 : i32
        %add3A_568 = arith.addi %add3A_104, %add3A_567 : i32
        %mul3A_569 = arith.constant 8 : i32
        %mul3A_570 = arith.muli %add3A_568, %mul3A_569 : i32
        %dma_start3A_571 = arith.constant 0 : i32
        %dma_start3A_572 = tpu.memref_slice %arg3[%arg1, %mul3A_570, %dma_start3A_571] : memref<16x160x128xi32, #tpu.memory_space<hbm>> -> memref<1x8x128xi32, #tpu.memory_space<hbm>>
        %dma_start3A_573 = tpu.memref_squeeze %dma_start3A_572 : memref<1x8x128xi32, #tpu.memory_space<hbm>> -> memref<8x128xi32, #tpu.memory_space<hbm>>
        %dma_start3A_574 = arith.constant 0 : i32
        %dma_start3A_575 = tpu.memref_slice %arg3[%arg1, %mul3A_570, %dma_start3A_574] : memref<16x160x128xi32, #tpu.memory_space<hbm>> -> memref<1x8x128xi32, #tpu.memory_space<hbm>>
        %dma_start3A_576 = tpu.memref_squeeze %dma_start3A_575 : memref<1x8x128xi32, #tpu.memory_space<hbm>> -> memref<8x128xi32, #tpu.memory_space<hbm>>
        tpu.enqueue_dma source(%dma_start3A_576 : memref<8x128xi32, #tpu.memory_space<hbm>>) target(%arg9 : memref<8x128xi32, #tpu.memory_space<vmem>>) target_semaphore(%arg17 : memref<!tpu.dma_semaphore, #tpu.memory_space<semaphore_mem>>)
        %add3A_577 = arith.constant 1 : i32
        %add3A_578 = arith.addi %add3A_104, %add3A_577 : i32
        %mul3A_579 = arith.constant 8 : i32
        %mul3A_580 = arith.muli %add3A_578, %mul3A_579 : i32
        %dma_start3A_581 = arith.constant 0 : i32
        %dma_start3A_582 = tpu.memref_slice %arg4[%arg1, %mul3A_580, %dma_start3A_581] : memref<16x160x128xi32, #tpu.memory_space<hbm>> -> memref<1x8x128xi32, #tpu.memory_space<hbm>>
        %dma_start3A_583 = tpu.memref_squeeze %dma_start3A_582 : memref<1x8x128xi32, #tpu.memory_space<hbm>> -> memref<8x128xi32, #tpu.memory_space<hbm>>
        %dma_start3A_584 = arith.constant 0 : i32
        %dma_start3A_585 = tpu.memref_slice %arg4[%arg1, %mul3A_580, %dma_start3A_584] : memref<16x160x128xi32, #tpu.memory_space<hbm>> -> memref<1x8x128xi32, #tpu.memory_space<hbm>>
        %dma_start3A_586 = tpu.memref_squeeze %dma_start3A_585 : memref<1x8x128xi32, #tpu.memory_space<hbm>> -> memref<8x128xi32, #tpu.memory_space<hbm>>
        tpu.enqueue_dma source(%dma_start3A_586 : memref<8x128xi32, #tpu.memory_space<hbm>>) target(%arg11 : memref<8x128xi32, #tpu.memory_space<vmem>>) target_semaphore(%arg17 : memref<!tpu.dma_semaphore, #tpu.memory_space<semaphore_mem>>)
      } else {
      }
      %mul3A_109 = arith.constant 8 : i32
      %mul3A_110 = arith.muli %add3A_104, %mul3A_109 : i32
      %add3A_111 = arith.constant 0 : i32
      %add3A_112 = arith.addi %mul3A_110, %add3A_111 : i32
      %dma_wait3A_113 = arith.constant 0 : i32
      %dma_wait3A_114 = arith.constant 0 : i32
      %dma_wait3A_115 = tpu.memref_slice %arg8[%dma_wait3A_113, %dma_wait3A_114] : memref<8x128xi32, #tpu.memory_space<vmem>> -> memref<1x128xi32, #tpu.memory_space<vmem>>
      %dma_wait3A_116 = tpu.memref_squeeze %dma_wait3A_115 : memref<1x128xi32, #tpu.memory_space<vmem>> -> memref<128xi32, #tpu.memory_space<vmem>>
      %dma_wait3A_117 = arith.constant 0 : i32
      %dma_wait3A_118 = arith.constant 0 : i32
      %dma_wait3A_119 = tpu.memref_slice %arg6[%dma_wait3A_117, %dma_wait3A_118] : memref<10240x64xf32, #tpu.memory_space<vmem_shared>> -> memref<10240x64xf32, #tpu.memory_space<vmem_shared>>
      tpu.wait_indirect_dma semaphore(%arg18 : memref<!tpu.dma_semaphore, #tpu.memory_space<semaphore_mem>>) src(%dma_wait3A_119 : memref<10240x64xf32, #tpu.memory_space<vmem_shared>>) dst(%arg12 : memref<128x64xf32, #tpu.memory_space<vmem>>)
      %dma_start3A_120 = arith.constant 0 : i32
      %dma_start3A_121 = arith.constant 0 : i32
      %dma_start3A_122 = tpu.memref_slice %arg10[%dma_start3A_120, %dma_start3A_121] : memref<8x128xi32, #tpu.memory_space<vmem>> -> memref<1x128xi32, #tpu.memory_space<vmem>>
      %dma_start3A_123 = tpu.memref_squeeze %dma_start3A_122 : memref<1x128xi32, #tpu.memory_space<vmem>> -> memref<128xi32, #tpu.memory_space<vmem>>
      %dma_start3A_124 = arith.constant 0 : i32
      %dma_start3A_125 = arith.constant 0 : i32
      %dma_start3A_126 = tpu.memref_slice %arg7[%dma_start3A_124, %dma_start3A_125] : memref<10240x64xf32, #tpu.memory_space<vmem_shared>> -> memref<10240x64xf32, #tpu.memory_space<vmem_shared>>
      tpu.enqueue_indirect_dma source(%arg12 : memref<128x64xf32, #tpu.memory_space<vmem>>) target(%dma_start3A_126 : memref<10240x64xf32, #tpu.memory_space<vmem_shared>>) offsets(%dma_start3A_123 : memref<128xi32, #tpu.memory_space<vmem>>) semaphore(%arg22 : memref<!tpu.dma_semaphore, #tpu.memory_space<semaphore_mem>>) {add = true}
      %ge3A = arith.constant 1 : i32
      %ge3A_127 = arith.cmpi sge, %add3A_112, %ge3A : i32
      %convert_element_type3A_128 = arith.extui %ge3A_127 : i1 to i32
      %cond3A_129 = arith.constant 0 : i32
      %cond3A_130 = arith.cmpi ne, %convert_element_type3A_128, %cond3A_129 : i32
      scf.if %cond3A_130 {
        %dma_wait3A_567 = arith.constant 0 : i32
        %dma_wait3A_568 = arith.constant 0 : i32
        %dma_wait3A_569 = tpu.memref_slice %arg10[%dma_wait3A_567, %dma_wait3A_568] : memref<8x128xi32, #tpu.memory_space<vmem>> -> memref<1x128xi32, #tpu.memory_space<vmem>>
        %dma_wait3A_570 = tpu.memref_squeeze %dma_wait3A_569 : memref<1x128xi32, #tpu.memory_space<vmem>> -> memref<128xi32, #tpu.memory_space<vmem>>
        %dma_wait3A_571 = arith.constant 0 : i32
        %dma_wait3A_572 = arith.constant 0 : i32
        %dma_wait3A_573 = tpu.memref_slice %arg7[%dma_wait3A_571, %dma_wait3A_572] : memref<10240x64xf32, #tpu.memory_space<vmem_shared>> -> memref<10240x64xf32, #tpu.memory_space<vmem_shared>>
        tpu.wait_indirect_dma semaphore(%arg25 : memref<!tpu.dma_semaphore, #tpu.memory_space<semaphore_mem>>) src(%arg15 : memref<128x64xf32, #tpu.memory_space<vmem>>) dst(%dma_wait3A_573 : memref<10240x64xf32, #tpu.memory_space<vmem_shared>>)
      } else {
      }
      %dma_start3A_131 = arith.constant 3 : i32
      %dma_start3A_132 = arith.constant 0 : i32
      %dma_start3A_133 = tpu.memref_slice %arg8[%dma_start3A_131, %dma_start3A_132] : memref<8x128xi32, #tpu.memory_space<vmem>> -> memref<1x128xi32, #tpu.memory_space<vmem>>
      %dma_start3A_134 = tpu.memref_squeeze %dma_start3A_133 : memref<1x128xi32, #tpu.memory_space<vmem>> -> memref<128xi32, #tpu.memory_space<vmem>>
      %dma_start3A_135 = arith.constant 0 : i32
      %dma_start3A_136 = arith.constant 0 : i32
      %dma_start3A_137 = tpu.memref_slice %arg6[%dma_start3A_135, %dma_start3A_136] : memref<10240x64xf32, #tpu.memory_space<vmem_shared>> -> memref<10240x64xf32, #tpu.memory_space<vmem_shared>>
      tpu.enqueue_indirect_dma source(%dma_start3A_137 : memref<10240x64xf32, #tpu.memory_space<vmem_shared>>) target(%arg15 : memref<128x64xf32, #tpu.memory_space<vmem>>) offsets(%dma_start3A_134 : memref<128xi32, #tpu.memory_space<vmem>>) semaphore(%arg21 : memref<!tpu.dma_semaphore, #tpu.memory_space<semaphore_mem>>)
      %mul3A_138 = arith.constant 8 : i32
      %mul3A_139 = arith.muli %add3A_104, %mul3A_138 : i32
      %add3A_140 = arith.constant 1 : i32
      %add3A_141 = arith.addi %mul3A_139, %add3A_140 : i32
      %dma_wait3A_142 = arith.constant 1 : i32
      %dma_wait3A_143 = arith.constant 0 : i32
      %dma_wait3A_144 = tpu.memref_slice %arg8[%dma_wait3A_142, %dma_wait3A_143] : memref<8x128xi32, #tpu.memory_space<vmem>> -> memref<1x128xi32, #tpu.memory_space<vmem>>
      %dma_wait3A_145 = tpu.memref_squeeze %dma_wait3A_144 : memref<1x128xi32, #tpu.memory_space<vmem>> -> memref<128xi32, #tpu.memory_space<vmem>>
      %dma_wait3A_146 = arith.constant 0 : i32
      %dma_wait3A_147 = arith.constant 0 : i32
      %dma_wait3A_148 = tpu.memref_slice %arg6[%dma_wait3A_146, %dma_wait3A_147] : memref<10240x64xf32, #tpu.memory_space<vmem_shared>> -> memref<10240x64xf32, #tpu.memory_space<vmem_shared>>
      tpu.wait_indirect_dma semaphore(%arg19 : memref<!tpu.dma_semaphore, #tpu.memory_space<semaphore_mem>>) src(%dma_wait3A_148 : memref<10240x64xf32, #tpu.memory_space<vmem_shared>>) dst(%arg13 : memref<128x64xf32, #tpu.memory_space<vmem>>)
      %dma_start3A_149 = arith.constant 1 : i32
      %dma_start3A_150 = arith.constant 0 : i32
      %dma_start3A_151 = tpu.memref_slice %arg10[%dma_start3A_149, %dma_start3A_150] : memref<8x128xi32, #tpu.memory_space<vmem>> -> memref<1x128xi32, #tpu.memory_space<vmem>>
      %dma_start3A_152 = tpu.memref_squeeze %dma_start3A_151 : memref<1x128xi32, #tpu.memory_space<vmem>> -> memref<128xi32, #tpu.memory_space<vmem>>
      %dma_start3A_153 = arith.constant 0 : i32
      %dma_start3A_154 = arith.constant 0 : i32
      %dma_start3A_155 = tpu.memref_slice %arg7[%dma_start3A_153, %dma_start3A_154] : memref<10240x64xf32, #tpu.memory_space<vmem_shared>> -> memref<10240x64xf32, #tpu.memory_space<vmem_shared>>
      tpu.enqueue_indirect_dma source(%arg13 : memref<128x64xf32, #tpu.memory_space<vmem>>) target(%dma_start3A_155 : memref<10240x64xf32, #tpu.memory_space<vmem_shared>>) offsets(%dma_start3A_152 : memref<128xi32, #tpu.memory_space<vmem>>) semaphore(%arg23 : memref<!tpu.dma_semaphore, #tpu.memory_space<semaphore_mem>>) {add = true}
      %ge3A_156 = arith.constant 1 : i32
      %ge3A_157 = arith.cmpi sge, %add3A_141, %ge3A_156 : i32
      %convert_element_type3A_158 = arith.extui %ge3A_157 : i1 to i32
      %cond3A_159 = arith.constant 0 : i32
      %cond3A_160 = arith.cmpi ne, %convert_element_type3A_158, %cond3A_159 : i32
      scf.if %cond3A_160 {
        %dma_wait3A_567 = arith.constant 1 : i32
        %dma_wait3A_568 = arith.constant 0 : i32
        %dma_wait3A_569 = tpu.memref_slice %arg10[%dma_wait3A_567, %dma_wait3A_568] : memref<8x128xi32, #tpu.memory_space<vmem>> -> memref<1x128xi32, #tpu.memory_space<vmem>>
        %dma_wait3A_570 = tpu.memref_squeeze %dma_wait3A_569 : memref<1x128xi32, #tpu.memory_space<vmem>> -> memref<128xi32, #tpu.memory_space<vmem>>
        %dma_wait3A_571 = arith.constant 0 : i32
        %dma_wait3A_572 = arith.constant 0 : i32
        %dma_wait3A_573 = tpu.memref_slice %arg7[%dma_wait3A_571, %dma_wait3A_572] : memref<10240x64xf32, #tpu.memory_space<vmem_shared>> -> memref<10240x64xf32, #tpu.memory_space<vmem_shared>>
        tpu.wait_indirect_dma semaphore(%arg22 : memref<!tpu.dma_semaphore, #tpu.memory_space<semaphore_mem>>) src(%arg12 : memref<128x64xf32, #tpu.memory_space<vmem>>) dst(%dma_wait3A_573 : memref<10240x64xf32, #tpu.memory_space<vmem_shared>>)
      } else {
      }
      %dma_start3A_161 = arith.constant 4 : i32
      %dma_start3A_162 = arith.constant 0 : i32
      %dma_start3A_163 = tpu.memref_slice %arg8[%dma_start3A_161, %dma_start3A_162] : memref<8x128xi32, #tpu.memory_space<vmem>> -> memref<1x128xi32, #tpu.memory_space<vmem>>
      %dma_start3A_164 = tpu.memref_squeeze %dma_start3A_163 : memref<1x128xi32, #tpu.memory_space<vmem>> -> memref<128xi32, #tpu.memory_space<vmem>>
      %dma_start3A_165 = arith.constant 0 : i32
      %dma_start3A_166 = arith.constant 0 : i32
      %dma_start3A_167 = tpu.memref_slice %arg6[%dma_start3A_165, %dma_start3A_166] : memref<10240x64xf32, #tpu.memory_space<vmem_shared>> -> memref<10240x64xf32, #tpu.memory_space<vmem_shared>>
      tpu.enqueue_indirect_dma source(%dma_start3A_167 : memref<10240x64xf32, #tpu.memory_space<vmem_shared>>) target(%arg12 : memref<128x64xf32, #tpu.memory_space<vmem>>) offsets(%dma_start3A_164 : memref<128xi32, #tpu.memory_space<vmem>>) semaphore(%arg18 : memref<!tpu.dma_semaphore, #tpu.memory_space<semaphore_mem>>)
      %mul3A_168 = arith.constant 8 : i32
      %mul3A_169 = arith.muli %add3A_104, %mul3A_168 : i32
      %add3A_170 = arith.constant 2 : i32
      %add3A_171 = arith.addi %mul3A_169, %add3A_170 : i32
      %dma_wait3A_172 = arith.constant 2 : i32
      %dma_wait3A_173 = arith.constant 0 : i32
      %dma_wait3A_174 = tpu.memref_slice %arg8[%dma_wait3A_172, %dma_wait3A_173] : memref<8x128xi32, #tpu.memory_space<vmem>> -> memref<1x128xi32, #tpu.memory_space<vmem>>
      %dma_wait3A_175 = tpu.memref_squeeze %dma_wait3A_174 : memref<1x128xi32, #tpu.memory_space<vmem>> -> memref<128xi32, #tpu.memory_space<vmem>>
      %dma_wait3A_176 = arith.constant 0 : i32
      %dma_wait3A_177 = arith.constant 0 : i32
      %dma_wait3A_178 = tpu.memref_slice %arg6[%dma_wait3A_176, %dma_wait3A_177] : memref<10240x64xf32, #tpu.memory_space<vmem_shared>> -> memref<10240x64xf32, #tpu.memory_space<vmem_shared>>
      tpu.wait_indirect_dma semaphore(%arg20 : memref<!tpu.dma_semaphore, #tpu.memory_space<semaphore_mem>>) src(%dma_wait3A_178 : memref<10240x64xf32, #tpu.memory_space<vmem_shared>>) dst(%arg14 : memref<128x64xf32, #tpu.memory_space<vmem>>)
      %dma_start3A_179 = arith.constant 2 : i32
      %dma_start3A_180 = arith.constant 0 : i32
      %dma_start3A_181 = tpu.memref_slice %arg10[%dma_start3A_179, %dma_start3A_180] : memref<8x128xi32, #tpu.memory_space<vmem>> -> memref<1x128xi32, #tpu.memory_space<vmem>>
      %dma_start3A_182 = tpu.memref_squeeze %dma_start3A_181 : memref<1x128xi32, #tpu.memory_space<vmem>> -> memref<128xi32, #tpu.memory_space<vmem>>
      %dma_start3A_183 = arith.constant 0 : i32
      %dma_start3A_184 = arith.constant 0 : i32
      %dma_start3A_185 = tpu.memref_slice %arg7[%dma_start3A_183, %dma_start3A_184] : memref<10240x64xf32, #tpu.memory_space<vmem_shared>> -> memref<10240x64xf32, #tpu.memory_space<vmem_shared>>
      tpu.enqueue_indirect_dma source(%arg14 : memref<128x64xf32, #tpu.memory_space<vmem>>) target(%dma_start3A_185 : memref<10240x64xf32, #tpu.memory_space<vmem_shared>>) offsets(%dma_start3A_182 : memref<128xi32, #tpu.memory_space<vmem>>) semaphore(%arg24 : memref<!tpu.dma_semaphore, #tpu.memory_space<semaphore_mem>>) {add = true}
      %ge3A_186 = arith.constant 1 : i32
      %ge3A_187 = arith.cmpi sge, %add3A_171, %ge3A_186 : i32
      %convert_element_type3A_188 = arith.extui %ge3A_187 : i1 to i32
      %cond3A_189 = arith.constant 0 : i32
      %cond3A_190 = arith.cmpi ne, %convert_element_type3A_188, %cond3A_189 : i32
      scf.if %cond3A_190 {
        %dma_wait3A_567 = arith.constant 2 : i32
        %dma_wait3A_568 = arith.constant 0 : i32
        %dma_wait3A_569 = tpu.memref_slice %arg10[%dma_wait3A_567, %dma_wait3A_568] : memref<8x128xi32, #tpu.memory_space<vmem>> -> memref<1x128xi32, #tpu.memory_space<vmem>>
        %dma_wait3A_570 = tpu.memref_squeeze %dma_wait3A_569 : memref<1x128xi32, #tpu.memory_space<vmem>> -> memref<128xi32, #tpu.memory_space<vmem>>
        %dma_wait3A_571 = arith.constant 0 : i32
        %dma_wait3A_572 = arith.constant 0 : i32
        %dma_wait3A_573 = tpu.memref_slice %arg7[%dma_wait3A_571, %dma_wait3A_572] : memref<10240x64xf32, #tpu.memory_space<vmem_shared>> -> memref<10240x64xf32, #tpu.memory_space<vmem_shared>>
        tpu.wait_indirect_dma semaphore(%arg23 : memref<!tpu.dma_semaphore, #tpu.memory_space<semaphore_mem>>) src(%arg13 : memref<128x64xf32, #tpu.memory_space<vmem>>) dst(%dma_wait3A_573 : memref<10240x64xf32, #tpu.memory_space<vmem_shared>>)
      } else {
      }
      %dma_start3A_191 = arith.constant 5 : i32
      %dma_start3A_192 = arith.constant 0 : i32
      %dma_start3A_193 = tpu.memref_slice %arg8[%dma_start3A_191, %dma_start3A_192] : memref<8x128xi32, #tpu.memory_space<vmem>> -> memref<1x128xi32, #tpu.memory_space<vmem>>
      %dma_start3A_194 = tpu.memref_squeeze %dma_start3A_193 : memref<1x128xi32, #tpu.memory_space<vmem>> -> memref<128xi32, #tpu.memory_space<vmem>>
      %dma_start3A_195 = arith.constant 0 : i32
      %dma_start3A_196 = arith.constant 0 : i32
      %dma_start3A_197 = tpu.memref_slice %arg6[%dma_start3A_195, %dma_start3A_196] : memref<10240x64xf32, #tpu.memory_space<vmem_shared>> -> memref<10240x64xf32, #tpu.memory_space<vmem_shared>>
      tpu.enqueue_indirect_dma source(%dma_start3A_197 : memref<10240x64xf32, #tpu.memory_space<vmem_shared>>) target(%arg13 : memref<128x64xf32, #tpu.memory_space<vmem>>) offsets(%dma_start3A_194 : memref<128xi32, #tpu.memory_space<vmem>>) semaphore(%arg19 : memref<!tpu.dma_semaphore, #tpu.memory_space<semaphore_mem>>)
      %mul3A_198 = arith.constant 8 : i32
      %mul3A_199 = arith.muli %add3A_104, %mul3A_198 : i32
      %add3A_200 = arith.constant 3 : i32
      %add3A_201 = arith.addi %mul3A_199, %add3A_200 : i32
      %dma_wait3A_202 = arith.constant 3 : i32
      %dma_wait3A_203 = arith.constant 0 : i32
      %dma_wait3A_204 = tpu.memref_slice %arg8[%dma_wait3A_202, %dma_wait3A_203] : memref<8x128xi32, #tpu.memory_space<vmem>> -> memref<1x128xi32, #tpu.memory_space<vmem>>
      %dma_wait3A_205 = tpu.memref_squeeze %dma_wait3A_204 : memref<1x128xi32, #tpu.memory_space<vmem>> -> memref<128xi32, #tpu.memory_space<vmem>>
      %dma_wait3A_206 = arith.constant 0 : i32
      %dma_wait3A_207 = arith.constant 0 : i32
      %dma_wait3A_208 = tpu.memref_slice %arg6[%dma_wait3A_206, %dma_wait3A_207] : memref<10240x64xf32, #tpu.memory_space<vmem_shared>> -> memref<10240x64xf32, #tpu.memory_space<vmem_shared>>
      tpu.wait_indirect_dma semaphore(%arg21 : memref<!tpu.dma_semaphore, #tpu.memory_space<semaphore_mem>>) src(%dma_wait3A_208 : memref<10240x64xf32, #tpu.memory_space<vmem_shared>>) dst(%arg15 : memref<128x64xf32, #tpu.memory_space<vmem>>)
      %dma_start3A_209 = arith.constant 3 : i32
      %dma_start3A_210 = arith.constant 0 : i32
      %dma_start3A_211 = tpu.memref_slice %arg10[%dma_start3A_209, %dma_start3A_210] : memref<8x128xi32, #tpu.memory_space<vmem>> -> memref<1x128xi32, #tpu.memory_space<vmem>>
      %dma_start3A_212 = tpu.memref_squeeze %dma_start3A_211 : memref<1x128xi32, #tpu.memory_space<vmem>> -> memref<128xi32, #tpu.memory_space<vmem>>
      %dma_start3A_213 = arith.constant 0 : i32
      %dma_start3A_214 = arith.constant 0 : i32
      %dma_start3A_215 = tpu.memref_slice %arg7[%dma_start3A_213, %dma_start3A_214] : memref<10240x64xf32, #tpu.memory_space<vmem_shared>> -> memref<10240x64xf32, #tpu.memory_space<vmem_shared>>
      tpu.enqueue_indirect_dma source(%arg15 : memref<128x64xf32, #tpu.memory_space<vmem>>) target(%dma_start3A_215 : memref<10240x64xf32, #tpu.memory_space<vmem_shared>>) offsets(%dma_start3A_212 : memref<128xi32, #tpu.memory_space<vmem>>) semaphore(%arg25 : memref<!tpu.dma_semaphore, #tpu.memory_space<semaphore_mem>>) {add = true}
      %ge3A_216 = arith.constant 1 : i32
      %ge3A_217 = arith.cmpi sge, %add3A_201, %ge3A_216 : i32
      %convert_element_type3A_218 = arith.extui %ge3A_217 : i1 to i32
      %cond3A_219 = arith.constant 0 : i32
      %cond3A_220 = arith.cmpi ne, %convert_element_type3A_218, %cond3A_219 : i32
      scf.if %cond3A_220 {
        %dma_wait3A_567 = arith.constant 3 : i32
        %dma_wait3A_568 = arith.constant 0 : i32
        %dma_wait3A_569 = tpu.memref_slice %arg10[%dma_wait3A_567, %dma_wait3A_568] : memref<8x128xi32, #tpu.memory_space<vmem>> -> memref<1x128xi32, #tpu.memory_space<vmem>>
        %dma_wait3A_570 = tpu.memref_squeeze %dma_wait3A_569 : memref<1x128xi32, #tpu.memory_space<vmem>> -> memref<128xi32, #tpu.memory_space<vmem>>
        %dma_wait3A_571 = arith.constant 0 : i32
        %dma_wait3A_572 = arith.constant 0 : i32
        %dma_wait3A_573 = tpu.memref_slice %arg7[%dma_wait3A_571, %dma_wait3A_572] : memref<10240x64xf32, #tpu.memory_space<vmem_shared>> -> memref<10240x64xf32, #tpu.memory_space<vmem_shared>>
        tpu.wait_indirect_dma semaphore(%arg24 : memref<!tpu.dma_semaphore, #tpu.memory_space<semaphore_mem>>) src(%arg14 : memref<128x64xf32, #tpu.memory_space<vmem>>) dst(%dma_wait3A_573 : memref<10240x64xf32, #tpu.memory_space<vmem_shared>>)
      } else {
      }
      %dma_start3A_221 = arith.constant 6 : i32
      %dma_start3A_222 = arith.constant 0 : i32
      %dma_start3A_223 = tpu.memref_slice %arg8[%dma_start3A_221, %dma_start3A_222] : memref<8x128xi32, #tpu.memory_space<vmem>> -> memref<1x128xi32, #tpu.memory_space<vmem>>
      %dma_start3A_224 = tpu.memref_squeeze %dma_start3A_223 : memref<1x128xi32, #tpu.memory_space<vmem>> -> memref<128xi32, #tpu.memory_space<vmem>>
      %dma_start3A_225 = arith.constant 0 : i32
      %dma_start3A_226 = arith.constant 0 : i32
      %dma_start3A_227 = tpu.memref_slice %arg6[%dma_start3A_225, %dma_start3A_226] : memref<10240x64xf32, #tpu.memory_space<vmem_shared>> -> memref<10240x64xf32, #tpu.memory_space<vmem_shared>>
      tpu.enqueue_indirect_dma source(%dma_start3A_227 : memref<10240x64xf32, #tpu.memory_space<vmem_shared>>) target(%arg14 : memref<128x64xf32, #tpu.memory_space<vmem>>) offsets(%dma_start3A_224 : memref<128xi32, #tpu.memory_space<vmem>>) semaphore(%arg20 : memref<!tpu.dma_semaphore, #tpu.memory_space<semaphore_mem>>)
      %mul3A_228 = arith.constant 8 : i32
      %mul3A_229 = arith.muli %add3A_104, %mul3A_228 : i32
      %add3A_230 = arith.constant 4 : i32
      %add3A_231 = arith.addi %mul3A_229, %add3A_230 : i32
      %dma_wait3A_232 = arith.constant 4 : i32
      %dma_wait3A_233 = arith.constant 0 : i32
      %dma_wait3A_234 = tpu.memref_slice %arg8[%dma_wait3A_232, %dma_wait3A_233] : memref<8x128xi32, #tpu.memory_space<vmem>> -> memref<1x128xi32, #tpu.memory_space<vmem>>
      %dma_wait3A_235 = tpu.memref_squeeze %dma_wait3A_234 : memref<1x128xi32, #tpu.memory_space<vmem>> -> memref<128xi32, #tpu.memory_space<vmem>>
      %dma_wait3A_236 = arith.constant 0 : i32
      %dma_wait3A_237 = arith.constant 0 : i32
      %dma_wait3A_238 = tpu.memref_slice %arg6[%dma_wait3A_236, %dma_wait3A_237] : memref<10240x64xf32, #tpu.memory_space<vmem_shared>> -> memref<10240x64xf32, #tpu.memory_space<vmem_shared>>
      tpu.wait_indirect_dma semaphore(%arg18 : memref<!tpu.dma_semaphore, #tpu.memory_space<semaphore_mem>>) src(%dma_wait3A_238 : memref<10240x64xf32, #tpu.memory_space<vmem_shared>>) dst(%arg12 : memref<128x64xf32, #tpu.memory_space<vmem>>)
      %dma_start3A_239 = arith.constant 4 : i32
      %dma_start3A_240 = arith.constant 0 : i32
      %dma_start3A_241 = tpu.memref_slice %arg10[%dma_start3A_239, %dma_start3A_240] : memref<8x128xi32, #tpu.memory_space<vmem>> -> memref<1x128xi32, #tpu.memory_space<vmem>>
      %dma_start3A_242 = tpu.memref_squeeze %dma_start3A_241 : memref<1x128xi32, #tpu.memory_space<vmem>> -> memref<128xi32, #tpu.memory_space<vmem>>
      %dma_start3A_243 = arith.constant 0 : i32
      %dma_start3A_244 = arith.constant 0 : i32
      %dma_start3A_245 = tpu.memref_slice %arg7[%dma_start3A_243, %dma_start3A_244] : memref<10240x64xf32, #tpu.memory_space<vmem_shared>> -> memref<10240x64xf32, #tpu.memory_space<vmem_shared>>
      tpu.enqueue_indirect_dma source(%arg12 : memref<128x64xf32, #tpu.memory_space<vmem>>) target(%dma_start3A_245 : memref<10240x64xf32, #tpu.memory_space<vmem_shared>>) offsets(%dma_start3A_242 : memref<128xi32, #tpu.memory_space<vmem>>) semaphore(%arg22 : memref<!tpu.dma_semaphore, #tpu.memory_space<semaphore_mem>>) {add = true}
      %ge3A_246 = arith.constant 1 : i32
      %ge3A_247 = arith.cmpi sge, %add3A_231, %ge3A_246 : i32
      %convert_element_type3A_248 = arith.extui %ge3A_247 : i1 to i32
      %cond3A_249 = arith.constant 0 : i32
      %cond3A_250 = arith.cmpi ne, %convert_element_type3A_248, %cond3A_249 : i32
      scf.if %cond3A_250 {
        %dma_wait3A_567 = arith.constant 4 : i32
        %dma_wait3A_568 = arith.constant 0 : i32
        %dma_wait3A_569 = tpu.memref_slice %arg10[%dma_wait3A_567, %dma_wait3A_568] : memref<8x128xi32, #tpu.memory_space<vmem>> -> memref<1x128xi32, #tpu.memory_space<vmem>>
        %dma_wait3A_570 = tpu.memref_squeeze %dma_wait3A_569 : memref<1x128xi32, #tpu.memory_space<vmem>> -> memref<128xi32, #tpu.memory_space<vmem>>
        %dma_wait3A_571 = arith.constant 0 : i32
        %dma_wait3A_572 = arith.constant 0 : i32
        %dma_wait3A_573 = tpu.memref_slice %arg7[%dma_wait3A_571, %dma_wait3A_572] : memref<10240x64xf32, #tpu.memory_space<vmem_shared>> -> memref<10240x64xf32, #tpu.memory_space<vmem_shared>>
        tpu.wait_indirect_dma semaphore(%arg25 : memref<!tpu.dma_semaphore, #tpu.memory_space<semaphore_mem>>) src(%arg15 : memref<128x64xf32, #tpu.memory_space<vmem>>) dst(%dma_wait3A_573 : memref<10240x64xf32, #tpu.memory_space<vmem_shared>>)
      } else {
      }
      %dma_start3A_251 = arith.constant 7 : i32
      %dma_start3A_252 = arith.constant 0 : i32
      %dma_start3A_253 = tpu.memref_slice %arg8[%dma_start3A_251, %dma_start3A_252] : memref<8x128xi32, #tpu.memory_space<vmem>> -> memref<1x128xi32, #tpu.memory_space<vmem>>
      %dma_start3A_254 = tpu.memref_squeeze %dma_start3A_253 : memref<1x128xi32, #tpu.memory_space<vmem>> -> memref<128xi32, #tpu.memory_space<vmem>>
      %dma_start3A_255 = arith.constant 0 : i32
      %dma_start3A_256 = arith.constant 0 : i32
      %dma_start3A_257 = tpu.memref_slice %arg6[%dma_start3A_255, %dma_start3A_256] : memref<10240x64xf32, #tpu.memory_space<vmem_shared>> -> memref<10240x64xf32, #tpu.memory_space<vmem_shared>>
      tpu.enqueue_indirect_dma source(%dma_start3A_257 : memref<10240x64xf32, #tpu.memory_space<vmem_shared>>) target(%arg15 : memref<128x64xf32, #tpu.memory_space<vmem>>) offsets(%dma_start3A_254 : memref<128xi32, #tpu.memory_space<vmem>>) semaphore(%arg21 : memref<!tpu.dma_semaphore, #tpu.memory_space<semaphore_mem>>)
      %mul3A_258 = arith.constant 8 : i32
      %mul3A_259 = arith.muli %add3A_104, %mul3A_258 : i32
      %add3A_260 = arith.constant 5 : i32
      %add3A_261 = arith.addi %mul3A_259, %add3A_260 : i32
      %dma_wait3A_262 = arith.constant 5 : i32
      %dma_wait3A_263 = arith.constant 0 : i32
      %dma_wait3A_264 = tpu.memref_slice %arg8[%dma_wait3A_262, %dma_wait3A_263] : memref<8x128xi32, #tpu.memory_space<vmem>> -> memref<1x128xi32, #tpu.memory_space<vmem>>
      %dma_wait3A_265 = tpu.memref_squeeze %dma_wait3A_264 : memref<1x128xi32, #tpu.memory_space<vmem>> -> memref<128xi32, #tpu.memory_space<vmem>>
      %dma_wait3A_266 = arith.constant 0 : i32
      %dma_wait3A_267 = arith.constant 0 : i32
      %dma_wait3A_268 = tpu.memref_slice %arg6[%dma_wait3A_266, %dma_wait3A_267] : memref<10240x64xf32, #tpu.memory_space<vmem_shared>> -> memref<10240x64xf32, #tpu.memory_space<vmem_shared>>
      tpu.wait_indirect_dma semaphore(%arg19 : memref<!tpu.dma_semaphore, #tpu.memory_space<semaphore_mem>>) src(%dma_wait3A_268 : memref<10240x64xf32, #tpu.memory_space<vmem_shared>>) dst(%arg13 : memref<128x64xf32, #tpu.memory_space<vmem>>)
      %dma_start3A_269 = arith.constant 5 : i32
      %dma_start3A_270 = arith.constant 0 : i32
      %dma_start3A_271 = tpu.memref_slice %arg10[%dma_start3A_269, %dma_start3A_270] : memref<8x128xi32, #tpu.memory_space<vmem>> -> memref<1x128xi32, #tpu.memory_space<vmem>>
      %dma_start3A_272 = tpu.memref_squeeze %dma_start3A_271 : memref<1x128xi32, #tpu.memory_space<vmem>> -> memref<128xi32, #tpu.memory_space<vmem>>
      %dma_start3A_273 = arith.constant 0 : i32
      %dma_start3A_274 = arith.constant 0 : i32
      %dma_start3A_275 = tpu.memref_slice %arg7[%dma_start3A_273, %dma_start3A_274] : memref<10240x64xf32, #tpu.memory_space<vmem_shared>> -> memref<10240x64xf32, #tpu.memory_space<vmem_shared>>
      tpu.enqueue_indirect_dma source(%arg13 : memref<128x64xf32, #tpu.memory_space<vmem>>) target(%dma_start3A_275 : memref<10240x64xf32, #tpu.memory_space<vmem_shared>>) offsets(%dma_start3A_272 : memref<128xi32, #tpu.memory_space<vmem>>) semaphore(%arg23 : memref<!tpu.dma_semaphore, #tpu.memory_space<semaphore_mem>>) {add = true}
      %add3A_276 = arith.constant 1 : i32
      %add3A_277 = arith.addi %add3A_104, %add3A_276 : i32
      %lt3A_278 = arith.constant 20 : i32
      %lt3A_279 = arith.cmpi slt, %add3A_277, %lt3A_278 : i32
      %convert_element_type3A_280 = arith.extui %lt3A_279 : i1 to i32
      %cond3A_281 = arith.constant 0 : i32
      %cond3A_282 = arith.cmpi ne, %convert_element_type3A_280, %cond3A_281 : i32
      scf.if %cond3A_282 {
        %dma_wait3A_567 = arith.constant 0 : i32
        %dma_wait3A_568 = arith.constant 0 : i32
        %dma_wait3A_569 = tpu.memref_slice %arg3[%arg1, %dma_wait3A_567, %dma_wait3A_568] : memref<16x160x128xi32, #tpu.memory_space<hbm>> -> memref<1x8x128xi32, #tpu.memory_space<hbm>>
        %dma_wait3A_570 = tpu.memref_squeeze %dma_wait3A_569 : memref<1x8x128xi32, #tpu.memory_space<hbm>> -> memref<8x128xi32, #tpu.memory_space<hbm>>
        %dma_wait3A_571 = arith.constant 0 : i32
        %dma_wait3A_572 = arith.constant 0 : i32
        %dma_wait3A_573 = tpu.memref_slice %arg3[%arg1, %dma_wait3A_571, %dma_wait3A_572] : memref<16x160x128xi32, #tpu.memory_space<hbm>> -> memref<1x8x128xi32, #tpu.memory_space<hbm>>
        %dma_wait3A_574 = tpu.memref_squeeze %dma_wait3A_573 : memref<1x8x128xi32, #tpu.memory_space<hbm>> -> memref<8x128xi32, #tpu.memory_space<hbm>>
        tpu.wait_dma2 semaphore(%arg17 : memref<!tpu.dma_semaphore, #tpu.memory_space<semaphore_mem>>) src(%dma_wait3A_574 : memref<8x128xi32, #tpu.memory_space<hbm>>) dst(%arg9 : memref<8x128xi32, #tpu.memory_space<vmem>>)
        %dma_wait3A_575 = arith.constant 0 : i32
        %dma_wait3A_576 = arith.constant 0 : i32
        %dma_wait3A_577 = tpu.memref_slice %arg4[%arg1, %dma_wait3A_575, %dma_wait3A_576] : memref<16x160x128xi32, #tpu.memory_space<hbm>> -> memref<1x8x128xi32, #tpu.memory_space<hbm>>
        %dma_wait3A_578 = tpu.memref_squeeze %dma_wait3A_577 : memref<1x8x128xi32, #tpu.memory_space<hbm>> -> memref<8x128xi32, #tpu.memory_space<hbm>>
        %dma_wait3A_579 = arith.constant 0 : i32
        %dma_wait3A_580 = arith.constant 0 : i32
        %dma_wait3A_581 = tpu.memref_slice %arg4[%arg1, %dma_wait3A_579, %dma_wait3A_580] : memref<16x160x128xi32, #tpu.memory_space<hbm>> -> memref<1x8x128xi32, #tpu.memory_space<hbm>>
        %dma_wait3A_582 = tpu.memref_squeeze %dma_wait3A_581 : memref<1x8x128xi32, #tpu.memory_space<hbm>> -> memref<8x128xi32, #tpu.memory_space<hbm>>
        tpu.wait_dma2 semaphore(%arg17 : memref<!tpu.dma_semaphore, #tpu.memory_space<semaphore_mem>>) src(%dma_wait3A_582 : memref<8x128xi32, #tpu.memory_space<hbm>>) dst(%arg11 : memref<8x128xi32, #tpu.memory_space<vmem>>)
        %dma_wait3A_583 = arith.constant 5 : i32
        %dma_wait3A_584 = arith.constant 0 : i32
        %dma_wait3A_585 = tpu.memref_slice %arg10[%dma_wait3A_583, %dma_wait3A_584] : memref<8x128xi32, #tpu.memory_space<vmem>> -> memref<1x128xi32, #tpu.memory_space<vmem>>
        %dma_wait3A_586 = tpu.memref_squeeze %dma_wait3A_585 : memref<1x128xi32, #tpu.memory_space<vmem>> -> memref<128xi32, #tpu.memory_space<vmem>>
        %dma_wait3A_587 = arith.constant 0 : i32
        %dma_wait3A_588 = arith.constant 0 : i32
        %dma_wait3A_589 = tpu.memref_slice %arg7[%dma_wait3A_587, %dma_wait3A_588] : memref<10240x64xf32, #tpu.memory_space<vmem_shared>> -> memref<10240x64xf32, #tpu.memory_space<vmem_shared>>
        tpu.wait_indirect_dma semaphore(%arg22 : memref<!tpu.dma_semaphore, #tpu.memory_space<semaphore_mem>>) src(%arg12 : memref<128x64xf32, #tpu.memory_space<vmem>>) dst(%dma_wait3A_589 : memref<10240x64xf32, #tpu.memory_space<vmem_shared>>)
        %dma_start3A_590 = arith.constant 0 : i32
        %dma_start3A_591 = arith.constant 0 : i32
        %dma_start3A_592 = tpu.memref_slice %arg9[%dma_start3A_590, %dma_start3A_591] : memref<8x128xi32, #tpu.memory_space<vmem>> -> memref<1x128xi32, #tpu.memory_space<vmem>>
        %dma_start3A_593 = tpu.memref_squeeze %dma_start3A_592 : memref<1x128xi32, #tpu.memory_space<vmem>> -> memref<128xi32, #tpu.memory_space<vmem>>
        %dma_start3A_594 = arith.constant 0 : i32
        %dma_start3A_595 = arith.constant 0 : i32
        %dma_start3A_596 = tpu.memref_slice %arg6[%dma_start3A_594, %dma_start3A_595] : memref<10240x64xf32, #tpu.memory_space<vmem_shared>> -> memref<10240x64xf32, #tpu.memory_space<vmem_shared>>
        tpu.enqueue_indirect_dma source(%dma_start3A_596 : memref<10240x64xf32, #tpu.memory_space<vmem_shared>>) target(%arg12 : memref<128x64xf32, #tpu.memory_space<vmem>>) offsets(%dma_start3A_593 : memref<128xi32, #tpu.memory_space<vmem>>) semaphore(%arg18 : memref<!tpu.dma_semaphore, #tpu.memory_space<semaphore_mem>>)
      } else {
      }
      %mul3A_283 = arith.constant 8 : i32
      %mul3A_284 = arith.muli %add3A_104, %mul3A_283 : i32
      %add3A_285 = arith.constant 6 : i32
      %add3A_286 = arith.addi %mul3A_284, %add3A_285 : i32
      %dma_wait3A_287 = arith.constant 6 : i32
      %dma_wait3A_288 = arith.constant 0 : i32
      %dma_wait3A_289 = tpu.memref_slice %arg8[%dma_wait3A_287, %dma_wait3A_288] : memref<8x128xi32, #tpu.memory_space<vmem>> -> memref<1x128xi32, #tpu.memory_space<vmem>>
      %dma_wait3A_290 = tpu.memref_squeeze %dma_wait3A_289 : memref<1x128xi32, #tpu.memory_space<vmem>> -> memref<128xi32, #tpu.memory_space<vmem>>
      %dma_wait3A_291 = arith.constant 0 : i32
      %dma_wait3A_292 = arith.constant 0 : i32
      %dma_wait3A_293 = tpu.memref_slice %arg6[%dma_wait3A_291, %dma_wait3A_292] : memref<10240x64xf32, #tpu.memory_space<vmem_shared>> -> memref<10240x64xf32, #tpu.memory_space<vmem_shared>>
      tpu.wait_indirect_dma semaphore(%arg20 : memref<!tpu.dma_semaphore, #tpu.memory_space<semaphore_mem>>) src(%dma_wait3A_293 : memref<10240x64xf32, #tpu.memory_space<vmem_shared>>) dst(%arg14 : memref<128x64xf32, #tpu.memory_space<vmem>>)
      %dma_start3A_294 = arith.constant 6 : i32
      %dma_start3A_295 = arith.constant 0 : i32
      %dma_start3A_296 = tpu.memref_slice %arg10[%dma_start3A_294, %dma_start3A_295] : memref<8x128xi32, #tpu.memory_space<vmem>> -> memref<1x128xi32, #tpu.memory_space<vmem>>
      %dma_start3A_297 = tpu.memref_squeeze %dma_start3A_296 : memref<1x128xi32, #tpu.memory_space<vmem>> -> memref<128xi32, #tpu.memory_space<vmem>>
      %dma_start3A_298 = arith.constant 0 : i32
      %dma_start3A_299 = arith.constant 0 : i32
      %dma_start3A_300 = tpu.memref_slice %arg7[%dma_start3A_298, %dma_start3A_299] : memref<10240x64xf32, #tpu.memory_space<vmem_shared>> -> memref<10240x64xf32, #tpu.memory_space<vmem_shared>>
      tpu.enqueue_indirect_dma source(%arg14 : memref<128x64xf32, #tpu.memory_space<vmem>>) target(%dma_start3A_300 : memref<10240x64xf32, #tpu.memory_space<vmem_shared>>) offsets(%dma_start3A_297 : memref<128xi32, #tpu.memory_space<vmem>>) semaphore(%arg24 : memref<!tpu.dma_semaphore, #tpu.memory_space<semaphore_mem>>) {add = true}
      %add3A_301 = arith.constant 1 : i32
      %add3A_302 = arith.addi %add3A_104, %add3A_301 : i32
      %lt3A_303 = arith.constant 20 : i32
      %lt3A_304 = arith.cmpi slt, %add3A_302, %lt3A_303 : i32
      %convert_element_type3A_305 = arith.extui %lt3A_304 : i1 to i32
      %cond3A_306 = arith.constant 0 : i32
      %cond3A_307 = arith.cmpi ne, %convert_element_type3A_305, %cond3A_306 : i32
      scf.if %cond3A_307 {
        %dma_wait3A_567 = arith.constant 6 : i32
        %dma_wait3A_568 = arith.constant 0 : i32
        %dma_wait3A_569 = tpu.memref_slice %arg10[%dma_wait3A_567, %dma_wait3A_568] : memref<8x128xi32, #tpu.memory_space<vmem>> -> memref<1x128xi32, #tpu.memory_space<vmem>>
        %dma_wait3A_570 = tpu.memref_squeeze %dma_wait3A_569 : memref<1x128xi32, #tpu.memory_space<vmem>> -> memref<128xi32, #tpu.memory_space<vmem>>
        %dma_wait3A_571 = arith.constant 0 : i32
        %dma_wait3A_572 = arith.constant 0 : i32
        %dma_wait3A_573 = tpu.memref_slice %arg7[%dma_wait3A_571, %dma_wait3A_572] : memref<10240x64xf32, #tpu.memory_space<vmem_shared>> -> memref<10240x64xf32, #tpu.memory_space<vmem_shared>>
        tpu.wait_indirect_dma semaphore(%arg23 : memref<!tpu.dma_semaphore, #tpu.memory_space<semaphore_mem>>) src(%arg13 : memref<128x64xf32, #tpu.memory_space<vmem>>) dst(%dma_wait3A_573 : memref<10240x64xf32, #tpu.memory_space<vmem_shared>>)
        %dma_start3A_574 = arith.constant 1 : i32
        %dma_start3A_575 = arith.constant 0 : i32
        %dma_start3A_576 = tpu.memref_slice %arg9[%dma_start3A_574, %dma_start3A_575] : memref<8x128xi32, #tpu.memory_space<vmem>> -> memref<1x128xi32, #tpu.memory_space<vmem>>
        %dma_start3A_577 = tpu.memref_squeeze %dma_start3A_576 : memref<1x128xi32, #tpu.memory_space<vmem>> -> memref<128xi32, #tpu.memory_space<vmem>>
        %dma_start3A_578 = arith.constant 0 : i32
        %dma_start3A_579 = arith.constant 0 : i32
        %dma_start3A_580 = tpu.memref_slice %arg6[%dma_start3A_578, %dma_start3A_579] : memref<10240x64xf32, #tpu.memory_space<vmem_shared>> -> memref<10240x64xf32, #tpu.memory_space<vmem_shared>>
        tpu.enqueue_indirect_dma source(%dma_start3A_580 : memref<10240x64xf32, #tpu.memory_space<vmem_shared>>) target(%arg13 : memref<128x64xf32, #tpu.memory_space<vmem>>) offsets(%dma_start3A_577 : memref<128xi32, #tpu.memory_space<vmem>>) semaphore(%arg19 : memref<!tpu.dma_semaphore, #tpu.memory_space<semaphore_mem>>)
      } else {
      }
      %mul3A_308 = arith.constant 8 : i32
      %mul3A_309 = arith.muli %add3A_104, %mul3A_308 : i32
      %add3A_310 = arith.constant 7 : i32
      %add3A_311 = arith.addi %mul3A_309, %add3A_310 : i32
      %dma_wait3A_312 = arith.constant 7 : i32
      %dma_wait3A_313 = arith.constant 0 : i32
      %dma_wait3A_314 = tpu.memref_slice %arg8[%dma_wait3A_312, %dma_wait3A_313] : memref<8x128xi32, #tpu.memory_space<vmem>> -> memref<1x128xi32, #tpu.memory_space<vmem>>
      %dma_wait3A_315 = tpu.memref_squeeze %dma_wait3A_314 : memref<1x128xi32, #tpu.memory_space<vmem>> -> memref<128xi32, #tpu.memory_space<vmem>>
      %dma_wait3A_316 = arith.constant 0 : i32
      %dma_wait3A_317 = arith.constant 0 : i32
      %dma_wait3A_318 = tpu.memref_slice %arg6[%dma_wait3A_316, %dma_wait3A_317] : memref<10240x64xf32, #tpu.memory_space<vmem_shared>> -> memref<10240x64xf32, #tpu.memory_space<vmem_shared>>
      tpu.wait_indirect_dma semaphore(%arg21 : memref<!tpu.dma_semaphore, #tpu.memory_space<semaphore_mem>>) src(%dma_wait3A_318 : memref<10240x64xf32, #tpu.memory_space<vmem_shared>>) dst(%arg15 : memref<128x64xf32, #tpu.memory_space<vmem>>)
      %dma_start3A_319 = arith.constant 7 : i32
      %dma_start3A_320 = arith.constant 0 : i32
      %dma_start3A_321 = tpu.memref_slice %arg10[%dma_start3A_319, %dma_start3A_320] : memref<8x128xi32, #tpu.memory_space<vmem>> -> memref<1x128xi32, #tpu.memory_space<vmem>>
      %dma_start3A_322 = tpu.memref_squeeze %dma_start3A_321 : memref<1x128xi32, #tpu.memory_space<vmem>> -> memref<128xi32, #tpu.memory_space<vmem>>
      %dma_start3A_323 = arith.constant 0 : i32
      %dma_start3A_324 = arith.constant 0 : i32
      %dma_start3A_325 = tpu.memref_slice %arg7[%dma_start3A_323, %dma_start3A_324] : memref<10240x64xf32, #tpu.memory_space<vmem_shared>> -> memref<10240x64xf32, #tpu.memory_space<vmem_shared>>
      tpu.enqueue_indirect_dma source(%arg15 : memref<128x64xf32, #tpu.memory_space<vmem>>) target(%dma_start3A_325 : memref<10240x64xf32, #tpu.memory_space<vmem_shared>>) offsets(%dma_start3A_322 : memref<128xi32, #tpu.memory_space<vmem>>) semaphore(%arg25 : memref<!tpu.dma_semaphore, #tpu.memory_space<semaphore_mem>>) {add = true}
      %add3A_326 = arith.constant 1 : i32
      %add3A_327 = arith.addi %add3A_104, %add3A_326 : i32
      %lt3A_328 = arith.constant 20 : i32
      %lt3A_329 = arith.cmpi slt, %add3A_327, %lt3A_328 : i32
      %convert_element_type3A_330 = arith.extui %lt3A_329 : i1 to i32
      %cond3A_331 = arith.constant 0 : i32
      %cond3A_332 = arith.cmpi ne, %convert_element_type3A_330, %cond3A_331 : i32
      scf.if %cond3A_332 {
        %dma_wait3A_567 = arith.constant 7 : i32
        %dma_wait3A_568 = arith.constant 0 : i32
        %dma_wait3A_569 = tpu.memref_slice %arg10[%dma_wait3A_567, %dma_wait3A_568] : memref<8x128xi32, #tpu.memory_space<vmem>> -> memref<1x128xi32, #tpu.memory_space<vmem>>
        %dma_wait3A_570 = tpu.memref_squeeze %dma_wait3A_569 : memref<1x128xi32, #tpu.memory_space<vmem>> -> memref<128xi32, #tpu.memory_space<vmem>>
        %dma_wait3A_571 = arith.constant 0 : i32
        %dma_wait3A_572 = arith.constant 0 : i32
        %dma_wait3A_573 = tpu.memref_slice %arg7[%dma_wait3A_571, %dma_wait3A_572] : memref<10240x64xf32, #tpu.memory_space<vmem_shared>> -> memref<10240x64xf32, #tpu.memory_space<vmem_shared>>
        tpu.wait_indirect_dma semaphore(%arg24 : memref<!tpu.dma_semaphore, #tpu.memory_space<semaphore_mem>>) src(%arg14 : memref<128x64xf32, #tpu.memory_space<vmem>>) dst(%dma_wait3A_573 : memref<10240x64xf32, #tpu.memory_space<vmem_shared>>)
        %dma_start3A_574 = arith.constant 2 : i32
        %dma_start3A_575 = arith.constant 0 : i32
        %dma_start3A_576 = tpu.memref_slice %arg9[%dma_start3A_574, %dma_start3A_575] : memref<8x128xi32, #tpu.memory_space<vmem>> -> memref<1x128xi32, #tpu.memory_space<vmem>>
        %dma_start3A_577 = tpu.memref_squeeze %dma_start3A_576 : memref<1x128xi32, #tpu.memory_space<vmem>> -> memref<128xi32, #tpu.memory_space<vmem>>
        %dma_start3A_578 = arith.constant 0 : i32
        %dma_start3A_579 = arith.constant 0 : i32
        %dma_start3A_580 = tpu.memref_slice %arg6[%dma_start3A_578, %dma_start3A_579] : memref<10240x64xf32, #tpu.memory_space<vmem_shared>> -> memref<10240x64xf32, #tpu.memory_space<vmem_shared>>
        tpu.enqueue_indirect_dma source(%dma_start3A_580 : memref<10240x64xf32, #tpu.memory_space<vmem_shared>>) target(%arg14 : memref<128x64xf32, #tpu.memory_space<vmem>>) offsets(%dma_start3A_577 : memref<128xi32, #tpu.memory_space<vmem>>) semaphore(%arg20 : memref<!tpu.dma_semaphore, #tpu.memory_space<semaphore_mem>>)
      } else {
      }
      %add3A_333 = arith.constant 1 : i32
      %add3A_334 = arith.addi %add3A_104, %add3A_333 : i32
      %add3A_335 = arith.constant 1 : i32
      %add3A_336 = arith.addi %add3A_334, %add3A_335 : i32
      %lt3A_337 = arith.constant 20 : i32
      %lt3A_338 = arith.cmpi slt, %add3A_336, %lt3A_337 : i32
      %convert_element_type3A_339 = arith.extui %lt3A_338 : i1 to i32
      %cond3A_340 = arith.constant 0 : i32
      %cond3A_341 = arith.cmpi ne, %convert_element_type3A_339, %cond3A_340 : i32
      scf.if %cond3A_341 {
        %add3A_567 = arith.constant 1 : i32
        %add3A_568 = arith.addi %add3A_334, %add3A_567 : i32
        %mul3A_569 = arith.constant 8 : i32
        %mul3A_570 = arith.muli %add3A_568, %mul3A_569 : i32
        %dma_start3A_571 = arith.constant 0 : i32
        %dma_start3A_572 = tpu.memref_slice %arg3[%arg1, %mul3A_570, %dma_start3A_571] : memref<16x160x128xi32, #tpu.memory_space<hbm>> -> memref<1x8x128xi32, #tpu.memory_space<hbm>>
        %dma_start3A_573 = tpu.memref_squeeze %dma_start3A_572 : memref<1x8x128xi32, #tpu.memory_space<hbm>> -> memref<8x128xi32, #tpu.memory_space<hbm>>
        %dma_start3A_574 = arith.constant 0 : i32
        %dma_start3A_575 = tpu.memref_slice %arg3[%arg1, %mul3A_570, %dma_start3A_574] : memref<16x160x128xi32, #tpu.memory_space<hbm>> -> memref<1x8x128xi32, #tpu.memory_space<hbm>>
        %dma_start3A_576 = tpu.memref_squeeze %dma_start3A_575 : memref<1x8x128xi32, #tpu.memory_space<hbm>> -> memref<8x128xi32, #tpu.memory_space<hbm>>
        tpu.enqueue_dma source(%dma_start3A_576 : memref<8x128xi32, #tpu.memory_space<hbm>>) target(%arg8 : memref<8x128xi32, #tpu.memory_space<vmem>>) target_semaphore(%arg16 : memref<!tpu.dma_semaphore, #tpu.memory_space<semaphore_mem>>)
        %add3A_577 = arith.constant 1 : i32
        %add3A_578 = arith.addi %add3A_334, %add3A_577 : i32
        %mul3A_579 = arith.constant 8 : i32
        %mul3A_580 = arith.muli %add3A_578, %mul3A_579 : i32
        %dma_start3A_581 = arith.constant 0 : i32
        %dma_start3A_582 = tpu.memref_slice %arg4[%arg1, %mul3A_580, %dma_start3A_581] : memref<16x160x128xi32, #tpu.memory_space<hbm>> -> memref<1x8x128xi32, #tpu.memory_space<hbm>>
        %dma_start3A_583 = tpu.memref_squeeze %dma_start3A_582 : memref<1x8x128xi32, #tpu.memory_space<hbm>> -> memref<8x128xi32, #tpu.memory_space<hbm>>
        %dma_start3A_584 = arith.constant 0 : i32
        %dma_start3A_585 = tpu.memref_slice %arg4[%arg1, %mul3A_580, %dma_start3A_584] : memref<16x160x128xi32, #tpu.memory_space<hbm>> -> memref<1x8x128xi32, #tpu.memory_space<hbm>>
        %dma_start3A_586 = tpu.memref_squeeze %dma_start3A_585 : memref<1x8x128xi32, #tpu.memory_space<hbm>> -> memref<8x128xi32, #tpu.memory_space<hbm>>
        tpu.enqueue_dma source(%dma_start3A_586 : memref<8x128xi32, #tpu.memory_space<hbm>>) target(%arg10 : memref<8x128xi32, #tpu.memory_space<vmem>>) target_semaphore(%arg16 : memref<!tpu.dma_semaphore, #tpu.memory_space<semaphore_mem>>)
      } else {
      }
      %mul3A_342 = arith.constant 8 : i32
      %mul3A_343 = arith.muli %add3A_334, %mul3A_342 : i32
      %add3A_344 = arith.constant 0 : i32
      %add3A_345 = arith.addi %mul3A_343, %add3A_344 : i32
      %dma_wait3A_346 = arith.constant 0 : i32
      %dma_wait3A_347 = arith.constant 0 : i32
      %dma_wait3A_348 = tpu.memref_slice %arg9[%dma_wait3A_346, %dma_wait3A_347] : memref<8x128xi32, #tpu.memory_space<vmem>> -> memref<1x128xi32, #tpu.memory_space<vmem>>
      %dma_wait3A_349 = tpu.memref_squeeze %dma_wait3A_348 : memref<1x128xi32, #tpu.memory_space<vmem>> -> memref<128xi32, #tpu.memory_space<vmem>>
      %dma_wait3A_350 = arith.constant 0 : i32
      %dma_wait3A_351 = arith.constant 0 : i32
      %dma_wait3A_352 = tpu.memref_slice %arg6[%dma_wait3A_350, %dma_wait3A_351] : memref<10240x64xf32, #tpu.memory_space<vmem_shared>> -> memref<10240x64xf32, #tpu.memory_space<vmem_shared>>
      tpu.wait_indirect_dma semaphore(%arg18 : memref<!tpu.dma_semaphore, #tpu.memory_space<semaphore_mem>>) src(%dma_wait3A_352 : memref<10240x64xf32, #tpu.memory_space<vmem_shared>>) dst(%arg12 : memref<128x64xf32, #tpu.memory_space<vmem>>)
      %dma_start3A_353 = arith.constant 0 : i32
      %dma_start3A_354 = arith.constant 0 : i32
      %dma_start3A_355 = tpu.memref_slice %arg11[%dma_start3A_353, %dma_start3A_354] : memref<8x128xi32, #tpu.memory_space<vmem>> -> memref<1x128xi32, #tpu.memory_space<vmem>>
      %dma_start3A_356 = tpu.memref_squeeze %dma_start3A_355 : memref<1x128xi32, #tpu.memory_space<vmem>> -> memref<128xi32, #tpu.memory_space<vmem>>
      %dma_start3A_357 = arith.constant 0 : i32
      %dma_start3A_358 = arith.constant 0 : i32
      %dma_start3A_359 = tpu.memref_slice %arg7[%dma_start3A_357, %dma_start3A_358] : memref<10240x64xf32, #tpu.memory_space<vmem_shared>> -> memref<10240x64xf32, #tpu.memory_space<vmem_shared>>
      tpu.enqueue_indirect_dma source(%arg12 : memref<128x64xf32, #tpu.memory_space<vmem>>) target(%dma_start3A_359 : memref<10240x64xf32, #tpu.memory_space<vmem_shared>>) offsets(%dma_start3A_356 : memref<128xi32, #tpu.memory_space<vmem>>) semaphore(%arg22 : memref<!tpu.dma_semaphore, #tpu.memory_space<semaphore_mem>>) {add = true}
      %ge3A_360 = arith.constant 1 : i32
      %ge3A_361 = arith.cmpi sge, %add3A_345, %ge3A_360 : i32
      %convert_element_type3A_362 = arith.extui %ge3A_361 : i1 to i32
      %cond3A_363 = arith.constant 0 : i32
      %cond3A_364 = arith.cmpi ne, %convert_element_type3A_362, %cond3A_363 : i32
      scf.if %cond3A_364 {
        %dma_wait3A_567 = arith.constant 0 : i32
        %dma_wait3A_568 = arith.constant 0 : i32
        %dma_wait3A_569 = tpu.memref_slice %arg11[%dma_wait3A_567, %dma_wait3A_568] : memref<8x128xi32, #tpu.memory_space<vmem>> -> memref<1x128xi32, #tpu.memory_space<vmem>>
        %dma_wait3A_570 = tpu.memref_squeeze %dma_wait3A_569 : memref<1x128xi32, #tpu.memory_space<vmem>> -> memref<128xi32, #tpu.memory_space<vmem>>
        %dma_wait3A_571 = arith.constant 0 : i32
        %dma_wait3A_572 = arith.constant 0 : i32
        %dma_wait3A_573 = tpu.memref_slice %arg7[%dma_wait3A_571, %dma_wait3A_572] : memref<10240x64xf32, #tpu.memory_space<vmem_shared>> -> memref<10240x64xf32, #tpu.memory_space<vmem_shared>>
        tpu.wait_indirect_dma semaphore(%arg25 : memref<!tpu.dma_semaphore, #tpu.memory_space<semaphore_mem>>) src(%arg15 : memref<128x64xf32, #tpu.memory_space<vmem>>) dst(%dma_wait3A_573 : memref<10240x64xf32, #tpu.memory_space<vmem_shared>>)
      } else {
      }
      %dma_start3A_365 = arith.constant 3 : i32
      %dma_start3A_366 = arith.constant 0 : i32
      %dma_start3A_367 = tpu.memref_slice %arg9[%dma_start3A_365, %dma_start3A_366] : memref<8x128xi32, #tpu.memory_space<vmem>> -> memref<1x128xi32, #tpu.memory_space<vmem>>
      %dma_start3A_368 = tpu.memref_squeeze %dma_start3A_367 : memref<1x128xi32, #tpu.memory_space<vmem>> -> memref<128xi32, #tpu.memory_space<vmem>>
      %dma_start3A_369 = arith.constant 0 : i32
      %dma_start3A_370 = arith.constant 0 : i32
      %dma_start3A_371 = tpu.memref_slice %arg6[%dma_start3A_369, %dma_start3A_370] : memref<10240x64xf32, #tpu.memory_space<vmem_shared>> -> memref<10240x64xf32, #tpu.memory_space<vmem_shared>>
      tpu.enqueue_indirect_dma source(%dma_start3A_371 : memref<10240x64xf32, #tpu.memory_space<vmem_shared>>) target(%arg15 : memref<128x64xf32, #tpu.memory_space<vmem>>) offsets(%dma_start3A_368 : memref<128xi32, #tpu.memory_space<vmem>>) semaphore(%arg21 : memref<!tpu.dma_semaphore, #tpu.memory_space<semaphore_mem>>)
      %mul3A_372 = arith.constant 8 : i32
      %mul3A_373 = arith.muli %add3A_334, %mul3A_372 : i32
      %add3A_374 = arith.constant 1 : i32
      %add3A_375 = arith.addi %mul3A_373, %add3A_374 : i32
      %dma_wait3A_376 = arith.constant 1 : i32
      %dma_wait3A_377 = arith.constant 0 : i32
      %dma_wait3A_378 = tpu.memref_slice %arg9[%dma_wait3A_376, %dma_wait3A_377] : memref<8x128xi32, #tpu.memory_space<vmem>> -> memref<1x128xi32, #tpu.memory_space<vmem>>
      %dma_wait3A_379 = tpu.memref_squeeze %dma_wait3A_378 : memref<1x128xi32, #tpu.memory_space<vmem>> -> memref<128xi32, #tpu.memory_space<vmem>>
      %dma_wait3A_380 = arith.constant 0 : i32
      %dma_wait3A_381 = arith.constant 0 : i32
      %dma_wait3A_382 = tpu.memref_slice %arg6[%dma_wait3A_380, %dma_wait3A_381] : memref<10240x64xf32, #tpu.memory_space<vmem_shared>> -> memref<10240x64xf32, #tpu.memory_space<vmem_shared>>
      tpu.wait_indirect_dma semaphore(%arg19 : memref<!tpu.dma_semaphore, #tpu.memory_space<semaphore_mem>>) src(%dma_wait3A_382 : memref<10240x64xf32, #tpu.memory_space<vmem_shared>>) dst(%arg13 : memref<128x64xf32, #tpu.memory_space<vmem>>)
      %dma_start3A_383 = arith.constant 1 : i32
      %dma_start3A_384 = arith.constant 0 : i32
      %dma_start3A_385 = tpu.memref_slice %arg11[%dma_start3A_383, %dma_start3A_384] : memref<8x128xi32, #tpu.memory_space<vmem>> -> memref<1x128xi32, #tpu.memory_space<vmem>>
      %dma_start3A_386 = tpu.memref_squeeze %dma_start3A_385 : memref<1x128xi32, #tpu.memory_space<vmem>> -> memref<128xi32, #tpu.memory_space<vmem>>
      %dma_start3A_387 = arith.constant 0 : i32
      %dma_start3A_388 = arith.constant 0 : i32
      %dma_start3A_389 = tpu.memref_slice %arg7[%dma_start3A_387, %dma_start3A_388] : memref<10240x64xf32, #tpu.memory_space<vmem_shared>> -> memref<10240x64xf32, #tpu.memory_space<vmem_shared>>
      tpu.enqueue_indirect_dma source(%arg13 : memref<128x64xf32, #tpu.memory_space<vmem>>) target(%dma_start3A_389 : memref<10240x64xf32, #tpu.memory_space<vmem_shared>>) offsets(%dma_start3A_386 : memref<128xi32, #tpu.memory_space<vmem>>) semaphore(%arg23 : memref<!tpu.dma_semaphore, #tpu.memory_space<semaphore_mem>>) {add = true}
      %ge3A_390 = arith.constant 1 : i32
      %ge3A_391 = arith.cmpi sge, %add3A_375, %ge3A_390 : i32
      %convert_element_type3A_392 = arith.extui %ge3A_391 : i1 to i32
      %cond3A_393 = arith.constant 0 : i32
      %cond3A_394 = arith.cmpi ne, %convert_element_type3A_392, %cond3A_393 : i32
      scf.if %cond3A_394 {
        %dma_wait3A_567 = arith.constant 1 : i32
        %dma_wait3A_568 = arith.constant 0 : i32
        %dma_wait3A_569 = tpu.memref_slice %arg11[%dma_wait3A_567, %dma_wait3A_568] : memref<8x128xi32, #tpu.memory_space<vmem>> -> memref<1x128xi32, #tpu.memory_space<vmem>>
        %dma_wait3A_570 = tpu.memref_squeeze %dma_wait3A_569 : memref<1x128xi32, #tpu.memory_space<vmem>> -> memref<128xi32, #tpu.memory_space<vmem>>
        %dma_wait3A_571 = arith.constant 0 : i32
        %dma_wait3A_572 = arith.constant 0 : i32
        %dma_wait3A_573 = tpu.memref_slice %arg7[%dma_wait3A_571, %dma_wait3A_572] : memref<10240x64xf32, #tpu.memory_space<vmem_shared>> -> memref<10240x64xf32, #tpu.memory_space<vmem_shared>>
        tpu.wait_indirect_dma semaphore(%arg22 : memref<!tpu.dma_semaphore, #tpu.memory_space<semaphore_mem>>) src(%arg12 : memref<128x64xf32, #tpu.memory_space<vmem>>) dst(%dma_wait3A_573 : memref<10240x64xf32, #tpu.memory_space<vmem_shared>>)
      } else {
      }
      %dma_start3A_395 = arith.constant 4 : i32
      %dma_start3A_396 = arith.constant 0 : i32
      %dma_start3A_397 = tpu.memref_slice %arg9[%dma_start3A_395, %dma_start3A_396] : memref<8x128xi32, #tpu.memory_space<vmem>> -> memref<1x128xi32, #tpu.memory_space<vmem>>
      %dma_start3A_398 = tpu.memref_squeeze %dma_start3A_397 : memref<1x128xi32, #tpu.memory_space<vmem>> -> memref<128xi32, #tpu.memory_space<vmem>>
      %dma_start3A_399 = arith.constant 0 : i32
      %dma_start3A_400 = arith.constant 0 : i32
      %dma_start3A_401 = tpu.memref_slice %arg6[%dma_start3A_399, %dma_start3A_400] : memref<10240x64xf32, #tpu.memory_space<vmem_shared>> -> memref<10240x64xf32, #tpu.memory_space<vmem_shared>>
      tpu.enqueue_indirect_dma source(%dma_start3A_401 : memref<10240x64xf32, #tpu.memory_space<vmem_shared>>) target(%arg12 : memref<128x64xf32, #tpu.memory_space<vmem>>) offsets(%dma_start3A_398 : memref<128xi32, #tpu.memory_space<vmem>>) semaphore(%arg18 : memref<!tpu.dma_semaphore, #tpu.memory_space<semaphore_mem>>)
      %mul3A_402 = arith.constant 8 : i32
      %mul3A_403 = arith.muli %add3A_334, %mul3A_402 : i32
      %add3A_404 = arith.constant 2 : i32
      %add3A_405 = arith.addi %mul3A_403, %add3A_404 : i32
      %dma_wait3A_406 = arith.constant 2 : i32
      %dma_wait3A_407 = arith.constant 0 : i32
      %dma_wait3A_408 = tpu.memref_slice %arg9[%dma_wait3A_406, %dma_wait3A_407] : memref<8x128xi32, #tpu.memory_space<vmem>> -> memref<1x128xi32, #tpu.memory_space<vmem>>
      %dma_wait3A_409 = tpu.memref_squeeze %dma_wait3A_408 : memref<1x128xi32, #tpu.memory_space<vmem>> -> memref<128xi32, #tpu.memory_space<vmem>>
      %dma_wait3A_410 = arith.constant 0 : i32
      %dma_wait3A_411 = arith.constant 0 : i32
      %dma_wait3A_412 = tpu.memref_slice %arg6[%dma_wait3A_410, %dma_wait3A_411] : memref<10240x64xf32, #tpu.memory_space<vmem_shared>> -> memref<10240x64xf32, #tpu.memory_space<vmem_shared>>
      tpu.wait_indirect_dma semaphore(%arg20 : memref<!tpu.dma_semaphore, #tpu.memory_space<semaphore_mem>>) src(%dma_wait3A_412 : memref<10240x64xf32, #tpu.memory_space<vmem_shared>>) dst(%arg14 : memref<128x64xf32, #tpu.memory_space<vmem>>)
      %dma_start3A_413 = arith.constant 2 : i32
      %dma_start3A_414 = arith.constant 0 : i32
      %dma_start3A_415 = tpu.memref_slice %arg11[%dma_start3A_413, %dma_start3A_414] : memref<8x128xi32, #tpu.memory_space<vmem>> -> memref<1x128xi32, #tpu.memory_space<vmem>>
      %dma_start3A_416 = tpu.memref_squeeze %dma_start3A_415 : memref<1x128xi32, #tpu.memory_space<vmem>> -> memref<128xi32, #tpu.memory_space<vmem>>
      %dma_start3A_417 = arith.constant 0 : i32
      %dma_start3A_418 = arith.constant 0 : i32
      %dma_start3A_419 = tpu.memref_slice %arg7[%dma_start3A_417, %dma_start3A_418] : memref<10240x64xf32, #tpu.memory_space<vmem_shared>> -> memref<10240x64xf32, #tpu.memory_space<vmem_shared>>
      tpu.enqueue_indirect_dma source(%arg14 : memref<128x64xf32, #tpu.memory_space<vmem>>) target(%dma_start3A_419 : memref<10240x64xf32, #tpu.memory_space<vmem_shared>>) offsets(%dma_start3A_416 : memref<128xi32, #tpu.memory_space<vmem>>) semaphore(%arg24 : memref<!tpu.dma_semaphore, #tpu.memory_space<semaphore_mem>>) {add = true}
      %ge3A_420 = arith.constant 1 : i32
      %ge3A_421 = arith.cmpi sge, %add3A_405, %ge3A_420 : i32
      %convert_element_type3A_422 = arith.extui %ge3A_421 : i1 to i32
      %cond3A_423 = arith.constant 0 : i32
      %cond3A_424 = arith.cmpi ne, %convert_element_type3A_422, %cond3A_423 : i32
      scf.if %cond3A_424 {
        %dma_wait3A_567 = arith.constant 2 : i32
        %dma_wait3A_568 = arith.constant 0 : i32
        %dma_wait3A_569 = tpu.memref_slice %arg11[%dma_wait3A_567, %dma_wait3A_568] : memref<8x128xi32, #tpu.memory_space<vmem>> -> memref<1x128xi32, #tpu.memory_space<vmem>>
        %dma_wait3A_570 = tpu.memref_squeeze %dma_wait3A_569 : memref<1x128xi32, #tpu.memory_space<vmem>> -> memref<128xi32, #tpu.memory_space<vmem>>
        %dma_wait3A_571 = arith.constant 0 : i32
        %dma_wait3A_572 = arith.constant 0 : i32
        %dma_wait3A_573 = tpu.memref_slice %arg7[%dma_wait3A_571, %dma_wait3A_572] : memref<10240x64xf32, #tpu.memory_space<vmem_shared>> -> memref<10240x64xf32, #tpu.memory_space<vmem_shared>>
        tpu.wait_indirect_dma semaphore(%arg23 : memref<!tpu.dma_semaphore, #tpu.memory_space<semaphore_mem>>) src(%arg13 : memref<128x64xf32, #tpu.memory_space<vmem>>) dst(%dma_wait3A_573 : memref<10240x64xf32, #tpu.memory_space<vmem_shared>>)
      } else {
      }
      %dma_start3A_425 = arith.constant 5 : i32
      %dma_start3A_426 = arith.constant 0 : i32
      %dma_start3A_427 = tpu.memref_slice %arg9[%dma_start3A_425, %dma_start3A_426] : memref<8x128xi32, #tpu.memory_space<vmem>> -> memref<1x128xi32, #tpu.memory_space<vmem>>
      %dma_start3A_428 = tpu.memref_squeeze %dma_start3A_427 : memref<1x128xi32, #tpu.memory_space<vmem>> -> memref<128xi32, #tpu.memory_space<vmem>>
      %dma_start3A_429 = arith.constant 0 : i32
      %dma_start3A_430 = arith.constant 0 : i32
      %dma_start3A_431 = tpu.memref_slice %arg6[%dma_start3A_429, %dma_start3A_430] : memref<10240x64xf32, #tpu.memory_space<vmem_shared>> -> memref<10240x64xf32, #tpu.memory_space<vmem_shared>>
      tpu.enqueue_indirect_dma source(%dma_start3A_431 : memref<10240x64xf32, #tpu.memory_space<vmem_shared>>) target(%arg13 : memref<128x64xf32, #tpu.memory_space<vmem>>) offsets(%dma_start3A_428 : memref<128xi32, #tpu.memory_space<vmem>>) semaphore(%arg19 : memref<!tpu.dma_semaphore, #tpu.memory_space<semaphore_mem>>)
      %mul3A_432 = arith.constant 8 : i32
      %mul3A_433 = arith.muli %add3A_334, %mul3A_432 : i32
      %add3A_434 = arith.constant 3 : i32
      %add3A_435 = arith.addi %mul3A_433, %add3A_434 : i32
      %dma_wait3A_436 = arith.constant 3 : i32
      %dma_wait3A_437 = arith.constant 0 : i32
      %dma_wait3A_438 = tpu.memref_slice %arg9[%dma_wait3A_436, %dma_wait3A_437] : memref<8x128xi32, #tpu.memory_space<vmem>> -> memref<1x128xi32, #tpu.memory_space<vmem>>
      %dma_wait3A_439 = tpu.memref_squeeze %dma_wait3A_438 : memref<1x128xi32, #tpu.memory_space<vmem>> -> memref<128xi32, #tpu.memory_space<vmem>>
      %dma_wait3A_440 = arith.constant 0 : i32
      %dma_wait3A_441 = arith.constant 0 : i32
      %dma_wait3A_442 = tpu.memref_slice %arg6[%dma_wait3A_440, %dma_wait3A_441] : memref<10240x64xf32, #tpu.memory_space<vmem_shared>> -> memref<10240x64xf32, #tpu.memory_space<vmem_shared>>
      tpu.wait_indirect_dma semaphore(%arg21 : memref<!tpu.dma_semaphore, #tpu.memory_space<semaphore_mem>>) src(%dma_wait3A_442 : memref<10240x64xf32, #tpu.memory_space<vmem_shared>>) dst(%arg15 : memref<128x64xf32, #tpu.memory_space<vmem>>)
      %dma_start3A_443 = arith.constant 3 : i32
      %dma_start3A_444 = arith.constant 0 : i32
      %dma_start3A_445 = tpu.memref_slice %arg11[%dma_start3A_443, %dma_start3A_444] : memref<8x128xi32, #tpu.memory_space<vmem>> -> memref<1x128xi32, #tpu.memory_space<vmem>>
      %dma_start3A_446 = tpu.memref_squeeze %dma_start3A_445 : memref<1x128xi32, #tpu.memory_space<vmem>> -> memref<128xi32, #tpu.memory_space<vmem>>
      %dma_start3A_447 = arith.constant 0 : i32
      %dma_start3A_448 = arith.constant 0 : i32
      %dma_start3A_449 = tpu.memref_slice %arg7[%dma_start3A_447, %dma_start3A_448] : memref<10240x64xf32, #tpu.memory_space<vmem_shared>> -> memref<10240x64xf32, #tpu.memory_space<vmem_shared>>
      tpu.enqueue_indirect_dma source(%arg15 : memref<128x64xf32, #tpu.memory_space<vmem>>) target(%dma_start3A_449 : memref<10240x64xf32, #tpu.memory_space<vmem_shared>>) offsets(%dma_start3A_446 : memref<128xi32, #tpu.memory_space<vmem>>) semaphore(%arg25 : memref<!tpu.dma_semaphore, #tpu.memory_space<semaphore_mem>>) {add = true}
      %ge3A_450 = arith.constant 1 : i32
      %ge3A_451 = arith.cmpi sge, %add3A_435, %ge3A_450 : i32
      %convert_element_type3A_452 = arith.extui %ge3A_451 : i1 to i32
      %cond3A_453 = arith.constant 0 : i32
      %cond3A_454 = arith.cmpi ne, %convert_element_type3A_452, %cond3A_453 : i32
      scf.if %cond3A_454 {
        %dma_wait3A_567 = arith.constant 3 : i32
        %dma_wait3A_568 = arith.constant 0 : i32
        %dma_wait3A_569 = tpu.memref_slice %arg11[%dma_wait3A_567, %dma_wait3A_568] : memref<8x128xi32, #tpu.memory_space<vmem>> -> memref<1x128xi32, #tpu.memory_space<vmem>>
        %dma_wait3A_570 = tpu.memref_squeeze %dma_wait3A_569 : memref<1x128xi32, #tpu.memory_space<vmem>> -> memref<128xi32, #tpu.memory_space<vmem>>
        %dma_wait3A_571 = arith.constant 0 : i32
        %dma_wait3A_572 = arith.constant 0 : i32
        %dma_wait3A_573 = tpu.memref_slice %arg7[%dma_wait3A_571, %dma_wait3A_572] : memref<10240x64xf32, #tpu.memory_space<vmem_shared>> -> memref<10240x64xf32, #tpu.memory_space<vmem_shared>>
        tpu.wait_indirect_dma semaphore(%arg24 : memref<!tpu.dma_semaphore, #tpu.memory_space<semaphore_mem>>) src(%arg14 : memref<128x64xf32, #tpu.memory_space<vmem>>) dst(%dma_wait3A_573 : memref<10240x64xf32, #tpu.memory_space<vmem_shared>>)
      } else {
      }
      %dma_start3A_455 = arith.constant 6 : i32
      %dma_start3A_456 = arith.constant 0 : i32
      %dma_start3A_457 = tpu.memref_slice %arg9[%dma_start3A_455, %dma_start3A_456] : memref<8x128xi32, #tpu.memory_space<vmem>> -> memref<1x128xi32, #tpu.memory_space<vmem>>
      %dma_start3A_458 = tpu.memref_squeeze %dma_start3A_457 : memref<1x128xi32, #tpu.memory_space<vmem>> -> memref<128xi32, #tpu.memory_space<vmem>>
      %dma_start3A_459 = arith.constant 0 : i32
      %dma_start3A_460 = arith.constant 0 : i32
      %dma_start3A_461 = tpu.memref_slice %arg6[%dma_start3A_459, %dma_start3A_460] : memref<10240x64xf32, #tpu.memory_space<vmem_shared>> -> memref<10240x64xf32, #tpu.memory_space<vmem_shared>>
      tpu.enqueue_indirect_dma source(%dma_start3A_461 : memref<10240x64xf32, #tpu.memory_space<vmem_shared>>) target(%arg14 : memref<128x64xf32, #tpu.memory_space<vmem>>) offsets(%dma_start3A_458 : memref<128xi32, #tpu.memory_space<vmem>>) semaphore(%arg20 : memref<!tpu.dma_semaphore, #tpu.memory_space<semaphore_mem>>)
      %mul3A_462 = arith.constant 8 : i32
      %mul3A_463 = arith.muli %add3A_334, %mul3A_462 : i32
      %add3A_464 = arith.constant 4 : i32
      %add3A_465 = arith.addi %mul3A_463, %add3A_464 : i32
      %dma_wait3A_466 = arith.constant 4 : i32
      %dma_wait3A_467 = arith.constant 0 : i32
      %dma_wait3A_468 = tpu.memref_slice %arg9[%dma_wait3A_466, %dma_wait3A_467] : memref<8x128xi32, #tpu.memory_space<vmem>> -> memref<1x128xi32, #tpu.memory_space<vmem>>
      %dma_wait3A_469 = tpu.memref_squeeze %dma_wait3A_468 : memref<1x128xi32, #tpu.memory_space<vmem>> -> memref<128xi32, #tpu.memory_space<vmem>>
      %dma_wait3A_470 = arith.constant 0 : i32
      %dma_wait3A_471 = arith.constant 0 : i32
      %dma_wait3A_472 = tpu.memref_slice %arg6[%dma_wait3A_470, %dma_wait3A_471] : memref<10240x64xf32, #tpu.memory_space<vmem_shared>> -> memref<10240x64xf32, #tpu.memory_space<vmem_shared>>
      tpu.wait_indirect_dma semaphore(%arg18 : memref<!tpu.dma_semaphore, #tpu.memory_space<semaphore_mem>>) src(%dma_wait3A_472 : memref<10240x64xf32, #tpu.memory_space<vmem_shared>>) dst(%arg12 : memref<128x64xf32, #tpu.memory_space<vmem>>)
      %dma_start3A_473 = arith.constant 4 : i32
      %dma_start3A_474 = arith.constant 0 : i32
      %dma_start3A_475 = tpu.memref_slice %arg11[%dma_start3A_473, %dma_start3A_474] : memref<8x128xi32, #tpu.memory_space<vmem>> -> memref<1x128xi32, #tpu.memory_space<vmem>>
      %dma_start3A_476 = tpu.memref_squeeze %dma_start3A_475 : memref<1x128xi32, #tpu.memory_space<vmem>> -> memref<128xi32, #tpu.memory_space<vmem>>
      %dma_start3A_477 = arith.constant 0 : i32
      %dma_start3A_478 = arith.constant 0 : i32
      %dma_start3A_479 = tpu.memref_slice %arg7[%dma_start3A_477, %dma_start3A_478] : memref<10240x64xf32, #tpu.memory_space<vmem_shared>> -> memref<10240x64xf32, #tpu.memory_space<vmem_shared>>
      tpu.enqueue_indirect_dma source(%arg12 : memref<128x64xf32, #tpu.memory_space<vmem>>) target(%dma_start3A_479 : memref<10240x64xf32, #tpu.memory_space<vmem_shared>>) offsets(%dma_start3A_476 : memref<128xi32, #tpu.memory_space<vmem>>) semaphore(%arg22 : memref<!tpu.dma_semaphore, #tpu.memory_space<semaphore_mem>>) {add = true}
      %ge3A_480 = arith.constant 1 : i32
      %ge3A_481 = arith.cmpi sge, %add3A_465, %ge3A_480 : i32
      %convert_element_type3A_482 = arith.extui %ge3A_481 : i1 to i32
      %cond3A_483 = arith.constant 0 : i32
      %cond3A_484 = arith.cmpi ne, %convert_element_type3A_482, %cond3A_483 : i32
      scf.if %cond3A_484 {
        %dma_wait3A_567 = arith.constant 4 : i32
        %dma_wait3A_568 = arith.constant 0 : i32
        %dma_wait3A_569 = tpu.memref_slice %arg11[%dma_wait3A_567, %dma_wait3A_568] : memref<8x128xi32, #tpu.memory_space<vmem>> -> memref<1x128xi32, #tpu.memory_space<vmem>>
        %dma_wait3A_570 = tpu.memref_squeeze %dma_wait3A_569 : memref<1x128xi32, #tpu.memory_space<vmem>> -> memref<128xi32, #tpu.memory_space<vmem>>
        %dma_wait3A_571 = arith.constant 0 : i32
        %dma_wait3A_572 = arith.constant 0 : i32
        %dma_wait3A_573 = tpu.memref_slice %arg7[%dma_wait3A_571, %dma_wait3A_572] : memref<10240x64xf32, #tpu.memory_space<vmem_shared>> -> memref<10240x64xf32, #tpu.memory_space<vmem_shared>>
        tpu.wait_indirect_dma semaphore(%arg25 : memref<!tpu.dma_semaphore, #tpu.memory_space<semaphore_mem>>) src(%arg15 : memref<128x64xf32, #tpu.memory_space<vmem>>) dst(%dma_wait3A_573 : memref<10240x64xf32, #tpu.memory_space<vmem_shared>>)
      } else {
      }
      %dma_start3A_485 = arith.constant 7 : i32
      %dma_start3A_486 = arith.constant 0 : i32
      %dma_start3A_487 = tpu.memref_slice %arg9[%dma_start3A_485, %dma_start3A_486] : memref<8x128xi32, #tpu.memory_space<vmem>> -> memref<1x128xi32, #tpu.memory_space<vmem>>
      %dma_start3A_488 = tpu.memref_squeeze %dma_start3A_487 : memref<1x128xi32, #tpu.memory_space<vmem>> -> memref<128xi32, #tpu.memory_space<vmem>>
      %dma_start3A_489 = arith.constant 0 : i32
      %dma_start3A_490 = arith.constant 0 : i32
      %dma_start3A_491 = tpu.memref_slice %arg6[%dma_start3A_489, %dma_start3A_490] : memref<10240x64xf32, #tpu.memory_space<vmem_shared>> -> memref<10240x64xf32, #tpu.memory_space<vmem_shared>>
      tpu.enqueue_indirect_dma source(%dma_start3A_491 : memref<10240x64xf32, #tpu.memory_space<vmem_shared>>) target(%arg15 : memref<128x64xf32, #tpu.memory_space<vmem>>) offsets(%dma_start3A_488 : memref<128xi32, #tpu.memory_space<vmem>>) semaphore(%arg21 : memref<!tpu.dma_semaphore, #tpu.memory_space<semaphore_mem>>)
      %mul3A_492 = arith.constant 8 : i32
      %mul3A_493 = arith.muli %add3A_334, %mul3A_492 : i32
      %add3A_494 = arith.constant 5 : i32
      %add3A_495 = arith.addi %mul3A_493, %add3A_494 : i32
      %dma_wait3A_496 = arith.constant 5 : i32
      %dma_wait3A_497 = arith.constant 0 : i32
      %dma_wait3A_498 = tpu.memref_slice %arg9[%dma_wait3A_496, %dma_wait3A_497] : memref<8x128xi32, #tpu.memory_space<vmem>> -> memref<1x128xi32, #tpu.memory_space<vmem>>
      %dma_wait3A_499 = tpu.memref_squeeze %dma_wait3A_498 : memref<1x128xi32, #tpu.memory_space<vmem>> -> memref<128xi32, #tpu.memory_space<vmem>>
      %dma_wait3A_500 = arith.constant 0 : i32
      %dma_wait3A_501 = arith.constant 0 : i32
      %dma_wait3A_502 = tpu.memref_slice %arg6[%dma_wait3A_500, %dma_wait3A_501] : memref<10240x64xf32, #tpu.memory_space<vmem_shared>> -> memref<10240x64xf32, #tpu.memory_space<vmem_shared>>
      tpu.wait_indirect_dma semaphore(%arg19 : memref<!tpu.dma_semaphore, #tpu.memory_space<semaphore_mem>>) src(%dma_wait3A_502 : memref<10240x64xf32, #tpu.memory_space<vmem_shared>>) dst(%arg13 : memref<128x64xf32, #tpu.memory_space<vmem>>)
      %dma_start3A_503 = arith.constant 5 : i32
      %dma_start3A_504 = arith.constant 0 : i32
      %dma_start3A_505 = tpu.memref_slice %arg11[%dma_start3A_503, %dma_start3A_504] : memref<8x128xi32, #tpu.memory_space<vmem>> -> memref<1x128xi32, #tpu.memory_space<vmem>>
      %dma_start3A_506 = tpu.memref_squeeze %dma_start3A_505 : memref<1x128xi32, #tpu.memory_space<vmem>> -> memref<128xi32, #tpu.memory_space<vmem>>
      %dma_start3A_507 = arith.constant 0 : i32
      %dma_start3A_508 = arith.constant 0 : i32
      %dma_start3A_509 = tpu.memref_slice %arg7[%dma_start3A_507, %dma_start3A_508] : memref<10240x64xf32, #tpu.memory_space<vmem_shared>> -> memref<10240x64xf32, #tpu.memory_space<vmem_shared>>
      tpu.enqueue_indirect_dma source(%arg13 : memref<128x64xf32, #tpu.memory_space<vmem>>) target(%dma_start3A_509 : memref<10240x64xf32, #tpu.memory_space<vmem_shared>>) offsets(%dma_start3A_506 : memref<128xi32, #tpu.memory_space<vmem>>) semaphore(%arg23 : memref<!tpu.dma_semaphore, #tpu.memory_space<semaphore_mem>>) {add = true}
      %add3A_510 = arith.constant 1 : i32
      %add3A_511 = arith.addi %add3A_334, %add3A_510 : i32
      %lt3A_512 = arith.constant 20 : i32
      %lt3A_513 = arith.cmpi slt, %add3A_511, %lt3A_512 : i32
      %convert_element_type3A_514 = arith.extui %lt3A_513 : i1 to i32
      %cond3A_515 = arith.constant 0 : i32
      %cond3A_516 = arith.cmpi ne, %convert_element_type3A_514, %cond3A_515 : i32
      scf.if %cond3A_516 {
        %dma_wait3A_567 = arith.constant 0 : i32
        %dma_wait3A_568 = arith.constant 0 : i32
        %dma_wait3A_569 = tpu.memref_slice %arg3[%arg1, %dma_wait3A_567, %dma_wait3A_568] : memref<16x160x128xi32, #tpu.memory_space<hbm>> -> memref<1x8x128xi32, #tpu.memory_space<hbm>>
        %dma_wait3A_570 = tpu.memref_squeeze %dma_wait3A_569 : memref<1x8x128xi32, #tpu.memory_space<hbm>> -> memref<8x128xi32, #tpu.memory_space<hbm>>
        %dma_wait3A_571 = arith.constant 0 : i32
        %dma_wait3A_572 = arith.constant 0 : i32
        %dma_wait3A_573 = tpu.memref_slice %arg3[%arg1, %dma_wait3A_571, %dma_wait3A_572] : memref<16x160x128xi32, #tpu.memory_space<hbm>> -> memref<1x8x128xi32, #tpu.memory_space<hbm>>
        %dma_wait3A_574 = tpu.memref_squeeze %dma_wait3A_573 : memref<1x8x128xi32, #tpu.memory_space<hbm>> -> memref<8x128xi32, #tpu.memory_space<hbm>>
        tpu.wait_dma2 semaphore(%arg16 : memref<!tpu.dma_semaphore, #tpu.memory_space<semaphore_mem>>) src(%dma_wait3A_574 : memref<8x128xi32, #tpu.memory_space<hbm>>) dst(%arg8 : memref<8x128xi32, #tpu.memory_space<vmem>>)
        %dma_wait3A_575 = arith.constant 0 : i32
        %dma_wait3A_576 = arith.constant 0 : i32
        %dma_wait3A_577 = tpu.memref_slice %arg4[%arg1, %dma_wait3A_575, %dma_wait3A_576] : memref<16x160x128xi32, #tpu.memory_space<hbm>> -> memref<1x8x128xi32, #tpu.memory_space<hbm>>
        %dma_wait3A_578 = tpu.memref_squeeze %dma_wait3A_577 : memref<1x8x128xi32, #tpu.memory_space<hbm>> -> memref<8x128xi32, #tpu.memory_space<hbm>>
        %dma_wait3A_579 = arith.constant 0 : i32
        %dma_wait3A_580 = arith.constant 0 : i32
        %dma_wait3A_581 = tpu.memref_slice %arg4[%arg1, %dma_wait3A_579, %dma_wait3A_580] : memref<16x160x128xi32, #tpu.memory_space<hbm>> -> memref<1x8x128xi32, #tpu.memory_space<hbm>>
        %dma_wait3A_582 = tpu.memref_squeeze %dma_wait3A_581 : memref<1x8x128xi32, #tpu.memory_space<hbm>> -> memref<8x128xi32, #tpu.memory_space<hbm>>
        tpu.wait_dma2 semaphore(%arg16 : memref<!tpu.dma_semaphore, #tpu.memory_space<semaphore_mem>>) src(%dma_wait3A_582 : memref<8x128xi32, #tpu.memory_space<hbm>>) dst(%arg10 : memref<8x128xi32, #tpu.memory_space<vmem>>)
        %dma_wait3A_583 = arith.constant 5 : i32
        %dma_wait3A_584 = arith.constant 0 : i32
        %dma_wait3A_585 = tpu.memref_slice %arg11[%dma_wait3A_583, %dma_wait3A_584] : memref<8x128xi32, #tpu.memory_space<vmem>> -> memref<1x128xi32, #tpu.memory_space<vmem>>
        %dma_wait3A_586 = tpu.memref_squeeze %dma_wait3A_585 : memref<1x128xi32, #tpu.memory_space<vmem>> -> memref<128xi32, #tpu.memory_space<vmem>>
        %dma_wait3A_587 = arith.constant 0 : i32
        %dma_wait3A_588 = arith.constant 0 : i32
        %dma_wait3A_589 = tpu.memref_slice %arg7[%dma_wait3A_587, %dma_wait3A_588] : memref<10240x64xf32, #tpu.memory_space<vmem_shared>> -> memref<10240x64xf32, #tpu.memory_space<vmem_shared>>
        tpu.wait_indirect_dma semaphore(%arg22 : memref<!tpu.dma_semaphore, #tpu.memory_space<semaphore_mem>>) src(%arg12 : memref<128x64xf32, #tpu.memory_space<vmem>>) dst(%dma_wait3A_589 : memref<10240x64xf32, #tpu.memory_space<vmem_shared>>)
        %dma_start3A_590 = arith.constant 0 : i32
        %dma_start3A_591 = arith.constant 0 : i32
        %dma_start3A_592 = tpu.memref_slice %arg8[%dma_start3A_590, %dma_start3A_591] : memref<8x128xi32, #tpu.memory_space<vmem>> -> memref<1x128xi32, #tpu.memory_space<vmem>>
        %dma_start3A_593 = tpu.memref_squeeze %dma_start3A_592 : memref<1x128xi32, #tpu.memory_space<vmem>> -> memref<128xi32, #tpu.memory_space<vmem>>
        %dma_start3A_594 = arith.constant 0 : i32
        %dma_start3A_595 = arith.constant 0 : i32
        %dma_start3A_596 = tpu.memref_slice %arg6[%dma_start3A_594, %dma_start3A_595] : memref<10240x64xf32, #tpu.memory_space<vmem_shared>> -> memref<10240x64xf32, #tpu.memory_space<vmem_shared>>
        tpu.enqueue_indirect_dma source(%dma_start3A_596 : memref<10240x64xf32, #tpu.memory_space<vmem_shared>>) target(%arg12 : memref<128x64xf32, #tpu.memory_space<vmem>>) offsets(%dma_start3A_593 : memref<128xi32, #tpu.memory_space<vmem>>) semaphore(%arg18 : memref<!tpu.dma_semaphore, #tpu.memory_space<semaphore_mem>>)
      } else {
      }
      %mul3A_517 = arith.constant 8 : i32
      %mul3A_518 = arith.muli %add3A_334, %mul3A_517 : i32
      %add3A_519 = arith.constant 6 : i32
      %add3A_520 = arith.addi %mul3A_518, %add3A_519 : i32
      %dma_wait3A_521 = arith.constant 6 : i32
      %dma_wait3A_522 = arith.constant 0 : i32
      %dma_wait3A_523 = tpu.memref_slice %arg9[%dma_wait3A_521, %dma_wait3A_522] : memref<8x128xi32, #tpu.memory_space<vmem>> -> memref<1x128xi32, #tpu.memory_space<vmem>>
      %dma_wait3A_524 = tpu.memref_squeeze %dma_wait3A_523 : memref<1x128xi32, #tpu.memory_space<vmem>> -> memref<128xi32, #tpu.memory_space<vmem>>
      %dma_wait3A_525 = arith.constant 0 : i32
      %dma_wait3A_526 = arith.constant 0 : i32
      %dma_wait3A_527 = tpu.memref_slice %arg6[%dma_wait3A_525, %dma_wait3A_526] : memref<10240x64xf32, #tpu.memory_space<vmem_shared>> -> memref<10240x64xf32, #tpu.memory_space<vmem_shared>>
      tpu.wait_indirect_dma semaphore(%arg20 : memref<!tpu.dma_semaphore, #tpu.memory_space<semaphore_mem>>) src(%dma_wait3A_527 : memref<10240x64xf32, #tpu.memory_space<vmem_shared>>) dst(%arg14 : memref<128x64xf32, #tpu.memory_space<vmem>>)
      %dma_start3A_528 = arith.constant 6 : i32
      %dma_start3A_529 = arith.constant 0 : i32
      %dma_start3A_530 = tpu.memref_slice %arg11[%dma_start3A_528, %dma_start3A_529] : memref<8x128xi32, #tpu.memory_space<vmem>> -> memref<1x128xi32, #tpu.memory_space<vmem>>
      %dma_start3A_531 = tpu.memref_squeeze %dma_start3A_530 : memref<1x128xi32, #tpu.memory_space<vmem>> -> memref<128xi32, #tpu.memory_space<vmem>>
      %dma_start3A_532 = arith.constant 0 : i32
      %dma_start3A_533 = arith.constant 0 : i32
      %dma_start3A_534 = tpu.memref_slice %arg7[%dma_start3A_532, %dma_start3A_533] : memref<10240x64xf32, #tpu.memory_space<vmem_shared>> -> memref<10240x64xf32, #tpu.memory_space<vmem_shared>>
      tpu.enqueue_indirect_dma source(%arg14 : memref<128x64xf32, #tpu.memory_space<vmem>>) target(%dma_start3A_534 : memref<10240x64xf32, #tpu.memory_space<vmem_shared>>) offsets(%dma_start3A_531 : memref<128xi32, #tpu.memory_space<vmem>>) semaphore(%arg24 : memref<!tpu.dma_semaphore, #tpu.memory_space<semaphore_mem>>) {add = true}
      %add3A_535 = arith.constant 1 : i32
      %add3A_536 = arith.addi %add3A_334, %add3A_535 : i32
      %lt3A_537 = arith.constant 20 : i32
      %lt3A_538 = arith.cmpi slt, %add3A_536, %lt3A_537 : i32
      %convert_element_type3A_539 = arith.extui %lt3A_538 : i1 to i32
      %cond3A_540 = arith.constant 0 : i32
      %cond3A_541 = arith.cmpi ne, %convert_element_type3A_539, %cond3A_540 : i32
      scf.if %cond3A_541 {
        %dma_wait3A_567 = arith.constant 6 : i32
        %dma_wait3A_568 = arith.constant 0 : i32
        %dma_wait3A_569 = tpu.memref_slice %arg11[%dma_wait3A_567, %dma_wait3A_568] : memref<8x128xi32, #tpu.memory_space<vmem>> -> memref<1x128xi32, #tpu.memory_space<vmem>>
        %dma_wait3A_570 = tpu.memref_squeeze %dma_wait3A_569 : memref<1x128xi32, #tpu.memory_space<vmem>> -> memref<128xi32, #tpu.memory_space<vmem>>
        %dma_wait3A_571 = arith.constant 0 : i32
        %dma_wait3A_572 = arith.constant 0 : i32
        %dma_wait3A_573 = tpu.memref_slice %arg7[%dma_wait3A_571, %dma_wait3A_572] : memref<10240x64xf32, #tpu.memory_space<vmem_shared>> -> memref<10240x64xf32, #tpu.memory_space<vmem_shared>>
        tpu.wait_indirect_dma semaphore(%arg23 : memref<!tpu.dma_semaphore, #tpu.memory_space<semaphore_mem>>) src(%arg13 : memref<128x64xf32, #tpu.memory_space<vmem>>) dst(%dma_wait3A_573 : memref<10240x64xf32, #tpu.memory_space<vmem_shared>>)
        %dma_start3A_574 = arith.constant 1 : i32
        %dma_start3A_575 = arith.constant 0 : i32
        %dma_start3A_576 = tpu.memref_slice %arg8[%dma_start3A_574, %dma_start3A_575] : memref<8x128xi32, #tpu.memory_space<vmem>> -> memref<1x128xi32, #tpu.memory_space<vmem>>
        %dma_start3A_577 = tpu.memref_squeeze %dma_start3A_576 : memref<1x128xi32, #tpu.memory_space<vmem>> -> memref<128xi32, #tpu.memory_space<vmem>>
        %dma_start3A_578 = arith.constant 0 : i32
        %dma_start3A_579 = arith.constant 0 : i32
        %dma_start3A_580 = tpu.memref_slice %arg6[%dma_start3A_578, %dma_start3A_579] : memref<10240x64xf32, #tpu.memory_space<vmem_shared>> -> memref<10240x64xf32, #tpu.memory_space<vmem_shared>>
        tpu.enqueue_indirect_dma source(%dma_start3A_580 : memref<10240x64xf32, #tpu.memory_space<vmem_shared>>) target(%arg13 : memref<128x64xf32, #tpu.memory_space<vmem>>) offsets(%dma_start3A_577 : memref<128xi32, #tpu.memory_space<vmem>>) semaphore(%arg19 : memref<!tpu.dma_semaphore, #tpu.memory_space<semaphore_mem>>)
      } else {
      }
      %mul3A_542 = arith.constant 8 : i32
      %mul3A_543 = arith.muli %add3A_334, %mul3A_542 : i32
      %add3A_544 = arith.constant 7 : i32
      %add3A_545 = arith.addi %mul3A_543, %add3A_544 : i32
      %dma_wait3A_546 = arith.constant 7 : i32
      %dma_wait3A_547 = arith.constant 0 : i32
      %dma_wait3A_548 = tpu.memref_slice %arg9[%dma_wait3A_546, %dma_wait3A_547] : memref<8x128xi32, #tpu.memory_space<vmem>> -> memref<1x128xi32, #tpu.memory_space<vmem>>
      %dma_wait3A_549 = tpu.memref_squeeze %dma_wait3A_548 : memref<1x128xi32, #tpu.memory_space<vmem>> -> memref<128xi32, #tpu.memory_space<vmem>>
      %dma_wait3A_550 = arith.constant 0 : i32
      %dma_wait3A_551 = arith.constant 0 : i32
      %dma_wait3A_552 = tpu.memref_slice %arg6[%dma_wait3A_550, %dma_wait3A_551] : memref<10240x64xf32, #tpu.memory_space<vmem_shared>> -> memref<10240x64xf32, #tpu.memory_space<vmem_shared>>
      tpu.wait_indirect_dma semaphore(%arg21 : memref<!tpu.dma_semaphore, #tpu.memory_space<semaphore_mem>>) src(%dma_wait3A_552 : memref<10240x64xf32, #tpu.memory_space<vmem_shared>>) dst(%arg15 : memref<128x64xf32, #tpu.memory_space<vmem>>)
      %dma_start3A_553 = arith.constant 7 : i32
      %dma_start3A_554 = arith.constant 0 : i32
      %dma_start3A_555 = tpu.memref_slice %arg11[%dma_start3A_553, %dma_start3A_554] : memref<8x128xi32, #tpu.memory_space<vmem>> -> memref<1x128xi32, #tpu.memory_space<vmem>>
      %dma_start3A_556 = tpu.memref_squeeze %dma_start3A_555 : memref<1x128xi32, #tpu.memory_space<vmem>> -> memref<128xi32, #tpu.memory_space<vmem>>
      %dma_start3A_557 = arith.constant 0 : i32
      %dma_start3A_558 = arith.constant 0 : i32
      %dma_start3A_559 = tpu.memref_slice %arg7[%dma_start3A_557, %dma_start3A_558] : memref<10240x64xf32, #tpu.memory_space<vmem_shared>> -> memref<10240x64xf32, #tpu.memory_space<vmem_shared>>
      tpu.enqueue_indirect_dma source(%arg15 : memref<128x64xf32, #tpu.memory_space<vmem>>) target(%dma_start3A_559 : memref<10240x64xf32, #tpu.memory_space<vmem_shared>>) offsets(%dma_start3A_556 : memref<128xi32, #tpu.memory_space<vmem>>) semaphore(%arg25 : memref<!tpu.dma_semaphore, #tpu.memory_space<semaphore_mem>>) {add = true}
      %add3A_560 = arith.constant 1 : i32
      %add3A_561 = arith.addi %add3A_334, %add3A_560 : i32
      %lt3A_562 = arith.constant 20 : i32
      %lt3A_563 = arith.cmpi slt, %add3A_561, %lt3A_562 : i32
      %convert_element_type3A_564 = arith.extui %lt3A_563 : i1 to i32
      %cond3A_565 = arith.constant 0 : i32
      %cond3A_566 = arith.cmpi ne, %convert_element_type3A_564, %cond3A_565 : i32
      scf.if %cond3A_566 {
        %dma_wait3A_567 = arith.constant 7 : i32
        %dma_wait3A_568 = arith.constant 0 : i32
        %dma_wait3A_569 = tpu.memref_slice %arg11[%dma_wait3A_567, %dma_wait3A_568] : memref<8x128xi32, #tpu.memory_space<vmem>> -> memref<1x128xi32, #tpu.memory_space<vmem>>
        %dma_wait3A_570 = tpu.memref_squeeze %dma_wait3A_569 : memref<1x128xi32, #tpu.memory_space<vmem>> -> memref<128xi32, #tpu.memory_space<vmem>>
        %dma_wait3A_571 = arith.constant 0 : i32
        %dma_wait3A_572 = arith.constant 0 : i32
        %dma_wait3A_573 = tpu.memref_slice %arg7[%dma_wait3A_571, %dma_wait3A_572] : memref<10240x64xf32, #tpu.memory_space<vmem_shared>> -> memref<10240x64xf32, #tpu.memory_space<vmem_shared>>
        tpu.wait_indirect_dma semaphore(%arg24 : memref<!tpu.dma_semaphore, #tpu.memory_space<semaphore_mem>>) src(%arg14 : memref<128x64xf32, #tpu.memory_space<vmem>>) dst(%dma_wait3A_573 : memref<10240x64xf32, #tpu.memory_space<vmem_shared>>)
        %dma_start3A_574 = arith.constant 2 : i32
        %dma_start3A_575 = arith.constant 0 : i32
        %dma_start3A_576 = tpu.memref_slice %arg8[%dma_start3A_574, %dma_start3A_575] : memref<8x128xi32, #tpu.memory_space<vmem>> -> memref<1x128xi32, #tpu.memory_space<vmem>>
        %dma_start3A_577 = tpu.memref_squeeze %dma_start3A_576 : memref<1x128xi32, #tpu.memory_space<vmem>> -> memref<128xi32, #tpu.memory_space<vmem>>
        %dma_start3A_578 = arith.constant 0 : i32
        %dma_start3A_579 = arith.constant 0 : i32
        %dma_start3A_580 = tpu.memref_slice %arg6[%dma_start3A_578, %dma_start3A_579] : memref<10240x64xf32, #tpu.memory_space<vmem_shared>> -> memref<10240x64xf32, #tpu.memory_space<vmem_shared>>
        tpu.enqueue_indirect_dma source(%dma_start3A_580 : memref<10240x64xf32, #tpu.memory_space<vmem_shared>>) target(%arg14 : memref<128x64xf32, #tpu.memory_space<vmem>>) offsets(%dma_start3A_577 : memref<128xi32, #tpu.memory_space<vmem>>) semaphore(%arg20 : memref<!tpu.dma_semaphore, #tpu.memory_space<semaphore_mem>>)
      } else {
      }
    }
    %scan3A_67 = arith.constant 10 : i32
    %dma_wait3A_68 = arith.constant 0 : i32
    %dma_wait3A_69 = arith.constant 0 : i32
    %dma_wait3A_70 = tpu.memref_slice %arg11[%dma_wait3A_68, %dma_wait3A_69] : memref<8x128xi32, #tpu.memory_space<vmem>> -> memref<1x128xi32, #tpu.memory_space<vmem>>
    %dma_wait3A_71 = tpu.memref_squeeze %dma_wait3A_70 : memref<1x128xi32, #tpu.memory_space<vmem>> -> memref<128xi32, #tpu.memory_space<vmem>>
    %dma_wait3A_72 = arith.constant 0 : i32
    %dma_wait3A_73 = arith.constant 0 : i32
    %dma_wait3A_74 = tpu.memref_slice %arg7[%dma_wait3A_72, %dma_wait3A_73] : memref<10240x64xf32, #tpu.memory_space<vmem_shared>> -> memref<10240x64xf32, #tpu.memory_space<vmem_shared>>
    tpu.wait_indirect_dma semaphore(%arg22 : memref<!tpu.dma_semaphore, #tpu.memory_space<semaphore_mem>>) src(%arg12 : memref<128x64xf32, #tpu.memory_space<vmem>>) dst(%dma_wait3A_74 : memref<10240x64xf32, #tpu.memory_space<vmem_shared>>)
    %dma_wait3A_75 = arith.constant 1 : i32
    %dma_wait3A_76 = arith.constant 0 : i32
    %dma_wait3A_77 = tpu.memref_slice %arg11[%dma_wait3A_75, %dma_wait3A_76] : memref<8x128xi32, #tpu.memory_space<vmem>> -> memref<1x128xi32, #tpu.memory_space<vmem>>
    %dma_wait3A_78 = tpu.memref_squeeze %dma_wait3A_77 : memref<1x128xi32, #tpu.memory_space<vmem>> -> memref<128xi32, #tpu.memory_space<vmem>>
    %dma_wait3A_79 = arith.constant 0 : i32
    %dma_wait3A_80 = arith.constant 0 : i32
    %dma_wait3A_81 = tpu.memref_slice %arg7[%dma_wait3A_79, %dma_wait3A_80] : memref<10240x64xf32, #tpu.memory_space<vmem_shared>> -> memref<10240x64xf32, #tpu.memory_space<vmem_shared>>
    tpu.wait_indirect_dma semaphore(%arg23 : memref<!tpu.dma_semaphore, #tpu.memory_space<semaphore_mem>>) src(%arg13 : memref<128x64xf32, #tpu.memory_space<vmem>>) dst(%dma_wait3A_81 : memref<10240x64xf32, #tpu.memory_space<vmem_shared>>)
    %dma_wait3A_82 = arith.constant 2 : i32
    %dma_wait3A_83 = arith.constant 0 : i32
    %dma_wait3A_84 = tpu.memref_slice %arg11[%dma_wait3A_82, %dma_wait3A_83] : memref<8x128xi32, #tpu.memory_space<vmem>> -> memref<1x128xi32, #tpu.memory_space<vmem>>
    %dma_wait3A_85 = tpu.memref_squeeze %dma_wait3A_84 : memref<1x128xi32, #tpu.memory_space<vmem>> -> memref<128xi32, #tpu.memory_space<vmem>>
    %dma_wait3A_86 = arith.constant 0 : i32
    %dma_wait3A_87 = arith.constant 0 : i32
    %dma_wait3A_88 = tpu.memref_slice %arg7[%dma_wait3A_86, %dma_wait3A_87] : memref<10240x64xf32, #tpu.memory_space<vmem_shared>> -> memref<10240x64xf32, #tpu.memory_space<vmem_shared>>
    tpu.wait_indirect_dma semaphore(%arg24 : memref<!tpu.dma_semaphore, #tpu.memory_space<semaphore_mem>>) src(%arg14 : memref<128x64xf32, #tpu.memory_space<vmem>>) dst(%dma_wait3A_88 : memref<10240x64xf32, #tpu.memory_space<vmem_shared>>)
    %dma_wait3A_89 = arith.constant 3 : i32
    %dma_wait3A_90 = arith.constant 0 : i32
    %dma_wait3A_91 = tpu.memref_slice %arg11[%dma_wait3A_89, %dma_wait3A_90] : memref<8x128xi32, #tpu.memory_space<vmem>> -> memref<1x128xi32, #tpu.memory_space<vmem>>
    %dma_wait3A_92 = tpu.memref_squeeze %dma_wait3A_91 : memref<1x128xi32, #tpu.memory_space<vmem>> -> memref<128xi32, #tpu.memory_space<vmem>>
    %dma_wait3A_93 = arith.constant 0 : i32
    %dma_wait3A_94 = arith.constant 0 : i32
    %dma_wait3A_95 = tpu.memref_slice %arg7[%dma_wait3A_93, %dma_wait3A_94] : memref<10240x64xf32, #tpu.memory_space<vmem_shared>> -> memref<10240x64xf32, #tpu.memory_space<vmem_shared>>
    tpu.wait_indirect_dma semaphore(%arg25 : memref<!tpu.dma_semaphore, #tpu.memory_space<semaphore_mem>>) src(%arg15 : memref<128x64xf32, #tpu.memory_space<vmem>>) dst(%dma_wait3A_95 : memref<10240x64xf32, #tpu.memory_space<vmem_shared>>)
    %barrier3A_96 = arith.constant 0 : index
    tpu.barrier barrier_id(%barrier3A_96)
    %mul3A_97 = arith.constant 640 : i32
    %mul3A_98 = arith.muli %arg1, %mul3A_97 : i32
    %mul3A_99 = arith.constant 640 : i32
    %mul3A_100 = arith.muli %arg1, %mul3A_99 : i32
    "tpu.region"() ({
      %run_scoped3A = tpu.sem_alloc : memref<!tpu.dma_semaphore, #tpu.memory_space<semaphore_mem>>
      %dma_start3A_101 = arith.constant 0 : i32
      %dma_start3A_102 = tpu.memref_slice %arg5[%arg0, %mul3A_100, %dma_start3A_101] : memref<2x10240x64xf32, #tpu.memory_space<hbm>> -> memref<1x640x64xf32, #tpu.memory_space<hbm>>
      %dma_start3A_103 = tpu.memref_squeeze %dma_start3A_102 : memref<1x640x64xf32, #tpu.memory_space<hbm>> -> memref<640x64xf32, #tpu.memory_space<hbm>>
      %dma_start3A_104 = arith.constant 0 : i32
      %dma_start3A_105 = tpu.memref_slice %arg7[%mul3A_98, %dma_start3A_104] : memref<10240x64xf32, #tpu.memory_space<vmem_shared>> -> memref<640x64xf32, #tpu.memory_space<vmem_shared>>
      tpu.enqueue_dma source(%dma_start3A_105 : memref<640x64xf32, #tpu.memory_space<vmem_shared>>) target(%dma_start3A_103 : memref<640x64xf32, #tpu.memory_space<hbm>>) target_semaphore(%run_scoped3A : memref<!tpu.dma_semaphore, #tpu.memory_space<semaphore_mem>>)
      %dma_wait3A_106 = arith.constant 0 : i32
      %dma_wait3A_107 = tpu.memref_slice %arg5[%arg0, %mul3A_100, %dma_wait3A_106] : memref<2x10240x64xf32, #tpu.memory_space<hbm>> -> memref<1x640x64xf32, #tpu.memory_space<hbm>>
      %dma_wait3A_108 = tpu.memref_squeeze %dma_wait3A_107 : memref<1x640x64xf32, #tpu.memory_space<hbm>> -> memref<640x64xf32, #tpu.memory_space<hbm>>
      %dma_wait3A_109 = arith.constant 0 : i32
      %dma_wait3A_110 = tpu.memref_slice %arg7[%mul3A_98, %dma_wait3A_109] : memref<10240x64xf32, #tpu.memory_space<vmem_shared>> -> memref<640x64xf32, #tpu.memory_space<vmem_shared>>
      tpu.wait_dma2 semaphore(%run_scoped3A : memref<!tpu.dma_semaphore, #tpu.memory_space<semaphore_mem>>) src(%dma_wait3A_110 : memref<640x64xf32, #tpu.memory_space<vmem_shared>>) dst(%dma_wait3A_108 : memref<640x64xf32, #tpu.memory_space<hbm>>)
      tpu.yield
    }) : () -> ()
    return
  }
}

#map = affine_map<(d0, d1) -> (0, 0, 0)>
#map1 = affine_map<(d0, d1) -> (0)>
module attributes {stable_mosaic.version = 14 : i64} {
  func.func @_sc_prep(%arg0: i32, %arg1: i32, %arg2: memref<16x160x128xi32, #tpu.memory_space<hbm>>, %arg3: memref<10240xf32, #tpu.memory_space<hbm>>, %arg4: memref<10240xf32, #tpu.memory_space<vmem_shared>>, %arg5: memref<160x128xi32, #tpu.memory_space<vmem>>, %arg6: memref<128xf32, #tpu.memory_space<vmem>>, %arg7: memref<320xf32, #tpu.memory_space<vmem>>, %arg8: memref<!tpu.dma_semaphore, #tpu.memory_space<semaphore_mem>>) attributes {dimension_semantics = [#tpu.dimension_semantics<core_parallel>, #tpu.dimension_semantics<subcore_parallel>], iteration_bounds = array<i64: 2, 16>, scalar_prefetch = 0 : i64, scratch_operands = 5 : i64, tpu.core_type = #tpu.core_type<sc_vector_subcore>, window_params = [{transform_indices = #map}, {transform_indices = #map1}]} {
    %mul3A = arith.constant 16 : i32
    %mul3A_0 = arith.muli %arg0, %mul3A : i32
    %add3A = arith.addi %mul3A_0, %arg1 : i32
    %scan3A = arith.constant 0 : i32
    %scan3A_1 = arith.constant 20 : i32
    %scan3A_2 = arith.addi %scan3A, %scan3A_1 : i32
    %scan3A_3 = arith.constant 1 : i32
    scf.for %scan3A_36 = %scan3A to %scan3A_2 step %scan3A_3  : i32 {
      %mul3A_37 = arith.constant 16 : i32
      %mul3A_38 = arith.muli %scan3A_36, %mul3A_37 : i32
      %add3A_39 = arith.constant 0 : i32
      %add3A_40 = arith.addi %add3A_39, %mul3A_38 : i32
      %broadcast_in_dim3A = arith.constant 1.000000e+00 : f32
      %broadcast_in_dim3A_41 = vector.broadcast %broadcast_in_dim3A : f32 to vector<16xf32>
      %swap3A = arith.index_cast %add3A_40 : i32 to index
      %swap3A_42 = tpu.vector_load %arg7[%swap3A] {strides = array<i32>} : memref<320xf32, #tpu.memory_space<vmem>>, vector<16xf32>,
      tpu.vector_store %arg7[%swap3A], %broadcast_in_dim3A_41 {strides = array<i32>} : memref<320xf32, #tpu.memory_space<vmem>>, vector<16xf32>,
    }
    %scan3A_4 = arith.constant 20 : i32
    %scan3A_5 = arith.constant 0 : i32
    %scan3A_6 = arith.constant 8 : i32
    %scan3A_7 = arith.addi %scan3A_5, %scan3A_6 : i32
    %scan3A_8 = arith.constant 1 : i32
    scf.for %scan3A_36 = %scan3A_5 to %scan3A_7 step %scan3A_8  : i32 {
      %mul3A_37 = arith.constant 16 : i32
      %mul3A_38 = arith.muli %scan3A_36, %mul3A_37 : i32
      %add3A_39 = arith.constant 0 : i32
      %add3A_40 = arith.addi %add3A_39, %mul3A_38 : i32
      %broadcast_in_dim3A = arith.constant 1.000000e+00 : f32
      %broadcast_in_dim3A_41 = vector.broadcast %broadcast_in_dim3A : f32 to vector<16xf32>
      %swap3A = arith.index_cast %add3A_40 : i32 to index
      %swap3A_42 = tpu.vector_load %arg6[%swap3A] {strides = array<i32>} : memref<128xf32, #tpu.memory_space<vmem>>, vector<16xf32>,
      tpu.vector_store %arg6[%swap3A], %broadcast_in_dim3A_41 {strides = array<i32>} : memref<128xf32, #tpu.memory_space<vmem>>, vector<16xf32>,
    }
    %scan3A_9 = arith.constant 8 : i32
    %mul3A_10 = arith.constant 640 : i32
    %mul3A_11 = arith.muli %arg1, %mul3A_10 : i32
    "tpu.region"() ({
      %run_scoped3A = tpu.sem_alloc : memref<!tpu.dma_semaphore, #tpu.memory_space<semaphore_mem>>
      %dma_start3A = tpu.memref_slice %arg4[%mul3A_11] : memref<10240xf32, #tpu.memory_space<vmem_shared>> -> memref<320xf32, #tpu.memory_space<vmem_shared>>
      %dma_start3A_36 = tpu.memref_slice %arg4[%mul3A_11] : memref<10240xf32, #tpu.memory_space<vmem_shared>> -> memref<320xf32, #tpu.memory_space<vmem_shared>>
      tpu.enqueue_dma source(%arg7 : memref<320xf32, #tpu.memory_space<vmem>>) target(%dma_start3A_36 : memref<320xf32, #tpu.memory_space<vmem_shared>>) target_semaphore(%run_scoped3A : memref<!tpu.dma_semaphore, #tpu.memory_space<semaphore_mem>>)
      %dma_wait3A = tpu.memref_slice %arg4[%mul3A_11] : memref<10240xf32, #tpu.memory_space<vmem_shared>> -> memref<320xf32, #tpu.memory_space<vmem_shared>>
      %dma_wait3A_37 = tpu.memref_slice %arg4[%mul3A_11] : memref<10240xf32, #tpu.memory_space<vmem_shared>> -> memref<320xf32, #tpu.memory_space<vmem_shared>>
      tpu.wait_dma2 semaphore(%run_scoped3A : memref<!tpu.dma_semaphore, #tpu.memory_space<semaphore_mem>>) src(%arg7 : memref<320xf32, #tpu.memory_space<vmem>>) dst(%dma_wait3A_37 : memref<320xf32, #tpu.memory_space<vmem_shared>>)
      tpu.yield
    }) : () -> ()
    %mul3A_12 = arith.constant 640 : i32
    %mul3A_13 = arith.muli %arg1, %mul3A_12 : i32
    %add3A_14 = arith.constant 320 : i32
    %add3A_15 = arith.addi %mul3A_13, %add3A_14 : i32
    "tpu.region"() ({
      %run_scoped3A = tpu.sem_alloc : memref<!tpu.dma_semaphore, #tpu.memory_space<semaphore_mem>>
      %dma_start3A = tpu.memref_slice %arg4[%add3A_15] : memref<10240xf32, #tpu.memory_space<vmem_shared>> -> memref<320xf32, #tpu.memory_space<vmem_shared>>
      %dma_start3A_36 = tpu.memref_slice %arg4[%add3A_15] : memref<10240xf32, #tpu.memory_space<vmem_shared>> -> memref<320xf32, #tpu.memory_space<vmem_shared>>
      tpu.enqueue_dma source(%arg7 : memref<320xf32, #tpu.memory_space<vmem>>) target(%dma_start3A_36 : memref<320xf32, #tpu.memory_space<vmem_shared>>) target_semaphore(%run_scoped3A : memref<!tpu.dma_semaphore, #tpu.memory_space<semaphore_mem>>)
      %dma_wait3A = tpu.memref_slice %arg4[%add3A_15] : memref<10240xf32, #tpu.memory_space<vmem_shared>> -> memref<320xf32, #tpu.memory_space<vmem_shared>>
      %dma_wait3A_37 = tpu.memref_slice %arg4[%add3A_15] : memref<10240xf32, #tpu.memory_space<vmem_shared>> -> memref<320xf32, #tpu.memory_space<vmem_shared>>
      tpu.wait_dma2 semaphore(%run_scoped3A : memref<!tpu.dma_semaphore, #tpu.memory_space<semaphore_mem>>) src(%arg7 : memref<320xf32, #tpu.memory_space<vmem>>) dst(%dma_wait3A_37 : memref<320xf32, #tpu.memory_space<vmem_shared>>)
      tpu.yield
    }) : () -> ()
    %barrier3A = arith.constant 0 : index
    tpu.barrier barrier_id(%barrier3A)
    "tpu.region"() ({
      %run_scoped3A = tpu.sem_alloc : memref<!tpu.dma_semaphore, #tpu.memory_space<semaphore_mem>>
      %dma_start3A = arith.constant 0 : i32
      %dma_start3A_36 = arith.constant 0 : i32
      %dma_start3A_37 = tpu.memref_slice %arg2[%arg1, %dma_start3A, %dma_start3A_36] : memref<16x160x128xi32, #tpu.memory_space<hbm>> -> memref<1x160x128xi32, #tpu.memory_space<hbm>>
      %dma_start3A_38 = tpu.memref_squeeze %dma_start3A_37 : memref<1x160x128xi32, #tpu.memory_space<hbm>> -> memref<160x128xi32, #tpu.memory_space<hbm>>
      %dma_start3A_39 = arith.constant 0 : i32
      %dma_start3A_40 = arith.constant 0 : i32
      %dma_start3A_41 = tpu.memref_slice %arg2[%arg1, %dma_start3A_39, %dma_start3A_40] : memref<16x160x128xi32, #tpu.memory_space<hbm>> -> memref<1x160x128xi32, #tpu.memory_space<hbm>>
      %dma_start3A_42 = tpu.memref_squeeze %dma_start3A_41 : memref<1x160x128xi32, #tpu.memory_space<hbm>> -> memref<160x128xi32, #tpu.memory_space<hbm>>
      tpu.enqueue_dma source(%dma_start3A_42 : memref<160x128xi32, #tpu.memory_space<hbm>>) target(%arg5 : memref<160x128xi32, #tpu.memory_space<vmem>>) target_semaphore(%run_scoped3A : memref<!tpu.dma_semaphore, #tpu.memory_space<semaphore_mem>>)
      %dma_wait3A = arith.constant 0 : i32
      %dma_wait3A_43 = arith.constant 0 : i32
      %dma_wait3A_44 = tpu.memref_slice %arg2[%arg1, %dma_wait3A, %dma_wait3A_43] : memref<16x160x128xi32, #tpu.memory_space<hbm>> -> memref<1x160x128xi32, #tpu.memory_space<hbm>>
      %dma_wait3A_45 = tpu.memref_squeeze %dma_wait3A_44 : memref<1x160x128xi32, #tpu.memory_space<hbm>> -> memref<160x128xi32, #tpu.memory_space<hbm>>
      %dma_wait3A_46 = arith.constant 0 : i32
      %dma_wait3A_47 = arith.constant 0 : i32
      %dma_wait3A_48 = tpu.memref_slice %arg2[%arg1, %dma_wait3A_46, %dma_wait3A_47] : memref<16x160x128xi32, #tpu.memory_space<hbm>> -> memref<1x160x128xi32, #tpu.memory_space<hbm>>
      %dma_wait3A_49 = tpu.memref_squeeze %dma_wait3A_48 : memref<1x160x128xi32, #tpu.memory_space<hbm>> -> memref<160x128xi32, #tpu.memory_space<hbm>>
      tpu.wait_dma2 semaphore(%run_scoped3A : memref<!tpu.dma_semaphore, #tpu.memory_space<semaphore_mem>>) src(%dma_wait3A_49 : memref<160x128xi32, #tpu.memory_space<hbm>>) dst(%arg5 : memref<160x128xi32, #tpu.memory_space<vmem>>)
      tpu.yield
    }) : () -> ()
    %scan3A_16 = arith.constant 0 : i32
    %scan3A_17 = arith.constant 160 : i32
    %scan3A_18 = arith.addi %scan3A_16, %scan3A_17 : i32
    %scan3A_19 = arith.constant 1 : i32
    scf.for %scan3A_36 = %scan3A_16 to %scan3A_18 step %scan3A_19  : i32 {
      %mul3A_37 = arith.constant 1 : i32
      %mul3A_38 = arith.muli %scan3A_36, %mul3A_37 : i32
      %add3A_39 = arith.constant 0 : i32
      %add3A_40 = arith.addi %add3A_39, %mul3A_38 : i32
      %dma_start3A = arith.constant 0 : i32
      %dma_start3A_41 = tpu.memref_slice %arg5[%add3A_40, %dma_start3A] : memref<160x128xi32, #tpu.memory_space<vmem>> -> memref<1x128xi32, #tpu.memory_space<vmem>>
      %dma_start3A_42 = tpu.memref_squeeze %dma_start3A_41 : memref<1x128xi32, #tpu.memory_space<vmem>> -> memref<128xi32, #tpu.memory_space<vmem>>
      %dma_start3A_43 = arith.constant 0 : i32
      %dma_start3A_44 = tpu.memref_slice %arg4[%dma_start3A_43] : memref<10240xf32, #tpu.memory_space<vmem_shared>> -> memref<10240xf32, #tpu.memory_space<vmem_shared>>
      tpu.enqueue_indirect_dma source(%arg6 : memref<128xf32, #tpu.memory_space<vmem>>) target(%dma_start3A_44 : memref<10240xf32, #tpu.memory_space<vmem_shared>>) offsets(%dma_start3A_42 : memref<128xi32, #tpu.memory_space<vmem>>) semaphore(%arg8 : memref<!tpu.dma_semaphore, #tpu.memory_space<semaphore_mem>>) {add = true}
    }
    %scan3A_20 = arith.constant 160 : i32
    %scan3A_21 = arith.constant 0 : i32
    %scan3A_22 = arith.constant 160 : i32
    %scan3A_23 = arith.addi %scan3A_21, %scan3A_22 : i32
    %scan3A_24 = arith.constant 1 : i32
    scf.for %scan3A_36 = %scan3A_21 to %scan3A_23 step %scan3A_24  : i32 {
      %mul3A_37 = arith.constant 1 : i32
      %mul3A_38 = arith.muli %scan3A_36, %mul3A_37 : i32
      %add3A_39 = arith.constant 0 : i32
      %add3A_40 = arith.addi %add3A_39, %mul3A_38 : i32
      %dma_wait3A = arith.constant 0 : i32
      %dma_wait3A_41 = arith.constant 0 : i32
      %dma_wait3A_42 = tpu.memref_slice %arg5[%dma_wait3A, %dma_wait3A_41] : memref<160x128xi32, #tpu.memory_space<vmem>> -> memref<1x128xi32, #tpu.memory_space<vmem>>
      %dma_wait3A_43 = tpu.memref_squeeze %dma_wait3A_42 : memref<1x128xi32, #tpu.memory_space<vmem>> -> memref<128xi32, #tpu.memory_space<vmem>>
      %dma_wait3A_44 = arith.constant 0 : i32
      %dma_wait3A_45 = tpu.memref_slice %arg4[%dma_wait3A_44] : memref<10240xf32, #tpu.memory_space<vmem_shared>> -> memref<10240xf32, #tpu.memory_space<vmem_shared>>
      tpu.wait_indirect_dma semaphore(%arg8 : memref<!tpu.dma_semaphore, #tpu.memory_space<semaphore_mem>>) src(%arg6 : memref<128xf32, #tpu.memory_space<vmem>>) dst(%dma_wait3A_45 : memref<10240xf32, #tpu.memory_space<vmem_shared>>)
    }
    %scan3A_25 = arith.constant 160 : i32
    %barrier3A_26 = arith.constant 0 : index
    tpu.barrier barrier_id(%barrier3A_26)
    %mul3A_27 = arith.constant 320 : i32
    %mul3A_28 = arith.muli %add3A, %mul3A_27 : i32
    "tpu.region"() ({
      %run_scoped3A = tpu.sem_alloc : memref<!tpu.dma_semaphore, #tpu.memory_space<semaphore_mem>>
      %dma_start3A = tpu.memref_slice %arg4[%mul3A_28] : memref<10240xf32, #tpu.memory_space<vmem_shared>> -> memref<320xf32, #tpu.memory_space<vmem_shared>>
      %dma_start3A_36 = tpu.memref_slice %arg4[%mul3A_28] : memref<10240xf32, #tpu.memory_space<vmem_shared>> -> memref<320xf32, #tpu.memory_space<vmem_shared>>
      tpu.enqueue_dma source(%dma_start3A_36 : memref<320xf32, #tpu.memory_space<vmem_shared>>) target(%arg7 : memref<320xf32, #tpu.memory_space<vmem>>) target_semaphore(%run_scoped3A : memref<!tpu.dma_semaphore, #tpu.memory_space<semaphore_mem>>)
      %dma_wait3A = tpu.memref_slice %arg4[%mul3A_28] : memref<10240xf32, #tpu.memory_space<vmem_shared>> -> memref<320xf32, #tpu.memory_space<vmem_shared>>
      %dma_wait3A_37 = tpu.memref_slice %arg4[%mul3A_28] : memref<10240xf32, #tpu.memory_space<vmem_shared>> -> memref<320xf32, #tpu.memory_space<vmem_shared>>
      tpu.wait_dma2 semaphore(%run_scoped3A : memref<!tpu.dma_semaphore, #tpu.memory_space<semaphore_mem>>) src(%dma_wait3A_37 : memref<320xf32, #tpu.memory_space<vmem_shared>>) dst(%arg7 : memref<320xf32, #tpu.memory_space<vmem>>)
      tpu.yield
    }) : () -> ()
    %scan3A_29 = arith.constant 0 : i32
    %scan3A_30 = arith.constant 20 : i32
    %scan3A_31 = arith.addi %scan3A_29, %scan3A_30 : i32
    %scan3A_32 = arith.constant 1 : i32
    scf.for %scan3A_36 = %scan3A_29 to %scan3A_31 step %scan3A_32  : i32 {
      %mul3A_37 = arith.constant 16 : i32
      %mul3A_38 = arith.muli %scan3A_36, %mul3A_37 : i32
      %add3A_39 = arith.constant 0 : i32
      %add3A_40 = arith.addi %add3A_39, %mul3A_38 : i32
      %get3A = arith.index_cast %add3A_40 : i32 to index
      %get3A_41 = tpu.vector_load %arg7[%get3A] {strides = array<i32>} : memref<320xf32, #tpu.memory_space<vmem>>, vector<16xf32>,
      %bitcast3A = vector.bitcast %get3A_41 : vector<16xf32> to vector<16xi32>
      %shift_right_arithmetic3A = arith.constant 1 : i32
      %shift_right_arithmetic3A_42 = vector.broadcast %shift_right_arithmetic3A : i32 to vector<16xi32>
      %shift_right_arithmetic3A_43 = arith.shrsi %bitcast3A, %shift_right_arithmetic3A_42 : vector<16xi32>
      %sub3A = arith.constant 1597463007 : i32
      %sub3A_44 = vector.broadcast %sub3A : i32 to vector<16xi32>
      %sub3A_45 = arith.subi %sub3A_44, %shift_right_arithmetic3A_43 : vector<16xi32>
      %bitcast3A_46 = vector.bitcast %sub3A_45 : vector<16xi32> to vector<16xf32>
      %mul3A_47 = arith.constant 5.000000e-01 : f32
      %mul3A_48 = vector.broadcast %mul3A_47 : f32 to vector<16xf32>
      %mul3A_49 = arith.mulf %mul3A_48, %get3A_41 : vector<16xf32>
      %mul3A_50 = arith.mulf %mul3A_49, %bitcast3A_46 : vector<16xf32>
      %mul3A_51 = arith.mulf %mul3A_50, %bitcast3A_46 : vector<16xf32>
      %sub3A_52 = arith.constant 1.500000e+00 : f32
      %sub3A_53 = vector.broadcast %sub3A_52 : f32 to vector<16xf32>
      %sub3A_54 = arith.subf %sub3A_53, %mul3A_51 : vector<16xf32>
      %mul3A_55 = arith.mulf %bitcast3A_46, %sub3A_54 : vector<16xf32>
      %mul3A_56 = arith.constant 5.000000e-01 : f32
      %mul3A_57 = vector.broadcast %mul3A_56 : f32 to vector<16xf32>
      %mul3A_58 = arith.mulf %mul3A_57, %get3A_41 : vector<16xf32>
      %mul3A_59 = arith.mulf %mul3A_58, %mul3A_55 : vector<16xf32>
      %mul3A_60 = arith.mulf %mul3A_59, %mul3A_55 : vector<16xf32>
      %sub3A_61 = arith.constant 1.500000e+00 : f32
      %sub3A_62 = vector.broadcast %sub3A_61 : f32 to vector<16xf32>
      %sub3A_63 = arith.subf %sub3A_62, %mul3A_60 : vector<16xf32>
      %mul3A_64 = arith.mulf %mul3A_55, %sub3A_63 : vector<16xf32>
      %mul3A_65 = arith.constant 5.000000e-01 : f32
      %mul3A_66 = vector.broadcast %mul3A_65 : f32 to vector<16xf32>
      %mul3A_67 = arith.mulf %mul3A_66, %get3A_41 : vector<16xf32>
      %mul3A_68 = arith.mulf %mul3A_67, %mul3A_64 : vector<16xf32>
      %mul3A_69 = arith.mulf %mul3A_68, %mul3A_64 : vector<16xf32>
      %sub3A_70 = arith.constant 1.500000e+00 : f32
      %sub3A_71 = vector.broadcast %sub3A_70 : f32 to vector<16xf32>
      %sub3A_72 = arith.subf %sub3A_71, %mul3A_69 : vector<16xf32>
      %mul3A_73 = arith.mulf %mul3A_64, %sub3A_72 : vector<16xf32>
      %swap3A = arith.index_cast %add3A_40 : i32 to index
      %swap3A_74 = tpu.vector_load %arg7[%swap3A] {strides = array<i32>} : memref<320xf32, #tpu.memory_space<vmem>>, vector<16xf32>,
      tpu.vector_store %arg7[%swap3A], %mul3A_73 {strides = array<i32>} : memref<320xf32, #tpu.memory_space<vmem>>, vector<16xf32>,
    }
    %scan3A_33 = arith.constant 20 : i32
    %mul3A_34 = arith.constant 320 : i32
    %mul3A_35 = arith.muli %add3A, %mul3A_34 : i32
    "tpu.region"() ({
      %run_scoped3A = tpu.sem_alloc : memref<!tpu.dma_semaphore, #tpu.memory_space<semaphore_mem>>
      %dma_start3A = tpu.memref_slice %arg3[%mul3A_35] : memref<10240xf32, #tpu.memory_space<hbm>> -> memref<320xf32, #tpu.memory_space<hbm>>
      %dma_start3A_36 = tpu.memref_slice %arg3[%mul3A_35] : memref<10240xf32, #tpu.memory_space<hbm>> -> memref<320xf32, #tpu.memory_space<hbm>>
      tpu.enqueue_dma source(%arg7 : memref<320xf32, #tpu.memory_space<vmem>>) target(%dma_start3A_36 : memref<320xf32, #tpu.memory_space<hbm>>) target_semaphore(%run_scoped3A : memref<!tpu.dma_semaphore, #tpu.memory_space<semaphore_mem>>)
      %dma_wait3A = tpu.memref_slice %arg3[%mul3A_35] : memref<10240xf32, #tpu.memory_space<hbm>> -> memref<320xf32, #tpu.memory_space<hbm>>
      %dma_wait3A_37 = tpu.memref_slice %arg3[%mul3A_35] : memref<10240xf32, #tpu.memory_space<hbm>> -> memref<320xf32, #tpu.memory_space<hbm>>
      tpu.wait_dma2 semaphore(%run_scoped3A : memref<!tpu.dma_semaphore, #tpu.memory_space<semaphore_mem>>) src(%arg7 : memref<320xf32, #tpu.memory_space<vmem>>) dst(%dma_wait3A_37 : memref<320xf32, #tpu.memory_space<hbm>>)
      tpu.yield
    }) : () -> ()
    return
  }
}

#map = affine_map<(d0, d1) -> (0, 0, 0)>
module attributes {stable_mosaic.version = 14 : i64} {
  func.func @_sc_agg(%arg0: i32, %arg1: i32, %arg2: memref<2x10240x64xf32, #tpu.memory_space<hbm>>, %arg3: memref<16x160x128xi32, #tpu.memory_space<hbm>>, %arg4: memref<16x160x128xi32, #tpu.memory_space<hbm>>, %arg5: memref<2x10240x64xf32, #tpu.memory_space<hbm>>, %arg6: memref<10240x64xf32, #tpu.memory_space<vmem_shared>>, %arg7: memref<10240x64xf32, #tpu.memory_space<vmem_shared>>, %arg8: memref<8x128xi32, #tpu.memory_space<vmem>>, %arg9: memref<8x128xi32, #tpu.memory_space<vmem>>, %arg10: memref<8x128xi32, #tpu.memory_space<vmem>>, %arg11: memref<8x128xi32, #tpu.memory_space<vmem>>, %arg12: memref<128x64xf32, #tpu.memory_space<vmem>>, %arg13: memref<128x64xf32, #tpu.memory_space<vmem>>, %arg14: memref<128x64xf32, #tpu.memory_space<vmem>>, %arg15: memref<128x64xf32, #tpu.memory_space<vmem>>, %arg16: memref<!tpu.dma_semaphore, #tpu.memory_space<semaphore_mem>>, %arg17: memref<!tpu.dma_semaphore, #tpu.memory_space<semaphore_mem>>, %arg18: memref<!tpu.dma_semaphore, #tpu.memory_space<semaphore_mem>>, %arg19: memref<!tpu.dma_semaphore, #tpu.memory_space<semaphore_mem>>, %arg20: memref<!tpu.dma_semaphore, #tpu.memory_space<semaphore_mem>>, %arg21: memref<!tpu.dma_semaphore, #tpu.memory_space<semaphore_mem>>, %arg22: memref<!tpu.dma_semaphore, #tpu.memory_space<semaphore_mem>>, %arg23: memref<!tpu.dma_semaphore, #tpu.memory_space<semaphore_mem>>, %arg24: memref<!tpu.dma_semaphore, #tpu.memory_space<semaphore_mem>>, %arg25: memref<!tpu.dma_semaphore, #tpu.memory_space<semaphore_mem>>) attributes {dimension_semantics = [#tpu.dimension_semantics<core_parallel>, #tpu.dimension_semantics<subcore_parallel>], iteration_bounds = array<i64: 2, 16>, scalar_prefetch = 0 : i64, scratch_operands = 20 : i64, tpu.core_type = #tpu.core_type<sc_vector_subcore>, window_params = [{transform_indices = #map}, {transform_indices = #map}, {transform_indices = #map}, {transform_indices = #map}]} {
    %dma_start3A = arith.constant 0 : i32
    %dma_start3A_0 = arith.constant 0 : i32
    %dma_start3A_1 = tpu.memref_slice %arg3[%arg1, %dma_start3A, %dma_start3A_0] : memref<16x160x128xi32, #tpu.memory_space<hbm>> -> memref<1x8x128xi32, #tpu.memory_space<hbm>>
    %dma_start3A_2 = tpu.memref_squeeze %dma_start3A_1 : memref<1x8x128xi32, #tpu.memory_space<hbm>> -> memref<8x128xi32, #tpu.memory_space<hbm>>
    %dma_start3A_3 = arith.constant 0 : i32
    %dma_start3A_4 = arith.constant 0 : i32
    %dma_start3A_5 = tpu.memref_slice %arg3[%arg1, %dma_start3A_3, %dma_start3A_4] : memref<16x160x128xi32, #tpu.memory_space<hbm>> -> memref<1x8x128xi32, #tpu.memory_space<hbm>>
    %dma_start3A_6 = tpu.memref_squeeze %dma_start3A_5 : memref<1x8x128xi32, #tpu.memory_space<hbm>> -> memref<8x128xi32, #tpu.memory_space<hbm>>
    tpu.enqueue_dma source(%dma_start3A_6 : memref<8x128xi32, #tpu.memory_space<hbm>>) target(%arg8 : memref<8x128xi32, #tpu.memory_space<vmem>>) target_semaphore(%arg16 : memref<!tpu.dma_semaphore, #tpu.memory_space<semaphore_mem>>)
    %dma_start3A_7 = arith.constant 0 : i32
    %dma_start3A_8 = arith.constant 0 : i32
    %dma_start3A_9 = tpu.memref_slice %arg4[%arg1, %dma_start3A_7, %dma_start3A_8] : memref<16x160x128xi32, #tpu.memory_space<hbm>> -> memref<1x8x128xi32, #tpu.memory_space<hbm>>
    %dma_start3A_10 = tpu.memref_squeeze %dma_start3A_9 : memref<1x8x128xi32, #tpu.memory_space<hbm>> -> memref<8x128xi32, #tpu.memory_space<hbm>>
    %dma_start3A_11 = arith.constant 0 : i32
    %dma_start3A_12 = arith.constant 0 : i32
    %dma_start3A_13 = tpu.memref_slice %arg4[%arg1, %dma_start3A_11, %dma_start3A_12] : memref<16x160x128xi32, #tpu.memory_space<hbm>> -> memref<1x8x128xi32, #tpu.memory_space<hbm>>
    %dma_start3A_14 = tpu.memref_squeeze %dma_start3A_13 : memref<1x8x128xi32, #tpu.memory_space<hbm>> -> memref<8x128xi32, #tpu.memory_space<hbm>>
    tpu.enqueue_dma source(%dma_start3A_14 : memref<8x128xi32, #tpu.memory_space<hbm>>) target(%arg10 : memref<8x128xi32, #tpu.memory_space<vmem>>) target_semaphore(%arg16 : memref<!tpu.dma_semaphore, #tpu.memory_space<semaphore_mem>>)
    %scan3A = arith.constant 0 : i32
    %scan3A_15 = arith.constant 128 : i32
    %scan3A_16 = arith.addi %scan3A, %scan3A_15 : i32
    %scan3A_17 = arith.constant 1 : i32
    scf.for %scan3A_101 = %scan3A to %scan3A_16 step %scan3A_17  : i32 {
      %mul3A_102 = arith.constant 1 : i32
      %mul3A_103 = arith.muli %scan3A_101, %mul3A_102 : i32
      %add3A = arith.constant 0 : i32
      %add3A_104 = arith.addi %add3A, %mul3A_103 : i32
      %scan3A_105 = arith.constant 0 : i32
      %scan3A_106 = arith.constant 4 : i32
      %scan3A_107 = arith.addi %scan3A_105, %scan3A_106 : i32
      %scan3A_108 = arith.constant 1 : i32
      scf.for %scan3A_110 = %scan3A_105 to %scan3A_107 step %scan3A_108  : i32 {
        %mul3A_111 = arith.constant 16 : i32
        %mul3A_112 = arith.muli %scan3A_110, %mul3A_111 : i32
        %add3A_113 = arith.constant 0 : i32
        %add3A_114 = arith.addi %add3A_113, %mul3A_112 : i32
        %broadcast_in_dim3A = arith.constant 0.000000e+00 : f32
        %broadcast_in_dim3A_115 = vector.broadcast %broadcast_in_dim3A : f32 to vector<16xf32>
        %swap3A = arith.index_cast %add3A_104 : i32 to index
        %swap3A_116 = arith.index_cast %add3A_114 : i32 to index
        %swap3A_117 = tpu.vector_load %arg12[%swap3A, %swap3A_116] {strides = array<i32>} : memref<128x64xf32, #tpu.memory_space<vmem>>, vector<16xf32>,
        tpu.vector_store %arg12[%swap3A, %swap3A_116], %broadcast_in_dim3A_115 {strides = array<i32>} : memref<128x64xf32, #tpu.memory_space<vmem>>, vector<16xf32>,
      }
      %scan3A_109 = arith.constant 4 : i32
    }
    %scan3A_18 = arith.constant 128 : i32
    %scan3A_19 = arith.constant 0 : i32
    %scan3A_20 = arith.constant 5 : i32
    %scan3A_21 = arith.addi %scan3A_19, %scan3A_20 : i32
    %scan3A_22 = arith.constant 1 : i32
    scf.for %scan3A_101 = %scan3A_19 to %scan3A_21 step %scan3A_22  : i32 {
      %mul3A_102 = arith.constant 128 : i32
      %mul3A_103 = arith.muli %scan3A_101, %mul3A_102 : i32
      %add3A = arith.constant 0 : i32
      %add3A_104 = arith.addi %add3A, %mul3A_103 : i32
      %mul3A_105 = arith.constant 640 : i32
      %mul3A_106 = arith.muli %arg1, %mul3A_105 : i32
      %add3A_107 = arith.addi %mul3A_106, %add3A_104 : i32
      "tpu.region"() ({
        %run_scoped3A = tpu.sem_alloc : memref<!tpu.dma_semaphore, #tpu.memory_space<semaphore_mem>>
        %dma_start3A_108 = arith.constant 0 : i32
        %dma_start3A_109 = tpu.memref_slice %arg7[%add3A_107, %dma_start3A_108] : memref<10240x64xf32, #tpu.memory_space<vmem_shared>> -> memref<128x64xf32, #tpu.memory_space<vmem_shared>>
        %dma_start3A_110 = arith.constant 0 : i32
        %dma_start3A_111 = tpu.memref_slice %arg7[%add3A_107, %dma_start3A_110] : memref<10240x64xf32, #tpu.memory_space<vmem_shared>> -> memref<128x64xf32, #tpu.memory_space<vmem_shared>>
        tpu.enqueue_dma source(%arg12 : memref<128x64xf32, #tpu.memory_space<vmem>>) target(%dma_start3A_111 : memref<128x64xf32, #tpu.memory_space<vmem_shared>>) target_semaphore(%run_scoped3A : memref<!tpu.dma_semaphore, #tpu.memory_space<semaphore_mem>>)
        %dma_wait3A_112 = arith.constant 0 : i32
        %dma_wait3A_113 = tpu.memref_slice %arg7[%add3A_107, %dma_wait3A_112] : memref<10240x64xf32, #tpu.memory_space<vmem_shared>> -> memref<128x64xf32, #tpu.memory_space<vmem_shared>>
        %dma_wait3A_114 = arith.constant 0 : i32
        %dma_wait3A_115 = tpu.memref_slice %arg7[%add3A_107, %dma_wait3A_114] : memref<10240x64xf32, #tpu.memory_space<vmem_shared>> -> memref<128x64xf32, #tpu.memory_space<vmem_shared>>
        tpu.wait_dma2 semaphore(%run_scoped3A : memref<!tpu.dma_semaphore, #tpu.memory_space<semaphore_mem>>) src(%arg12 : memref<128x64xf32, #tpu.memory_space<vmem>>) dst(%dma_wait3A_115 : memref<128x64xf32, #tpu.memory_space<vmem_shared>>)
        tpu.yield
      }) : () -> ()
    }
    %scan3A_23 = arith.constant 5 : i32
    %mul3A = arith.constant 640 : i32
    %mul3A_24 = arith.muli %arg1, %mul3A : i32
    %mul3A_25 = arith.constant 640 : i32
    %mul3A_26 = arith.muli %arg1, %mul3A_25 : i32
    "tpu.region"() ({
      %run_scoped3A = tpu.sem_alloc : memref<!tpu.dma_semaphore, #tpu.memory_space<semaphore_mem>>
      %dma_start3A_101 = arith.constant 0 : i32
      %dma_start3A_102 = tpu.memref_slice %arg6[%mul3A_26, %dma_start3A_101] : memref<10240x64xf32, #tpu.memory_space<vmem_shared>> -> memref<640x64xf32, #tpu.memory_space<vmem_shared>>
      %dma_start3A_103 = arith.constant 0 : i32
      %dma_start3A_104 = tpu.memref_slice %arg2[%arg0, %mul3A_24, %dma_start3A_103] : memref<2x10240x64xf32, #tpu.memory_space<hbm>> -> memref<1x640x64xf32, #tpu.memory_space<hbm>>
      %dma_start3A_105 = tpu.memref_squeeze %dma_start3A_104 : memref<1x640x64xf32, #tpu.memory_space<hbm>> -> memref<640x64xf32, #tpu.memory_space<hbm>>
      tpu.enqueue_dma source(%dma_start3A_105 : memref<640x64xf32, #tpu.memory_space<hbm>>) target(%dma_start3A_102 : memref<640x64xf32, #tpu.memory_space<vmem_shared>>) target_semaphore(%run_scoped3A : memref<!tpu.dma_semaphore, #tpu.memory_space<semaphore_mem>>)
      %dma_wait3A_106 = arith.constant 0 : i32
      %dma_wait3A_107 = tpu.memref_slice %arg6[%mul3A_26, %dma_wait3A_106] : memref<10240x64xf32, #tpu.memory_space<vmem_shared>> -> memref<640x64xf32, #tpu.memory_space<vmem_shared>>
      %dma_wait3A_108 = arith.constant 0 : i32
      %dma_wait3A_109 = tpu.memref_slice %arg2[%arg0, %mul3A_24, %dma_wait3A_108] : memref<2x10240x64xf32, #tpu.memory_space<hbm>> -> memref<1x640x64xf32, #tpu.memory_space<hbm>>
      %dma_wait3A_110 = tpu.memref_squeeze %dma_wait3A_109 : memref<1x640x64xf32, #tpu.memory_space<hbm>> -> memref<640x64xf32, #tpu.memory_space<hbm>>
      tpu.wait_dma2 semaphore(%run_scoped3A : memref<!tpu.dma_semaphore, #tpu.memory_space<semaphore_mem>>) src(%dma_wait3A_110 : memref<640x64xf32, #tpu.memory_space<hbm>>) dst(%dma_wait3A_107 : memref<640x64xf32, #tpu.memory_space<vmem_shared>>)
      tpu.yield
    }) : () -> ()
    %barrier3A = arith.constant 0 : index
    tpu.barrier barrier_id(%barrier3A)
    %dma_wait3A = arith.constant 0 : i32
    %dma_wait3A_27 = arith.constant 0 : i32
    %dma_wait3A_28 = tpu.memref_slice %arg3[%arg1, %dma_wait3A, %dma_wait3A_27] : memref<16x160x128xi32, #tpu.memory_space<hbm>> -> memref<1x8x128xi32, #tpu.memory_space<hbm>>
    %dma_wait3A_29 = tpu.memref_squeeze %dma_wait3A_28 : memref<1x8x128xi32, #tpu.memory_space<hbm>> -> memref<8x128xi32, #tpu.memory_space<hbm>>
    %dma_wait3A_30 = arith.constant 0 : i32
    %dma_wait3A_31 = arith.constant 0 : i32
    %dma_wait3A_32 = tpu.memref_slice %arg3[%arg1, %dma_wait3A_30, %dma_wait3A_31] : memref<16x160x128xi32, #tpu.memory_space<hbm>> -> memref<1x8x128xi32, #tpu.memory_space<hbm>>
    %dma_wait3A_33 = tpu.memref_squeeze %dma_wait3A_32 : memref<1x8x128xi32, #tpu.memory_space<hbm>> -> memref<8x128xi32, #tpu.memory_space<hbm>>
    tpu.wait_dma2 semaphore(%arg16 : memref<!tpu.dma_semaphore, #tpu.memory_space<semaphore_mem>>) src(%dma_wait3A_33 : memref<8x128xi32, #tpu.memory_space<hbm>>) dst(%arg8 : memref<8x128xi32, #tpu.memory_space<vmem>>)
    %dma_wait3A_34 = arith.constant 0 : i32
    %dma_wait3A_35 = arith.constant 0 : i32
    %dma_wait3A_36 = tpu.memref_slice %arg4[%arg1, %dma_wait3A_34, %dma_wait3A_35] : memref<16x160x128xi32, #tpu.memory_space<hbm>> -> memref<1x8x128xi32, #tpu.memory_space<hbm>>
    %dma_wait3A_37 = tpu.memref_squeeze %dma_wait3A_36 : memref<1x8x128xi32, #tpu.memory_space<hbm>> -> memref<8x128xi32, #tpu.memory_space<hbm>>
    %dma_wait3A_38 = arith.constant 0 : i32
    %dma_wait3A_39 = arith.constant 0 : i32
    %dma_wait3A_40 = tpu.memref_slice %arg4[%arg1, %dma_wait3A_38, %dma_wait3A_39] : memref<16x160x128xi32, #tpu.memory_space<hbm>> -> memref<1x8x128xi32, #tpu.memory_space<hbm>>
    %dma_wait3A_41 = tpu.memref_squeeze %dma_wait3A_40 : memref<1x8x128xi32, #tpu.memory_space<hbm>> -> memref<8x128xi32, #tpu.memory_space<hbm>>
    tpu.wait_dma2 semaphore(%arg16 : memref<!tpu.dma_semaphore, #tpu.memory_space<semaphore_mem>>) src(%dma_wait3A_41 : memref<8x128xi32, #tpu.memory_space<hbm>>) dst(%arg10 : memref<8x128xi32, #tpu.memory_space<vmem>>)
    %dma_start3A_42 = arith.constant 0 : i32
    %dma_start3A_43 = arith.constant 0 : i32
    %dma_start3A_44 = tpu.memref_slice %arg8[%dma_start3A_42, %dma_start3A_43] : memref<8x128xi32, #tpu.memory_space<vmem>> -> memref<1x128xi32, #tpu.memory_space<vmem>>
    %dma_start3A_45 = tpu.memref_squeeze %dma_start3A_44 : memref<1x128xi32, #tpu.memory_space<vmem>> -> memref<128xi32, #tpu.memory_space<vmem>>
    %dma_start3A_46 = arith.constant 0 : i32
    %dma_start3A_47 = arith.constant 0 : i32
    %dma_start3A_48 = tpu.memref_slice %arg6[%dma_start3A_46, %dma_start3A_47] : memref<10240x64xf32, #tpu.memory_space<vmem_shared>> -> memref<10240x64xf32, #tpu.memory_space<vmem_shared>>
    tpu.enqueue_indirect_dma source(%dma_start3A_48 : memref<10240x64xf32, #tpu.memory_space<vmem_shared>>) target(%arg12 : memref<128x64xf32, #tpu.memory_space<vmem>>) offsets(%dma_start3A_45 : memref<128xi32, #tpu.memory_space<vmem>>) semaphore(%arg18 : memref<!tpu.dma_semaphore, #tpu.memory_space<semaphore_mem>>)
    %dma_start3A_49 = arith.constant 1 : i32
    %dma_start3A_50 = arith.constant 0 : i32
    %dma_start3A_51 = tpu.memref_slice %arg8[%dma_start3A_49, %dma_start3A_50] : memref<8x128xi32, #tpu.memory_space<vmem>> -> memref<1x128xi32, #tpu.memory_space<vmem>>
    %dma_start3A_52 = tpu.memref_squeeze %dma_start3A_51 : memref<1x128xi32, #tpu.memory_space<vmem>> -> memref<128xi32, #tpu.memory_space<vmem>>
    %dma_start3A_53 = arith.constant 0 : i32
    %dma_start3A_54 = arith.constant 0 : i32
    %dma_start3A_55 = tpu.memref_slice %arg6[%dma_start3A_53, %dma_start3A_54] : memref<10240x64xf32, #tpu.memory_space<vmem_shared>> -> memref<10240x64xf32, #tpu.memory_space<vmem_shared>>
    tpu.enqueue_indirect_dma source(%dma_start3A_55 : memref<10240x64xf32, #tpu.memory_space<vmem_shared>>) target(%arg13 : memref<128x64xf32, #tpu.memory_space<vmem>>) offsets(%dma_start3A_52 : memref<128xi32, #tpu.memory_space<vmem>>) semaphore(%arg19 : memref<!tpu.dma_semaphore, #tpu.memory_space<semaphore_mem>>)
    %dma_start3A_56 = arith.constant 2 : i32
    %dma_start3A_57 = arith.constant 0 : i32
    %dma_start3A_58 = tpu.memref_slice %arg8[%dma_start3A_56, %dma_start3A_57] : memref<8x128xi32, #tpu.memory_space<vmem>> -> memref<1x128xi32, #tpu.memory_space<vmem>>
    %dma_start3A_59 = tpu.memref_squeeze %dma_start3A_58 : memref<1x128xi32, #tpu.memory_space<vmem>> -> memref<128xi32, #tpu.memory_space<vmem>>
    %dma_start3A_60 = arith.constant 0 : i32
    %dma_start3A_61 = arith.constant 0 : i32
    %dma_start3A_62 = tpu.memref_slice %arg6[%dma_start3A_60, %dma_start3A_61] : memref<10240x64xf32, #tpu.memory_space<vmem_shared>> -> memref<10240x64xf32, #tpu.memory_space<vmem_shared>>
    tpu.enqueue_indirect_dma source(%dma_start3A_62 : memref<10240x64xf32, #tpu.memory_space<vmem_shared>>) target(%arg14 : memref<128x64xf32, #tpu.memory_space<vmem>>) offsets(%dma_start3A_59 : memref<128xi32, #tpu.memory_space<vmem>>) semaphore(%arg20 : memref<!tpu.dma_semaphore, #tpu.memory_space<semaphore_mem>>)
    %scan3A_63 = arith.constant 0 : i32
    %scan3A_64 = arith.constant 10 : i32
    %scan3A_65 = arith.addi %scan3A_63, %scan3A_64 : i32
    %scan3A_66 = arith.constant 1 : i32
    scf.for %scan3A_101 = %scan3A_63 to %scan3A_65 step %scan3A_66  : i32 {
      %mul3A_102 = arith.constant 2 : i32
      %mul3A_103 = arith.muli %scan3A_101, %mul3A_102 : i32
      %add3A = arith.constant 0 : i32
      %add3A_104 = arith.addi %add3A, %mul3A_103 : i32
      %add3A_105 = arith.constant 1 : i32
      %add3A_106 = arith.addi %add3A_104, %add3A_105 : i32
      %lt3A = arith.constant 20 : i32
      %lt3A_107 = arith.cmpi slt, %add3A_106, %lt3A : i32
      %convert_element_type3A = arith.extui %lt3A_107 : i1 to i32
      %cond3A = arith.constant 0 : i32
      %cond3A_108 = arith.cmpi ne, %convert_element_type3A, %cond3A : i32
      scf.if %cond3A_108 {
        %add3A_567 = arith.constant 1 : i32
        %add3A_568 = arith.addi %add3A_104, %add3A_567 : i32
        %mul3A_569 = arith.constant 8 : i32
        %mul3A_570 = arith.muli %add3A_568, %mul3A_569 : i32
        %dma_start3A_571 = arith.constant 0 : i32
        %dma_start3A_572 = tpu.memref_slice %arg3[%arg1, %mul3A_570, %dma_start3A_571] : memref<16x160x128xi32, #tpu.memory_space<hbm>> -> memref<1x8x128xi32, #tpu.memory_space<hbm>>
        %dma_start3A_573 = tpu.memref_squeeze %dma_start3A_572 : memref<1x8x128xi32, #tpu.memory_space<hbm>> -> memref<8x128xi32, #tpu.memory_space<hbm>>
        %dma_start3A_574 = arith.constant 0 : i32
        %dma_start3A_575 = tpu.memref_slice %arg3[%arg1, %mul3A_570, %dma_start3A_574] : memref<16x160x128xi32, #tpu.memory_space<hbm>> -> memref<1x8x128xi32, #tpu.memory_space<hbm>>
        %dma_start3A_576 = tpu.memref_squeeze %dma_start3A_575 : memref<1x8x128xi32, #tpu.memory_space<hbm>> -> memref<8x128xi32, #tpu.memory_space<hbm>>
        tpu.enqueue_dma source(%dma_start3A_576 : memref<8x128xi32, #tpu.memory_space<hbm>>) target(%arg9 : memref<8x128xi32, #tpu.memory_space<vmem>>) target_semaphore(%arg17 : memref<!tpu.dma_semaphore, #tpu.memory_space<semaphore_mem>>)
        %add3A_577 = arith.constant 1 : i32
        %add3A_578 = arith.addi %add3A_104, %add3A_577 : i32
        %mul3A_579 = arith.constant 8 : i32
        %mul3A_580 = arith.muli %add3A_578, %mul3A_579 : i32
        %dma_start3A_581 = arith.constant 0 : i32
        %dma_start3A_582 = tpu.memref_slice %arg4[%arg1, %mul3A_580, %dma_start3A_581] : memref<16x160x128xi32, #tpu.memory_space<hbm>> -> memref<1x8x128xi32, #tpu.memory_space<hbm>>
        %dma_start3A_583 = tpu.memref_squeeze %dma_start3A_582 : memref<1x8x128xi32, #tpu.memory_space<hbm>> -> memref<8x128xi32, #tpu.memory_space<hbm>>
        %dma_start3A_584 = arith.constant 0 : i32
        %dma_start3A_585 = tpu.memref_slice %arg4[%arg1, %mul3A_580, %dma_start3A_584] : memref<16x160x128xi32, #tpu.memory_space<hbm>> -> memref<1x8x128xi32, #tpu.memory_space<hbm>>
        %dma_start3A_586 = tpu.memref_squeeze %dma_start3A_585 : memref<1x8x128xi32, #tpu.memory_space<hbm>> -> memref<8x128xi32, #tpu.memory_space<hbm>>
        tpu.enqueue_dma source(%dma_start3A_586 : memref<8x128xi32, #tpu.memory_space<hbm>>) target(%arg11 : memref<8x128xi32, #tpu.memory_space<vmem>>) target_semaphore(%arg17 : memref<!tpu.dma_semaphore, #tpu.memory_space<semaphore_mem>>)
      } else {
      }
      %mul3A_109 = arith.constant 8 : i32
      %mul3A_110 = arith.muli %add3A_104, %mul3A_109 : i32
      %add3A_111 = arith.constant 0 : i32
      %add3A_112 = arith.addi %mul3A_110, %add3A_111 : i32
      %dma_wait3A_113 = arith.constant 0 : i32
      %dma_wait3A_114 = arith.constant 0 : i32
      %dma_wait3A_115 = tpu.memref_slice %arg8[%dma_wait3A_113, %dma_wait3A_114] : memref<8x128xi32, #tpu.memory_space<vmem>> -> memref<1x128xi32, #tpu.memory_space<vmem>>
      %dma_wait3A_116 = tpu.memref_squeeze %dma_wait3A_115 : memref<1x128xi32, #tpu.memory_space<vmem>> -> memref<128xi32, #tpu.memory_space<vmem>>
      %dma_wait3A_117 = arith.constant 0 : i32
      %dma_wait3A_118 = arith.constant 0 : i32
      %dma_wait3A_119 = tpu.memref_slice %arg6[%dma_wait3A_117, %dma_wait3A_118] : memref<10240x64xf32, #tpu.memory_space<vmem_shared>> -> memref<10240x64xf32, #tpu.memory_space<vmem_shared>>
      tpu.wait_indirect_dma semaphore(%arg18 : memref<!tpu.dma_semaphore, #tpu.memory_space<semaphore_mem>>) src(%dma_wait3A_119 : memref<10240x64xf32, #tpu.memory_space<vmem_shared>>) dst(%arg12 : memref<128x64xf32, #tpu.memory_space<vmem>>)
      %dma_start3A_120 = arith.constant 0 : i32
      %dma_start3A_121 = arith.constant 0 : i32
      %dma_start3A_122 = tpu.memref_slice %arg10[%dma_start3A_120, %dma_start3A_121] : memref<8x128xi32, #tpu.memory_space<vmem>> -> memref<1x128xi32, #tpu.memory_space<vmem>>
      %dma_start3A_123 = tpu.memref_squeeze %dma_start3A_122 : memref<1x128xi32, #tpu.memory_space<vmem>> -> memref<128xi32, #tpu.memory_space<vmem>>
      %dma_start3A_124 = arith.constant 0 : i32
      %dma_start3A_125 = arith.constant 0 : i32
      %dma_start3A_126 = tpu.memref_slice %arg7[%dma_start3A_124, %dma_start3A_125] : memref<10240x64xf32, #tpu.memory_space<vmem_shared>> -> memref<10240x64xf32, #tpu.memory_space<vmem_shared>>
      tpu.enqueue_indirect_dma source(%arg12 : memref<128x64xf32, #tpu.memory_space<vmem>>) target(%dma_start3A_126 : memref<10240x64xf32, #tpu.memory_space<vmem_shared>>) offsets(%dma_start3A_123 : memref<128xi32, #tpu.memory_space<vmem>>) semaphore(%arg22 : memref<!tpu.dma_semaphore, #tpu.memory_space<semaphore_mem>>) {add = true}
      %ge3A = arith.constant 1 : i32
      %ge3A_127 = arith.cmpi sge, %add3A_112, %ge3A : i32
      %convert_element_type3A_128 = arith.extui %ge3A_127 : i1 to i32
      %cond3A_129 = arith.constant 0 : i32
      %cond3A_130 = arith.cmpi ne, %convert_element_type3A_128, %cond3A_129 : i32
      scf.if %cond3A_130 {
        %dma_wait3A_567 = arith.constant 0 : i32
        %dma_wait3A_568 = arith.constant 0 : i32
        %dma_wait3A_569 = tpu.memref_slice %arg10[%dma_wait3A_567, %dma_wait3A_568] : memref<8x128xi32, #tpu.memory_space<vmem>> -> memref<1x128xi32, #tpu.memory_space<vmem>>
        %dma_wait3A_570 = tpu.memref_squeeze %dma_wait3A_569 : memref<1x128xi32, #tpu.memory_space<vmem>> -> memref<128xi32, #tpu.memory_space<vmem>>
        %dma_wait3A_571 = arith.constant 0 : i32
        %dma_wait3A_572 = arith.constant 0 : i32
        %dma_wait3A_573 = tpu.memref_slice %arg7[%dma_wait3A_571, %dma_wait3A_572] : memref<10240x64xf32, #tpu.memory_space<vmem_shared>> -> memref<10240x64xf32, #tpu.memory_space<vmem_shared>>
        tpu.wait_indirect_dma semaphore(%arg25 : memref<!tpu.dma_semaphore, #tpu.memory_space<semaphore_mem>>) src(%arg15 : memref<128x64xf32, #tpu.memory_space<vmem>>) dst(%dma_wait3A_573 : memref<10240x64xf32, #tpu.memory_space<vmem_shared>>)
      } else {
      }
      %dma_start3A_131 = arith.constant 3 : i32
      %dma_start3A_132 = arith.constant 0 : i32
      %dma_start3A_133 = tpu.memref_slice %arg8[%dma_start3A_131, %dma_start3A_132] : memref<8x128xi32, #tpu.memory_space<vmem>> -> memref<1x128xi32, #tpu.memory_space<vmem>>
      %dma_start3A_134 = tpu.memref_squeeze %dma_start3A_133 : memref<1x128xi32, #tpu.memory_space<vmem>> -> memref<128xi32, #tpu.memory_space<vmem>>
      %dma_start3A_135 = arith.constant 0 : i32
      %dma_start3A_136 = arith.constant 0 : i32
      %dma_start3A_137 = tpu.memref_slice %arg6[%dma_start3A_135, %dma_start3A_136] : memref<10240x64xf32, #tpu.memory_space<vmem_shared>> -> memref<10240x64xf32, #tpu.memory_space<vmem_shared>>
      tpu.enqueue_indirect_dma source(%dma_start3A_137 : memref<10240x64xf32, #tpu.memory_space<vmem_shared>>) target(%arg15 : memref<128x64xf32, #tpu.memory_space<vmem>>) offsets(%dma_start3A_134 : memref<128xi32, #tpu.memory_space<vmem>>) semaphore(%arg21 : memref<!tpu.dma_semaphore, #tpu.memory_space<semaphore_mem>>)
      %mul3A_138 = arith.constant 8 : i32
      %mul3A_139 = arith.muli %add3A_104, %mul3A_138 : i32
      %add3A_140 = arith.constant 1 : i32
      %add3A_141 = arith.addi %mul3A_139, %add3A_140 : i32
      %dma_wait3A_142 = arith.constant 1 : i32
      %dma_wait3A_143 = arith.constant 0 : i32
      %dma_wait3A_144 = tpu.memref_slice %arg8[%dma_wait3A_142, %dma_wait3A_143] : memref<8x128xi32, #tpu.memory_space<vmem>> -> memref<1x128xi32, #tpu.memory_space<vmem>>
      %dma_wait3A_145 = tpu.memref_squeeze %dma_wait3A_144 : memref<1x128xi32, #tpu.memory_space<vmem>> -> memref<128xi32, #tpu.memory_space<vmem>>
      %dma_wait3A_146 = arith.constant 0 : i32
      %dma_wait3A_147 = arith.constant 0 : i32
      %dma_wait3A_148 = tpu.memref_slice %arg6[%dma_wait3A_146, %dma_wait3A_147] : memref<10240x64xf32, #tpu.memory_space<vmem_shared>> -> memref<10240x64xf32, #tpu.memory_space<vmem_shared>>
      tpu.wait_indirect_dma semaphore(%arg19 : memref<!tpu.dma_semaphore, #tpu.memory_space<semaphore_mem>>) src(%dma_wait3A_148 : memref<10240x64xf32, #tpu.memory_space<vmem_shared>>) dst(%arg13 : memref<128x64xf32, #tpu.memory_space<vmem>>)
      %dma_start3A_149 = arith.constant 1 : i32
      %dma_start3A_150 = arith.constant 0 : i32
      %dma_start3A_151 = tpu.memref_slice %arg10[%dma_start3A_149, %dma_start3A_150] : memref<8x128xi32, #tpu.memory_space<vmem>> -> memref<1x128xi32, #tpu.memory_space<vmem>>
      %dma_start3A_152 = tpu.memref_squeeze %dma_start3A_151 : memref<1x128xi32, #tpu.memory_space<vmem>> -> memref<128xi32, #tpu.memory_space<vmem>>
      %dma_start3A_153 = arith.constant 0 : i32
      %dma_start3A_154 = arith.constant 0 : i32
      %dma_start3A_155 = tpu.memref_slice %arg7[%dma_start3A_153, %dma_start3A_154] : memref<10240x64xf32, #tpu.memory_space<vmem_shared>> -> memref<10240x64xf32, #tpu.memory_space<vmem_shared>>
      tpu.enqueue_indirect_dma source(%arg13 : memref<128x64xf32, #tpu.memory_space<vmem>>) target(%dma_start3A_155 : memref<10240x64xf32, #tpu.memory_space<vmem_shared>>) offsets(%dma_start3A_152 : memref<128xi32, #tpu.memory_space<vmem>>) semaphore(%arg23 : memref<!tpu.dma_semaphore, #tpu.memory_space<semaphore_mem>>) {add = true}
      %ge3A_156 = arith.constant 1 : i32
      %ge3A_157 = arith.cmpi sge, %add3A_141, %ge3A_156 : i32
      %convert_element_type3A_158 = arith.extui %ge3A_157 : i1 to i32
      %cond3A_159 = arith.constant 0 : i32
      %cond3A_160 = arith.cmpi ne, %convert_element_type3A_158, %cond3A_159 : i32
      scf.if %cond3A_160 {
        %dma_wait3A_567 = arith.constant 1 : i32
        %dma_wait3A_568 = arith.constant 0 : i32
        %dma_wait3A_569 = tpu.memref_slice %arg10[%dma_wait3A_567, %dma_wait3A_568] : memref<8x128xi32, #tpu.memory_space<vmem>> -> memref<1x128xi32, #tpu.memory_space<vmem>>
        %dma_wait3A_570 = tpu.memref_squeeze %dma_wait3A_569 : memref<1x128xi32, #tpu.memory_space<vmem>> -> memref<128xi32, #tpu.memory_space<vmem>>
        %dma_wait3A_571 = arith.constant 0 : i32
        %dma_wait3A_572 = arith.constant 0 : i32
        %dma_wait3A_573 = tpu.memref_slice %arg7[%dma_wait3A_571, %dma_wait3A_572] : memref<10240x64xf32, #tpu.memory_space<vmem_shared>> -> memref<10240x64xf32, #tpu.memory_space<vmem_shared>>
        tpu.wait_indirect_dma semaphore(%arg22 : memref<!tpu.dma_semaphore, #tpu.memory_space<semaphore_mem>>) src(%arg12 : memref<128x64xf32, #tpu.memory_space<vmem>>) dst(%dma_wait3A_573 : memref<10240x64xf32, #tpu.memory_space<vmem_shared>>)
      } else {
      }
      %dma_start3A_161 = arith.constant 4 : i32
      %dma_start3A_162 = arith.constant 0 : i32
      %dma_start3A_163 = tpu.memref_slice %arg8[%dma_start3A_161, %dma_start3A_162] : memref<8x128xi32, #tpu.memory_space<vmem>> -> memref<1x128xi32, #tpu.memory_space<vmem>>
      %dma_start3A_164 = tpu.memref_squeeze %dma_start3A_163 : memref<1x128xi32, #tpu.memory_space<vmem>> -> memref<128xi32, #tpu.memory_space<vmem>>
      %dma_start3A_165 = arith.constant 0 : i32
      %dma_start3A_166 = arith.constant 0 : i32
      %dma_start3A_167 = tpu.memref_slice %arg6[%dma_start3A_165, %dma_start3A_166] : memref<10240x64xf32, #tpu.memory_space<vmem_shared>> -> memref<10240x64xf32, #tpu.memory_space<vmem_shared>>
      tpu.enqueue_indirect_dma source(%dma_start3A_167 : memref<10240x64xf32, #tpu.memory_space<vmem_shared>>) target(%arg12 : memref<128x64xf32, #tpu.memory_space<vmem>>) offsets(%dma_start3A_164 : memref<128xi32, #tpu.memory_space<vmem>>) semaphore(%arg18 : memref<!tpu.dma_semaphore, #tpu.memory_space<semaphore_mem>>)
      %mul3A_168 = arith.constant 8 : i32
      %mul3A_169 = arith.muli %add3A_104, %mul3A_168 : i32
      %add3A_170 = arith.constant 2 : i32
      %add3A_171 = arith.addi %mul3A_169, %add3A_170 : i32
      %dma_wait3A_172 = arith.constant 2 : i32
      %dma_wait3A_173 = arith.constant 0 : i32
      %dma_wait3A_174 = tpu.memref_slice %arg8[%dma_wait3A_172, %dma_wait3A_173] : memref<8x128xi32, #tpu.memory_space<vmem>> -> memref<1x128xi32, #tpu.memory_space<vmem>>
      %dma_wait3A_175 = tpu.memref_squeeze %dma_wait3A_174 : memref<1x128xi32, #tpu.memory_space<vmem>> -> memref<128xi32, #tpu.memory_space<vmem>>
      %dma_wait3A_176 = arith.constant 0 : i32
      %dma_wait3A_177 = arith.constant 0 : i32
      %dma_wait3A_178 = tpu.memref_slice %arg6[%dma_wait3A_176, %dma_wait3A_177] : memref<10240x64xf32, #tpu.memory_space<vmem_shared>> -> memref<10240x64xf32, #tpu.memory_space<vmem_shared>>
      tpu.wait_indirect_dma semaphore(%arg20 : memref<!tpu.dma_semaphore, #tpu.memory_space<semaphore_mem>>) src(%dma_wait3A_178 : memref<10240x64xf32, #tpu.memory_space<vmem_shared>>) dst(%arg14 : memref<128x64xf32, #tpu.memory_space<vmem>>)
      %dma_start3A_179 = arith.constant 2 : i32
      %dma_start3A_180 = arith.constant 0 : i32
      %dma_start3A_181 = tpu.memref_slice %arg10[%dma_start3A_179, %dma_start3A_180] : memref<8x128xi32, #tpu.memory_space<vmem>> -> memref<1x128xi32, #tpu.memory_space<vmem>>
      %dma_start3A_182 = tpu.memref_squeeze %dma_start3A_181 : memref<1x128xi32, #tpu.memory_space<vmem>> -> memref<128xi32, #tpu.memory_space<vmem>>
      %dma_start3A_183 = arith.constant 0 : i32
      %dma_start3A_184 = arith.constant 0 : i32
      %dma_start3A_185 = tpu.memref_slice %arg7[%dma_start3A_183, %dma_start3A_184] : memref<10240x64xf32, #tpu.memory_space<vmem_shared>> -> memref<10240x64xf32, #tpu.memory_space<vmem_shared>>
      tpu.enqueue_indirect_dma source(%arg14 : memref<128x64xf32, #tpu.memory_space<vmem>>) target(%dma_start3A_185 : memref<10240x64xf32, #tpu.memory_space<vmem_shared>>) offsets(%dma_start3A_182 : memref<128xi32, #tpu.memory_space<vmem>>) semaphore(%arg24 : memref<!tpu.dma_semaphore, #tpu.memory_space<semaphore_mem>>) {add = true}
      %ge3A_186 = arith.constant 1 : i32
      %ge3A_187 = arith.cmpi sge, %add3A_171, %ge3A_186 : i32
      %convert_element_type3A_188 = arith.extui %ge3A_187 : i1 to i32
      %cond3A_189 = arith.constant 0 : i32
      %cond3A_190 = arith.cmpi ne, %convert_element_type3A_188, %cond3A_189 : i32
      scf.if %cond3A_190 {
        %dma_wait3A_567 = arith.constant 2 : i32
        %dma_wait3A_568 = arith.constant 0 : i32
        %dma_wait3A_569 = tpu.memref_slice %arg10[%dma_wait3A_567, %dma_wait3A_568] : memref<8x128xi32, #tpu.memory_space<vmem>> -> memref<1x128xi32, #tpu.memory_space<vmem>>
        %dma_wait3A_570 = tpu.memref_squeeze %dma_wait3A_569 : memref<1x128xi32, #tpu.memory_space<vmem>> -> memref<128xi32, #tpu.memory_space<vmem>>
        %dma_wait3A_571 = arith.constant 0 : i32
        %dma_wait3A_572 = arith.constant 0 : i32
        %dma_wait3A_573 = tpu.memref_slice %arg7[%dma_wait3A_571, %dma_wait3A_572] : memref<10240x64xf32, #tpu.memory_space<vmem_shared>> -> memref<10240x64xf32, #tpu.memory_space<vmem_shared>>
        tpu.wait_indirect_dma semaphore(%arg23 : memref<!tpu.dma_semaphore, #tpu.memory_space<semaphore_mem>>) src(%arg13 : memref<128x64xf32, #tpu.memory_space<vmem>>) dst(%dma_wait3A_573 : memref<10240x64xf32, #tpu.memory_space<vmem_shared>>)
      } else {
      }
      %dma_start3A_191 = arith.constant 5 : i32
      %dma_start3A_192 = arith.constant 0 : i32
      %dma_start3A_193 = tpu.memref_slice %arg8[%dma_start3A_191, %dma_start3A_192] : memref<8x128xi32, #tpu.memory_space<vmem>> -> memref<1x128xi32, #tpu.memory_space<vmem>>
      %dma_start3A_194 = tpu.memref_squeeze %dma_start3A_193 : memref<1x128xi32, #tpu.memory_space<vmem>> -> memref<128xi32, #tpu.memory_space<vmem>>
      %dma_start3A_195 = arith.constant 0 : i32
      %dma_start3A_196 = arith.constant 0 : i32
      %dma_start3A_197 = tpu.memref_slice %arg6[%dma_start3A_195, %dma_start3A_196] : memref<10240x64xf32, #tpu.memory_space<vmem_shared>> -> memref<10240x64xf32, #tpu.memory_space<vmem_shared>>
      tpu.enqueue_indirect_dma source(%dma_start3A_197 : memref<10240x64xf32, #tpu.memory_space<vmem_shared>>) target(%arg13 : memref<128x64xf32, #tpu.memory_space<vmem>>) offsets(%dma_start3A_194 : memref<128xi32, #tpu.memory_space<vmem>>) semaphore(%arg19 : memref<!tpu.dma_semaphore, #tpu.memory_space<semaphore_mem>>)
      %mul3A_198 = arith.constant 8 : i32
      %mul3A_199 = arith.muli %add3A_104, %mul3A_198 : i32
      %add3A_200 = arith.constant 3 : i32
      %add3A_201 = arith.addi %mul3A_199, %add3A_200 : i32
      %dma_wait3A_202 = arith.constant 3 : i32
      %dma_wait3A_203 = arith.constant 0 : i32
      %dma_wait3A_204 = tpu.memref_slice %arg8[%dma_wait3A_202, %dma_wait3A_203] : memref<8x128xi32, #tpu.memory_space<vmem>> -> memref<1x128xi32, #tpu.memory_space<vmem>>
      %dma_wait3A_205 = tpu.memref_squeeze %dma_wait3A_204 : memref<1x128xi32, #tpu.memory_space<vmem>> -> memref<128xi32, #tpu.memory_space<vmem>>
      %dma_wait3A_206 = arith.constant 0 : i32
      %dma_wait3A_207 = arith.constant 0 : i32
      %dma_wait3A_208 = tpu.memref_slice %arg6[%dma_wait3A_206, %dma_wait3A_207] : memref<10240x64xf32, #tpu.memory_space<vmem_shared>> -> memref<10240x64xf32, #tpu.memory_space<vmem_shared>>
      tpu.wait_indirect_dma semaphore(%arg21 : memref<!tpu.dma_semaphore, #tpu.memory_space<semaphore_mem>>) src(%dma_wait3A_208 : memref<10240x64xf32, #tpu.memory_space<vmem_shared>>) dst(%arg15 : memref<128x64xf32, #tpu.memory_space<vmem>>)
      %dma_start3A_209 = arith.constant 3 : i32
      %dma_start3A_210 = arith.constant 0 : i32
      %dma_start3A_211 = tpu.memref_slice %arg10[%dma_start3A_209, %dma_start3A_210] : memref<8x128xi32, #tpu.memory_space<vmem>> -> memref<1x128xi32, #tpu.memory_space<vmem>>
      %dma_start3A_212 = tpu.memref_squeeze %dma_start3A_211 : memref<1x128xi32, #tpu.memory_space<vmem>> -> memref<128xi32, #tpu.memory_space<vmem>>
      %dma_start3A_213 = arith.constant 0 : i32
      %dma_start3A_214 = arith.constant 0 : i32
      %dma_start3A_215 = tpu.memref_slice %arg7[%dma_start3A_213, %dma_start3A_214] : memref<10240x64xf32, #tpu.memory_space<vmem_shared>> -> memref<10240x64xf32, #tpu.memory_space<vmem_shared>>
      tpu.enqueue_indirect_dma source(%arg15 : memref<128x64xf32, #tpu.memory_space<vmem>>) target(%dma_start3A_215 : memref<10240x64xf32, #tpu.memory_space<vmem_shared>>) offsets(%dma_start3A_212 : memref<128xi32, #tpu.memory_space<vmem>>) semaphore(%arg25 : memref<!tpu.dma_semaphore, #tpu.memory_space<semaphore_mem>>) {add = true}
      %ge3A_216 = arith.constant 1 : i32
      %ge3A_217 = arith.cmpi sge, %add3A_201, %ge3A_216 : i32
      %convert_element_type3A_218 = arith.extui %ge3A_217 : i1 to i32
      %cond3A_219 = arith.constant 0 : i32
      %cond3A_220 = arith.cmpi ne, %convert_element_type3A_218, %cond3A_219 : i32
      scf.if %cond3A_220 {
        %dma_wait3A_567 = arith.constant 3 : i32
        %dma_wait3A_568 = arith.constant 0 : i32
        %dma_wait3A_569 = tpu.memref_slice %arg10[%dma_wait3A_567, %dma_wait3A_568] : memref<8x128xi32, #tpu.memory_space<vmem>> -> memref<1x128xi32, #tpu.memory_space<vmem>>
        %dma_wait3A_570 = tpu.memref_squeeze %dma_wait3A_569 : memref<1x128xi32, #tpu.memory_space<vmem>> -> memref<128xi32, #tpu.memory_space<vmem>>
        %dma_wait3A_571 = arith.constant 0 : i32
        %dma_wait3A_572 = arith.constant 0 : i32
        %dma_wait3A_573 = tpu.memref_slice %arg7[%dma_wait3A_571, %dma_wait3A_572] : memref<10240x64xf32, #tpu.memory_space<vmem_shared>> -> memref<10240x64xf32, #tpu.memory_space<vmem_shared>>
        tpu.wait_indirect_dma semaphore(%arg24 : memref<!tpu.dma_semaphore, #tpu.memory_space<semaphore_mem>>) src(%arg14 : memref<128x64xf32, #tpu.memory_space<vmem>>) dst(%dma_wait3A_573 : memref<10240x64xf32, #tpu.memory_space<vmem_shared>>)
      } else {
      }
      %dma_start3A_221 = arith.constant 6 : i32
      %dma_start3A_222 = arith.constant 0 : i32
      %dma_start3A_223 = tpu.memref_slice %arg8[%dma_start3A_221, %dma_start3A_222] : memref<8x128xi32, #tpu.memory_space<vmem>> -> memref<1x128xi32, #tpu.memory_space<vmem>>
      %dma_start3A_224 = tpu.memref_squeeze %dma_start3A_223 : memref<1x128xi32, #tpu.memory_space<vmem>> -> memref<128xi32, #tpu.memory_space<vmem>>
      %dma_start3A_225 = arith.constant 0 : i32
      %dma_start3A_226 = arith.constant 0 : i32
      %dma_start3A_227 = tpu.memref_slice %arg6[%dma_start3A_225, %dma_start3A_226] : memref<10240x64xf32, #tpu.memory_space<vmem_shared>> -> memref<10240x64xf32, #tpu.memory_space<vmem_shared>>
      tpu.enqueue_indirect_dma source(%dma_start3A_227 : memref<10240x64xf32, #tpu.memory_space<vmem_shared>>) target(%arg14 : memref<128x64xf32, #tpu.memory_space<vmem>>) offsets(%dma_start3A_224 : memref<128xi32, #tpu.memory_space<vmem>>) semaphore(%arg20 : memref<!tpu.dma_semaphore, #tpu.memory_space<semaphore_mem>>)
      %mul3A_228 = arith.constant 8 : i32
      %mul3A_229 = arith.muli %add3A_104, %mul3A_228 : i32
      %add3A_230 = arith.constant 4 : i32
      %add3A_231 = arith.addi %mul3A_229, %add3A_230 : i32
      %dma_wait3A_232 = arith.constant 4 : i32
      %dma_wait3A_233 = arith.constant 0 : i32
      %dma_wait3A_234 = tpu.memref_slice %arg8[%dma_wait3A_232, %dma_wait3A_233] : memref<8x128xi32, #tpu.memory_space<vmem>> -> memref<1x128xi32, #tpu.memory_space<vmem>>
      %dma_wait3A_235 = tpu.memref_squeeze %dma_wait3A_234 : memref<1x128xi32, #tpu.memory_space<vmem>> -> memref<128xi32, #tpu.memory_space<vmem>>
      %dma_wait3A_236 = arith.constant 0 : i32
      %dma_wait3A_237 = arith.constant 0 : i32
      %dma_wait3A_238 = tpu.memref_slice %arg6[%dma_wait3A_236, %dma_wait3A_237] : memref<10240x64xf32, #tpu.memory_space<vmem_shared>> -> memref<10240x64xf32, #tpu.memory_space<vmem_shared>>
      tpu.wait_indirect_dma semaphore(%arg18 : memref<!tpu.dma_semaphore, #tpu.memory_space<semaphore_mem>>) src(%dma_wait3A_238 : memref<10240x64xf32, #tpu.memory_space<vmem_shared>>) dst(%arg12 : memref<128x64xf32, #tpu.memory_space<vmem>>)
      %dma_start3A_239 = arith.constant 4 : i32
      %dma_start3A_240 = arith.constant 0 : i32
      %dma_start3A_241 = tpu.memref_slice %arg10[%dma_start3A_239, %dma_start3A_240] : memref<8x128xi32, #tpu.memory_space<vmem>> -> memref<1x128xi32, #tpu.memory_space<vmem>>
      %dma_start3A_242 = tpu.memref_squeeze %dma_start3A_241 : memref<1x128xi32, #tpu.memory_space<vmem>> -> memref<128xi32, #tpu.memory_space<vmem>>
      %dma_start3A_243 = arith.constant 0 : i32
      %dma_start3A_244 = arith.constant 0 : i32
      %dma_start3A_245 = tpu.memref_slice %arg7[%dma_start3A_243, %dma_start3A_244] : memref<10240x64xf32, #tpu.memory_space<vmem_shared>> -> memref<10240x64xf32, #tpu.memory_space<vmem_shared>>
      tpu.enqueue_indirect_dma source(%arg12 : memref<128x64xf32, #tpu.memory_space<vmem>>) target(%dma_start3A_245 : memref<10240x64xf32, #tpu.memory_space<vmem_shared>>) offsets(%dma_start3A_242 : memref<128xi32, #tpu.memory_space<vmem>>) semaphore(%arg22 : memref<!tpu.dma_semaphore, #tpu.memory_space<semaphore_mem>>) {add = true}
      %ge3A_246 = arith.constant 1 : i32
      %ge3A_247 = arith.cmpi sge, %add3A_231, %ge3A_246 : i32
      %convert_element_type3A_248 = arith.extui %ge3A_247 : i1 to i32
      %cond3A_249 = arith.constant 0 : i32
      %cond3A_250 = arith.cmpi ne, %convert_element_type3A_248, %cond3A_249 : i32
      scf.if %cond3A_250 {
        %dma_wait3A_567 = arith.constant 4 : i32
        %dma_wait3A_568 = arith.constant 0 : i32
        %dma_wait3A_569 = tpu.memref_slice %arg10[%dma_wait3A_567, %dma_wait3A_568] : memref<8x128xi32, #tpu.memory_space<vmem>> -> memref<1x128xi32, #tpu.memory_space<vmem>>
        %dma_wait3A_570 = tpu.memref_squeeze %dma_wait3A_569 : memref<1x128xi32, #tpu.memory_space<vmem>> -> memref<128xi32, #tpu.memory_space<vmem>>
        %dma_wait3A_571 = arith.constant 0 : i32
        %dma_wait3A_572 = arith.constant 0 : i32
        %dma_wait3A_573 = tpu.memref_slice %arg7[%dma_wait3A_571, %dma_wait3A_572] : memref<10240x64xf32, #tpu.memory_space<vmem_shared>> -> memref<10240x64xf32, #tpu.memory_space<vmem_shared>>
        tpu.wait_indirect_dma semaphore(%arg25 : memref<!tpu.dma_semaphore, #tpu.memory_space<semaphore_mem>>) src(%arg15 : memref<128x64xf32, #tpu.memory_space<vmem>>) dst(%dma_wait3A_573 : memref<10240x64xf32, #tpu.memory_space<vmem_shared>>)
      } else {
      }
      %dma_start3A_251 = arith.constant 7 : i32
      %dma_start3A_252 = arith.constant 0 : i32
      %dma_start3A_253 = tpu.memref_slice %arg8[%dma_start3A_251, %dma_start3A_252] : memref<8x128xi32, #tpu.memory_space<vmem>> -> memref<1x128xi32, #tpu.memory_space<vmem>>
      %dma_start3A_254 = tpu.memref_squeeze %dma_start3A_253 : memref<1x128xi32, #tpu.memory_space<vmem>> -> memref<128xi32, #tpu.memory_space<vmem>>
      %dma_start3A_255 = arith.constant 0 : i32
      %dma_start3A_256 = arith.constant 0 : i32
      %dma_start3A_257 = tpu.memref_slice %arg6[%dma_start3A_255, %dma_start3A_256] : memref<10240x64xf32, #tpu.memory_space<vmem_shared>> -> memref<10240x64xf32, #tpu.memory_space<vmem_shared>>
      tpu.enqueue_indirect_dma source(%dma_start3A_257 : memref<10240x64xf32, #tpu.memory_space<vmem_shared>>) target(%arg15 : memref<128x64xf32, #tpu.memory_space<vmem>>) offsets(%dma_start3A_254 : memref<128xi32, #tpu.memory_space<vmem>>) semaphore(%arg21 : memref<!tpu.dma_semaphore, #tpu.memory_space<semaphore_mem>>)
      %mul3A_258 = arith.constant 8 : i32
      %mul3A_259 = arith.muli %add3A_104, %mul3A_258 : i32
      %add3A_260 = arith.constant 5 : i32
      %add3A_261 = arith.addi %mul3A_259, %add3A_260 : i32
      %dma_wait3A_262 = arith.constant 5 : i32
      %dma_wait3A_263 = arith.constant 0 : i32
      %dma_wait3A_264 = tpu.memref_slice %arg8[%dma_wait3A_262, %dma_wait3A_263] : memref<8x128xi32, #tpu.memory_space<vmem>> -> memref<1x128xi32, #tpu.memory_space<vmem>>
      %dma_wait3A_265 = tpu.memref_squeeze %dma_wait3A_264 : memref<1x128xi32, #tpu.memory_space<vmem>> -> memref<128xi32, #tpu.memory_space<vmem>>
      %dma_wait3A_266 = arith.constant 0 : i32
      %dma_wait3A_267 = arith.constant 0 : i32
      %dma_wait3A_268 = tpu.memref_slice %arg6[%dma_wait3A_266, %dma_wait3A_267] : memref<10240x64xf32, #tpu.memory_space<vmem_shared>> -> memref<10240x64xf32, #tpu.memory_space<vmem_shared>>
      tpu.wait_indirect_dma semaphore(%arg19 : memref<!tpu.dma_semaphore, #tpu.memory_space<semaphore_mem>>) src(%dma_wait3A_268 : memref<10240x64xf32, #tpu.memory_space<vmem_shared>>) dst(%arg13 : memref<128x64xf32, #tpu.memory_space<vmem>>)
      %dma_start3A_269 = arith.constant 5 : i32
      %dma_start3A_270 = arith.constant 0 : i32
      %dma_start3A_271 = tpu.memref_slice %arg10[%dma_start3A_269, %dma_start3A_270] : memref<8x128xi32, #tpu.memory_space<vmem>> -> memref<1x128xi32, #tpu.memory_space<vmem>>
      %dma_start3A_272 = tpu.memref_squeeze %dma_start3A_271 : memref<1x128xi32, #tpu.memory_space<vmem>> -> memref<128xi32, #tpu.memory_space<vmem>>
      %dma_start3A_273 = arith.constant 0 : i32
      %dma_start3A_274 = arith.constant 0 : i32
      %dma_start3A_275 = tpu.memref_slice %arg7[%dma_start3A_273, %dma_start3A_274] : memref<10240x64xf32, #tpu.memory_space<vmem_shared>> -> memref<10240x64xf32, #tpu.memory_space<vmem_shared>>
      tpu.enqueue_indirect_dma source(%arg13 : memref<128x64xf32, #tpu.memory_space<vmem>>) target(%dma_start3A_275 : memref<10240x64xf32, #tpu.memory_space<vmem_shared>>) offsets(%dma_start3A_272 : memref<128xi32, #tpu.memory_space<vmem>>) semaphore(%arg23 : memref<!tpu.dma_semaphore, #tpu.memory_space<semaphore_mem>>) {add = true}
      %add3A_276 = arith.constant 1 : i32
      %add3A_277 = arith.addi %add3A_104, %add3A_276 : i32
      %lt3A_278 = arith.constant 20 : i32
      %lt3A_279 = arith.cmpi slt, %add3A_277, %lt3A_278 : i32
      %convert_element_type3A_280 = arith.extui %lt3A_279 : i1 to i32
      %cond3A_281 = arith.constant 0 : i32
      %cond3A_282 = arith.cmpi ne, %convert_element_type3A_280, %cond3A_281 : i32
      scf.if %cond3A_282 {
        %dma_wait3A_567 = arith.constant 0 : i32
        %dma_wait3A_568 = arith.constant 0 : i32
        %dma_wait3A_569 = tpu.memref_slice %arg3[%arg1, %dma_wait3A_567, %dma_wait3A_568] : memref<16x160x128xi32, #tpu.memory_space<hbm>> -> memref<1x8x128xi32, #tpu.memory_space<hbm>>
        %dma_wait3A_570 = tpu.memref_squeeze %dma_wait3A_569 : memref<1x8x128xi32, #tpu.memory_space<hbm>> -> memref<8x128xi32, #tpu.memory_space<hbm>>
        %dma_wait3A_571 = arith.constant 0 : i32
        %dma_wait3A_572 = arith.constant 0 : i32
        %dma_wait3A_573 = tpu.memref_slice %arg3[%arg1, %dma_wait3A_571, %dma_wait3A_572] : memref<16x160x128xi32, #tpu.memory_space<hbm>> -> memref<1x8x128xi32, #tpu.memory_space<hbm>>
        %dma_wait3A_574 = tpu.memref_squeeze %dma_wait3A_573 : memref<1x8x128xi32, #tpu.memory_space<hbm>> -> memref<8x128xi32, #tpu.memory_space<hbm>>
        tpu.wait_dma2 semaphore(%arg17 : memref<!tpu.dma_semaphore, #tpu.memory_space<semaphore_mem>>) src(%dma_wait3A_574 : memref<8x128xi32, #tpu.memory_space<hbm>>) dst(%arg9 : memref<8x128xi32, #tpu.memory_space<vmem>>)
        %dma_wait3A_575 = arith.constant 0 : i32
        %dma_wait3A_576 = arith.constant 0 : i32
        %dma_wait3A_577 = tpu.memref_slice %arg4[%arg1, %dma_wait3A_575, %dma_wait3A_576] : memref<16x160x128xi32, #tpu.memory_space<hbm>> -> memref<1x8x128xi32, #tpu.memory_space<hbm>>
        %dma_wait3A_578 = tpu.memref_squeeze %dma_wait3A_577 : memref<1x8x128xi32, #tpu.memory_space<hbm>> -> memref<8x128xi32, #tpu.memory_space<hbm>>
        %dma_wait3A_579 = arith.constant 0 : i32
        %dma_wait3A_580 = arith.constant 0 : i32
        %dma_wait3A_581 = tpu.memref_slice %arg4[%arg1, %dma_wait3A_579, %dma_wait3A_580] : memref<16x160x128xi32, #tpu.memory_space<hbm>> -> memref<1x8x128xi32, #tpu.memory_space<hbm>>
        %dma_wait3A_582 = tpu.memref_squeeze %dma_wait3A_581 : memref<1x8x128xi32, #tpu.memory_space<hbm>> -> memref<8x128xi32, #tpu.memory_space<hbm>>
        tpu.wait_dma2 semaphore(%arg17 : memref<!tpu.dma_semaphore, #tpu.memory_space<semaphore_mem>>) src(%dma_wait3A_582 : memref<8x128xi32, #tpu.memory_space<hbm>>) dst(%arg11 : memref<8x128xi32, #tpu.memory_space<vmem>>)
        %dma_wait3A_583 = arith.constant 5 : i32
        %dma_wait3A_584 = arith.constant 0 : i32
        %dma_wait3A_585 = tpu.memref_slice %arg10[%dma_wait3A_583, %dma_wait3A_584] : memref<8x128xi32, #tpu.memory_space<vmem>> -> memref<1x128xi32, #tpu.memory_space<vmem>>
        %dma_wait3A_586 = tpu.memref_squeeze %dma_wait3A_585 : memref<1x128xi32, #tpu.memory_space<vmem>> -> memref<128xi32, #tpu.memory_space<vmem>>
        %dma_wait3A_587 = arith.constant 0 : i32
        %dma_wait3A_588 = arith.constant 0 : i32
        %dma_wait3A_589 = tpu.memref_slice %arg7[%dma_wait3A_587, %dma_wait3A_588] : memref<10240x64xf32, #tpu.memory_space<vmem_shared>> -> memref<10240x64xf32, #tpu.memory_space<vmem_shared>>
        tpu.wait_indirect_dma semaphore(%arg22 : memref<!tpu.dma_semaphore, #tpu.memory_space<semaphore_mem>>) src(%arg12 : memref<128x64xf32, #tpu.memory_space<vmem>>) dst(%dma_wait3A_589 : memref<10240x64xf32, #tpu.memory_space<vmem_shared>>)
        %dma_start3A_590 = arith.constant 0 : i32
        %dma_start3A_591 = arith.constant 0 : i32
        %dma_start3A_592 = tpu.memref_slice %arg9[%dma_start3A_590, %dma_start3A_591] : memref<8x128xi32, #tpu.memory_space<vmem>> -> memref<1x128xi32, #tpu.memory_space<vmem>>
        %dma_start3A_593 = tpu.memref_squeeze %dma_start3A_592 : memref<1x128xi32, #tpu.memory_space<vmem>> -> memref<128xi32, #tpu.memory_space<vmem>>
        %dma_start3A_594 = arith.constant 0 : i32
        %dma_start3A_595 = arith.constant 0 : i32
        %dma_start3A_596 = tpu.memref_slice %arg6[%dma_start3A_594, %dma_start3A_595] : memref<10240x64xf32, #tpu.memory_space<vmem_shared>> -> memref<10240x64xf32, #tpu.memory_space<vmem_shared>>
        tpu.enqueue_indirect_dma source(%dma_start3A_596 : memref<10240x64xf32, #tpu.memory_space<vmem_shared>>) target(%arg12 : memref<128x64xf32, #tpu.memory_space<vmem>>) offsets(%dma_start3A_593 : memref<128xi32, #tpu.memory_space<vmem>>) semaphore(%arg18 : memref<!tpu.dma_semaphore, #tpu.memory_space<semaphore_mem>>)
      } else {
      }
      %mul3A_283 = arith.constant 8 : i32
      %mul3A_284 = arith.muli %add3A_104, %mul3A_283 : i32
      %add3A_285 = arith.constant 6 : i32
      %add3A_286 = arith.addi %mul3A_284, %add3A_285 : i32
      %dma_wait3A_287 = arith.constant 6 : i32
      %dma_wait3A_288 = arith.constant 0 : i32
      %dma_wait3A_289 = tpu.memref_slice %arg8[%dma_wait3A_287, %dma_wait3A_288] : memref<8x128xi32, #tpu.memory_space<vmem>> -> memref<1x128xi32, #tpu.memory_space<vmem>>
      %dma_wait3A_290 = tpu.memref_squeeze %dma_wait3A_289 : memref<1x128xi32, #tpu.memory_space<vmem>> -> memref<128xi32, #tpu.memory_space<vmem>>
      %dma_wait3A_291 = arith.constant 0 : i32
      %dma_wait3A_292 = arith.constant 0 : i32
      %dma_wait3A_293 = tpu.memref_slice %arg6[%dma_wait3A_291, %dma_wait3A_292] : memref<10240x64xf32, #tpu.memory_space<vmem_shared>> -> memref<10240x64xf32, #tpu.memory_space<vmem_shared>>
      tpu.wait_indirect_dma semaphore(%arg20 : memref<!tpu.dma_semaphore, #tpu.memory_space<semaphore_mem>>) src(%dma_wait3A_293 : memref<10240x64xf32, #tpu.memory_space<vmem_shared>>) dst(%arg14 : memref<128x64xf32, #tpu.memory_space<vmem>>)
      %dma_start3A_294 = arith.constant 6 : i32
      %dma_start3A_295 = arith.constant 0 : i32
      %dma_start3A_296 = tpu.memref_slice %arg10[%dma_start3A_294, %dma_start3A_295] : memref<8x128xi32, #tpu.memory_space<vmem>> -> memref<1x128xi32, #tpu.memory_space<vmem>>
      %dma_start3A_297 = tpu.memref_squeeze %dma_start3A_296 : memref<1x128xi32, #tpu.memory_space<vmem>> -> memref<128xi32, #tpu.memory_space<vmem>>
      %dma_start3A_298 = arith.constant 0 : i32
      %dma_start3A_299 = arith.constant 0 : i32
      %dma_start3A_300 = tpu.memref_slice %arg7[%dma_start3A_298, %dma_start3A_299] : memref<10240x64xf32, #tpu.memory_space<vmem_shared>> -> memref<10240x64xf32, #tpu.memory_space<vmem_shared>>
      tpu.enqueue_indirect_dma source(%arg14 : memref<128x64xf32, #tpu.memory_space<vmem>>) target(%dma_start3A_300 : memref<10240x64xf32, #tpu.memory_space<vmem_shared>>) offsets(%dma_start3A_297 : memref<128xi32, #tpu.memory_space<vmem>>) semaphore(%arg24 : memref<!tpu.dma_semaphore, #tpu.memory_space<semaphore_mem>>) {add = true}
      %add3A_301 = arith.constant 1 : i32
      %add3A_302 = arith.addi %add3A_104, %add3A_301 : i32
      %lt3A_303 = arith.constant 20 : i32
      %lt3A_304 = arith.cmpi slt, %add3A_302, %lt3A_303 : i32
      %convert_element_type3A_305 = arith.extui %lt3A_304 : i1 to i32
      %cond3A_306 = arith.constant 0 : i32
      %cond3A_307 = arith.cmpi ne, %convert_element_type3A_305, %cond3A_306 : i32
      scf.if %cond3A_307 {
        %dma_wait3A_567 = arith.constant 6 : i32
        %dma_wait3A_568 = arith.constant 0 : i32
        %dma_wait3A_569 = tpu.memref_slice %arg10[%dma_wait3A_567, %dma_wait3A_568] : memref<8x128xi32, #tpu.memory_space<vmem>> -> memref<1x128xi32, #tpu.memory_space<vmem>>
        %dma_wait3A_570 = tpu.memref_squeeze %dma_wait3A_569 : memref<1x128xi32, #tpu.memory_space<vmem>> -> memref<128xi32, #tpu.memory_space<vmem>>
        %dma_wait3A_571 = arith.constant 0 : i32
        %dma_wait3A_572 = arith.constant 0 : i32
        %dma_wait3A_573 = tpu.memref_slice %arg7[%dma_wait3A_571, %dma_wait3A_572] : memref<10240x64xf32, #tpu.memory_space<vmem_shared>> -> memref<10240x64xf32, #tpu.memory_space<vmem_shared>>
        tpu.wait_indirect_dma semaphore(%arg23 : memref<!tpu.dma_semaphore, #tpu.memory_space<semaphore_mem>>) src(%arg13 : memref<128x64xf32, #tpu.memory_space<vmem>>) dst(%dma_wait3A_573 : memref<10240x64xf32, #tpu.memory_space<vmem_shared>>)
        %dma_start3A_574 = arith.constant 1 : i32
        %dma_start3A_575 = arith.constant 0 : i32
        %dma_start3A_576 = tpu.memref_slice %arg9[%dma_start3A_574, %dma_start3A_575] : memref<8x128xi32, #tpu.memory_space<vmem>> -> memref<1x128xi32, #tpu.memory_space<vmem>>
        %dma_start3A_577 = tpu.memref_squeeze %dma_start3A_576 : memref<1x128xi32, #tpu.memory_space<vmem>> -> memref<128xi32, #tpu.memory_space<vmem>>
        %dma_start3A_578 = arith.constant 0 : i32
        %dma_start3A_579 = arith.constant 0 : i32
        %dma_start3A_580 = tpu.memref_slice %arg6[%dma_start3A_578, %dma_start3A_579] : memref<10240x64xf32, #tpu.memory_space<vmem_shared>> -> memref<10240x64xf32, #tpu.memory_space<vmem_shared>>
        tpu.enqueue_indirect_dma source(%dma_start3A_580 : memref<10240x64xf32, #tpu.memory_space<vmem_shared>>) target(%arg13 : memref<128x64xf32, #tpu.memory_space<vmem>>) offsets(%dma_start3A_577 : memref<128xi32, #tpu.memory_space<vmem>>) semaphore(%arg19 : memref<!tpu.dma_semaphore, #tpu.memory_space<semaphore_mem>>)
      } else {
      }
      %mul3A_308 = arith.constant 8 : i32
      %mul3A_309 = arith.muli %add3A_104, %mul3A_308 : i32
      %add3A_310 = arith.constant 7 : i32
      %add3A_311 = arith.addi %mul3A_309, %add3A_310 : i32
      %dma_wait3A_312 = arith.constant 7 : i32
      %dma_wait3A_313 = arith.constant 0 : i32
      %dma_wait3A_314 = tpu.memref_slice %arg8[%dma_wait3A_312, %dma_wait3A_313] : memref<8x128xi32, #tpu.memory_space<vmem>> -> memref<1x128xi32, #tpu.memory_space<vmem>>
      %dma_wait3A_315 = tpu.memref_squeeze %dma_wait3A_314 : memref<1x128xi32, #tpu.memory_space<vmem>> -> memref<128xi32, #tpu.memory_space<vmem>>
      %dma_wait3A_316 = arith.constant 0 : i32
      %dma_wait3A_317 = arith.constant 0 : i32
      %dma_wait3A_318 = tpu.memref_slice %arg6[%dma_wait3A_316, %dma_wait3A_317] : memref<10240x64xf32, #tpu.memory_space<vmem_shared>> -> memref<10240x64xf32, #tpu.memory_space<vmem_shared>>
      tpu.wait_indirect_dma semaphore(%arg21 : memref<!tpu.dma_semaphore, #tpu.memory_space<semaphore_mem>>) src(%dma_wait3A_318 : memref<10240x64xf32, #tpu.memory_space<vmem_shared>>) dst(%arg15 : memref<128x64xf32, #tpu.memory_space<vmem>>)
      %dma_start3A_319 = arith.constant 7 : i32
      %dma_start3A_320 = arith.constant 0 : i32
      %dma_start3A_321 = tpu.memref_slice %arg10[%dma_start3A_319, %dma_start3A_320] : memref<8x128xi32, #tpu.memory_space<vmem>> -> memref<1x128xi32, #tpu.memory_space<vmem>>
      %dma_start3A_322 = tpu.memref_squeeze %dma_start3A_321 : memref<1x128xi32, #tpu.memory_space<vmem>> -> memref<128xi32, #tpu.memory_space<vmem>>
      %dma_start3A_323 = arith.constant 0 : i32
      %dma_start3A_324 = arith.constant 0 : i32
      %dma_start3A_325 = tpu.memref_slice %arg7[%dma_start3A_323, %dma_start3A_324] : memref<10240x64xf32, #tpu.memory_space<vmem_shared>> -> memref<10240x64xf32, #tpu.memory_space<vmem_shared>>
      tpu.enqueue_indirect_dma source(%arg15 : memref<128x64xf32, #tpu.memory_space<vmem>>) target(%dma_start3A_325 : memref<10240x64xf32, #tpu.memory_space<vmem_shared>>) offsets(%dma_start3A_322 : memref<128xi32, #tpu.memory_space<vmem>>) semaphore(%arg25 : memref<!tpu.dma_semaphore, #tpu.memory_space<semaphore_mem>>) {add = true}
      %add3A_326 = arith.constant 1 : i32
      %add3A_327 = arith.addi %add3A_104, %add3A_326 : i32
      %lt3A_328 = arith.constant 20 : i32
      %lt3A_329 = arith.cmpi slt, %add3A_327, %lt3A_328 : i32
      %convert_element_type3A_330 = arith.extui %lt3A_329 : i1 to i32
      %cond3A_331 = arith.constant 0 : i32
      %cond3A_332 = arith.cmpi ne, %convert_element_type3A_330, %cond3A_331 : i32
      scf.if %cond3A_332 {
        %dma_wait3A_567 = arith.constant 7 : i32
        %dma_wait3A_568 = arith.constant 0 : i32
        %dma_wait3A_569 = tpu.memref_slice %arg10[%dma_wait3A_567, %dma_wait3A_568] : memref<8x128xi32, #tpu.memory_space<vmem>> -> memref<1x128xi32, #tpu.memory_space<vmem>>
        %dma_wait3A_570 = tpu.memref_squeeze %dma_wait3A_569 : memref<1x128xi32, #tpu.memory_space<vmem>> -> memref<128xi32, #tpu.memory_space<vmem>>
        %dma_wait3A_571 = arith.constant 0 : i32
        %dma_wait3A_572 = arith.constant 0 : i32
        %dma_wait3A_573 = tpu.memref_slice %arg7[%dma_wait3A_571, %dma_wait3A_572] : memref<10240x64xf32, #tpu.memory_space<vmem_shared>> -> memref<10240x64xf32, #tpu.memory_space<vmem_shared>>
        tpu.wait_indirect_dma semaphore(%arg24 : memref<!tpu.dma_semaphore, #tpu.memory_space<semaphore_mem>>) src(%arg14 : memref<128x64xf32, #tpu.memory_space<vmem>>) dst(%dma_wait3A_573 : memref<10240x64xf32, #tpu.memory_space<vmem_shared>>)
        %dma_start3A_574 = arith.constant 2 : i32
        %dma_start3A_575 = arith.constant 0 : i32
        %dma_start3A_576 = tpu.memref_slice %arg9[%dma_start3A_574, %dma_start3A_575] : memref<8x128xi32, #tpu.memory_space<vmem>> -> memref<1x128xi32, #tpu.memory_space<vmem>>
        %dma_start3A_577 = tpu.memref_squeeze %dma_start3A_576 : memref<1x128xi32, #tpu.memory_space<vmem>> -> memref<128xi32, #tpu.memory_space<vmem>>
        %dma_start3A_578 = arith.constant 0 : i32
        %dma_start3A_579 = arith.constant 0 : i32
        %dma_start3A_580 = tpu.memref_slice %arg6[%dma_start3A_578, %dma_start3A_579] : memref<10240x64xf32, #tpu.memory_space<vmem_shared>> -> memref<10240x64xf32, #tpu.memory_space<vmem_shared>>
        tpu.enqueue_indirect_dma source(%dma_start3A_580 : memref<10240x64xf32, #tpu.memory_space<vmem_shared>>) target(%arg14 : memref<128x64xf32, #tpu.memory_space<vmem>>) offsets(%dma_start3A_577 : memref<128xi32, #tpu.memory_space<vmem>>) semaphore(%arg20 : memref<!tpu.dma_semaphore, #tpu.memory_space<semaphore_mem>>)
      } else {
      }
      %add3A_333 = arith.constant 1 : i32
      %add3A_334 = arith.addi %add3A_104, %add3A_333 : i32
      %add3A_335 = arith.constant 1 : i32
      %add3A_336 = arith.addi %add3A_334, %add3A_335 : i32
      %lt3A_337 = arith.constant 20 : i32
      %lt3A_338 = arith.cmpi slt, %add3A_336, %lt3A_337 : i32
      %convert_element_type3A_339 = arith.extui %lt3A_338 : i1 to i32
      %cond3A_340 = arith.constant 0 : i32
      %cond3A_341 = arith.cmpi ne, %convert_element_type3A_339, %cond3A_340 : i32
      scf.if %cond3A_341 {
        %add3A_567 = arith.constant 1 : i32
        %add3A_568 = arith.addi %add3A_334, %add3A_567 : i32
        %mul3A_569 = arith.constant 8 : i32
        %mul3A_570 = arith.muli %add3A_568, %mul3A_569 : i32
        %dma_start3A_571 = arith.constant 0 : i32
        %dma_start3A_572 = tpu.memref_slice %arg3[%arg1, %mul3A_570, %dma_start3A_571] : memref<16x160x128xi32, #tpu.memory_space<hbm>> -> memref<1x8x128xi32, #tpu.memory_space<hbm>>
        %dma_start3A_573 = tpu.memref_squeeze %dma_start3A_572 : memref<1x8x128xi32, #tpu.memory_space<hbm>> -> memref<8x128xi32, #tpu.memory_space<hbm>>
        %dma_start3A_574 = arith.constant 0 : i32
        %dma_start3A_575 = tpu.memref_slice %arg3[%arg1, %mul3A_570, %dma_start3A_574] : memref<16x160x128xi32, #tpu.memory_space<hbm>> -> memref<1x8x128xi32, #tpu.memory_space<hbm>>
        %dma_start3A_576 = tpu.memref_squeeze %dma_start3A_575 : memref<1x8x128xi32, #tpu.memory_space<hbm>> -> memref<8x128xi32, #tpu.memory_space<hbm>>
        tpu.enqueue_dma source(%dma_start3A_576 : memref<8x128xi32, #tpu.memory_space<hbm>>) target(%arg8 : memref<8x128xi32, #tpu.memory_space<vmem>>) target_semaphore(%arg16 : memref<!tpu.dma_semaphore, #tpu.memory_space<semaphore_mem>>)
        %add3A_577 = arith.constant 1 : i32
        %add3A_578 = arith.addi %add3A_334, %add3A_577 : i32
        %mul3A_579 = arith.constant 8 : i32
        %mul3A_580 = arith.muli %add3A_578, %mul3A_579 : i32
        %dma_start3A_581 = arith.constant 0 : i32
        %dma_start3A_582 = tpu.memref_slice %arg4[%arg1, %mul3A_580, %dma_start3A_581] : memref<16x160x128xi32, #tpu.memory_space<hbm>> -> memref<1x8x128xi32, #tpu.memory_space<hbm>>
        %dma_start3A_583 = tpu.memref_squeeze %dma_start3A_582 : memref<1x8x128xi32, #tpu.memory_space<hbm>> -> memref<8x128xi32, #tpu.memory_space<hbm>>
        %dma_start3A_584 = arith.constant 0 : i32
        %dma_start3A_585 = tpu.memref_slice %arg4[%arg1, %mul3A_580, %dma_start3A_584] : memref<16x160x128xi32, #tpu.memory_space<hbm>> -> memref<1x8x128xi32, #tpu.memory_space<hbm>>
        %dma_start3A_586 = tpu.memref_squeeze %dma_start3A_585 : memref<1x8x128xi32, #tpu.memory_space<hbm>> -> memref<8x128xi32, #tpu.memory_space<hbm>>
        tpu.enqueue_dma source(%dma_start3A_586 : memref<8x128xi32, #tpu.memory_space<hbm>>) target(%arg10 : memref<8x128xi32, #tpu.memory_space<vmem>>) target_semaphore(%arg16 : memref<!tpu.dma_semaphore, #tpu.memory_space<semaphore_mem>>)
      } else {
      }
      %mul3A_342 = arith.constant 8 : i32
      %mul3A_343 = arith.muli %add3A_334, %mul3A_342 : i32
      %add3A_344 = arith.constant 0 : i32
      %add3A_345 = arith.addi %mul3A_343, %add3A_344 : i32
      %dma_wait3A_346 = arith.constant 0 : i32
      %dma_wait3A_347 = arith.constant 0 : i32
      %dma_wait3A_348 = tpu.memref_slice %arg9[%dma_wait3A_346, %dma_wait3A_347] : memref<8x128xi32, #tpu.memory_space<vmem>> -> memref<1x128xi32, #tpu.memory_space<vmem>>
      %dma_wait3A_349 = tpu.memref_squeeze %dma_wait3A_348 : memref<1x128xi32, #tpu.memory_space<vmem>> -> memref<128xi32, #tpu.memory_space<vmem>>
      %dma_wait3A_350 = arith.constant 0 : i32
      %dma_wait3A_351 = arith.constant 0 : i32
      %dma_wait3A_352 = tpu.memref_slice %arg6[%dma_wait3A_350, %dma_wait3A_351] : memref<10240x64xf32, #tpu.memory_space<vmem_shared>> -> memref<10240x64xf32, #tpu.memory_space<vmem_shared>>
      tpu.wait_indirect_dma semaphore(%arg18 : memref<!tpu.dma_semaphore, #tpu.memory_space<semaphore_mem>>) src(%dma_wait3A_352 : memref<10240x64xf32, #tpu.memory_space<vmem_shared>>) dst(%arg12 : memref<128x64xf32, #tpu.memory_space<vmem>>)
      %dma_start3A_353 = arith.constant 0 : i32
      %dma_start3A_354 = arith.constant 0 : i32
      %dma_start3A_355 = tpu.memref_slice %arg11[%dma_start3A_353, %dma_start3A_354] : memref<8x128xi32, #tpu.memory_space<vmem>> -> memref<1x128xi32, #tpu.memory_space<vmem>>
      %dma_start3A_356 = tpu.memref_squeeze %dma_start3A_355 : memref<1x128xi32, #tpu.memory_space<vmem>> -> memref<128xi32, #tpu.memory_space<vmem>>
      %dma_start3A_357 = arith.constant 0 : i32
      %dma_start3A_358 = arith.constant 0 : i32
      %dma_start3A_359 = tpu.memref_slice %arg7[%dma_start3A_357, %dma_start3A_358] : memref<10240x64xf32, #tpu.memory_space<vmem_shared>> -> memref<10240x64xf32, #tpu.memory_space<vmem_shared>>
      tpu.enqueue_indirect_dma source(%arg12 : memref<128x64xf32, #tpu.memory_space<vmem>>) target(%dma_start3A_359 : memref<10240x64xf32, #tpu.memory_space<vmem_shared>>) offsets(%dma_start3A_356 : memref<128xi32, #tpu.memory_space<vmem>>) semaphore(%arg22 : memref<!tpu.dma_semaphore, #tpu.memory_space<semaphore_mem>>) {add = true}
      %ge3A_360 = arith.constant 1 : i32
      %ge3A_361 = arith.cmpi sge, %add3A_345, %ge3A_360 : i32
      %convert_element_type3A_362 = arith.extui %ge3A_361 : i1 to i32
      %cond3A_363 = arith.constant 0 : i32
      %cond3A_364 = arith.cmpi ne, %convert_element_type3A_362, %cond3A_363 : i32
      scf.if %cond3A_364 {
        %dma_wait3A_567 = arith.constant 0 : i32
        %dma_wait3A_568 = arith.constant 0 : i32
        %dma_wait3A_569 = tpu.memref_slice %arg11[%dma_wait3A_567, %dma_wait3A_568] : memref<8x128xi32, #tpu.memory_space<vmem>> -> memref<1x128xi32, #tpu.memory_space<vmem>>
        %dma_wait3A_570 = tpu.memref_squeeze %dma_wait3A_569 : memref<1x128xi32, #tpu.memory_space<vmem>> -> memref<128xi32, #tpu.memory_space<vmem>>
        %dma_wait3A_571 = arith.constant 0 : i32
        %dma_wait3A_572 = arith.constant 0 : i32
        %dma_wait3A_573 = tpu.memref_slice %arg7[%dma_wait3A_571, %dma_wait3A_572] : memref<10240x64xf32, #tpu.memory_space<vmem_shared>> -> memref<10240x64xf32, #tpu.memory_space<vmem_shared>>
        tpu.wait_indirect_dma semaphore(%arg25 : memref<!tpu.dma_semaphore, #tpu.memory_space<semaphore_mem>>) src(%arg15 : memref<128x64xf32, #tpu.memory_space<vmem>>) dst(%dma_wait3A_573 : memref<10240x64xf32, #tpu.memory_space<vmem_shared>>)
      } else {
      }
      %dma_start3A_365 = arith.constant 3 : i32
      %dma_start3A_366 = arith.constant 0 : i32
      %dma_start3A_367 = tpu.memref_slice %arg9[%dma_start3A_365, %dma_start3A_366] : memref<8x128xi32, #tpu.memory_space<vmem>> -> memref<1x128xi32, #tpu.memory_space<vmem>>
      %dma_start3A_368 = tpu.memref_squeeze %dma_start3A_367 : memref<1x128xi32, #tpu.memory_space<vmem>> -> memref<128xi32, #tpu.memory_space<vmem>>
      %dma_start3A_369 = arith.constant 0 : i32
      %dma_start3A_370 = arith.constant 0 : i32
      %dma_start3A_371 = tpu.memref_slice %arg6[%dma_start3A_369, %dma_start3A_370] : memref<10240x64xf32, #tpu.memory_space<vmem_shared>> -> memref<10240x64xf32, #tpu.memory_space<vmem_shared>>
      tpu.enqueue_indirect_dma source(%dma_start3A_371 : memref<10240x64xf32, #tpu.memory_space<vmem_shared>>) target(%arg15 : memref<128x64xf32, #tpu.memory_space<vmem>>) offsets(%dma_start3A_368 : memref<128xi32, #tpu.memory_space<vmem>>) semaphore(%arg21 : memref<!tpu.dma_semaphore, #tpu.memory_space<semaphore_mem>>)
      %mul3A_372 = arith.constant 8 : i32
      %mul3A_373 = arith.muli %add3A_334, %mul3A_372 : i32
      %add3A_374 = arith.constant 1 : i32
      %add3A_375 = arith.addi %mul3A_373, %add3A_374 : i32
      %dma_wait3A_376 = arith.constant 1 : i32
      %dma_wait3A_377 = arith.constant 0 : i32
      %dma_wait3A_378 = tpu.memref_slice %arg9[%dma_wait3A_376, %dma_wait3A_377] : memref<8x128xi32, #tpu.memory_space<vmem>> -> memref<1x128xi32, #tpu.memory_space<vmem>>
      %dma_wait3A_379 = tpu.memref_squeeze %dma_wait3A_378 : memref<1x128xi32, #tpu.memory_space<vmem>> -> memref<128xi32, #tpu.memory_space<vmem>>
      %dma_wait3A_380 = arith.constant 0 : i32
      %dma_wait3A_381 = arith.constant 0 : i32
      %dma_wait3A_382 = tpu.memref_slice %arg6[%dma_wait3A_380, %dma_wait3A_381] : memref<10240x64xf32, #tpu.memory_space<vmem_shared>> -> memref<10240x64xf32, #tpu.memory_space<vmem_shared>>
      tpu.wait_indirect_dma semaphore(%arg19 : memref<!tpu.dma_semaphore, #tpu.memory_space<semaphore_mem>>) src(%dma_wait3A_382 : memref<10240x64xf32, #tpu.memory_space<vmem_shared>>) dst(%arg13 : memref<128x64xf32, #tpu.memory_space<vmem>>)
      %dma_start3A_383 = arith.constant 1 : i32
      %dma_start3A_384 = arith.constant 0 : i32
      %dma_start3A_385 = tpu.memref_slice %arg11[%dma_start3A_383, %dma_start3A_384] : memref<8x128xi32, #tpu.memory_space<vmem>> -> memref<1x128xi32, #tpu.memory_space<vmem>>
      %dma_start3A_386 = tpu.memref_squeeze %dma_start3A_385 : memref<1x128xi32, #tpu.memory_space<vmem>> -> memref<128xi32, #tpu.memory_space<vmem>>
      %dma_start3A_387 = arith.constant 0 : i32
      %dma_start3A_388 = arith.constant 0 : i32
      %dma_start3A_389 = tpu.memref_slice %arg7[%dma_start3A_387, %dma_start3A_388] : memref<10240x64xf32, #tpu.memory_space<vmem_shared>> -> memref<10240x64xf32, #tpu.memory_space<vmem_shared>>
      tpu.enqueue_indirect_dma source(%arg13 : memref<128x64xf32, #tpu.memory_space<vmem>>) target(%dma_start3A_389 : memref<10240x64xf32, #tpu.memory_space<vmem_shared>>) offsets(%dma_start3A_386 : memref<128xi32, #tpu.memory_space<vmem>>) semaphore(%arg23 : memref<!tpu.dma_semaphore, #tpu.memory_space<semaphore_mem>>) {add = true}
      %ge3A_390 = arith.constant 1 : i32
      %ge3A_391 = arith.cmpi sge, %add3A_375, %ge3A_390 : i32
      %convert_element_type3A_392 = arith.extui %ge3A_391 : i1 to i32
      %cond3A_393 = arith.constant 0 : i32
      %cond3A_394 = arith.cmpi ne, %convert_element_type3A_392, %cond3A_393 : i32
      scf.if %cond3A_394 {
        %dma_wait3A_567 = arith.constant 1 : i32
        %dma_wait3A_568 = arith.constant 0 : i32
        %dma_wait3A_569 = tpu.memref_slice %arg11[%dma_wait3A_567, %dma_wait3A_568] : memref<8x128xi32, #tpu.memory_space<vmem>> -> memref<1x128xi32, #tpu.memory_space<vmem>>
        %dma_wait3A_570 = tpu.memref_squeeze %dma_wait3A_569 : memref<1x128xi32, #tpu.memory_space<vmem>> -> memref<128xi32, #tpu.memory_space<vmem>>
        %dma_wait3A_571 = arith.constant 0 : i32
        %dma_wait3A_572 = arith.constant 0 : i32
        %dma_wait3A_573 = tpu.memref_slice %arg7[%dma_wait3A_571, %dma_wait3A_572] : memref<10240x64xf32, #tpu.memory_space<vmem_shared>> -> memref<10240x64xf32, #tpu.memory_space<vmem_shared>>
        tpu.wait_indirect_dma semaphore(%arg22 : memref<!tpu.dma_semaphore, #tpu.memory_space<semaphore_mem>>) src(%arg12 : memref<128x64xf32, #tpu.memory_space<vmem>>) dst(%dma_wait3A_573 : memref<10240x64xf32, #tpu.memory_space<vmem_shared>>)
      } else {
      }
      %dma_start3A_395 = arith.constant 4 : i32
      %dma_start3A_396 = arith.constant 0 : i32
      %dma_start3A_397 = tpu.memref_slice %arg9[%dma_start3A_395, %dma_start3A_396] : memref<8x128xi32, #tpu.memory_space<vmem>> -> memref<1x128xi32, #tpu.memory_space<vmem>>
      %dma_start3A_398 = tpu.memref_squeeze %dma_start3A_397 : memref<1x128xi32, #tpu.memory_space<vmem>> -> memref<128xi32, #tpu.memory_space<vmem>>
      %dma_start3A_399 = arith.constant 0 : i32
      %dma_start3A_400 = arith.constant 0 : i32
      %dma_start3A_401 = tpu.memref_slice %arg6[%dma_start3A_399, %dma_start3A_400] : memref<10240x64xf32, #tpu.memory_space<vmem_shared>> -> memref<10240x64xf32, #tpu.memory_space<vmem_shared>>
      tpu.enqueue_indirect_dma source(%dma_start3A_401 : memref<10240x64xf32, #tpu.memory_space<vmem_shared>>) target(%arg12 : memref<128x64xf32, #tpu.memory_space<vmem>>) offsets(%dma_start3A_398 : memref<128xi32, #tpu.memory_space<vmem>>) semaphore(%arg18 : memref<!tpu.dma_semaphore, #tpu.memory_space<semaphore_mem>>)
      %mul3A_402 = arith.constant 8 : i32
      %mul3A_403 = arith.muli %add3A_334, %mul3A_402 : i32
      %add3A_404 = arith.constant 2 : i32
      %add3A_405 = arith.addi %mul3A_403, %add3A_404 : i32
      %dma_wait3A_406 = arith.constant 2 : i32
      %dma_wait3A_407 = arith.constant 0 : i32
      %dma_wait3A_408 = tpu.memref_slice %arg9[%dma_wait3A_406, %dma_wait3A_407] : memref<8x128xi32, #tpu.memory_space<vmem>> -> memref<1x128xi32, #tpu.memory_space<vmem>>
      %dma_wait3A_409 = tpu.memref_squeeze %dma_wait3A_408 : memref<1x128xi32, #tpu.memory_space<vmem>> -> memref<128xi32, #tpu.memory_space<vmem>>
      %dma_wait3A_410 = arith.constant 0 : i32
      %dma_wait3A_411 = arith.constant 0 : i32
      %dma_wait3A_412 = tpu.memref_slice %arg6[%dma_wait3A_410, %dma_wait3A_411] : memref<10240x64xf32, #tpu.memory_space<vmem_shared>> -> memref<10240x64xf32, #tpu.memory_space<vmem_shared>>
      tpu.wait_indirect_dma semaphore(%arg20 : memref<!tpu.dma_semaphore, #tpu.memory_space<semaphore_mem>>) src(%dma_wait3A_412 : memref<10240x64xf32, #tpu.memory_space<vmem_shared>>) dst(%arg14 : memref<128x64xf32, #tpu.memory_space<vmem>>)
      %dma_start3A_413 = arith.constant 2 : i32
      %dma_start3A_414 = arith.constant 0 : i32
      %dma_start3A_415 = tpu.memref_slice %arg11[%dma_start3A_413, %dma_start3A_414] : memref<8x128xi32, #tpu.memory_space<vmem>> -> memref<1x128xi32, #tpu.memory_space<vmem>>
      %dma_start3A_416 = tpu.memref_squeeze %dma_start3A_415 : memref<1x128xi32, #tpu.memory_space<vmem>> -> memref<128xi32, #tpu.memory_space<vmem>>
      %dma_start3A_417 = arith.constant 0 : i32
      %dma_start3A_418 = arith.constant 0 : i32
      %dma_start3A_419 = tpu.memref_slice %arg7[%dma_start3A_417, %dma_start3A_418] : memref<10240x64xf32, #tpu.memory_space<vmem_shared>> -> memref<10240x64xf32, #tpu.memory_space<vmem_shared>>
      tpu.enqueue_indirect_dma source(%arg14 : memref<128x64xf32, #tpu.memory_space<vmem>>) target(%dma_start3A_419 : memref<10240x64xf32, #tpu.memory_space<vmem_shared>>) offsets(%dma_start3A_416 : memref<128xi32, #tpu.memory_space<vmem>>) semaphore(%arg24 : memref<!tpu.dma_semaphore, #tpu.memory_space<semaphore_mem>>) {add = true}
      %ge3A_420 = arith.constant 1 : i32
      %ge3A_421 = arith.cmpi sge, %add3A_405, %ge3A_420 : i32
      %convert_element_type3A_422 = arith.extui %ge3A_421 : i1 to i32
      %cond3A_423 = arith.constant 0 : i32
      %cond3A_424 = arith.cmpi ne, %convert_element_type3A_422, %cond3A_423 : i32
      scf.if %cond3A_424 {
        %dma_wait3A_567 = arith.constant 2 : i32
        %dma_wait3A_568 = arith.constant 0 : i32
        %dma_wait3A_569 = tpu.memref_slice %arg11[%dma_wait3A_567, %dma_wait3A_568] : memref<8x128xi32, #tpu.memory_space<vmem>> -> memref<1x128xi32, #tpu.memory_space<vmem>>
        %dma_wait3A_570 = tpu.memref_squeeze %dma_wait3A_569 : memref<1x128xi32, #tpu.memory_space<vmem>> -> memref<128xi32, #tpu.memory_space<vmem>>
        %dma_wait3A_571 = arith.constant 0 : i32
        %dma_wait3A_572 = arith.constant 0 : i32
        %dma_wait3A_573 = tpu.memref_slice %arg7[%dma_wait3A_571, %dma_wait3A_572] : memref<10240x64xf32, #tpu.memory_space<vmem_shared>> -> memref<10240x64xf32, #tpu.memory_space<vmem_shared>>
        tpu.wait_indirect_dma semaphore(%arg23 : memref<!tpu.dma_semaphore, #tpu.memory_space<semaphore_mem>>) src(%arg13 : memref<128x64xf32, #tpu.memory_space<vmem>>) dst(%dma_wait3A_573 : memref<10240x64xf32, #tpu.memory_space<vmem_shared>>)
      } else {
      }
      %dma_start3A_425 = arith.constant 5 : i32
      %dma_start3A_426 = arith.constant 0 : i32
      %dma_start3A_427 = tpu.memref_slice %arg9[%dma_start3A_425, %dma_start3A_426] : memref<8x128xi32, #tpu.memory_space<vmem>> -> memref<1x128xi32, #tpu.memory_space<vmem>>
      %dma_start3A_428 = tpu.memref_squeeze %dma_start3A_427 : memref<1x128xi32, #tpu.memory_space<vmem>> -> memref<128xi32, #tpu.memory_space<vmem>>
      %dma_start3A_429 = arith.constant 0 : i32
      %dma_start3A_430 = arith.constant 0 : i32
      %dma_start3A_431 = tpu.memref_slice %arg6[%dma_start3A_429, %dma_start3A_430] : memref<10240x64xf32, #tpu.memory_space<vmem_shared>> -> memref<10240x64xf32, #tpu.memory_space<vmem_shared>>
      tpu.enqueue_indirect_dma source(%dma_start3A_431 : memref<10240x64xf32, #tpu.memory_space<vmem_shared>>) target(%arg13 : memref<128x64xf32, #tpu.memory_space<vmem>>) offsets(%dma_start3A_428 : memref<128xi32, #tpu.memory_space<vmem>>) semaphore(%arg19 : memref<!tpu.dma_semaphore, #tpu.memory_space<semaphore_mem>>)
      %mul3A_432 = arith.constant 8 : i32
      %mul3A_433 = arith.muli %add3A_334, %mul3A_432 : i32
      %add3A_434 = arith.constant 3 : i32
      %add3A_435 = arith.addi %mul3A_433, %add3A_434 : i32
      %dma_wait3A_436 = arith.constant 3 : i32
      %dma_wait3A_437 = arith.constant 0 : i32
      %dma_wait3A_438 = tpu.memref_slice %arg9[%dma_wait3A_436, %dma_wait3A_437] : memref<8x128xi32, #tpu.memory_space<vmem>> -> memref<1x128xi32, #tpu.memory_space<vmem>>
      %dma_wait3A_439 = tpu.memref_squeeze %dma_wait3A_438 : memref<1x128xi32, #tpu.memory_space<vmem>> -> memref<128xi32, #tpu.memory_space<vmem>>
      %dma_wait3A_440 = arith.constant 0 : i32
      %dma_wait3A_441 = arith.constant 0 : i32
      %dma_wait3A_442 = tpu.memref_slice %arg6[%dma_wait3A_440, %dma_wait3A_441] : memref<10240x64xf32, #tpu.memory_space<vmem_shared>> -> memref<10240x64xf32, #tpu.memory_space<vmem_shared>>
      tpu.wait_indirect_dma semaphore(%arg21 : memref<!tpu.dma_semaphore, #tpu.memory_space<semaphore_mem>>) src(%dma_wait3A_442 : memref<10240x64xf32, #tpu.memory_space<vmem_shared>>) dst(%arg15 : memref<128x64xf32, #tpu.memory_space<vmem>>)
      %dma_start3A_443 = arith.constant 3 : i32
      %dma_start3A_444 = arith.constant 0 : i32
      %dma_start3A_445 = tpu.memref_slice %arg11[%dma_start3A_443, %dma_start3A_444] : memref<8x128xi32, #tpu.memory_space<vmem>> -> memref<1x128xi32, #tpu.memory_space<vmem>>
      %dma_start3A_446 = tpu.memref_squeeze %dma_start3A_445 : memref<1x128xi32, #tpu.memory_space<vmem>> -> memref<128xi32, #tpu.memory_space<vmem>>
      %dma_start3A_447 = arith.constant 0 : i32
      %dma_start3A_448 = arith.constant 0 : i32
      %dma_start3A_449 = tpu.memref_slice %arg7[%dma_start3A_447, %dma_start3A_448] : memref<10240x64xf32, #tpu.memory_space<vmem_shared>> -> memref<10240x64xf32, #tpu.memory_space<vmem_shared>>
      tpu.enqueue_indirect_dma source(%arg15 : memref<128x64xf32, #tpu.memory_space<vmem>>) target(%dma_start3A_449 : memref<10240x64xf32, #tpu.memory_space<vmem_shared>>) offsets(%dma_start3A_446 : memref<128xi32, #tpu.memory_space<vmem>>) semaphore(%arg25 : memref<!tpu.dma_semaphore, #tpu.memory_space<semaphore_mem>>) {add = true}
      %ge3A_450 = arith.constant 1 : i32
      %ge3A_451 = arith.cmpi sge, %add3A_435, %ge3A_450 : i32
      %convert_element_type3A_452 = arith.extui %ge3A_451 : i1 to i32
      %cond3A_453 = arith.constant 0 : i32
      %cond3A_454 = arith.cmpi ne, %convert_element_type3A_452, %cond3A_453 : i32
      scf.if %cond3A_454 {
        %dma_wait3A_567 = arith.constant 3 : i32
        %dma_wait3A_568 = arith.constant 0 : i32
        %dma_wait3A_569 = tpu.memref_slice %arg11[%dma_wait3A_567, %dma_wait3A_568] : memref<8x128xi32, #tpu.memory_space<vmem>> -> memref<1x128xi32, #tpu.memory_space<vmem>>
        %dma_wait3A_570 = tpu.memref_squeeze %dma_wait3A_569 : memref<1x128xi32, #tpu.memory_space<vmem>> -> memref<128xi32, #tpu.memory_space<vmem>>
        %dma_wait3A_571 = arith.constant 0 : i32
        %dma_wait3A_572 = arith.constant 0 : i32
        %dma_wait3A_573 = tpu.memref_slice %arg7[%dma_wait3A_571, %dma_wait3A_572] : memref<10240x64xf32, #tpu.memory_space<vmem_shared>> -> memref<10240x64xf32, #tpu.memory_space<vmem_shared>>
        tpu.wait_indirect_dma semaphore(%arg24 : memref<!tpu.dma_semaphore, #tpu.memory_space<semaphore_mem>>) src(%arg14 : memref<128x64xf32, #tpu.memory_space<vmem>>) dst(%dma_wait3A_573 : memref<10240x64xf32, #tpu.memory_space<vmem_shared>>)
      } else {
      }
      %dma_start3A_455 = arith.constant 6 : i32
      %dma_start3A_456 = arith.constant 0 : i32
      %dma_start3A_457 = tpu.memref_slice %arg9[%dma_start3A_455, %dma_start3A_456] : memref<8x128xi32, #tpu.memory_space<vmem>> -> memref<1x128xi32, #tpu.memory_space<vmem>>
      %dma_start3A_458 = tpu.memref_squeeze %dma_start3A_457 : memref<1x128xi32, #tpu.memory_space<vmem>> -> memref<128xi32, #tpu.memory_space<vmem>>
      %dma_start3A_459 = arith.constant 0 : i32
      %dma_start3A_460 = arith.constant 0 : i32
      %dma_start3A_461 = tpu.memref_slice %arg6[%dma_start3A_459, %dma_start3A_460] : memref<10240x64xf32, #tpu.memory_space<vmem_shared>> -> memref<10240x64xf32, #tpu.memory_space<vmem_shared>>
      tpu.enqueue_indirect_dma source(%dma_start3A_461 : memref<10240x64xf32, #tpu.memory_space<vmem_shared>>) target(%arg14 : memref<128x64xf32, #tpu.memory_space<vmem>>) offsets(%dma_start3A_458 : memref<128xi32, #tpu.memory_space<vmem>>) semaphore(%arg20 : memref<!tpu.dma_semaphore, #tpu.memory_space<semaphore_mem>>)
      %mul3A_462 = arith.constant 8 : i32
      %mul3A_463 = arith.muli %add3A_334, %mul3A_462 : i32
      %add3A_464 = arith.constant 4 : i32
      %add3A_465 = arith.addi %mul3A_463, %add3A_464 : i32
      %dma_wait3A_466 = arith.constant 4 : i32
      %dma_wait3A_467 = arith.constant 0 : i32
      %dma_wait3A_468 = tpu.memref_slice %arg9[%dma_wait3A_466, %dma_wait3A_467] : memref<8x128xi32, #tpu.memory_space<vmem>> -> memref<1x128xi32, #tpu.memory_space<vmem>>
      %dma_wait3A_469 = tpu.memref_squeeze %dma_wait3A_468 : memref<1x128xi32, #tpu.memory_space<vmem>> -> memref<128xi32, #tpu.memory_space<vmem>>
      %dma_wait3A_470 = arith.constant 0 : i32
      %dma_wait3A_471 = arith.constant 0 : i32
      %dma_wait3A_472 = tpu.memref_slice %arg6[%dma_wait3A_470, %dma_wait3A_471] : memref<10240x64xf32, #tpu.memory_space<vmem_shared>> -> memref<10240x64xf32, #tpu.memory_space<vmem_shared>>
      tpu.wait_indirect_dma semaphore(%arg18 : memref<!tpu.dma_semaphore, #tpu.memory_space<semaphore_mem>>) src(%dma_wait3A_472 : memref<10240x64xf32, #tpu.memory_space<vmem_shared>>) dst(%arg12 : memref<128x64xf32, #tpu.memory_space<vmem>>)
      %dma_start3A_473 = arith.constant 4 : i32
      %dma_start3A_474 = arith.constant 0 : i32
      %dma_start3A_475 = tpu.memref_slice %arg11[%dma_start3A_473, %dma_start3A_474] : memref<8x128xi32, #tpu.memory_space<vmem>> -> memref<1x128xi32, #tpu.memory_space<vmem>>
      %dma_start3A_476 = tpu.memref_squeeze %dma_start3A_475 : memref<1x128xi32, #tpu.memory_space<vmem>> -> memref<128xi32, #tpu.memory_space<vmem>>
      %dma_start3A_477 = arith.constant 0 : i32
      %dma_start3A_478 = arith.constant 0 : i32
      %dma_start3A_479 = tpu.memref_slice %arg7[%dma_start3A_477, %dma_start3A_478] : memref<10240x64xf32, #tpu.memory_space<vmem_shared>> -> memref<10240x64xf32, #tpu.memory_space<vmem_shared>>
      tpu.enqueue_indirect_dma source(%arg12 : memref<128x64xf32, #tpu.memory_space<vmem>>) target(%dma_start3A_479 : memref<10240x64xf32, #tpu.memory_space<vmem_shared>>) offsets(%dma_start3A_476 : memref<128xi32, #tpu.memory_space<vmem>>) semaphore(%arg22 : memref<!tpu.dma_semaphore, #tpu.memory_space<semaphore_mem>>) {add = true}
      %ge3A_480 = arith.constant 1 : i32
      %ge3A_481 = arith.cmpi sge, %add3A_465, %ge3A_480 : i32
      %convert_element_type3A_482 = arith.extui %ge3A_481 : i1 to i32
      %cond3A_483 = arith.constant 0 : i32
      %cond3A_484 = arith.cmpi ne, %convert_element_type3A_482, %cond3A_483 : i32
      scf.if %cond3A_484 {
        %dma_wait3A_567 = arith.constant 4 : i32
        %dma_wait3A_568 = arith.constant 0 : i32
        %dma_wait3A_569 = tpu.memref_slice %arg11[%dma_wait3A_567, %dma_wait3A_568] : memref<8x128xi32, #tpu.memory_space<vmem>> -> memref<1x128xi32, #tpu.memory_space<vmem>>
        %dma_wait3A_570 = tpu.memref_squeeze %dma_wait3A_569 : memref<1x128xi32, #tpu.memory_space<vmem>> -> memref<128xi32, #tpu.memory_space<vmem>>
        %dma_wait3A_571 = arith.constant 0 : i32
        %dma_wait3A_572 = arith.constant 0 : i32
        %dma_wait3A_573 = tpu.memref_slice %arg7[%dma_wait3A_571, %dma_wait3A_572] : memref<10240x64xf32, #tpu.memory_space<vmem_shared>> -> memref<10240x64xf32, #tpu.memory_space<vmem_shared>>
        tpu.wait_indirect_dma semaphore(%arg25 : memref<!tpu.dma_semaphore, #tpu.memory_space<semaphore_mem>>) src(%arg15 : memref<128x64xf32, #tpu.memory_space<vmem>>) dst(%dma_wait3A_573 : memref<10240x64xf32, #tpu.memory_space<vmem_shared>>)
      } else {
      }
      %dma_start3A_485 = arith.constant 7 : i32
      %dma_start3A_486 = arith.constant 0 : i32
      %dma_start3A_487 = tpu.memref_slice %arg9[%dma_start3A_485, %dma_start3A_486] : memref<8x128xi32, #tpu.memory_space<vmem>> -> memref<1x128xi32, #tpu.memory_space<vmem>>
      %dma_start3A_488 = tpu.memref_squeeze %dma_start3A_487 : memref<1x128xi32, #tpu.memory_space<vmem>> -> memref<128xi32, #tpu.memory_space<vmem>>
      %dma_start3A_489 = arith.constant 0 : i32
      %dma_start3A_490 = arith.constant 0 : i32
      %dma_start3A_491 = tpu.memref_slice %arg6[%dma_start3A_489, %dma_start3A_490] : memref<10240x64xf32, #tpu.memory_space<vmem_shared>> -> memref<10240x64xf32, #tpu.memory_space<vmem_shared>>
      tpu.enqueue_indirect_dma source(%dma_start3A_491 : memref<10240x64xf32, #tpu.memory_space<vmem_shared>>) target(%arg15 : memref<128x64xf32, #tpu.memory_space<vmem>>) offsets(%dma_start3A_488 : memref<128xi32, #tpu.memory_space<vmem>>) semaphore(%arg21 : memref<!tpu.dma_semaphore, #tpu.memory_space<semaphore_mem>>)
      %mul3A_492 = arith.constant 8 : i32
      %mul3A_493 = arith.muli %add3A_334, %mul3A_492 : i32
      %add3A_494 = arith.constant 5 : i32
      %add3A_495 = arith.addi %mul3A_493, %add3A_494 : i32
      %dma_wait3A_496 = arith.constant 5 : i32
      %dma_wait3A_497 = arith.constant 0 : i32
      %dma_wait3A_498 = tpu.memref_slice %arg9[%dma_wait3A_496, %dma_wait3A_497] : memref<8x128xi32, #tpu.memory_space<vmem>> -> memref<1x128xi32, #tpu.memory_space<vmem>>
      %dma_wait3A_499 = tpu.memref_squeeze %dma_wait3A_498 : memref<1x128xi32, #tpu.memory_space<vmem>> -> memref<128xi32, #tpu.memory_space<vmem>>
      %dma_wait3A_500 = arith.constant 0 : i32
      %dma_wait3A_501 = arith.constant 0 : i32
      %dma_wait3A_502 = tpu.memref_slice %arg6[%dma_wait3A_500, %dma_wait3A_501] : memref<10240x64xf32, #tpu.memory_space<vmem_shared>> -> memref<10240x64xf32, #tpu.memory_space<vmem_shared>>
      tpu.wait_indirect_dma semaphore(%arg19 : memref<!tpu.dma_semaphore, #tpu.memory_space<semaphore_mem>>) src(%dma_wait3A_502 : memref<10240x64xf32, #tpu.memory_space<vmem_shared>>) dst(%arg13 : memref<128x64xf32, #tpu.memory_space<vmem>>)
      %dma_start3A_503 = arith.constant 5 : i32
      %dma_start3A_504 = arith.constant 0 : i32
      %dma_start3A_505 = tpu.memref_slice %arg11[%dma_start3A_503, %dma_start3A_504] : memref<8x128xi32, #tpu.memory_space<vmem>> -> memref<1x128xi32, #tpu.memory_space<vmem>>
      %dma_start3A_506 = tpu.memref_squeeze %dma_start3A_505 : memref<1x128xi32, #tpu.memory_space<vmem>> -> memref<128xi32, #tpu.memory_space<vmem>>
      %dma_start3A_507 = arith.constant 0 : i32
      %dma_start3A_508 = arith.constant 0 : i32
      %dma_start3A_509 = tpu.memref_slice %arg7[%dma_start3A_507, %dma_start3A_508] : memref<10240x64xf32, #tpu.memory_space<vmem_shared>> -> memref<10240x64xf32, #tpu.memory_space<vmem_shared>>
      tpu.enqueue_indirect_dma source(%arg13 : memref<128x64xf32, #tpu.memory_space<vmem>>) target(%dma_start3A_509 : memref<10240x64xf32, #tpu.memory_space<vmem_shared>>) offsets(%dma_start3A_506 : memref<128xi32, #tpu.memory_space<vmem>>) semaphore(%arg23 : memref<!tpu.dma_semaphore, #tpu.memory_space<semaphore_mem>>) {add = true}
      %add3A_510 = arith.constant 1 : i32
      %add3A_511 = arith.addi %add3A_334, %add3A_510 : i32
      %lt3A_512 = arith.constant 20 : i32
      %lt3A_513 = arith.cmpi slt, %add3A_511, %lt3A_512 : i32
      %convert_element_type3A_514 = arith.extui %lt3A_513 : i1 to i32
      %cond3A_515 = arith.constant 0 : i32
      %cond3A_516 = arith.cmpi ne, %convert_element_type3A_514, %cond3A_515 : i32
      scf.if %cond3A_516 {
        %dma_wait3A_567 = arith.constant 0 : i32
        %dma_wait3A_568 = arith.constant 0 : i32
        %dma_wait3A_569 = tpu.memref_slice %arg3[%arg1, %dma_wait3A_567, %dma_wait3A_568] : memref<16x160x128xi32, #tpu.memory_space<hbm>> -> memref<1x8x128xi32, #tpu.memory_space<hbm>>
        %dma_wait3A_570 = tpu.memref_squeeze %dma_wait3A_569 : memref<1x8x128xi32, #tpu.memory_space<hbm>> -> memref<8x128xi32, #tpu.memory_space<hbm>>
        %dma_wait3A_571 = arith.constant 0 : i32
        %dma_wait3A_572 = arith.constant 0 : i32
        %dma_wait3A_573 = tpu.memref_slice %arg3[%arg1, %dma_wait3A_571, %dma_wait3A_572] : memref<16x160x128xi32, #tpu.memory_space<hbm>> -> memref<1x8x128xi32, #tpu.memory_space<hbm>>
        %dma_wait3A_574 = tpu.memref_squeeze %dma_wait3A_573 : memref<1x8x128xi32, #tpu.memory_space<hbm>> -> memref<8x128xi32, #tpu.memory_space<hbm>>
        tpu.wait_dma2 semaphore(%arg16 : memref<!tpu.dma_semaphore, #tpu.memory_space<semaphore_mem>>) src(%dma_wait3A_574 : memref<8x128xi32, #tpu.memory_space<hbm>>) dst(%arg8 : memref<8x128xi32, #tpu.memory_space<vmem>>)
        %dma_wait3A_575 = arith.constant 0 : i32
        %dma_wait3A_576 = arith.constant 0 : i32
        %dma_wait3A_577 = tpu.memref_slice %arg4[%arg1, %dma_wait3A_575, %dma_wait3A_576] : memref<16x160x128xi32, #tpu.memory_space<hbm>> -> memref<1x8x128xi32, #tpu.memory_space<hbm>>
        %dma_wait3A_578 = tpu.memref_squeeze %dma_wait3A_577 : memref<1x8x128xi32, #tpu.memory_space<hbm>> -> memref<8x128xi32, #tpu.memory_space<hbm>>
        %dma_wait3A_579 = arith.constant 0 : i32
        %dma_wait3A_580 = arith.constant 0 : i32
        %dma_wait3A_581 = tpu.memref_slice %arg4[%arg1, %dma_wait3A_579, %dma_wait3A_580] : memref<16x160x128xi32, #tpu.memory_space<hbm>> -> memref<1x8x128xi32, #tpu.memory_space<hbm>>
        %dma_wait3A_582 = tpu.memref_squeeze %dma_wait3A_581 : memref<1x8x128xi32, #tpu.memory_space<hbm>> -> memref<8x128xi32, #tpu.memory_space<hbm>>
        tpu.wait_dma2 semaphore(%arg16 : memref<!tpu.dma_semaphore, #tpu.memory_space<semaphore_mem>>) src(%dma_wait3A_582 : memref<8x128xi32, #tpu.memory_space<hbm>>) dst(%arg10 : memref<8x128xi32, #tpu.memory_space<vmem>>)
        %dma_wait3A_583 = arith.constant 5 : i32
        %dma_wait3A_584 = arith.constant 0 : i32
        %dma_wait3A_585 = tpu.memref_slice %arg11[%dma_wait3A_583, %dma_wait3A_584] : memref<8x128xi32, #tpu.memory_space<vmem>> -> memref<1x128xi32, #tpu.memory_space<vmem>>
        %dma_wait3A_586 = tpu.memref_squeeze %dma_wait3A_585 : memref<1x128xi32, #tpu.memory_space<vmem>> -> memref<128xi32, #tpu.memory_space<vmem>>
        %dma_wait3A_587 = arith.constant 0 : i32
        %dma_wait3A_588 = arith.constant 0 : i32
        %dma_wait3A_589 = tpu.memref_slice %arg7[%dma_wait3A_587, %dma_wait3A_588] : memref<10240x64xf32, #tpu.memory_space<vmem_shared>> -> memref<10240x64xf32, #tpu.memory_space<vmem_shared>>
        tpu.wait_indirect_dma semaphore(%arg22 : memref<!tpu.dma_semaphore, #tpu.memory_space<semaphore_mem>>) src(%arg12 : memref<128x64xf32, #tpu.memory_space<vmem>>) dst(%dma_wait3A_589 : memref<10240x64xf32, #tpu.memory_space<vmem_shared>>)
        %dma_start3A_590 = arith.constant 0 : i32
        %dma_start3A_591 = arith.constant 0 : i32
        %dma_start3A_592 = tpu.memref_slice %arg8[%dma_start3A_590, %dma_start3A_591] : memref<8x128xi32, #tpu.memory_space<vmem>> -> memref<1x128xi32, #tpu.memory_space<vmem>>
        %dma_start3A_593 = tpu.memref_squeeze %dma_start3A_592 : memref<1x128xi32, #tpu.memory_space<vmem>> -> memref<128xi32, #tpu.memory_space<vmem>>
        %dma_start3A_594 = arith.constant 0 : i32
        %dma_start3A_595 = arith.constant 0 : i32
        %dma_start3A_596 = tpu.memref_slice %arg6[%dma_start3A_594, %dma_start3A_595] : memref<10240x64xf32, #tpu.memory_space<vmem_shared>> -> memref<10240x64xf32, #tpu.memory_space<vmem_shared>>
        tpu.enqueue_indirect_dma source(%dma_start3A_596 : memref<10240x64xf32, #tpu.memory_space<vmem_shared>>) target(%arg12 : memref<128x64xf32, #tpu.memory_space<vmem>>) offsets(%dma_start3A_593 : memref<128xi32, #tpu.memory_space<vmem>>) semaphore(%arg18 : memref<!tpu.dma_semaphore, #tpu.memory_space<semaphore_mem>>)
      } else {
      }
      %mul3A_517 = arith.constant 8 : i32
      %mul3A_518 = arith.muli %add3A_334, %mul3A_517 : i32
      %add3A_519 = arith.constant 6 : i32
      %add3A_520 = arith.addi %mul3A_518, %add3A_519 : i32
      %dma_wait3A_521 = arith.constant 6 : i32
      %dma_wait3A_522 = arith.constant 0 : i32
      %dma_wait3A_523 = tpu.memref_slice %arg9[%dma_wait3A_521, %dma_wait3A_522] : memref<8x128xi32, #tpu.memory_space<vmem>> -> memref<1x128xi32, #tpu.memory_space<vmem>>
      %dma_wait3A_524 = tpu.memref_squeeze %dma_wait3A_523 : memref<1x128xi32, #tpu.memory_space<vmem>> -> memref<128xi32, #tpu.memory_space<vmem>>
      %dma_wait3A_525 = arith.constant 0 : i32
      %dma_wait3A_526 = arith.constant 0 : i32
      %dma_wait3A_527 = tpu.memref_slice %arg6[%dma_wait3A_525, %dma_wait3A_526] : memref<10240x64xf32, #tpu.memory_space<vmem_shared>> -> memref<10240x64xf32, #tpu.memory_space<vmem_shared>>
      tpu.wait_indirect_dma semaphore(%arg20 : memref<!tpu.dma_semaphore, #tpu.memory_space<semaphore_mem>>) src(%dma_wait3A_527 : memref<10240x64xf32, #tpu.memory_space<vmem_shared>>) dst(%arg14 : memref<128x64xf32, #tpu.memory_space<vmem>>)
      %dma_start3A_528 = arith.constant 6 : i32
      %dma_start3A_529 = arith.constant 0 : i32
      %dma_start3A_530 = tpu.memref_slice %arg11[%dma_start3A_528, %dma_start3A_529] : memref<8x128xi32, #tpu.memory_space<vmem>> -> memref<1x128xi32, #tpu.memory_space<vmem>>
      %dma_start3A_531 = tpu.memref_squeeze %dma_start3A_530 : memref<1x128xi32, #tpu.memory_space<vmem>> -> memref<128xi32, #tpu.memory_space<vmem>>
      %dma_start3A_532 = arith.constant 0 : i32
      %dma_start3A_533 = arith.constant 0 : i32
      %dma_start3A_534 = tpu.memref_slice %arg7[%dma_start3A_532, %dma_start3A_533] : memref<10240x64xf32, #tpu.memory_space<vmem_shared>> -> memref<10240x64xf32, #tpu.memory_space<vmem_shared>>
      tpu.enqueue_indirect_dma source(%arg14 : memref<128x64xf32, #tpu.memory_space<vmem>>) target(%dma_start3A_534 : memref<10240x64xf32, #tpu.memory_space<vmem_shared>>) offsets(%dma_start3A_531 : memref<128xi32, #tpu.memory_space<vmem>>) semaphore(%arg24 : memref<!tpu.dma_semaphore, #tpu.memory_space<semaphore_mem>>) {add = true}
      %add3A_535 = arith.constant 1 : i32
      %add3A_536 = arith.addi %add3A_334, %add3A_535 : i32
      %lt3A_537 = arith.constant 20 : i32
      %lt3A_538 = arith.cmpi slt, %add3A_536, %lt3A_537 : i32
      %convert_element_type3A_539 = arith.extui %lt3A_538 : i1 to i32
      %cond3A_540 = arith.constant 0 : i32
      %cond3A_541 = arith.cmpi ne, %convert_element_type3A_539, %cond3A_540 : i32
      scf.if %cond3A_541 {
        %dma_wait3A_567 = arith.constant 6 : i32
        %dma_wait3A_568 = arith.constant 0 : i32
        %dma_wait3A_569 = tpu.memref_slice %arg11[%dma_wait3A_567, %dma_wait3A_568] : memref<8x128xi32, #tpu.memory_space<vmem>> -> memref<1x128xi32, #tpu.memory_space<vmem>>
        %dma_wait3A_570 = tpu.memref_squeeze %dma_wait3A_569 : memref<1x128xi32, #tpu.memory_space<vmem>> -> memref<128xi32, #tpu.memory_space<vmem>>
        %dma_wait3A_571 = arith.constant 0 : i32
        %dma_wait3A_572 = arith.constant 0 : i32
        %dma_wait3A_573 = tpu.memref_slice %arg7[%dma_wait3A_571, %dma_wait3A_572] : memref<10240x64xf32, #tpu.memory_space<vmem_shared>> -> memref<10240x64xf32, #tpu.memory_space<vmem_shared>>
        tpu.wait_indirect_dma semaphore(%arg23 : memref<!tpu.dma_semaphore, #tpu.memory_space<semaphore_mem>>) src(%arg13 : memref<128x64xf32, #tpu.memory_space<vmem>>) dst(%dma_wait3A_573 : memref<10240x64xf32, #tpu.memory_space<vmem_shared>>)
        %dma_start3A_574 = arith.constant 1 : i32
        %dma_start3A_575 = arith.constant 0 : i32
        %dma_start3A_576 = tpu.memref_slice %arg8[%dma_start3A_574, %dma_start3A_575] : memref<8x128xi32, #tpu.memory_space<vmem>> -> memref<1x128xi32, #tpu.memory_space<vmem>>
        %dma_start3A_577 = tpu.memref_squeeze %dma_start3A_576 : memref<1x128xi32, #tpu.memory_space<vmem>> -> memref<128xi32, #tpu.memory_space<vmem>>
        %dma_start3A_578 = arith.constant 0 : i32
        %dma_start3A_579 = arith.constant 0 : i32
        %dma_start3A_580 = tpu.memref_slice %arg6[%dma_start3A_578, %dma_start3A_579] : memref<10240x64xf32, #tpu.memory_space<vmem_shared>> -> memref<10240x64xf32, #tpu.memory_space<vmem_shared>>
        tpu.enqueue_indirect_dma source(%dma_start3A_580 : memref<10240x64xf32, #tpu.memory_space<vmem_shared>>) target(%arg13 : memref<128x64xf32, #tpu.memory_space<vmem>>) offsets(%dma_start3A_577 : memref<128xi32, #tpu.memory_space<vmem>>) semaphore(%arg19 : memref<!tpu.dma_semaphore, #tpu.memory_space<semaphore_mem>>)
      } else {
      }
      %mul3A_542 = arith.constant 8 : i32
      %mul3A_543 = arith.muli %add3A_334, %mul3A_542 : i32
      %add3A_544 = arith.constant 7 : i32
      %add3A_545 = arith.addi %mul3A_543, %add3A_544 : i32
      %dma_wait3A_546 = arith.constant 7 : i32
      %dma_wait3A_547 = arith.constant 0 : i32
      %dma_wait3A_548 = tpu.memref_slice %arg9[%dma_wait3A_546, %dma_wait3A_547] : memref<8x128xi32, #tpu.memory_space<vmem>> -> memref<1x128xi32, #tpu.memory_space<vmem>>
      %dma_wait3A_549 = tpu.memref_squeeze %dma_wait3A_548 : memref<1x128xi32, #tpu.memory_space<vmem>> -> memref<128xi32, #tpu.memory_space<vmem>>
      %dma_wait3A_550 = arith.constant 0 : i32
      %dma_wait3A_551 = arith.constant 0 : i32
      %dma_wait3A_552 = tpu.memref_slice %arg6[%dma_wait3A_550, %dma_wait3A_551] : memref<10240x64xf32, #tpu.memory_space<vmem_shared>> -> memref<10240x64xf32, #tpu.memory_space<vmem_shared>>
      tpu.wait_indirect_dma semaphore(%arg21 : memref<!tpu.dma_semaphore, #tpu.memory_space<semaphore_mem>>) src(%dma_wait3A_552 : memref<10240x64xf32, #tpu.memory_space<vmem_shared>>) dst(%arg15 : memref<128x64xf32, #tpu.memory_space<vmem>>)
      %dma_start3A_553 = arith.constant 7 : i32
      %dma_start3A_554 = arith.constant 0 : i32
      %dma_start3A_555 = tpu.memref_slice %arg11[%dma_start3A_553, %dma_start3A_554] : memref<8x128xi32, #tpu.memory_space<vmem>> -> memref<1x128xi32, #tpu.memory_space<vmem>>
      %dma_start3A_556 = tpu.memref_squeeze %dma_start3A_555 : memref<1x128xi32, #tpu.memory_space<vmem>> -> memref<128xi32, #tpu.memory_space<vmem>>
      %dma_start3A_557 = arith.constant 0 : i32
      %dma_start3A_558 = arith.constant 0 : i32
      %dma_start3A_559 = tpu.memref_slice %arg7[%dma_start3A_557, %dma_start3A_558] : memref<10240x64xf32, #tpu.memory_space<vmem_shared>> -> memref<10240x64xf32, #tpu.memory_space<vmem_shared>>
      tpu.enqueue_indirect_dma source(%arg15 : memref<128x64xf32, #tpu.memory_space<vmem>>) target(%dma_start3A_559 : memref<10240x64xf32, #tpu.memory_space<vmem_shared>>) offsets(%dma_start3A_556 : memref<128xi32, #tpu.memory_space<vmem>>) semaphore(%arg25 : memref<!tpu.dma_semaphore, #tpu.memory_space<semaphore_mem>>) {add = true}
      %add3A_560 = arith.constant 1 : i32
      %add3A_561 = arith.addi %add3A_334, %add3A_560 : i32
      %lt3A_562 = arith.constant 20 : i32
      %lt3A_563 = arith.cmpi slt, %add3A_561, %lt3A_562 : i32
      %convert_element_type3A_564 = arith.extui %lt3A_563 : i1 to i32
      %cond3A_565 = arith.constant 0 : i32
      %cond3A_566 = arith.cmpi ne, %convert_element_type3A_564, %cond3A_565 : i32
      scf.if %cond3A_566 {
        %dma_wait3A_567 = arith.constant 7 : i32
        %dma_wait3A_568 = arith.constant 0 : i32
        %dma_wait3A_569 = tpu.memref_slice %arg11[%dma_wait3A_567, %dma_wait3A_568] : memref<8x128xi32, #tpu.memory_space<vmem>> -> memref<1x128xi32, #tpu.memory_space<vmem>>
        %dma_wait3A_570 = tpu.memref_squeeze %dma_wait3A_569 : memref<1x128xi32, #tpu.memory_space<vmem>> -> memref<128xi32, #tpu.memory_space<vmem>>
        %dma_wait3A_571 = arith.constant 0 : i32
        %dma_wait3A_572 = arith.constant 0 : i32
        %dma_wait3A_573 = tpu.memref_slice %arg7[%dma_wait3A_571, %dma_wait3A_572] : memref<10240x64xf32, #tpu.memory_space<vmem_shared>> -> memref<10240x64xf32, #tpu.memory_space<vmem_shared>>
        tpu.wait_indirect_dma semaphore(%arg24 : memref<!tpu.dma_semaphore, #tpu.memory_space<semaphore_mem>>) src(%arg14 : memref<128x64xf32, #tpu.memory_space<vmem>>) dst(%dma_wait3A_573 : memref<10240x64xf32, #tpu.memory_space<vmem_shared>>)
        %dma_start3A_574 = arith.constant 2 : i32
        %dma_start3A_575 = arith.constant 0 : i32
        %dma_start3A_576 = tpu.memref_slice %arg8[%dma_start3A_574, %dma_start3A_575] : memref<8x128xi32, #tpu.memory_space<vmem>> -> memref<1x128xi32, #tpu.memory_space<vmem>>
        %dma_start3A_577 = tpu.memref_squeeze %dma_start3A_576 : memref<1x128xi32, #tpu.memory_space<vmem>> -> memref<128xi32, #tpu.memory_space<vmem>>
        %dma_start3A_578 = arith.constant 0 : i32
        %dma_start3A_579 = arith.constant 0 : i32
        %dma_start3A_580 = tpu.memref_slice %arg6[%dma_start3A_578, %dma_start3A_579] : memref<10240x64xf32, #tpu.memory_space<vmem_shared>> -> memref<10240x64xf32, #tpu.memory_space<vmem_shared>>
        tpu.enqueue_indirect_dma source(%dma_start3A_580 : memref<10240x64xf32, #tpu.memory_space<vmem_shared>>) target(%arg14 : memref<128x64xf32, #tpu.memory_space<vmem>>) offsets(%dma_start3A_577 : memref<128xi32, #tpu.memory_space<vmem>>) semaphore(%arg20 : memref<!tpu.dma_semaphore, #tpu.memory_space<semaphore_mem>>)
      } else {
      }
    }
    %scan3A_67 = arith.constant 10 : i32
    %dma_wait3A_68 = arith.constant 0 : i32
    %dma_wait3A_69 = arith.constant 0 : i32
    %dma_wait3A_70 = tpu.memref_slice %arg11[%dma_wait3A_68, %dma_wait3A_69] : memref<8x128xi32, #tpu.memory_space<vmem>> -> memref<1x128xi32, #tpu.memory_space<vmem>>
    %dma_wait3A_71 = tpu.memref_squeeze %dma_wait3A_70 : memref<1x128xi32, #tpu.memory_space<vmem>> -> memref<128xi32, #tpu.memory_space<vmem>>
    %dma_wait3A_72 = arith.constant 0 : i32
    %dma_wait3A_73 = arith.constant 0 : i32
    %dma_wait3A_74 = tpu.memref_slice %arg7[%dma_wait3A_72, %dma_wait3A_73] : memref<10240x64xf32, #tpu.memory_space<vmem_shared>> -> memref<10240x64xf32, #tpu.memory_space<vmem_shared>>
    tpu.wait_indirect_dma semaphore(%arg22 : memref<!tpu.dma_semaphore, #tpu.memory_space<semaphore_mem>>) src(%arg12 : memref<128x64xf32, #tpu.memory_space<vmem>>) dst(%dma_wait3A_74 : memref<10240x64xf32, #tpu.memory_space<vmem_shared>>)
    %dma_wait3A_75 = arith.constant 1 : i32
    %dma_wait3A_76 = arith.constant 0 : i32
    %dma_wait3A_77 = tpu.memref_slice %arg11[%dma_wait3A_75, %dma_wait3A_76] : memref<8x128xi32, #tpu.memory_space<vmem>> -> memref<1x128xi32, #tpu.memory_space<vmem>>
    %dma_wait3A_78 = tpu.memref_squeeze %dma_wait3A_77 : memref<1x128xi32, #tpu.memory_space<vmem>> -> memref<128xi32, #tpu.memory_space<vmem>>
    %dma_wait3A_79 = arith.constant 0 : i32
    %dma_wait3A_80 = arith.constant 0 : i32
    %dma_wait3A_81 = tpu.memref_slice %arg7[%dma_wait3A_79, %dma_wait3A_80] : memref<10240x64xf32, #tpu.memory_space<vmem_shared>> -> memref<10240x64xf32, #tpu.memory_space<vmem_shared>>
    tpu.wait_indirect_dma semaphore(%arg23 : memref<!tpu.dma_semaphore, #tpu.memory_space<semaphore_mem>>) src(%arg13 : memref<128x64xf32, #tpu.memory_space<vmem>>) dst(%dma_wait3A_81 : memref<10240x64xf32, #tpu.memory_space<vmem_shared>>)
    %dma_wait3A_82 = arith.constant 2 : i32
    %dma_wait3A_83 = arith.constant 0 : i32
    %dma_wait3A_84 = tpu.memref_slice %arg11[%dma_wait3A_82, %dma_wait3A_83] : memref<8x128xi32, #tpu.memory_space<vmem>> -> memref<1x128xi32, #tpu.memory_space<vmem>>
    %dma_wait3A_85 = tpu.memref_squeeze %dma_wait3A_84 : memref<1x128xi32, #tpu.memory_space<vmem>> -> memref<128xi32, #tpu.memory_space<vmem>>
    %dma_wait3A_86 = arith.constant 0 : i32
    %dma_wait3A_87 = arith.constant 0 : i32
    %dma_wait3A_88 = tpu.memref_slice %arg7[%dma_wait3A_86, %dma_wait3A_87] : memref<10240x64xf32, #tpu.memory_space<vmem_shared>> -> memref<10240x64xf32, #tpu.memory_space<vmem_shared>>
    tpu.wait_indirect_dma semaphore(%arg24 : memref<!tpu.dma_semaphore, #tpu.memory_space<semaphore_mem>>) src(%arg14 : memref<128x64xf32, #tpu.memory_space<vmem>>) dst(%dma_wait3A_88 : memref<10240x64xf32, #tpu.memory_space<vmem_shared>>)
    %dma_wait3A_89 = arith.constant 3 : i32
    %dma_wait3A_90 = arith.constant 0 : i32
    %dma_wait3A_91 = tpu.memref_slice %arg11[%dma_wait3A_89, %dma_wait3A_90] : memref<8x128xi32, #tpu.memory_space<vmem>> -> memref<1x128xi32, #tpu.memory_space<vmem>>
    %dma_wait3A_92 = tpu.memref_squeeze %dma_wait3A_91 : memref<1x128xi32, #tpu.memory_space<vmem>> -> memref<128xi32, #tpu.memory_space<vmem>>
    %dma_wait3A_93 = arith.constant 0 : i32
    %dma_wait3A_94 = arith.constant 0 : i32
    %dma_wait3A_95 = tpu.memref_slice %arg7[%dma_wait3A_93, %dma_wait3A_94] : memref<10240x64xf32, #tpu.memory_space<vmem_shared>> -> memref<10240x64xf32, #tpu.memory_space<vmem_shared>>
    tpu.wait_indirect_dma semaphore(%arg25 : memref<!tpu.dma_semaphore, #tpu.memory_space<semaphore_mem>>) src(%arg15 : memref<128x64xf32, #tpu.memory_space<vmem>>) dst(%dma_wait3A_95 : memref<10240x64xf32, #tpu.memory_space<vmem_shared>>)
    %barrier3A_96 = arith.constant 0 : index
    tpu.barrier barrier_id(%barrier3A_96)
    %mul3A_97 = arith.constant 640 : i32
    %mul3A_98 = arith.muli %arg1, %mul3A_97 : i32
    %mul3A_99 = arith.constant 640 : i32
    %mul3A_100 = arith.muli %arg1, %mul3A_99 : i32
    "tpu.region"() ({
      %run_scoped3A = tpu.sem_alloc : memref<!tpu.dma_semaphore, #tpu.memory_space<semaphore_mem>>
      %dma_start3A_101 = arith.constant 0 : i32
      %dma_start3A_102 = tpu.memref_slice %arg5[%arg0, %mul3A_100, %dma_start3A_101] : memref<2x10240x64xf32, #tpu.memory_space<hbm>> -> memref<1x640x64xf32, #tpu.memory_space<hbm>>
      %dma_start3A_103 = tpu.memref_squeeze %dma_start3A_102 : memref<1x640x64xf32, #tpu.memory_space<hbm>> -> memref<640x64xf32, #tpu.memory_space<hbm>>
      %dma_start3A_104 = arith.constant 0 : i32
      %dma_start3A_105 = tpu.memref_slice %arg7[%mul3A_98, %dma_start3A_104] : memref<10240x64xf32, #tpu.memory_space<vmem_shared>> -> memref<640x64xf32, #tpu.memory_space<vmem_shared>>
      tpu.enqueue_dma source(%dma_start3A_105 : memref<640x64xf32, #tpu.memory_space<vmem_shared>>) target(%dma_start3A_103 : memref<640x64xf32, #tpu.memory_space<hbm>>) target_semaphore(%run_scoped3A : memref<!tpu.dma_semaphore, #tpu.memory_space<semaphore_mem>>)
      %dma_wait3A_106 = arith.constant 0 : i32
      %dma_wait3A_107 = tpu.memref_slice %arg5[%arg0, %mul3A_100, %dma_wait3A_106] : memref<2x10240x64xf32, #tpu.memory_space<hbm>> -> memref<1x640x64xf32, #tpu.memory_space<hbm>>
      %dma_wait3A_108 = tpu.memref_squeeze %dma_wait3A_107 : memref<1x640x64xf32, #tpu.memory_space<hbm>> -> memref<640x64xf32, #tpu.memory_space<hbm>>
      %dma_wait3A_109 = arith.constant 0 : i32
      %dma_wait3A_110 = tpu.memref_slice %arg7[%mul3A_98, %dma_wait3A_109] : memref<10240x64xf32, #tpu.memory_space<vmem_shared>> -> memref<640x64xf32, #tpu.memory_space<vmem_shared>>
      tpu.wait_dma2 semaphore(%run_scoped3A : memref<!tpu.dma_semaphore, #tpu.memory_space<semaphore_mem>>) src(%dma_wait3A_110 : memref<640x64xf32, #tpu.memory_space<vmem_shared>>) dst(%dma_wait3A_108 : memref<640x64xf32, #tpu.memory_space<hbm>>)
      tpu.yield
    }) : () -> ()
    return
  }
}

#map = affine_map<(d0, d1) -> (0, 0, 0)>
module attributes {stable_mosaic.version = 14 : i64} {
  func.func @_sc_agg(%arg0: i32, %arg1: i32, %arg2: memref<2x10240x64xf32, #tpu.memory_space<hbm>>, %arg3: memref<16x160x128xi32, #tpu.memory_space<hbm>>, %arg4: memref<16x160x128xi32, #tpu.memory_space<hbm>>, %arg5: memref<2x10240x64xf32, #tpu.memory_space<hbm>>, %arg6: memref<10240x64xf32, #tpu.memory_space<vmem_shared>>, %arg7: memref<10240x64xf32, #tpu.memory_space<vmem_shared>>, %arg8: memref<8x128xi32, #tpu.memory_space<vmem>>, %arg9: memref<8x128xi32, #tpu.memory_space<vmem>>, %arg10: memref<8x128xi32, #tpu.memory_space<vmem>>, %arg11: memref<8x128xi32, #tpu.memory_space<vmem>>, %arg12: memref<128x64xf32, #tpu.memory_space<vmem>>, %arg13: memref<128x64xf32, #tpu.memory_space<vmem>>, %arg14: memref<128x64xf32, #tpu.memory_space<vmem>>, %arg15: memref<128x64xf32, #tpu.memory_space<vmem>>, %arg16: memref<!tpu.dma_semaphore, #tpu.memory_space<semaphore_mem>>, %arg17: memref<!tpu.dma_semaphore, #tpu.memory_space<semaphore_mem>>, %arg18: memref<!tpu.dma_semaphore, #tpu.memory_space<semaphore_mem>>, %arg19: memref<!tpu.dma_semaphore, #tpu.memory_space<semaphore_mem>>, %arg20: memref<!tpu.dma_semaphore, #tpu.memory_space<semaphore_mem>>, %arg21: memref<!tpu.dma_semaphore, #tpu.memory_space<semaphore_mem>>, %arg22: memref<!tpu.dma_semaphore, #tpu.memory_space<semaphore_mem>>, %arg23: memref<!tpu.dma_semaphore, #tpu.memory_space<semaphore_mem>>, %arg24: memref<!tpu.dma_semaphore, #tpu.memory_space<semaphore_mem>>, %arg25: memref<!tpu.dma_semaphore, #tpu.memory_space<semaphore_mem>>) attributes {dimension_semantics = [#tpu.dimension_semantics<core_parallel>, #tpu.dimension_semantics<subcore_parallel>], iteration_bounds = array<i64: 2, 16>, scalar_prefetch = 0 : i64, scratch_operands = 20 : i64, tpu.core_type = #tpu.core_type<sc_vector_subcore>, window_params = [{transform_indices = #map}, {transform_indices = #map}, {transform_indices = #map}, {transform_indices = #map}]} {
    %dma_start3A = arith.constant 0 : i32
    %dma_start3A_0 = arith.constant 0 : i32
    %dma_start3A_1 = tpu.memref_slice %arg3[%arg1, %dma_start3A, %dma_start3A_0] : memref<16x160x128xi32, #tpu.memory_space<hbm>> -> memref<1x8x128xi32, #tpu.memory_space<hbm>>
    %dma_start3A_2 = tpu.memref_squeeze %dma_start3A_1 : memref<1x8x128xi32, #tpu.memory_space<hbm>> -> memref<8x128xi32, #tpu.memory_space<hbm>>
    %dma_start3A_3 = arith.constant 0 : i32
    %dma_start3A_4 = arith.constant 0 : i32
    %dma_start3A_5 = tpu.memref_slice %arg3[%arg1, %dma_start3A_3, %dma_start3A_4] : memref<16x160x128xi32, #tpu.memory_space<hbm>> -> memref<1x8x128xi32, #tpu.memory_space<hbm>>
    %dma_start3A_6 = tpu.memref_squeeze %dma_start3A_5 : memref<1x8x128xi32, #tpu.memory_space<hbm>> -> memref<8x128xi32, #tpu.memory_space<hbm>>
    tpu.enqueue_dma source(%dma_start3A_6 : memref<8x128xi32, #tpu.memory_space<hbm>>) target(%arg8 : memref<8x128xi32, #tpu.memory_space<vmem>>) target_semaphore(%arg16 : memref<!tpu.dma_semaphore, #tpu.memory_space<semaphore_mem>>)
    %dma_start3A_7 = arith.constant 0 : i32
    %dma_start3A_8 = arith.constant 0 : i32
    %dma_start3A_9 = tpu.memref_slice %arg4[%arg1, %dma_start3A_7, %dma_start3A_8] : memref<16x160x128xi32, #tpu.memory_space<hbm>> -> memref<1x8x128xi32, #tpu.memory_space<hbm>>
    %dma_start3A_10 = tpu.memref_squeeze %dma_start3A_9 : memref<1x8x128xi32, #tpu.memory_space<hbm>> -> memref<8x128xi32, #tpu.memory_space<hbm>>
    %dma_start3A_11 = arith.constant 0 : i32
    %dma_start3A_12 = arith.constant 0 : i32
    %dma_start3A_13 = tpu.memref_slice %arg4[%arg1, %dma_start3A_11, %dma_start3A_12] : memref<16x160x128xi32, #tpu.memory_space<hbm>> -> memref<1x8x128xi32, #tpu.memory_space<hbm>>
    %dma_start3A_14 = tpu.memref_squeeze %dma_start3A_13 : memref<1x8x128xi32, #tpu.memory_space<hbm>> -> memref<8x128xi32, #tpu.memory_space<hbm>>
    tpu.enqueue_dma source(%dma_start3A_14 : memref<8x128xi32, #tpu.memory_space<hbm>>) target(%arg10 : memref<8x128xi32, #tpu.memory_space<vmem>>) target_semaphore(%arg16 : memref<!tpu.dma_semaphore, #tpu.memory_space<semaphore_mem>>)
    %scan3A = arith.constant 0 : i32
    %scan3A_15 = arith.constant 128 : i32
    %scan3A_16 = arith.addi %scan3A, %scan3A_15 : i32
    %scan3A_17 = arith.constant 1 : i32
    scf.for %scan3A_101 = %scan3A to %scan3A_16 step %scan3A_17  : i32 {
      %mul3A_102 = arith.constant 1 : i32
      %mul3A_103 = arith.muli %scan3A_101, %mul3A_102 : i32
      %add3A = arith.constant 0 : i32
      %add3A_104 = arith.addi %add3A, %mul3A_103 : i32
      %scan3A_105 = arith.constant 0 : i32
      %scan3A_106 = arith.constant 4 : i32
      %scan3A_107 = arith.addi %scan3A_105, %scan3A_106 : i32
      %scan3A_108 = arith.constant 1 : i32
      scf.for %scan3A_110 = %scan3A_105 to %scan3A_107 step %scan3A_108  : i32 {
        %mul3A_111 = arith.constant 16 : i32
        %mul3A_112 = arith.muli %scan3A_110, %mul3A_111 : i32
        %add3A_113 = arith.constant 0 : i32
        %add3A_114 = arith.addi %add3A_113, %mul3A_112 : i32
        %broadcast_in_dim3A = arith.constant 0.000000e+00 : f32
        %broadcast_in_dim3A_115 = vector.broadcast %broadcast_in_dim3A : f32 to vector<16xf32>
        %swap3A = arith.index_cast %add3A_104 : i32 to index
        %swap3A_116 = arith.index_cast %add3A_114 : i32 to index
        %swap3A_117 = tpu.vector_load %arg12[%swap3A, %swap3A_116] {strides = array<i32>} : memref<128x64xf32, #tpu.memory_space<vmem>>, vector<16xf32>,
        tpu.vector_store %arg12[%swap3A, %swap3A_116], %broadcast_in_dim3A_115 {strides = array<i32>} : memref<128x64xf32, #tpu.memory_space<vmem>>, vector<16xf32>,
      }
      %scan3A_109 = arith.constant 4 : i32
    }
    %scan3A_18 = arith.constant 128 : i32
    %scan3A_19 = arith.constant 0 : i32
    %scan3A_20 = arith.constant 5 : i32
    %scan3A_21 = arith.addi %scan3A_19, %scan3A_20 : i32
    %scan3A_22 = arith.constant 1 : i32
    scf.for %scan3A_101 = %scan3A_19 to %scan3A_21 step %scan3A_22  : i32 {
      %mul3A_102 = arith.constant 128 : i32
      %mul3A_103 = arith.muli %scan3A_101, %mul3A_102 : i32
      %add3A = arith.constant 0 : i32
      %add3A_104 = arith.addi %add3A, %mul3A_103 : i32
      %mul3A_105 = arith.constant 640 : i32
      %mul3A_106 = arith.muli %arg1, %mul3A_105 : i32
      %add3A_107 = arith.addi %mul3A_106, %add3A_104 : i32
      "tpu.region"() ({
        %run_scoped3A = tpu.sem_alloc : memref<!tpu.dma_semaphore, #tpu.memory_space<semaphore_mem>>
        %dma_start3A_108 = arith.constant 0 : i32
        %dma_start3A_109 = tpu.memref_slice %arg7[%add3A_107, %dma_start3A_108] : memref<10240x64xf32, #tpu.memory_space<vmem_shared>> -> memref<128x64xf32, #tpu.memory_space<vmem_shared>>
        %dma_start3A_110 = arith.constant 0 : i32
        %dma_start3A_111 = tpu.memref_slice %arg7[%add3A_107, %dma_start3A_110] : memref<10240x64xf32, #tpu.memory_space<vmem_shared>> -> memref<128x64xf32, #tpu.memory_space<vmem_shared>>
        tpu.enqueue_dma source(%arg12 : memref<128x64xf32, #tpu.memory_space<vmem>>) target(%dma_start3A_111 : memref<128x64xf32, #tpu.memory_space<vmem_shared>>) target_semaphore(%run_scoped3A : memref<!tpu.dma_semaphore, #tpu.memory_space<semaphore_mem>>)
        %dma_wait3A_112 = arith.constant 0 : i32
        %dma_wait3A_113 = tpu.memref_slice %arg7[%add3A_107, %dma_wait3A_112] : memref<10240x64xf32, #tpu.memory_space<vmem_shared>> -> memref<128x64xf32, #tpu.memory_space<vmem_shared>>
        %dma_wait3A_114 = arith.constant 0 : i32
        %dma_wait3A_115 = tpu.memref_slice %arg7[%add3A_107, %dma_wait3A_114] : memref<10240x64xf32, #tpu.memory_space<vmem_shared>> -> memref<128x64xf32, #tpu.memory_space<vmem_shared>>
        tpu.wait_dma2 semaphore(%run_scoped3A : memref<!tpu.dma_semaphore, #tpu.memory_space<semaphore_mem>>) src(%arg12 : memref<128x64xf32, #tpu.memory_space<vmem>>) dst(%dma_wait3A_115 : memref<128x64xf32, #tpu.memory_space<vmem_shared>>)
        tpu.yield
      }) : () -> ()
    }
    %scan3A_23 = arith.constant 5 : i32
    %mul3A = arith.constant 640 : i32
    %mul3A_24 = arith.muli %arg1, %mul3A : i32
    %mul3A_25 = arith.constant 640 : i32
    %mul3A_26 = arith.muli %arg1, %mul3A_25 : i32
    "tpu.region"() ({
      %run_scoped3A = tpu.sem_alloc : memref<!tpu.dma_semaphore, #tpu.memory_space<semaphore_mem>>
      %dma_start3A_101 = arith.constant 0 : i32
      %dma_start3A_102 = tpu.memref_slice %arg6[%mul3A_26, %dma_start3A_101] : memref<10240x64xf32, #tpu.memory_space<vmem_shared>> -> memref<640x64xf32, #tpu.memory_space<vmem_shared>>
      %dma_start3A_103 = arith.constant 0 : i32
      %dma_start3A_104 = tpu.memref_slice %arg2[%arg0, %mul3A_24, %dma_start3A_103] : memref<2x10240x64xf32, #tpu.memory_space<hbm>> -> memref<1x640x64xf32, #tpu.memory_space<hbm>>
      %dma_start3A_105 = tpu.memref_squeeze %dma_start3A_104 : memref<1x640x64xf32, #tpu.memory_space<hbm>> -> memref<640x64xf32, #tpu.memory_space<hbm>>
      tpu.enqueue_dma source(%dma_start3A_105 : memref<640x64xf32, #tpu.memory_space<hbm>>) target(%dma_start3A_102 : memref<640x64xf32, #tpu.memory_space<vmem_shared>>) target_semaphore(%run_scoped3A : memref<!tpu.dma_semaphore, #tpu.memory_space<semaphore_mem>>)
      %dma_wait3A_106 = arith.constant 0 : i32
      %dma_wait3A_107 = tpu.memref_slice %arg6[%mul3A_26, %dma_wait3A_106] : memref<10240x64xf32, #tpu.memory_space<vmem_shared>> -> memref<640x64xf32, #tpu.memory_space<vmem_shared>>
      %dma_wait3A_108 = arith.constant 0 : i32
      %dma_wait3A_109 = tpu.memref_slice %arg2[%arg0, %mul3A_24, %dma_wait3A_108] : memref<2x10240x64xf32, #tpu.memory_space<hbm>> -> memref<1x640x64xf32, #tpu.memory_space<hbm>>
      %dma_wait3A_110 = tpu.memref_squeeze %dma_wait3A_109 : memref<1x640x64xf32, #tpu.memory_space<hbm>> -> memref<640x64xf32, #tpu.memory_space<hbm>>
      tpu.wait_dma2 semaphore(%run_scoped3A : memref<!tpu.dma_semaphore, #tpu.memory_space<semaphore_mem>>) src(%dma_wait3A_110 : memref<640x64xf32, #tpu.memory_space<hbm>>) dst(%dma_wait3A_107 : memref<640x64xf32, #tpu.memory_space<vmem_shared>>)
      tpu.yield
    }) : () -> ()
    %barrier3A = arith.constant 0 : index
    tpu.barrier barrier_id(%barrier3A)
    %dma_wait3A = arith.constant 0 : i32
    %dma_wait3A_27 = arith.constant 0 : i32
    %dma_wait3A_28 = tpu.memref_slice %arg3[%arg1, %dma_wait3A, %dma_wait3A_27] : memref<16x160x128xi32, #tpu.memory_space<hbm>> -> memref<1x8x128xi32, #tpu.memory_space<hbm>>
    %dma_wait3A_29 = tpu.memref_squeeze %dma_wait3A_28 : memref<1x8x128xi32, #tpu.memory_space<hbm>> -> memref<8x128xi32, #tpu.memory_space<hbm>>
    %dma_wait3A_30 = arith.constant 0 : i32
    %dma_wait3A_31 = arith.constant 0 : i32
    %dma_wait3A_32 = tpu.memref_slice %arg3[%arg1, %dma_wait3A_30, %dma_wait3A_31] : memref<16x160x128xi32, #tpu.memory_space<hbm>> -> memref<1x8x128xi32, #tpu.memory_space<hbm>>
    %dma_wait3A_33 = tpu.memref_squeeze %dma_wait3A_32 : memref<1x8x128xi32, #tpu.memory_space<hbm>> -> memref<8x128xi32, #tpu.memory_space<hbm>>
    tpu.wait_dma2 semaphore(%arg16 : memref<!tpu.dma_semaphore, #tpu.memory_space<semaphore_mem>>) src(%dma_wait3A_33 : memref<8x128xi32, #tpu.memory_space<hbm>>) dst(%arg8 : memref<8x128xi32, #tpu.memory_space<vmem>>)
    %dma_wait3A_34 = arith.constant 0 : i32
    %dma_wait3A_35 = arith.constant 0 : i32
    %dma_wait3A_36 = tpu.memref_slice %arg4[%arg1, %dma_wait3A_34, %dma_wait3A_35] : memref<16x160x128xi32, #tpu.memory_space<hbm>> -> memref<1x8x128xi32, #tpu.memory_space<hbm>>
    %dma_wait3A_37 = tpu.memref_squeeze %dma_wait3A_36 : memref<1x8x128xi32, #tpu.memory_space<hbm>> -> memref<8x128xi32, #tpu.memory_space<hbm>>
    %dma_wait3A_38 = arith.constant 0 : i32
    %dma_wait3A_39 = arith.constant 0 : i32
    %dma_wait3A_40 = tpu.memref_slice %arg4[%arg1, %dma_wait3A_38, %dma_wait3A_39] : memref<16x160x128xi32, #tpu.memory_space<hbm>> -> memref<1x8x128xi32, #tpu.memory_space<hbm>>
    %dma_wait3A_41 = tpu.memref_squeeze %dma_wait3A_40 : memref<1x8x128xi32, #tpu.memory_space<hbm>> -> memref<8x128xi32, #tpu.memory_space<hbm>>
    tpu.wait_dma2 semaphore(%arg16 : memref<!tpu.dma_semaphore, #tpu.memory_space<semaphore_mem>>) src(%dma_wait3A_41 : memref<8x128xi32, #tpu.memory_space<hbm>>) dst(%arg10 : memref<8x128xi32, #tpu.memory_space<vmem>>)
    %dma_start3A_42 = arith.constant 0 : i32
    %dma_start3A_43 = arith.constant 0 : i32
    %dma_start3A_44 = tpu.memref_slice %arg8[%dma_start3A_42, %dma_start3A_43] : memref<8x128xi32, #tpu.memory_space<vmem>> -> memref<1x128xi32, #tpu.memory_space<vmem>>
    %dma_start3A_45 = tpu.memref_squeeze %dma_start3A_44 : memref<1x128xi32, #tpu.memory_space<vmem>> -> memref<128xi32, #tpu.memory_space<vmem>>
    %dma_start3A_46 = arith.constant 0 : i32
    %dma_start3A_47 = arith.constant 0 : i32
    %dma_start3A_48 = tpu.memref_slice %arg6[%dma_start3A_46, %dma_start3A_47] : memref<10240x64xf32, #tpu.memory_space<vmem_shared>> -> memref<10240x64xf32, #tpu.memory_space<vmem_shared>>
    tpu.enqueue_indirect_dma source(%dma_start3A_48 : memref<10240x64xf32, #tpu.memory_space<vmem_shared>>) target(%arg12 : memref<128x64xf32, #tpu.memory_space<vmem>>) offsets(%dma_start3A_45 : memref<128xi32, #tpu.memory_space<vmem>>) semaphore(%arg18 : memref<!tpu.dma_semaphore, #tpu.memory_space<semaphore_mem>>)
    %dma_start3A_49 = arith.constant 1 : i32
    %dma_start3A_50 = arith.constant 0 : i32
    %dma_start3A_51 = tpu.memref_slice %arg8[%dma_start3A_49, %dma_start3A_50] : memref<8x128xi32, #tpu.memory_space<vmem>> -> memref<1x128xi32, #tpu.memory_space<vmem>>
    %dma_start3A_52 = tpu.memref_squeeze %dma_start3A_51 : memref<1x128xi32, #tpu.memory_space<vmem>> -> memref<128xi32, #tpu.memory_space<vmem>>
    %dma_start3A_53 = arith.constant 0 : i32
    %dma_start3A_54 = arith.constant 0 : i32
    %dma_start3A_55 = tpu.memref_slice %arg6[%dma_start3A_53, %dma_start3A_54] : memref<10240x64xf32, #tpu.memory_space<vmem_shared>> -> memref<10240x64xf32, #tpu.memory_space<vmem_shared>>
    tpu.enqueue_indirect_dma source(%dma_start3A_55 : memref<10240x64xf32, #tpu.memory_space<vmem_shared>>) target(%arg13 : memref<128x64xf32, #tpu.memory_space<vmem>>) offsets(%dma_start3A_52 : memref<128xi32, #tpu.memory_space<vmem>>) semaphore(%arg19 : memref<!tpu.dma_semaphore, #tpu.memory_space<semaphore_mem>>)
    %dma_start3A_56 = arith.constant 2 : i32
    %dma_start3A_57 = arith.constant 0 : i32
    %dma_start3A_58 = tpu.memref_slice %arg8[%dma_start3A_56, %dma_start3A_57] : memref<8x128xi32, #tpu.memory_space<vmem>> -> memref<1x128xi32, #tpu.memory_space<vmem>>
    %dma_start3A_59 = tpu.memref_squeeze %dma_start3A_58 : memref<1x128xi32, #tpu.memory_space<vmem>> -> memref<128xi32, #tpu.memory_space<vmem>>
    %dma_start3A_60 = arith.constant 0 : i32
    %dma_start3A_61 = arith.constant 0 : i32
    %dma_start3A_62 = tpu.memref_slice %arg6[%dma_start3A_60, %dma_start3A_61] : memref<10240x64xf32, #tpu.memory_space<vmem_shared>> -> memref<10240x64xf32, #tpu.memory_space<vmem_shared>>
    tpu.enqueue_indirect_dma source(%dma_start3A_62 : memref<10240x64xf32, #tpu.memory_space<vmem_shared>>) target(%arg14 : memref<128x64xf32, #tpu.memory_space<vmem>>) offsets(%dma_start3A_59 : memref<128xi32, #tpu.memory_space<vmem>>) semaphore(%arg20 : memref<!tpu.dma_semaphore, #tpu.memory_space<semaphore_mem>>)
    %scan3A_63 = arith.constant 0 : i32
    %scan3A_64 = arith.constant 10 : i32
    %scan3A_65 = arith.addi %scan3A_63, %scan3A_64 : i32
    %scan3A_66 = arith.constant 1 : i32
    scf.for %scan3A_101 = %scan3A_63 to %scan3A_65 step %scan3A_66  : i32 {
      %mul3A_102 = arith.constant 2 : i32
      %mul3A_103 = arith.muli %scan3A_101, %mul3A_102 : i32
      %add3A = arith.constant 0 : i32
      %add3A_104 = arith.addi %add3A, %mul3A_103 : i32
      %add3A_105 = arith.constant 1 : i32
      %add3A_106 = arith.addi %add3A_104, %add3A_105 : i32
      %lt3A = arith.constant 20 : i32
      %lt3A_107 = arith.cmpi slt, %add3A_106, %lt3A : i32
      %convert_element_type3A = arith.extui %lt3A_107 : i1 to i32
      %cond3A = arith.constant 0 : i32
      %cond3A_108 = arith.cmpi ne, %convert_element_type3A, %cond3A : i32
      scf.if %cond3A_108 {
        %add3A_567 = arith.constant 1 : i32
        %add3A_568 = arith.addi %add3A_104, %add3A_567 : i32
        %mul3A_569 = arith.constant 8 : i32
        %mul3A_570 = arith.muli %add3A_568, %mul3A_569 : i32
        %dma_start3A_571 = arith.constant 0 : i32
        %dma_start3A_572 = tpu.memref_slice %arg3[%arg1, %mul3A_570, %dma_start3A_571] : memref<16x160x128xi32, #tpu.memory_space<hbm>> -> memref<1x8x128xi32, #tpu.memory_space<hbm>>
        %dma_start3A_573 = tpu.memref_squeeze %dma_start3A_572 : memref<1x8x128xi32, #tpu.memory_space<hbm>> -> memref<8x128xi32, #tpu.memory_space<hbm>>
        %dma_start3A_574 = arith.constant 0 : i32
        %dma_start3A_575 = tpu.memref_slice %arg3[%arg1, %mul3A_570, %dma_start3A_574] : memref<16x160x128xi32, #tpu.memory_space<hbm>> -> memref<1x8x128xi32, #tpu.memory_space<hbm>>
        %dma_start3A_576 = tpu.memref_squeeze %dma_start3A_575 : memref<1x8x128xi32, #tpu.memory_space<hbm>> -> memref<8x128xi32, #tpu.memory_space<hbm>>
        tpu.enqueue_dma source(%dma_start3A_576 : memref<8x128xi32, #tpu.memory_space<hbm>>) target(%arg9 : memref<8x128xi32, #tpu.memory_space<vmem>>) target_semaphore(%arg17 : memref<!tpu.dma_semaphore, #tpu.memory_space<semaphore_mem>>)
        %add3A_577 = arith.constant 1 : i32
        %add3A_578 = arith.addi %add3A_104, %add3A_577 : i32
        %mul3A_579 = arith.constant 8 : i32
        %mul3A_580 = arith.muli %add3A_578, %mul3A_579 : i32
        %dma_start3A_581 = arith.constant 0 : i32
        %dma_start3A_582 = tpu.memref_slice %arg4[%arg1, %mul3A_580, %dma_start3A_581] : memref<16x160x128xi32, #tpu.memory_space<hbm>> -> memref<1x8x128xi32, #tpu.memory_space<hbm>>
        %dma_start3A_583 = tpu.memref_squeeze %dma_start3A_582 : memref<1x8x128xi32, #tpu.memory_space<hbm>> -> memref<8x128xi32, #tpu.memory_space<hbm>>
        %dma_start3A_584 = arith.constant 0 : i32
        %dma_start3A_585 = tpu.memref_slice %arg4[%arg1, %mul3A_580, %dma_start3A_584] : memref<16x160x128xi32, #tpu.memory_space<hbm>> -> memref<1x8x128xi32, #tpu.memory_space<hbm>>
        %dma_start3A_586 = tpu.memref_squeeze %dma_start3A_585 : memref<1x8x128xi32, #tpu.memory_space<hbm>> -> memref<8x128xi32, #tpu.memory_space<hbm>>
        tpu.enqueue_dma source(%dma_start3A_586 : memref<8x128xi32, #tpu.memory_space<hbm>>) target(%arg11 : memref<8x128xi32, #tpu.memory_space<vmem>>) target_semaphore(%arg17 : memref<!tpu.dma_semaphore, #tpu.memory_space<semaphore_mem>>)
      } else {
      }
      %mul3A_109 = arith.constant 8 : i32
      %mul3A_110 = arith.muli %add3A_104, %mul3A_109 : i32
      %add3A_111 = arith.constant 0 : i32
      %add3A_112 = arith.addi %mul3A_110, %add3A_111 : i32
      %dma_wait3A_113 = arith.constant 0 : i32
      %dma_wait3A_114 = arith.constant 0 : i32
      %dma_wait3A_115 = tpu.memref_slice %arg8[%dma_wait3A_113, %dma_wait3A_114] : memref<8x128xi32, #tpu.memory_space<vmem>> -> memref<1x128xi32, #tpu.memory_space<vmem>>
      %dma_wait3A_116 = tpu.memref_squeeze %dma_wait3A_115 : memref<1x128xi32, #tpu.memory_space<vmem>> -> memref<128xi32, #tpu.memory_space<vmem>>
      %dma_wait3A_117 = arith.constant 0 : i32
      %dma_wait3A_118 = arith.constant 0 : i32
      %dma_wait3A_119 = tpu.memref_slice %arg6[%dma_wait3A_117, %dma_wait3A_118] : memref<10240x64xf32, #tpu.memory_space<vmem_shared>> -> memref<10240x64xf32, #tpu.memory_space<vmem_shared>>
      tpu.wait_indirect_dma semaphore(%arg18 : memref<!tpu.dma_semaphore, #tpu.memory_space<semaphore_mem>>) src(%dma_wait3A_119 : memref<10240x64xf32, #tpu.memory_space<vmem_shared>>) dst(%arg12 : memref<128x64xf32, #tpu.memory_space<vmem>>)
      %dma_start3A_120 = arith.constant 0 : i32
      %dma_start3A_121 = arith.constant 0 : i32
      %dma_start3A_122 = tpu.memref_slice %arg10[%dma_start3A_120, %dma_start3A_121] : memref<8x128xi32, #tpu.memory_space<vmem>> -> memref<1x128xi32, #tpu.memory_space<vmem>>
      %dma_start3A_123 = tpu.memref_squeeze %dma_start3A_122 : memref<1x128xi32, #tpu.memory_space<vmem>> -> memref<128xi32, #tpu.memory_space<vmem>>
      %dma_start3A_124 = arith.constant 0 : i32
      %dma_start3A_125 = arith.constant 0 : i32
      %dma_start3A_126 = tpu.memref_slice %arg7[%dma_start3A_124, %dma_start3A_125] : memref<10240x64xf32, #tpu.memory_space<vmem_shared>> -> memref<10240x64xf32, #tpu.memory_space<vmem_shared>>
      tpu.enqueue_indirect_dma source(%arg12 : memref<128x64xf32, #tpu.memory_space<vmem>>) target(%dma_start3A_126 : memref<10240x64xf32, #tpu.memory_space<vmem_shared>>) offsets(%dma_start3A_123 : memref<128xi32, #tpu.memory_space<vmem>>) semaphore(%arg22 : memref<!tpu.dma_semaphore, #tpu.memory_space<semaphore_mem>>) {add = true}
      %ge3A = arith.constant 1 : i32
      %ge3A_127 = arith.cmpi sge, %add3A_112, %ge3A : i32
      %convert_element_type3A_128 = arith.extui %ge3A_127 : i1 to i32
      %cond3A_129 = arith.constant 0 : i32
      %cond3A_130 = arith.cmpi ne, %convert_element_type3A_128, %cond3A_129 : i32
      scf.if %cond3A_130 {
        %dma_wait3A_567 = arith.constant 0 : i32
        %dma_wait3A_568 = arith.constant 0 : i32
        %dma_wait3A_569 = tpu.memref_slice %arg10[%dma_wait3A_567, %dma_wait3A_568] : memref<8x128xi32, #tpu.memory_space<vmem>> -> memref<1x128xi32, #tpu.memory_space<vmem>>
        %dma_wait3A_570 = tpu.memref_squeeze %dma_wait3A_569 : memref<1x128xi32, #tpu.memory_space<vmem>> -> memref<128xi32, #tpu.memory_space<vmem>>
        %dma_wait3A_571 = arith.constant 0 : i32
        %dma_wait3A_572 = arith.constant 0 : i32
        %dma_wait3A_573 = tpu.memref_slice %arg7[%dma_wait3A_571, %dma_wait3A_572] : memref<10240x64xf32, #tpu.memory_space<vmem_shared>> -> memref<10240x64xf32, #tpu.memory_space<vmem_shared>>
        tpu.wait_indirect_dma semaphore(%arg25 : memref<!tpu.dma_semaphore, #tpu.memory_space<semaphore_mem>>) src(%arg15 : memref<128x64xf32, #tpu.memory_space<vmem>>) dst(%dma_wait3A_573 : memref<10240x64xf32, #tpu.memory_space<vmem_shared>>)
      } else {
      }
      %dma_start3A_131 = arith.constant 3 : i32
      %dma_start3A_132 = arith.constant 0 : i32
      %dma_start3A_133 = tpu.memref_slice %arg8[%dma_start3A_131, %dma_start3A_132] : memref<8x128xi32, #tpu.memory_space<vmem>> -> memref<1x128xi32, #tpu.memory_space<vmem>>
      %dma_start3A_134 = tpu.memref_squeeze %dma_start3A_133 : memref<1x128xi32, #tpu.memory_space<vmem>> -> memref<128xi32, #tpu.memory_space<vmem>>
      %dma_start3A_135 = arith.constant 0 : i32
      %dma_start3A_136 = arith.constant 0 : i32
      %dma_start3A_137 = tpu.memref_slice %arg6[%dma_start3A_135, %dma_start3A_136] : memref<10240x64xf32, #tpu.memory_space<vmem_shared>> -> memref<10240x64xf32, #tpu.memory_space<vmem_shared>>
      tpu.enqueue_indirect_dma source(%dma_start3A_137 : memref<10240x64xf32, #tpu.memory_space<vmem_shared>>) target(%arg15 : memref<128x64xf32, #tpu.memory_space<vmem>>) offsets(%dma_start3A_134 : memref<128xi32, #tpu.memory_space<vmem>>) semaphore(%arg21 : memref<!tpu.dma_semaphore, #tpu.memory_space<semaphore_mem>>)
      %mul3A_138 = arith.constant 8 : i32
      %mul3A_139 = arith.muli %add3A_104, %mul3A_138 : i32
      %add3A_140 = arith.constant 1 : i32
      %add3A_141 = arith.addi %mul3A_139, %add3A_140 : i32
      %dma_wait3A_142 = arith.constant 1 : i32
      %dma_wait3A_143 = arith.constant 0 : i32
      %dma_wait3A_144 = tpu.memref_slice %arg8[%dma_wait3A_142, %dma_wait3A_143] : memref<8x128xi32, #tpu.memory_space<vmem>> -> memref<1x128xi32, #tpu.memory_space<vmem>>
      %dma_wait3A_145 = tpu.memref_squeeze %dma_wait3A_144 : memref<1x128xi32, #tpu.memory_space<vmem>> -> memref<128xi32, #tpu.memory_space<vmem>>
      %dma_wait3A_146 = arith.constant 0 : i32
      %dma_wait3A_147 = arith.constant 0 : i32
      %dma_wait3A_148 = tpu.memref_slice %arg6[%dma_wait3A_146, %dma_wait3A_147] : memref<10240x64xf32, #tpu.memory_space<vmem_shared>> -> memref<10240x64xf32, #tpu.memory_space<vmem_shared>>
      tpu.wait_indirect_dma semaphore(%arg19 : memref<!tpu.dma_semaphore, #tpu.memory_space<semaphore_mem>>) src(%dma_wait3A_148 : memref<10240x64xf32, #tpu.memory_space<vmem_shared>>) dst(%arg13 : memref<128x64xf32, #tpu.memory_space<vmem>>)
      %dma_start3A_149 = arith.constant 1 : i32
      %dma_start3A_150 = arith.constant 0 : i32
      %dma_start3A_151 = tpu.memref_slice %arg10[%dma_start3A_149, %dma_start3A_150] : memref<8x128xi32, #tpu.memory_space<vmem>> -> memref<1x128xi32, #tpu.memory_space<vmem>>
      %dma_start3A_152 = tpu.memref_squeeze %dma_start3A_151 : memref<1x128xi32, #tpu.memory_space<vmem>> -> memref<128xi32, #tpu.memory_space<vmem>>
      %dma_start3A_153 = arith.constant 0 : i32
      %dma_start3A_154 = arith.constant 0 : i32
      %dma_start3A_155 = tpu.memref_slice %arg7[%dma_start3A_153, %dma_start3A_154] : memref<10240x64xf32, #tpu.memory_space<vmem_shared>> -> memref<10240x64xf32, #tpu.memory_space<vmem_shared>>
      tpu.enqueue_indirect_dma source(%arg13 : memref<128x64xf32, #tpu.memory_space<vmem>>) target(%dma_start3A_155 : memref<10240x64xf32, #tpu.memory_space<vmem_shared>>) offsets(%dma_start3A_152 : memref<128xi32, #tpu.memory_space<vmem>>) semaphore(%arg23 : memref<!tpu.dma_semaphore, #tpu.memory_space<semaphore_mem>>) {add = true}
      %ge3A_156 = arith.constant 1 : i32
      %ge3A_157 = arith.cmpi sge, %add3A_141, %ge3A_156 : i32
      %convert_element_type3A_158 = arith.extui %ge3A_157 : i1 to i32
      %cond3A_159 = arith.constant 0 : i32
      %cond3A_160 = arith.cmpi ne, %convert_element_type3A_158, %cond3A_159 : i32
      scf.if %cond3A_160 {
        %dma_wait3A_567 = arith.constant 1 : i32
        %dma_wait3A_568 = arith.constant 0 : i32
        %dma_wait3A_569 = tpu.memref_slice %arg10[%dma_wait3A_567, %dma_wait3A_568] : memref<8x128xi32, #tpu.memory_space<vmem>> -> memref<1x128xi32, #tpu.memory_space<vmem>>
        %dma_wait3A_570 = tpu.memref_squeeze %dma_wait3A_569 : memref<1x128xi32, #tpu.memory_space<vmem>> -> memref<128xi32, #tpu.memory_space<vmem>>
        %dma_wait3A_571 = arith.constant 0 : i32
        %dma_wait3A_572 = arith.constant 0 : i32
        %dma_wait3A_573 = tpu.memref_slice %arg7[%dma_wait3A_571, %dma_wait3A_572] : memref<10240x64xf32, #tpu.memory_space<vmem_shared>> -> memref<10240x64xf32, #tpu.memory_space<vmem_shared>>
        tpu.wait_indirect_dma semaphore(%arg22 : memref<!tpu.dma_semaphore, #tpu.memory_space<semaphore_mem>>) src(%arg12 : memref<128x64xf32, #tpu.memory_space<vmem>>) dst(%dma_wait3A_573 : memref<10240x64xf32, #tpu.memory_space<vmem_shared>>)
      } else {
      }
      %dma_start3A_161 = arith.constant 4 : i32
      %dma_start3A_162 = arith.constant 0 : i32
      %dma_start3A_163 = tpu.memref_slice %arg8[%dma_start3A_161, %dma_start3A_162] : memref<8x128xi32, #tpu.memory_space<vmem>> -> memref<1x128xi32, #tpu.memory_space<vmem>>
      %dma_start3A_164 = tpu.memref_squeeze %dma_start3A_163 : memref<1x128xi32, #tpu.memory_space<vmem>> -> memref<128xi32, #tpu.memory_space<vmem>>
      %dma_start3A_165 = arith.constant 0 : i32
      %dma_start3A_166 = arith.constant 0 : i32
      %dma_start3A_167 = tpu.memref_slice %arg6[%dma_start3A_165, %dma_start3A_166] : memref<10240x64xf32, #tpu.memory_space<vmem_shared>> -> memref<10240x64xf32, #tpu.memory_space<vmem_shared>>
      tpu.enqueue_indirect_dma source(%dma_start3A_167 : memref<10240x64xf32, #tpu.memory_space<vmem_shared>>) target(%arg12 : memref<128x64xf32, #tpu.memory_space<vmem>>) offsets(%dma_start3A_164 : memref<128xi32, #tpu.memory_space<vmem>>) semaphore(%arg18 : memref<!tpu.dma_semaphore, #tpu.memory_space<semaphore_mem>>)
      %mul3A_168 = arith.constant 8 : i32
      %mul3A_169 = arith.muli %add3A_104, %mul3A_168 : i32
      %add3A_170 = arith.constant 2 : i32
      %add3A_171 = arith.addi %mul3A_169, %add3A_170 : i32
      %dma_wait3A_172 = arith.constant 2 : i32
      %dma_wait3A_173 = arith.constant 0 : i32
      %dma_wait3A_174 = tpu.memref_slice %arg8[%dma_wait3A_172, %dma_wait3A_173] : memref<8x128xi32, #tpu.memory_space<vmem>> -> memref<1x128xi32, #tpu.memory_space<vmem>>
      %dma_wait3A_175 = tpu.memref_squeeze %dma_wait3A_174 : memref<1x128xi32, #tpu.memory_space<vmem>> -> memref<128xi32, #tpu.memory_space<vmem>>
      %dma_wait3A_176 = arith.constant 0 : i32
      %dma_wait3A_177 = arith.constant 0 : i32
      %dma_wait3A_178 = tpu.memref_slice %arg6[%dma_wait3A_176, %dma_wait3A_177] : memref<10240x64xf32, #tpu.memory_space<vmem_shared>> -> memref<10240x64xf32, #tpu.memory_space<vmem_shared>>
      tpu.wait_indirect_dma semaphore(%arg20 : memref<!tpu.dma_semaphore, #tpu.memory_space<semaphore_mem>>) src(%dma_wait3A_178 : memref<10240x64xf32, #tpu.memory_space<vmem_shared>>) dst(%arg14 : memref<128x64xf32, #tpu.memory_space<vmem>>)
      %dma_start3A_179 = arith.constant 2 : i32
      %dma_start3A_180 = arith.constant 0 : i32
      %dma_start3A_181 = tpu.memref_slice %arg10[%dma_start3A_179, %dma_start3A_180] : memref<8x128xi32, #tpu.memory_space<vmem>> -> memref<1x128xi32, #tpu.memory_space<vmem>>
      %dma_start3A_182 = tpu.memref_squeeze %dma_start3A_181 : memref<1x128xi32, #tpu.memory_space<vmem>> -> memref<128xi32, #tpu.memory_space<vmem>>
      %dma_start3A_183 = arith.constant 0 : i32
      %dma_start3A_184 = arith.constant 0 : i32
      %dma_start3A_185 = tpu.memref_slice %arg7[%dma_start3A_183, %dma_start3A_184] : memref<10240x64xf32, #tpu.memory_space<vmem_shared>> -> memref<10240x64xf32, #tpu.memory_space<vmem_shared>>
      tpu.enqueue_indirect_dma source(%arg14 : memref<128x64xf32, #tpu.memory_space<vmem>>) target(%dma_start3A_185 : memref<10240x64xf32, #tpu.memory_space<vmem_shared>>) offsets(%dma_start3A_182 : memref<128xi32, #tpu.memory_space<vmem>>) semaphore(%arg24 : memref<!tpu.dma_semaphore, #tpu.memory_space<semaphore_mem>>) {add = true}
      %ge3A_186 = arith.constant 1 : i32
      %ge3A_187 = arith.cmpi sge, %add3A_171, %ge3A_186 : i32
      %convert_element_type3A_188 = arith.extui %ge3A_187 : i1 to i32
      %cond3A_189 = arith.constant 0 : i32
      %cond3A_190 = arith.cmpi ne, %convert_element_type3A_188, %cond3A_189 : i32
      scf.if %cond3A_190 {
        %dma_wait3A_567 = arith.constant 2 : i32
        %dma_wait3A_568 = arith.constant 0 : i32
        %dma_wait3A_569 = tpu.memref_slice %arg10[%dma_wait3A_567, %dma_wait3A_568] : memref<8x128xi32, #tpu.memory_space<vmem>> -> memref<1x128xi32, #tpu.memory_space<vmem>>
        %dma_wait3A_570 = tpu.memref_squeeze %dma_wait3A_569 : memref<1x128xi32, #tpu.memory_space<vmem>> -> memref<128xi32, #tpu.memory_space<vmem>>
        %dma_wait3A_571 = arith.constant 0 : i32
        %dma_wait3A_572 = arith.constant 0 : i32
        %dma_wait3A_573 = tpu.memref_slice %arg7[%dma_wait3A_571, %dma_wait3A_572] : memref<10240x64xf32, #tpu.memory_space<vmem_shared>> -> memref<10240x64xf32, #tpu.memory_space<vmem_shared>>
        tpu.wait_indirect_dma semaphore(%arg23 : memref<!tpu.dma_semaphore, #tpu.memory_space<semaphore_mem>>) src(%arg13 : memref<128x64xf32, #tpu.memory_space<vmem>>) dst(%dma_wait3A_573 : memref<10240x64xf32, #tpu.memory_space<vmem_shared>>)
      } else {
      }
      %dma_start3A_191 = arith.constant 5 : i32
      %dma_start3A_192 = arith.constant 0 : i32
      %dma_start3A_193 = tpu.memref_slice %arg8[%dma_start3A_191, %dma_start3A_192] : memref<8x128xi32, #tpu.memory_space<vmem>> -> memref<1x128xi32, #tpu.memory_space<vmem>>
      %dma_start3A_194 = tpu.memref_squeeze %dma_start3A_193 : memref<1x128xi32, #tpu.memory_space<vmem>> -> memref<128xi32, #tpu.memory_space<vmem>>
      %dma_start3A_195 = arith.constant 0 : i32
      %dma_start3A_196 = arith.constant 0 : i32
      %dma_start3A_197 = tpu.memref_slice %arg6[%dma_start3A_195, %dma_start3A_196] : memref<10240x64xf32, #tpu.memory_space<vmem_shared>> -> memref<10240x64xf32, #tpu.memory_space<vmem_shared>>
      tpu.enqueue_indirect_dma source(%dma_start3A_197 : memref<10240x64xf32, #tpu.memory_space<vmem_shared>>) target(%arg13 : memref<128x64xf32, #tpu.memory_space<vmem>>) offsets(%dma_start3A_194 : memref<128xi32, #tpu.memory_space<vmem>>) semaphore(%arg19 : memref<!tpu.dma_semaphore, #tpu.memory_space<semaphore_mem>>)
      %mul3A_198 = arith.constant 8 : i32
      %mul3A_199 = arith.muli %add3A_104, %mul3A_198 : i32
      %add3A_200 = arith.constant 3 : i32
      %add3A_201 = arith.addi %mul3A_199, %add3A_200 : i32
      %dma_wait3A_202 = arith.constant 3 : i32
      %dma_wait3A_203 = arith.constant 0 : i32
      %dma_wait3A_204 = tpu.memref_slice %arg8[%dma_wait3A_202, %dma_wait3A_203] : memref<8x128xi32, #tpu.memory_space<vmem>> -> memref<1x128xi32, #tpu.memory_space<vmem>>
      %dma_wait3A_205 = tpu.memref_squeeze %dma_wait3A_204 : memref<1x128xi32, #tpu.memory_space<vmem>> -> memref<128xi32, #tpu.memory_space<vmem>>
      %dma_wait3A_206 = arith.constant 0 : i32
      %dma_wait3A_207 = arith.constant 0 : i32
      %dma_wait3A_208 = tpu.memref_slice %arg6[%dma_wait3A_206, %dma_wait3A_207] : memref<10240x64xf32, #tpu.memory_space<vmem_shared>> -> memref<10240x64xf32, #tpu.memory_space<vmem_shared>>
      tpu.wait_indirect_dma semaphore(%arg21 : memref<!tpu.dma_semaphore, #tpu.memory_space<semaphore_mem>>) src(%dma_wait3A_208 : memref<10240x64xf32, #tpu.memory_space<vmem_shared>>) dst(%arg15 : memref<128x64xf32, #tpu.memory_space<vmem>>)
      %dma_start3A_209 = arith.constant 3 : i32
      %dma_start3A_210 = arith.constant 0 : i32
      %dma_start3A_211 = tpu.memref_slice %arg10[%dma_start3A_209, %dma_start3A_210] : memref<8x128xi32, #tpu.memory_space<vmem>> -> memref<1x128xi32, #tpu.memory_space<vmem>>
      %dma_start3A_212 = tpu.memref_squeeze %dma_start3A_211 : memref<1x128xi32, #tpu.memory_space<vmem>> -> memref<128xi32, #tpu.memory_space<vmem>>
      %dma_start3A_213 = arith.constant 0 : i32
      %dma_start3A_214 = arith.constant 0 : i32
      %dma_start3A_215 = tpu.memref_slice %arg7[%dma_start3A_213, %dma_start3A_214] : memref<10240x64xf32, #tpu.memory_space<vmem_shared>> -> memref<10240x64xf32, #tpu.memory_space<vmem_shared>>
      tpu.enqueue_indirect_dma source(%arg15 : memref<128x64xf32, #tpu.memory_space<vmem>>) target(%dma_start3A_215 : memref<10240x64xf32, #tpu.memory_space<vmem_shared>>) offsets(%dma_start3A_212 : memref<128xi32, #tpu.memory_space<vmem>>) semaphore(%arg25 : memref<!tpu.dma_semaphore, #tpu.memory_space<semaphore_mem>>) {add = true}
      %ge3A_216 = arith.constant 1 : i32
      %ge3A_217 = arith.cmpi sge, %add3A_201, %ge3A_216 : i32
      %convert_element_type3A_218 = arith.extui %ge3A_217 : i1 to i32
      %cond3A_219 = arith.constant 0 : i32
      %cond3A_220 = arith.cmpi ne, %convert_element_type3A_218, %cond3A_219 : i32
      scf.if %cond3A_220 {
        %dma_wait3A_567 = arith.constant 3 : i32
        %dma_wait3A_568 = arith.constant 0 : i32
        %dma_wait3A_569 = tpu.memref_slice %arg10[%dma_wait3A_567, %dma_wait3A_568] : memref<8x128xi32, #tpu.memory_space<vmem>> -> memref<1x128xi32, #tpu.memory_space<vmem>>
        %dma_wait3A_570 = tpu.memref_squeeze %dma_wait3A_569 : memref<1x128xi32, #tpu.memory_space<vmem>> -> memref<128xi32, #tpu.memory_space<vmem>>
        %dma_wait3A_571 = arith.constant 0 : i32
        %dma_wait3A_572 = arith.constant 0 : i32
        %dma_wait3A_573 = tpu.memref_slice %arg7[%dma_wait3A_571, %dma_wait3A_572] : memref<10240x64xf32, #tpu.memory_space<vmem_shared>> -> memref<10240x64xf32, #tpu.memory_space<vmem_shared>>
        tpu.wait_indirect_dma semaphore(%arg24 : memref<!tpu.dma_semaphore, #tpu.memory_space<semaphore_mem>>) src(%arg14 : memref<128x64xf32, #tpu.memory_space<vmem>>) dst(%dma_wait3A_573 : memref<10240x64xf32, #tpu.memory_space<vmem_shared>>)
      } else {
      }
      %dma_start3A_221 = arith.constant 6 : i32
      %dma_start3A_222 = arith.constant 0 : i32
      %dma_start3A_223 = tpu.memref_slice %arg8[%dma_start3A_221, %dma_start3A_222] : memref<8x128xi32, #tpu.memory_space<vmem>> -> memref<1x128xi32, #tpu.memory_space<vmem>>
      %dma_start3A_224 = tpu.memref_squeeze %dma_start3A_223 : memref<1x128xi32, #tpu.memory_space<vmem>> -> memref<128xi32, #tpu.memory_space<vmem>>
      %dma_start3A_225 = arith.constant 0 : i32
      %dma_start3A_226 = arith.constant 0 : i32
      %dma_start3A_227 = tpu.memref_slice %arg6[%dma_start3A_225, %dma_start3A_226] : memref<10240x64xf32, #tpu.memory_space<vmem_shared>> -> memref<10240x64xf32, #tpu.memory_space<vmem_shared>>
      tpu.enqueue_indirect_dma source(%dma_start3A_227 : memref<10240x64xf32, #tpu.memory_space<vmem_shared>>) target(%arg14 : memref<128x64xf32, #tpu.memory_space<vmem>>) offsets(%dma_start3A_224 : memref<128xi32, #tpu.memory_space<vmem>>) semaphore(%arg20 : memref<!tpu.dma_semaphore, #tpu.memory_space<semaphore_mem>>)
      %mul3A_228 = arith.constant 8 : i32
      %mul3A_229 = arith.muli %add3A_104, %mul3A_228 : i32
      %add3A_230 = arith.constant 4 : i32
      %add3A_231 = arith.addi %mul3A_229, %add3A_230 : i32
      %dma_wait3A_232 = arith.constant 4 : i32
      %dma_wait3A_233 = arith.constant 0 : i32
      %dma_wait3A_234 = tpu.memref_slice %arg8[%dma_wait3A_232, %dma_wait3A_233] : memref<8x128xi32, #tpu.memory_space<vmem>> -> memref<1x128xi32, #tpu.memory_space<vmem>>
      %dma_wait3A_235 = tpu.memref_squeeze %dma_wait3A_234 : memref<1x128xi32, #tpu.memory_space<vmem>> -> memref<128xi32, #tpu.memory_space<vmem>>
      %dma_wait3A_236 = arith.constant 0 : i32
      %dma_wait3A_237 = arith.constant 0 : i32
      %dma_wait3A_238 = tpu.memref_slice %arg6[%dma_wait3A_236, %dma_wait3A_237] : memref<10240x64xf32, #tpu.memory_space<vmem_shared>> -> memref<10240x64xf32, #tpu.memory_space<vmem_shared>>
      tpu.wait_indirect_dma semaphore(%arg18 : memref<!tpu.dma_semaphore, #tpu.memory_space<semaphore_mem>>) src(%dma_wait3A_238 : memref<10240x64xf32, #tpu.memory_space<vmem_shared>>) dst(%arg12 : memref<128x64xf32, #tpu.memory_space<vmem>>)
      %dma_start3A_239 = arith.constant 4 : i32
      %dma_start3A_240 = arith.constant 0 : i32
      %dma_start3A_241 = tpu.memref_slice %arg10[%dma_start3A_239, %dma_start3A_240] : memref<8x128xi32, #tpu.memory_space<vmem>> -> memref<1x128xi32, #tpu.memory_space<vmem>>
      %dma_start3A_242 = tpu.memref_squeeze %dma_start3A_241 : memref<1x128xi32, #tpu.memory_space<vmem>> -> memref<128xi32, #tpu.memory_space<vmem>>
      %dma_start3A_243 = arith.constant 0 : i32
      %dma_start3A_244 = arith.constant 0 : i32
      %dma_start3A_245 = tpu.memref_slice %arg7[%dma_start3A_243, %dma_start3A_244] : memref<10240x64xf32, #tpu.memory_space<vmem_shared>> -> memref<10240x64xf32, #tpu.memory_space<vmem_shared>>
      tpu.enqueue_indirect_dma source(%arg12 : memref<128x64xf32, #tpu.memory_space<vmem>>) target(%dma_start3A_245 : memref<10240x64xf32, #tpu.memory_space<vmem_shared>>) offsets(%dma_start3A_242 : memref<128xi32, #tpu.memory_space<vmem>>) semaphore(%arg22 : memref<!tpu.dma_semaphore, #tpu.memory_space<semaphore_mem>>) {add = true}
      %ge3A_246 = arith.constant 1 : i32
      %ge3A_247 = arith.cmpi sge, %add3A_231, %ge3A_246 : i32
      %convert_element_type3A_248 = arith.extui %ge3A_247 : i1 to i32
      %cond3A_249 = arith.constant 0 : i32
      %cond3A_250 = arith.cmpi ne, %convert_element_type3A_248, %cond3A_249 : i32
      scf.if %cond3A_250 {
        %dma_wait3A_567 = arith.constant 4 : i32
        %dma_wait3A_568 = arith.constant 0 : i32
        %dma_wait3A_569 = tpu.memref_slice %arg10[%dma_wait3A_567, %dma_wait3A_568] : memref<8x128xi32, #tpu.memory_space<vmem>> -> memref<1x128xi32, #tpu.memory_space<vmem>>
        %dma_wait3A_570 = tpu.memref_squeeze %dma_wait3A_569 : memref<1x128xi32, #tpu.memory_space<vmem>> -> memref<128xi32, #tpu.memory_space<vmem>>
        %dma_wait3A_571 = arith.constant 0 : i32
        %dma_wait3A_572 = arith.constant 0 : i32
        %dma_wait3A_573 = tpu.memref_slice %arg7[%dma_wait3A_571, %dma_wait3A_572] : memref<10240x64xf32, #tpu.memory_space<vmem_shared>> -> memref<10240x64xf32, #tpu.memory_space<vmem_shared>>
        tpu.wait_indirect_dma semaphore(%arg25 : memref<!tpu.dma_semaphore, #tpu.memory_space<semaphore_mem>>) src(%arg15 : memref<128x64xf32, #tpu.memory_space<vmem>>) dst(%dma_wait3A_573 : memref<10240x64xf32, #tpu.memory_space<vmem_shared>>)
      } else {
      }
      %dma_start3A_251 = arith.constant 7 : i32
      %dma_start3A_252 = arith.constant 0 : i32
      %dma_start3A_253 = tpu.memref_slice %arg8[%dma_start3A_251, %dma_start3A_252] : memref<8x128xi32, #tpu.memory_space<vmem>> -> memref<1x128xi32, #tpu.memory_space<vmem>>
      %dma_start3A_254 = tpu.memref_squeeze %dma_start3A_253 : memref<1x128xi32, #tpu.memory_space<vmem>> -> memref<128xi32, #tpu.memory_space<vmem>>
      %dma_start3A_255 = arith.constant 0 : i32
      %dma_start3A_256 = arith.constant 0 : i32
      %dma_start3A_257 = tpu.memref_slice %arg6[%dma_start3A_255, %dma_start3A_256] : memref<10240x64xf32, #tpu.memory_space<vmem_shared>> -> memref<10240x64xf32, #tpu.memory_space<vmem_shared>>
      tpu.enqueue_indirect_dma source(%dma_start3A_257 : memref<10240x64xf32, #tpu.memory_space<vmem_shared>>) target(%arg15 : memref<128x64xf32, #tpu.memory_space<vmem>>) offsets(%dma_start3A_254 : memref<128xi32, #tpu.memory_space<vmem>>) semaphore(%arg21 : memref<!tpu.dma_semaphore, #tpu.memory_space<semaphore_mem>>)
      %mul3A_258 = arith.constant 8 : i32
      %mul3A_259 = arith.muli %add3A_104, %mul3A_258 : i32
      %add3A_260 = arith.constant 5 : i32
      %add3A_261 = arith.addi %mul3A_259, %add3A_260 : i32
      %dma_wait3A_262 = arith.constant 5 : i32
      %dma_wait3A_263 = arith.constant 0 : i32
      %dma_wait3A_264 = tpu.memref_slice %arg8[%dma_wait3A_262, %dma_wait3A_263] : memref<8x128xi32, #tpu.memory_space<vmem>> -> memref<1x128xi32, #tpu.memory_space<vmem>>
      %dma_wait3A_265 = tpu.memref_squeeze %dma_wait3A_264 : memref<1x128xi32, #tpu.memory_space<vmem>> -> memref<128xi32, #tpu.memory_space<vmem>>
      %dma_wait3A_266 = arith.constant 0 : i32
      %dma_wait3A_267 = arith.constant 0 : i32
      %dma_wait3A_268 = tpu.memref_slice %arg6[%dma_wait3A_266, %dma_wait3A_267] : memref<10240x64xf32, #tpu.memory_space<vmem_shared>> -> memref<10240x64xf32, #tpu.memory_space<vmem_shared>>
      tpu.wait_indirect_dma semaphore(%arg19 : memref<!tpu.dma_semaphore, #tpu.memory_space<semaphore_mem>>) src(%dma_wait3A_268 : memref<10240x64xf32, #tpu.memory_space<vmem_shared>>) dst(%arg13 : memref<128x64xf32, #tpu.memory_space<vmem>>)
      %dma_start3A_269 = arith.constant 5 : i32
      %dma_start3A_270 = arith.constant 0 : i32
      %dma_start3A_271 = tpu.memref_slice %arg10[%dma_start3A_269, %dma_start3A_270] : memref<8x128xi32, #tpu.memory_space<vmem>> -> memref<1x128xi32, #tpu.memory_space<vmem>>
      %dma_start3A_272 = tpu.memref_squeeze %dma_start3A_271 : memref<1x128xi32, #tpu.memory_space<vmem>> -> memref<128xi32, #tpu.memory_space<vmem>>
      %dma_start3A_273 = arith.constant 0 : i32
      %dma_start3A_274 = arith.constant 0 : i32
      %dma_start3A_275 = tpu.memref_slice %arg7[%dma_start3A_273, %dma_start3A_274] : memref<10240x64xf32, #tpu.memory_space<vmem_shared>> -> memref<10240x64xf32, #tpu.memory_space<vmem_shared>>
      tpu.enqueue_indirect_dma source(%arg13 : memref<128x64xf32, #tpu.memory_space<vmem>>) target(%dma_start3A_275 : memref<10240x64xf32, #tpu.memory_space<vmem_shared>>) offsets(%dma_start3A_272 : memref<128xi32, #tpu.memory_space<vmem>>) semaphore(%arg23 : memref<!tpu.dma_semaphore, #tpu.memory_space<semaphore_mem>>) {add = true}
      %add3A_276 = arith.constant 1 : i32
      %add3A_277 = arith.addi %add3A_104, %add3A_276 : i32
      %lt3A_278 = arith.constant 20 : i32
      %lt3A_279 = arith.cmpi slt, %add3A_277, %lt3A_278 : i32
      %convert_element_type3A_280 = arith.extui %lt3A_279 : i1 to i32
      %cond3A_281 = arith.constant 0 : i32
      %cond3A_282 = arith.cmpi ne, %convert_element_type3A_280, %cond3A_281 : i32
      scf.if %cond3A_282 {
        %dma_wait3A_567 = arith.constant 0 : i32
        %dma_wait3A_568 = arith.constant 0 : i32
        %dma_wait3A_569 = tpu.memref_slice %arg3[%arg1, %dma_wait3A_567, %dma_wait3A_568] : memref<16x160x128xi32, #tpu.memory_space<hbm>> -> memref<1x8x128xi32, #tpu.memory_space<hbm>>
        %dma_wait3A_570 = tpu.memref_squeeze %dma_wait3A_569 : memref<1x8x128xi32, #tpu.memory_space<hbm>> -> memref<8x128xi32, #tpu.memory_space<hbm>>
        %dma_wait3A_571 = arith.constant 0 : i32
        %dma_wait3A_572 = arith.constant 0 : i32
        %dma_wait3A_573 = tpu.memref_slice %arg3[%arg1, %dma_wait3A_571, %dma_wait3A_572] : memref<16x160x128xi32, #tpu.memory_space<hbm>> -> memref<1x8x128xi32, #tpu.memory_space<hbm>>
        %dma_wait3A_574 = tpu.memref_squeeze %dma_wait3A_573 : memref<1x8x128xi32, #tpu.memory_space<hbm>> -> memref<8x128xi32, #tpu.memory_space<hbm>>
        tpu.wait_dma2 semaphore(%arg17 : memref<!tpu.dma_semaphore, #tpu.memory_space<semaphore_mem>>) src(%dma_wait3A_574 : memref<8x128xi32, #tpu.memory_space<hbm>>) dst(%arg9 : memref<8x128xi32, #tpu.memory_space<vmem>>)
        %dma_wait3A_575 = arith.constant 0 : i32
        %dma_wait3A_576 = arith.constant 0 : i32
        %dma_wait3A_577 = tpu.memref_slice %arg4[%arg1, %dma_wait3A_575, %dma_wait3A_576] : memref<16x160x128xi32, #tpu.memory_space<hbm>> -> memref<1x8x128xi32, #tpu.memory_space<hbm>>
        %dma_wait3A_578 = tpu.memref_squeeze %dma_wait3A_577 : memref<1x8x128xi32, #tpu.memory_space<hbm>> -> memref<8x128xi32, #tpu.memory_space<hbm>>
        %dma_wait3A_579 = arith.constant 0 : i32
        %dma_wait3A_580 = arith.constant 0 : i32
        %dma_wait3A_581 = tpu.memref_slice %arg4[%arg1, %dma_wait3A_579, %dma_wait3A_580] : memref<16x160x128xi32, #tpu.memory_space<hbm>> -> memref<1x8x128xi32, #tpu.memory_space<hbm>>
        %dma_wait3A_582 = tpu.memref_squeeze %dma_wait3A_581 : memref<1x8x128xi32, #tpu.memory_space<hbm>> -> memref<8x128xi32, #tpu.memory_space<hbm>>
        tpu.wait_dma2 semaphore(%arg17 : memref<!tpu.dma_semaphore, #tpu.memory_space<semaphore_mem>>) src(%dma_wait3A_582 : memref<8x128xi32, #tpu.memory_space<hbm>>) dst(%arg11 : memref<8x128xi32, #tpu.memory_space<vmem>>)
        %dma_wait3A_583 = arith.constant 5 : i32
        %dma_wait3A_584 = arith.constant 0 : i32
        %dma_wait3A_585 = tpu.memref_slice %arg10[%dma_wait3A_583, %dma_wait3A_584] : memref<8x128xi32, #tpu.memory_space<vmem>> -> memref<1x128xi32, #tpu.memory_space<vmem>>
        %dma_wait3A_586 = tpu.memref_squeeze %dma_wait3A_585 : memref<1x128xi32, #tpu.memory_space<vmem>> -> memref<128xi32, #tpu.memory_space<vmem>>
        %dma_wait3A_587 = arith.constant 0 : i32
        %dma_wait3A_588 = arith.constant 0 : i32
        %dma_wait3A_589 = tpu.memref_slice %arg7[%dma_wait3A_587, %dma_wait3A_588] : memref<10240x64xf32, #tpu.memory_space<vmem_shared>> -> memref<10240x64xf32, #tpu.memory_space<vmem_shared>>
        tpu.wait_indirect_dma semaphore(%arg22 : memref<!tpu.dma_semaphore, #tpu.memory_space<semaphore_mem>>) src(%arg12 : memref<128x64xf32, #tpu.memory_space<vmem>>) dst(%dma_wait3A_589 : memref<10240x64xf32, #tpu.memory_space<vmem_shared>>)
        %dma_start3A_590 = arith.constant 0 : i32
        %dma_start3A_591 = arith.constant 0 : i32
        %dma_start3A_592 = tpu.memref_slice %arg9[%dma_start3A_590, %dma_start3A_591] : memref<8x128xi32, #tpu.memory_space<vmem>> -> memref<1x128xi32, #tpu.memory_space<vmem>>
        %dma_start3A_593 = tpu.memref_squeeze %dma_start3A_592 : memref<1x128xi32, #tpu.memory_space<vmem>> -> memref<128xi32, #tpu.memory_space<vmem>>
        %dma_start3A_594 = arith.constant 0 : i32
        %dma_start3A_595 = arith.constant 0 : i32
        %dma_start3A_596 = tpu.memref_slice %arg6[%dma_start3A_594, %dma_start3A_595] : memref<10240x64xf32, #tpu.memory_space<vmem_shared>> -> memref<10240x64xf32, #tpu.memory_space<vmem_shared>>
        tpu.enqueue_indirect_dma source(%dma_start3A_596 : memref<10240x64xf32, #tpu.memory_space<vmem_shared>>) target(%arg12 : memref<128x64xf32, #tpu.memory_space<vmem>>) offsets(%dma_start3A_593 : memref<128xi32, #tpu.memory_space<vmem>>) semaphore(%arg18 : memref<!tpu.dma_semaphore, #tpu.memory_space<semaphore_mem>>)
      } else {
      }
      %mul3A_283 = arith.constant 8 : i32
      %mul3A_284 = arith.muli %add3A_104, %mul3A_283 : i32
      %add3A_285 = arith.constant 6 : i32
      %add3A_286 = arith.addi %mul3A_284, %add3A_285 : i32
      %dma_wait3A_287 = arith.constant 6 : i32
      %dma_wait3A_288 = arith.constant 0 : i32
      %dma_wait3A_289 = tpu.memref_slice %arg8[%dma_wait3A_287, %dma_wait3A_288] : memref<8x128xi32, #tpu.memory_space<vmem>> -> memref<1x128xi32, #tpu.memory_space<vmem>>
      %dma_wait3A_290 = tpu.memref_squeeze %dma_wait3A_289 : memref<1x128xi32, #tpu.memory_space<vmem>> -> memref<128xi32, #tpu.memory_space<vmem>>
      %dma_wait3A_291 = arith.constant 0 : i32
      %dma_wait3A_292 = arith.constant 0 : i32
      %dma_wait3A_293 = tpu.memref_slice %arg6[%dma_wait3A_291, %dma_wait3A_292] : memref<10240x64xf32, #tpu.memory_space<vmem_shared>> -> memref<10240x64xf32, #tpu.memory_space<vmem_shared>>
      tpu.wait_indirect_dma semaphore(%arg20 : memref<!tpu.dma_semaphore, #tpu.memory_space<semaphore_mem>>) src(%dma_wait3A_293 : memref<10240x64xf32, #tpu.memory_space<vmem_shared>>) dst(%arg14 : memref<128x64xf32, #tpu.memory_space<vmem>>)
      %dma_start3A_294 = arith.constant 6 : i32
      %dma_start3A_295 = arith.constant 0 : i32
      %dma_start3A_296 = tpu.memref_slice %arg10[%dma_start3A_294, %dma_start3A_295] : memref<8x128xi32, #tpu.memory_space<vmem>> -> memref<1x128xi32, #tpu.memory_space<vmem>>
      %dma_start3A_297 = tpu.memref_squeeze %dma_start3A_296 : memref<1x128xi32, #tpu.memory_space<vmem>> -> memref<128xi32, #tpu.memory_space<vmem>>
      %dma_start3A_298 = arith.constant 0 : i32
      %dma_start3A_299 = arith.constant 0 : i32
      %dma_start3A_300 = tpu.memref_slice %arg7[%dma_start3A_298, %dma_start3A_299] : memref<10240x64xf32, #tpu.memory_space<vmem_shared>> -> memref<10240x64xf32, #tpu.memory_space<vmem_shared>>
      tpu.enqueue_indirect_dma source(%arg14 : memref<128x64xf32, #tpu.memory_space<vmem>>) target(%dma_start3A_300 : memref<10240x64xf32, #tpu.memory_space<vmem_shared>>) offsets(%dma_start3A_297 : memref<128xi32, #tpu.memory_space<vmem>>) semaphore(%arg24 : memref<!tpu.dma_semaphore, #tpu.memory_space<semaphore_mem>>) {add = true}
      %add3A_301 = arith.constant 1 : i32
      %add3A_302 = arith.addi %add3A_104, %add3A_301 : i32
      %lt3A_303 = arith.constant 20 : i32
      %lt3A_304 = arith.cmpi slt, %add3A_302, %lt3A_303 : i32
      %convert_element_type3A_305 = arith.extui %lt3A_304 : i1 to i32
      %cond3A_306 = arith.constant 0 : i32
      %cond3A_307 = arith.cmpi ne, %convert_element_type3A_305, %cond3A_306 : i32
      scf.if %cond3A_307 {
        %dma_wait3A_567 = arith.constant 6 : i32
        %dma_wait3A_568 = arith.constant 0 : i32
        %dma_wait3A_569 = tpu.memref_slice %arg10[%dma_wait3A_567, %dma_wait3A_568] : memref<8x128xi32, #tpu.memory_space<vmem>> -> memref<1x128xi32, #tpu.memory_space<vmem>>
        %dma_wait3A_570 = tpu.memref_squeeze %dma_wait3A_569 : memref<1x128xi32, #tpu.memory_space<vmem>> -> memref<128xi32, #tpu.memory_space<vmem>>
        %dma_wait3A_571 = arith.constant 0 : i32
        %dma_wait3A_572 = arith.constant 0 : i32
        %dma_wait3A_573 = tpu.memref_slice %arg7[%dma_wait3A_571, %dma_wait3A_572] : memref<10240x64xf32, #tpu.memory_space<vmem_shared>> -> memref<10240x64xf32, #tpu.memory_space<vmem_shared>>
        tpu.wait_indirect_dma semaphore(%arg23 : memref<!tpu.dma_semaphore, #tpu.memory_space<semaphore_mem>>) src(%arg13 : memref<128x64xf32, #tpu.memory_space<vmem>>) dst(%dma_wait3A_573 : memref<10240x64xf32, #tpu.memory_space<vmem_shared>>)
        %dma_start3A_574 = arith.constant 1 : i32
        %dma_start3A_575 = arith.constant 0 : i32
        %dma_start3A_576 = tpu.memref_slice %arg9[%dma_start3A_574, %dma_start3A_575] : memref<8x128xi32, #tpu.memory_space<vmem>> -> memref<1x128xi32, #tpu.memory_space<vmem>>
        %dma_start3A_577 = tpu.memref_squeeze %dma_start3A_576 : memref<1x128xi32, #tpu.memory_space<vmem>> -> memref<128xi32, #tpu.memory_space<vmem>>
        %dma_start3A_578 = arith.constant 0 : i32
        %dma_start3A_579 = arith.constant 0 : i32
        %dma_start3A_580 = tpu.memref_slice %arg6[%dma_start3A_578, %dma_start3A_579] : memref<10240x64xf32, #tpu.memory_space<vmem_shared>> -> memref<10240x64xf32, #tpu.memory_space<vmem_shared>>
        tpu.enqueue_indirect_dma source(%dma_start3A_580 : memref<10240x64xf32, #tpu.memory_space<vmem_shared>>) target(%arg13 : memref<128x64xf32, #tpu.memory_space<vmem>>) offsets(%dma_start3A_577 : memref<128xi32, #tpu.memory_space<vmem>>) semaphore(%arg19 : memref<!tpu.dma_semaphore, #tpu.memory_space<semaphore_mem>>)
      } else {
      }
      %mul3A_308 = arith.constant 8 : i32
      %mul3A_309 = arith.muli %add3A_104, %mul3A_308 : i32
      %add3A_310 = arith.constant 7 : i32
      %add3A_311 = arith.addi %mul3A_309, %add3A_310 : i32
      %dma_wait3A_312 = arith.constant 7 : i32
      %dma_wait3A_313 = arith.constant 0 : i32
      %dma_wait3A_314 = tpu.memref_slice %arg8[%dma_wait3A_312, %dma_wait3A_313] : memref<8x128xi32, #tpu.memory_space<vmem>> -> memref<1x128xi32, #tpu.memory_space<vmem>>
      %dma_wait3A_315 = tpu.memref_squeeze %dma_wait3A_314 : memref<1x128xi32, #tpu.memory_space<vmem>> -> memref<128xi32, #tpu.memory_space<vmem>>
      %dma_wait3A_316 = arith.constant 0 : i32
      %dma_wait3A_317 = arith.constant 0 : i32
      %dma_wait3A_318 = tpu.memref_slice %arg6[%dma_wait3A_316, %dma_wait3A_317] : memref<10240x64xf32, #tpu.memory_space<vmem_shared>> -> memref<10240x64xf32, #tpu.memory_space<vmem_shared>>
      tpu.wait_indirect_dma semaphore(%arg21 : memref<!tpu.dma_semaphore, #tpu.memory_space<semaphore_mem>>) src(%dma_wait3A_318 : memref<10240x64xf32, #tpu.memory_space<vmem_shared>>) dst(%arg15 : memref<128x64xf32, #tpu.memory_space<vmem>>)
      %dma_start3A_319 = arith.constant 7 : i32
      %dma_start3A_320 = arith.constant 0 : i32
      %dma_start3A_321 = tpu.memref_slice %arg10[%dma_start3A_319, %dma_start3A_320] : memref<8x128xi32, #tpu.memory_space<vmem>> -> memref<1x128xi32, #tpu.memory_space<vmem>>
      %dma_start3A_322 = tpu.memref_squeeze %dma_start3A_321 : memref<1x128xi32, #tpu.memory_space<vmem>> -> memref<128xi32, #tpu.memory_space<vmem>>
      %dma_start3A_323 = arith.constant 0 : i32
      %dma_start3A_324 = arith.constant 0 : i32
      %dma_start3A_325 = tpu.memref_slice %arg7[%dma_start3A_323, %dma_start3A_324] : memref<10240x64xf32, #tpu.memory_space<vmem_shared>> -> memref<10240x64xf32, #tpu.memory_space<vmem_shared>>
      tpu.enqueue_indirect_dma source(%arg15 : memref<128x64xf32, #tpu.memory_space<vmem>>) target(%dma_start3A_325 : memref<10240x64xf32, #tpu.memory_space<vmem_shared>>) offsets(%dma_start3A_322 : memref<128xi32, #tpu.memory_space<vmem>>) semaphore(%arg25 : memref<!tpu.dma_semaphore, #tpu.memory_space<semaphore_mem>>) {add = true}
      %add3A_326 = arith.constant 1 : i32
      %add3A_327 = arith.addi %add3A_104, %add3A_326 : i32
      %lt3A_328 = arith.constant 20 : i32
      %lt3A_329 = arith.cmpi slt, %add3A_327, %lt3A_328 : i32
      %convert_element_type3A_330 = arith.extui %lt3A_329 : i1 to i32
      %cond3A_331 = arith.constant 0 : i32
      %cond3A_332 = arith.cmpi ne, %convert_element_type3A_330, %cond3A_331 : i32
      scf.if %cond3A_332 {
        %dma_wait3A_567 = arith.constant 7 : i32
        %dma_wait3A_568 = arith.constant 0 : i32
        %dma_wait3A_569 = tpu.memref_slice %arg10[%dma_wait3A_567, %dma_wait3A_568] : memref<8x128xi32, #tpu.memory_space<vmem>> -> memref<1x128xi32, #tpu.memory_space<vmem>>
        %dma_wait3A_570 = tpu.memref_squeeze %dma_wait3A_569 : memref<1x128xi32, #tpu.memory_space<vmem>> -> memref<128xi32, #tpu.memory_space<vmem>>
        %dma_wait3A_571 = arith.constant 0 : i32
        %dma_wait3A_572 = arith.constant 0 : i32
        %dma_wait3A_573 = tpu.memref_slice %arg7[%dma_wait3A_571, %dma_wait3A_572] : memref<10240x64xf32, #tpu.memory_space<vmem_shared>> -> memref<10240x64xf32, #tpu.memory_space<vmem_shared>>
        tpu.wait_indirect_dma semaphore(%arg24 : memref<!tpu.dma_semaphore, #tpu.memory_space<semaphore_mem>>) src(%arg14 : memref<128x64xf32, #tpu.memory_space<vmem>>) dst(%dma_wait3A_573 : memref<10240x64xf32, #tpu.memory_space<vmem_shared>>)
        %dma_start3A_574 = arith.constant 2 : i32
        %dma_start3A_575 = arith.constant 0 : i32
        %dma_start3A_576 = tpu.memref_slice %arg9[%dma_start3A_574, %dma_start3A_575] : memref<8x128xi32, #tpu.memory_space<vmem>> -> memref<1x128xi32, #tpu.memory_space<vmem>>
        %dma_start3A_577 = tpu.memref_squeeze %dma_start3A_576 : memref<1x128xi32, #tpu.memory_space<vmem>> -> memref<128xi32, #tpu.memory_space<vmem>>
        %dma_start3A_578 = arith.constant 0 : i32
        %dma_start3A_579 = arith.constant 0 : i32
        %dma_start3A_580 = tpu.memref_slice %arg6[%dma_start3A_578, %dma_start3A_579] : memref<10240x64xf32, #tpu.memory_space<vmem_shared>> -> memref<10240x64xf32, #tpu.memory_space<vmem_shared>>
        tpu.enqueue_indirect_dma source(%dma_start3A_580 : memref<10240x64xf32, #tpu.memory_space<vmem_shared>>) target(%arg14 : memref<128x64xf32, #tpu.memory_space<vmem>>) offsets(%dma_start3A_577 : memref<128xi32, #tpu.memory_space<vmem>>) semaphore(%arg20 : memref<!tpu.dma_semaphore, #tpu.memory_space<semaphore_mem>>)
      } else {
      }
      %add3A_333 = arith.constant 1 : i32
      %add3A_334 = arith.addi %add3A_104, %add3A_333 : i32
      %add3A_335 = arith.constant 1 : i32
      %add3A_336 = arith.addi %add3A_334, %add3A_335 : i32
      %lt3A_337 = arith.constant 20 : i32
      %lt3A_338 = arith.cmpi slt, %add3A_336, %lt3A_337 : i32
      %convert_element_type3A_339 = arith.extui %lt3A_338 : i1 to i32
      %cond3A_340 = arith.constant 0 : i32
      %cond3A_341 = arith.cmpi ne, %convert_element_type3A_339, %cond3A_340 : i32
      scf.if %cond3A_341 {
        %add3A_567 = arith.constant 1 : i32
        %add3A_568 = arith.addi %add3A_334, %add3A_567 : i32
        %mul3A_569 = arith.constant 8 : i32
        %mul3A_570 = arith.muli %add3A_568, %mul3A_569 : i32
        %dma_start3A_571 = arith.constant 0 : i32
        %dma_start3A_572 = tpu.memref_slice %arg3[%arg1, %mul3A_570, %dma_start3A_571] : memref<16x160x128xi32, #tpu.memory_space<hbm>> -> memref<1x8x128xi32, #tpu.memory_space<hbm>>
        %dma_start3A_573 = tpu.memref_squeeze %dma_start3A_572 : memref<1x8x128xi32, #tpu.memory_space<hbm>> -> memref<8x128xi32, #tpu.memory_space<hbm>>
        %dma_start3A_574 = arith.constant 0 : i32
        %dma_start3A_575 = tpu.memref_slice %arg3[%arg1, %mul3A_570, %dma_start3A_574] : memref<16x160x128xi32, #tpu.memory_space<hbm>> -> memref<1x8x128xi32, #tpu.memory_space<hbm>>
        %dma_start3A_576 = tpu.memref_squeeze %dma_start3A_575 : memref<1x8x128xi32, #tpu.memory_space<hbm>> -> memref<8x128xi32, #tpu.memory_space<hbm>>
        tpu.enqueue_dma source(%dma_start3A_576 : memref<8x128xi32, #tpu.memory_space<hbm>>) target(%arg8 : memref<8x128xi32, #tpu.memory_space<vmem>>) target_semaphore(%arg16 : memref<!tpu.dma_semaphore, #tpu.memory_space<semaphore_mem>>)
        %add3A_577 = arith.constant 1 : i32
        %add3A_578 = arith.addi %add3A_334, %add3A_577 : i32
        %mul3A_579 = arith.constant 8 : i32
        %mul3A_580 = arith.muli %add3A_578, %mul3A_579 : i32
        %dma_start3A_581 = arith.constant 0 : i32
        %dma_start3A_582 = tpu.memref_slice %arg4[%arg1, %mul3A_580, %dma_start3A_581] : memref<16x160x128xi32, #tpu.memory_space<hbm>> -> memref<1x8x128xi32, #tpu.memory_space<hbm>>
        %dma_start3A_583 = tpu.memref_squeeze %dma_start3A_582 : memref<1x8x128xi32, #tpu.memory_space<hbm>> -> memref<8x128xi32, #tpu.memory_space<hbm>>
        %dma_start3A_584 = arith.constant 0 : i32
        %dma_start3A_585 = tpu.memref_slice %arg4[%arg1, %mul3A_580, %dma_start3A_584] : memref<16x160x128xi32, #tpu.memory_space<hbm>> -> memref<1x8x128xi32, #tpu.memory_space<hbm>>
        %dma_start3A_586 = tpu.memref_squeeze %dma_start3A_585 : memref<1x8x128xi32, #tpu.memory_space<hbm>> -> memref<8x128xi32, #tpu.memory_space<hbm>>
        tpu.enqueue_dma source(%dma_start3A_586 : memref<8x128xi32, #tpu.memory_space<hbm>>) target(%arg10 : memref<8x128xi32, #tpu.memory_space<vmem>>) target_semaphore(%arg16 : memref<!tpu.dma_semaphore, #tpu.memory_space<semaphore_mem>>)
      } else {
      }
      %mul3A_342 = arith.constant 8 : i32
      %mul3A_343 = arith.muli %add3A_334, %mul3A_342 : i32
      %add3A_344 = arith.constant 0 : i32
      %add3A_345 = arith.addi %mul3A_343, %add3A_344 : i32
      %dma_wait3A_346 = arith.constant 0 : i32
      %dma_wait3A_347 = arith.constant 0 : i32
      %dma_wait3A_348 = tpu.memref_slice %arg9[%dma_wait3A_346, %dma_wait3A_347] : memref<8x128xi32, #tpu.memory_space<vmem>> -> memref<1x128xi32, #tpu.memory_space<vmem>>
      %dma_wait3A_349 = tpu.memref_squeeze %dma_wait3A_348 : memref<1x128xi32, #tpu.memory_space<vmem>> -> memref<128xi32, #tpu.memory_space<vmem>>
      %dma_wait3A_350 = arith.constant 0 : i32
      %dma_wait3A_351 = arith.constant 0 : i32
      %dma_wait3A_352 = tpu.memref_slice %arg6[%dma_wait3A_350, %dma_wait3A_351] : memref<10240x64xf32, #tpu.memory_space<vmem_shared>> -> memref<10240x64xf32, #tpu.memory_space<vmem_shared>>
      tpu.wait_indirect_dma semaphore(%arg18 : memref<!tpu.dma_semaphore, #tpu.memory_space<semaphore_mem>>) src(%dma_wait3A_352 : memref<10240x64xf32, #tpu.memory_space<vmem_shared>>) dst(%arg12 : memref<128x64xf32, #tpu.memory_space<vmem>>)
      %dma_start3A_353 = arith.constant 0 : i32
      %dma_start3A_354 = arith.constant 0 : i32
      %dma_start3A_355 = tpu.memref_slice %arg11[%dma_start3A_353, %dma_start3A_354] : memref<8x128xi32, #tpu.memory_space<vmem>> -> memref<1x128xi32, #tpu.memory_space<vmem>>
      %dma_start3A_356 = tpu.memref_squeeze %dma_start3A_355 : memref<1x128xi32, #tpu.memory_space<vmem>> -> memref<128xi32, #tpu.memory_space<vmem>>
      %dma_start3A_357 = arith.constant 0 : i32
      %dma_start3A_358 = arith.constant 0 : i32
      %dma_start3A_359 = tpu.memref_slice %arg7[%dma_start3A_357, %dma_start3A_358] : memref<10240x64xf32, #tpu.memory_space<vmem_shared>> -> memref<10240x64xf32, #tpu.memory_space<vmem_shared>>
      tpu.enqueue_indirect_dma source(%arg12 : memref<128x64xf32, #tpu.memory_space<vmem>>) target(%dma_start3A_359 : memref<10240x64xf32, #tpu.memory_space<vmem_shared>>) offsets(%dma_start3A_356 : memref<128xi32, #tpu.memory_space<vmem>>) semaphore(%arg22 : memref<!tpu.dma_semaphore, #tpu.memory_space<semaphore_mem>>) {add = true}
      %ge3A_360 = arith.constant 1 : i32
      %ge3A_361 = arith.cmpi sge, %add3A_345, %ge3A_360 : i32
      %convert_element_type3A_362 = arith.extui %ge3A_361 : i1 to i32
      %cond3A_363 = arith.constant 0 : i32
      %cond3A_364 = arith.cmpi ne, %convert_element_type3A_362, %cond3A_363 : i32
      scf.if %cond3A_364 {
        %dma_wait3A_567 = arith.constant 0 : i32
        %dma_wait3A_568 = arith.constant 0 : i32
        %dma_wait3A_569 = tpu.memref_slice %arg11[%dma_wait3A_567, %dma_wait3A_568] : memref<8x128xi32, #tpu.memory_space<vmem>> -> memref<1x128xi32, #tpu.memory_space<vmem>>
        %dma_wait3A_570 = tpu.memref_squeeze %dma_wait3A_569 : memref<1x128xi32, #tpu.memory_space<vmem>> -> memref<128xi32, #tpu.memory_space<vmem>>
        %dma_wait3A_571 = arith.constant 0 : i32
        %dma_wait3A_572 = arith.constant 0 : i32
        %dma_wait3A_573 = tpu.memref_slice %arg7[%dma_wait3A_571, %dma_wait3A_572] : memref<10240x64xf32, #tpu.memory_space<vmem_shared>> -> memref<10240x64xf32, #tpu.memory_space<vmem_shared>>
        tpu.wait_indirect_dma semaphore(%arg25 : memref<!tpu.dma_semaphore, #tpu.memory_space<semaphore_mem>>) src(%arg15 : memref<128x64xf32, #tpu.memory_space<vmem>>) dst(%dma_wait3A_573 : memref<10240x64xf32, #tpu.memory_space<vmem_shared>>)
      } else {
      }
      %dma_start3A_365 = arith.constant 3 : i32
      %dma_start3A_366 = arith.constant 0 : i32
      %dma_start3A_367 = tpu.memref_slice %arg9[%dma_start3A_365, %dma_start3A_366] : memref<8x128xi32, #tpu.memory_space<vmem>> -> memref<1x128xi32, #tpu.memory_space<vmem>>
      %dma_start3A_368 = tpu.memref_squeeze %dma_start3A_367 : memref<1x128xi32, #tpu.memory_space<vmem>> -> memref<128xi32, #tpu.memory_space<vmem>>
      %dma_start3A_369 = arith.constant 0 : i32
      %dma_start3A_370 = arith.constant 0 : i32
      %dma_start3A_371 = tpu.memref_slice %arg6[%dma_start3A_369, %dma_start3A_370] : memref<10240x64xf32, #tpu.memory_space<vmem_shared>> -> memref<10240x64xf32, #tpu.memory_space<vmem_shared>>
      tpu.enqueue_indirect_dma source(%dma_start3A_371 : memref<10240x64xf32, #tpu.memory_space<vmem_shared>>) target(%arg15 : memref<128x64xf32, #tpu.memory_space<vmem>>) offsets(%dma_start3A_368 : memref<128xi32, #tpu.memory_space<vmem>>) semaphore(%arg21 : memref<!tpu.dma_semaphore, #tpu.memory_space<semaphore_mem>>)
      %mul3A_372 = arith.constant 8 : i32
      %mul3A_373 = arith.muli %add3A_334, %mul3A_372 : i32
      %add3A_374 = arith.constant 1 : i32
      %add3A_375 = arith.addi %mul3A_373, %add3A_374 : i32
      %dma_wait3A_376 = arith.constant 1 : i32
      %dma_wait3A_377 = arith.constant 0 : i32
      %dma_wait3A_378 = tpu.memref_slice %arg9[%dma_wait3A_376, %dma_wait3A_377] : memref<8x128xi32, #tpu.memory_space<vmem>> -> memref<1x128xi32, #tpu.memory_space<vmem>>
      %dma_wait3A_379 = tpu.memref_squeeze %dma_wait3A_378 : memref<1x128xi32, #tpu.memory_space<vmem>> -> memref<128xi32, #tpu.memory_space<vmem>>
      %dma_wait3A_380 = arith.constant 0 : i32
      %dma_wait3A_381 = arith.constant 0 : i32
      %dma_wait3A_382 = tpu.memref_slice %arg6[%dma_wait3A_380, %dma_wait3A_381] : memref<10240x64xf32, #tpu.memory_space<vmem_shared>> -> memref<10240x64xf32, #tpu.memory_space<vmem_shared>>
      tpu.wait_indirect_dma semaphore(%arg19 : memref<!tpu.dma_semaphore, #tpu.memory_space<semaphore_mem>>) src(%dma_wait3A_382 : memref<10240x64xf32, #tpu.memory_space<vmem_shared>>) dst(%arg13 : memref<128x64xf32, #tpu.memory_space<vmem>>)
      %dma_start3A_383 = arith.constant 1 : i32
      %dma_start3A_384 = arith.constant 0 : i32
      %dma_start3A_385 = tpu.memref_slice %arg11[%dma_start3A_383, %dma_start3A_384] : memref<8x128xi32, #tpu.memory_space<vmem>> -> memref<1x128xi32, #tpu.memory_space<vmem>>
      %dma_start3A_386 = tpu.memref_squeeze %dma_start3A_385 : memref<1x128xi32, #tpu.memory_space<vmem>> -> memref<128xi32, #tpu.memory_space<vmem>>
      %dma_start3A_387 = arith.constant 0 : i32
      %dma_start3A_388 = arith.constant 0 : i32
      %dma_start3A_389 = tpu.memref_slice %arg7[%dma_start3A_387, %dma_start3A_388] : memref<10240x64xf32, #tpu.memory_space<vmem_shared>> -> memref<10240x64xf32, #tpu.memory_space<vmem_shared>>
      tpu.enqueue_indirect_dma source(%arg13 : memref<128x64xf32, #tpu.memory_space<vmem>>) target(%dma_start3A_389 : memref<10240x64xf32, #tpu.memory_space<vmem_shared>>) offsets(%dma_start3A_386 : memref<128xi32, #tpu.memory_space<vmem>>) semaphore(%arg23 : memref<!tpu.dma_semaphore, #tpu.memory_space<semaphore_mem>>) {add = true}
      %ge3A_390 = arith.constant 1 : i32
      %ge3A_391 = arith.cmpi sge, %add3A_375, %ge3A_390 : i32
      %convert_element_type3A_392 = arith.extui %ge3A_391 : i1 to i32
      %cond3A_393 = arith.constant 0 : i32
      %cond3A_394 = arith.cmpi ne, %convert_element_type3A_392, %cond3A_393 : i32
      scf.if %cond3A_394 {
        %dma_wait3A_567 = arith.constant 1 : i32
        %dma_wait3A_568 = arith.constant 0 : i32
        %dma_wait3A_569 = tpu.memref_slice %arg11[%dma_wait3A_567, %dma_wait3A_568] : memref<8x128xi32, #tpu.memory_space<vmem>> -> memref<1x128xi32, #tpu.memory_space<vmem>>
        %dma_wait3A_570 = tpu.memref_squeeze %dma_wait3A_569 : memref<1x128xi32, #tpu.memory_space<vmem>> -> memref<128xi32, #tpu.memory_space<vmem>>
        %dma_wait3A_571 = arith.constant 0 : i32
        %dma_wait3A_572 = arith.constant 0 : i32
        %dma_wait3A_573 = tpu.memref_slice %arg7[%dma_wait3A_571, %dma_wait3A_572] : memref<10240x64xf32, #tpu.memory_space<vmem_shared>> -> memref<10240x64xf32, #tpu.memory_space<vmem_shared>>
        tpu.wait_indirect_dma semaphore(%arg22 : memref<!tpu.dma_semaphore, #tpu.memory_space<semaphore_mem>>) src(%arg12 : memref<128x64xf32, #tpu.memory_space<vmem>>) dst(%dma_wait3A_573 : memref<10240x64xf32, #tpu.memory_space<vmem_shared>>)
      } else {
      }
      %dma_start3A_395 = arith.constant 4 : i32
      %dma_start3A_396 = arith.constant 0 : i32
      %dma_start3A_397 = tpu.memref_slice %arg9[%dma_start3A_395, %dma_start3A_396] : memref<8x128xi32, #tpu.memory_space<vmem>> -> memref<1x128xi32, #tpu.memory_space<vmem>>
      %dma_start3A_398 = tpu.memref_squeeze %dma_start3A_397 : memref<1x128xi32, #tpu.memory_space<vmem>> -> memref<128xi32, #tpu.memory_space<vmem>>
      %dma_start3A_399 = arith.constant 0 : i32
      %dma_start3A_400 = arith.constant 0 : i32
      %dma_start3A_401 = tpu.memref_slice %arg6[%dma_start3A_399, %dma_start3A_400] : memref<10240x64xf32, #tpu.memory_space<vmem_shared>> -> memref<10240x64xf32, #tpu.memory_space<vmem_shared>>
      tpu.enqueue_indirect_dma source(%dma_start3A_401 : memref<10240x64xf32, #tpu.memory_space<vmem_shared>>) target(%arg12 : memref<128x64xf32, #tpu.memory_space<vmem>>) offsets(%dma_start3A_398 : memref<128xi32, #tpu.memory_space<vmem>>) semaphore(%arg18 : memref<!tpu.dma_semaphore, #tpu.memory_space<semaphore_mem>>)
      %mul3A_402 = arith.constant 8 : i32
      %mul3A_403 = arith.muli %add3A_334, %mul3A_402 : i32
      %add3A_404 = arith.constant 2 : i32
      %add3A_405 = arith.addi %mul3A_403, %add3A_404 : i32
      %dma_wait3A_406 = arith.constant 2 : i32
      %dma_wait3A_407 = arith.constant 0 : i32
      %dma_wait3A_408 = tpu.memref_slice %arg9[%dma_wait3A_406, %dma_wait3A_407] : memref<8x128xi32, #tpu.memory_space<vmem>> -> memref<1x128xi32, #tpu.memory_space<vmem>>
      %dma_wait3A_409 = tpu.memref_squeeze %dma_wait3A_408 : memref<1x128xi32, #tpu.memory_space<vmem>> -> memref<128xi32, #tpu.memory_space<vmem>>
      %dma_wait3A_410 = arith.constant 0 : i32
      %dma_wait3A_411 = arith.constant 0 : i32
      %dma_wait3A_412 = tpu.memref_slice %arg6[%dma_wait3A_410, %dma_wait3A_411] : memref<10240x64xf32, #tpu.memory_space<vmem_shared>> -> memref<10240x64xf32, #tpu.memory_space<vmem_shared>>
      tpu.wait_indirect_dma semaphore(%arg20 : memref<!tpu.dma_semaphore, #tpu.memory_space<semaphore_mem>>) src(%dma_wait3A_412 : memref<10240x64xf32, #tpu.memory_space<vmem_shared>>) dst(%arg14 : memref<128x64xf32, #tpu.memory_space<vmem>>)
      %dma_start3A_413 = arith.constant 2 : i32
      %dma_start3A_414 = arith.constant 0 : i32
      %dma_start3A_415 = tpu.memref_slice %arg11[%dma_start3A_413, %dma_start3A_414] : memref<8x128xi32, #tpu.memory_space<vmem>> -> memref<1x128xi32, #tpu.memory_space<vmem>>
      %dma_start3A_416 = tpu.memref_squeeze %dma_start3A_415 : memref<1x128xi32, #tpu.memory_space<vmem>> -> memref<128xi32, #tpu.memory_space<vmem>>
      %dma_start3A_417 = arith.constant 0 : i32
      %dma_start3A_418 = arith.constant 0 : i32
      %dma_start3A_419 = tpu.memref_slice %arg7[%dma_start3A_417, %dma_start3A_418] : memref<10240x64xf32, #tpu.memory_space<vmem_shared>> -> memref<10240x64xf32, #tpu.memory_space<vmem_shared>>
      tpu.enqueue_indirect_dma source(%arg14 : memref<128x64xf32, #tpu.memory_space<vmem>>) target(%dma_start3A_419 : memref<10240x64xf32, #tpu.memory_space<vmem_shared>>) offsets(%dma_start3A_416 : memref<128xi32, #tpu.memory_space<vmem>>) semaphore(%arg24 : memref<!tpu.dma_semaphore, #tpu.memory_space<semaphore_mem>>) {add = true}
      %ge3A_420 = arith.constant 1 : i32
      %ge3A_421 = arith.cmpi sge, %add3A_405, %ge3A_420 : i32
      %convert_element_type3A_422 = arith.extui %ge3A_421 : i1 to i32
      %cond3A_423 = arith.constant 0 : i32
      %cond3A_424 = arith.cmpi ne, %convert_element_type3A_422, %cond3A_423 : i32
      scf.if %cond3A_424 {
        %dma_wait3A_567 = arith.constant 2 : i32
        %dma_wait3A_568 = arith.constant 0 : i32
        %dma_wait3A_569 = tpu.memref_slice %arg11[%dma_wait3A_567, %dma_wait3A_568] : memref<8x128xi32, #tpu.memory_space<vmem>> -> memref<1x128xi32, #tpu.memory_space<vmem>>
        %dma_wait3A_570 = tpu.memref_squeeze %dma_wait3A_569 : memref<1x128xi32, #tpu.memory_space<vmem>> -> memref<128xi32, #tpu.memory_space<vmem>>
        %dma_wait3A_571 = arith.constant 0 : i32
        %dma_wait3A_572 = arith.constant 0 : i32
        %dma_wait3A_573 = tpu.memref_slice %arg7[%dma_wait3A_571, %dma_wait3A_572] : memref<10240x64xf32, #tpu.memory_space<vmem_shared>> -> memref<10240x64xf32, #tpu.memory_space<vmem_shared>>
        tpu.wait_indirect_dma semaphore(%arg23 : memref<!tpu.dma_semaphore, #tpu.memory_space<semaphore_mem>>) src(%arg13 : memref<128x64xf32, #tpu.memory_space<vmem>>) dst(%dma_wait3A_573 : memref<10240x64xf32, #tpu.memory_space<vmem_shared>>)
      } else {
      }
      %dma_start3A_425 = arith.constant 5 : i32
      %dma_start3A_426 = arith.constant 0 : i32
      %dma_start3A_427 = tpu.memref_slice %arg9[%dma_start3A_425, %dma_start3A_426] : memref<8x128xi32, #tpu.memory_space<vmem>> -> memref<1x128xi32, #tpu.memory_space<vmem>>
      %dma_start3A_428 = tpu.memref_squeeze %dma_start3A_427 : memref<1x128xi32, #tpu.memory_space<vmem>> -> memref<128xi32, #tpu.memory_space<vmem>>
      %dma_start3A_429 = arith.constant 0 : i32
      %dma_start3A_430 = arith.constant 0 : i32
      %dma_start3A_431 = tpu.memref_slice %arg6[%dma_start3A_429, %dma_start3A_430] : memref<10240x64xf32, #tpu.memory_space<vmem_shared>> -> memref<10240x64xf32, #tpu.memory_space<vmem_shared>>
      tpu.enqueue_indirect_dma source(%dma_start3A_431 : memref<10240x64xf32, #tpu.memory_space<vmem_shared>>) target(%arg13 : memref<128x64xf32, #tpu.memory_space<vmem>>) offsets(%dma_start3A_428 : memref<128xi32, #tpu.memory_space<vmem>>) semaphore(%arg19 : memref<!tpu.dma_semaphore, #tpu.memory_space<semaphore_mem>>)
      %mul3A_432 = arith.constant 8 : i32
      %mul3A_433 = arith.muli %add3A_334, %mul3A_432 : i32
      %add3A_434 = arith.constant 3 : i32
      %add3A_435 = arith.addi %mul3A_433, %add3A_434 : i32
      %dma_wait3A_436 = arith.constant 3 : i32
      %dma_wait3A_437 = arith.constant 0 : i32
      %dma_wait3A_438 = tpu.memref_slice %arg9[%dma_wait3A_436, %dma_wait3A_437] : memref<8x128xi32, #tpu.memory_space<vmem>> -> memref<1x128xi32, #tpu.memory_space<vmem>>
      %dma_wait3A_439 = tpu.memref_squeeze %dma_wait3A_438 : memref<1x128xi32, #tpu.memory_space<vmem>> -> memref<128xi32, #tpu.memory_space<vmem>>
      %dma_wait3A_440 = arith.constant 0 : i32
      %dma_wait3A_441 = arith.constant 0 : i32
      %dma_wait3A_442 = tpu.memref_slice %arg6[%dma_wait3A_440, %dma_wait3A_441] : memref<10240x64xf32, #tpu.memory_space<vmem_shared>> -> memref<10240x64xf32, #tpu.memory_space<vmem_shared>>
      tpu.wait_indirect_dma semaphore(%arg21 : memref<!tpu.dma_semaphore, #tpu.memory_space<semaphore_mem>>) src(%dma_wait3A_442 : memref<10240x64xf32, #tpu.memory_space<vmem_shared>>) dst(%arg15 : memref<128x64xf32, #tpu.memory_space<vmem>>)
      %dma_start3A_443 = arith.constant 3 : i32
      %dma_start3A_444 = arith.constant 0 : i32
      %dma_start3A_445 = tpu.memref_slice %arg11[%dma_start3A_443, %dma_start3A_444] : memref<8x128xi32, #tpu.memory_space<vmem>> -> memref<1x128xi32, #tpu.memory_space<vmem>>
      %dma_start3A_446 = tpu.memref_squeeze %dma_start3A_445 : memref<1x128xi32, #tpu.memory_space<vmem>> -> memref<128xi32, #tpu.memory_space<vmem>>
      %dma_start3A_447 = arith.constant 0 : i32
      %dma_start3A_448 = arith.constant 0 : i32
      %dma_start3A_449 = tpu.memref_slice %arg7[%dma_start3A_447, %dma_start3A_448] : memref<10240x64xf32, #tpu.memory_space<vmem_shared>> -> memref<10240x64xf32, #tpu.memory_space<vmem_shared>>
      tpu.enqueue_indirect_dma source(%arg15 : memref<128x64xf32, #tpu.memory_space<vmem>>) target(%dma_start3A_449 : memref<10240x64xf32, #tpu.memory_space<vmem_shared>>) offsets(%dma_start3A_446 : memref<128xi32, #tpu.memory_space<vmem>>) semaphore(%arg25 : memref<!tpu.dma_semaphore, #tpu.memory_space<semaphore_mem>>) {add = true}
      %ge3A_450 = arith.constant 1 : i32
      %ge3A_451 = arith.cmpi sge, %add3A_435, %ge3A_450 : i32
      %convert_element_type3A_452 = arith.extui %ge3A_451 : i1 to i32
      %cond3A_453 = arith.constant 0 : i32
      %cond3A_454 = arith.cmpi ne, %convert_element_type3A_452, %cond3A_453 : i32
      scf.if %cond3A_454 {
        %dma_wait3A_567 = arith.constant 3 : i32
        %dma_wait3A_568 = arith.constant 0 : i32
        %dma_wait3A_569 = tpu.memref_slice %arg11[%dma_wait3A_567, %dma_wait3A_568] : memref<8x128xi32, #tpu.memory_space<vmem>> -> memref<1x128xi32, #tpu.memory_space<vmem>>
        %dma_wait3A_570 = tpu.memref_squeeze %dma_wait3A_569 : memref<1x128xi32, #tpu.memory_space<vmem>> -> memref<128xi32, #tpu.memory_space<vmem>>
        %dma_wait3A_571 = arith.constant 0 : i32
        %dma_wait3A_572 = arith.constant 0 : i32
        %dma_wait3A_573 = tpu.memref_slice %arg7[%dma_wait3A_571, %dma_wait3A_572] : memref<10240x64xf32, #tpu.memory_space<vmem_shared>> -> memref<10240x64xf32, #tpu.memory_space<vmem_shared>>
        tpu.wait_indirect_dma semaphore(%arg24 : memref<!tpu.dma_semaphore, #tpu.memory_space<semaphore_mem>>) src(%arg14 : memref<128x64xf32, #tpu.memory_space<vmem>>) dst(%dma_wait3A_573 : memref<10240x64xf32, #tpu.memory_space<vmem_shared>>)
      } else {
      }
      %dma_start3A_455 = arith.constant 6 : i32
      %dma_start3A_456 = arith.constant 0 : i32
      %dma_start3A_457 = tpu.memref_slice %arg9[%dma_start3A_455, %dma_start3A_456] : memref<8x128xi32, #tpu.memory_space<vmem>> -> memref<1x128xi32, #tpu.memory_space<vmem>>
      %dma_start3A_458 = tpu.memref_squeeze %dma_start3A_457 : memref<1x128xi32, #tpu.memory_space<vmem>> -> memref<128xi32, #tpu.memory_space<vmem>>
      %dma_start3A_459 = arith.constant 0 : i32
      %dma_start3A_460 = arith.constant 0 : i32
      %dma_start3A_461 = tpu.memref_slice %arg6[%dma_start3A_459, %dma_start3A_460] : memref<10240x64xf32, #tpu.memory_space<vmem_shared>> -> memref<10240x64xf32, #tpu.memory_space<vmem_shared>>
      tpu.enqueue_indirect_dma source(%dma_start3A_461 : memref<10240x64xf32, #tpu.memory_space<vmem_shared>>) target(%arg14 : memref<128x64xf32, #tpu.memory_space<vmem>>) offsets(%dma_start3A_458 : memref<128xi32, #tpu.memory_space<vmem>>) semaphore(%arg20 : memref<!tpu.dma_semaphore, #tpu.memory_space<semaphore_mem>>)
      %mul3A_462 = arith.constant 8 : i32
      %mul3A_463 = arith.muli %add3A_334, %mul3A_462 : i32
      %add3A_464 = arith.constant 4 : i32
      %add3A_465 = arith.addi %mul3A_463, %add3A_464 : i32
      %dma_wait3A_466 = arith.constant 4 : i32
      %dma_wait3A_467 = arith.constant 0 : i32
      %dma_wait3A_468 = tpu.memref_slice %arg9[%dma_wait3A_466, %dma_wait3A_467] : memref<8x128xi32, #tpu.memory_space<vmem>> -> memref<1x128xi32, #tpu.memory_space<vmem>>
      %dma_wait3A_469 = tpu.memref_squeeze %dma_wait3A_468 : memref<1x128xi32, #tpu.memory_space<vmem>> -> memref<128xi32, #tpu.memory_space<vmem>>
      %dma_wait3A_470 = arith.constant 0 : i32
      %dma_wait3A_471 = arith.constant 0 : i32
      %dma_wait3A_472 = tpu.memref_slice %arg6[%dma_wait3A_470, %dma_wait3A_471] : memref<10240x64xf32, #tpu.memory_space<vmem_shared>> -> memref<10240x64xf32, #tpu.memory_space<vmem_shared>>
      tpu.wait_indirect_dma semaphore(%arg18 : memref<!tpu.dma_semaphore, #tpu.memory_space<semaphore_mem>>) src(%dma_wait3A_472 : memref<10240x64xf32, #tpu.memory_space<vmem_shared>>) dst(%arg12 : memref<128x64xf32, #tpu.memory_space<vmem>>)
      %dma_start3A_473 = arith.constant 4 : i32
      %dma_start3A_474 = arith.constant 0 : i32
      %dma_start3A_475 = tpu.memref_slice %arg11[%dma_start3A_473, %dma_start3A_474] : memref<8x128xi32, #tpu.memory_space<vmem>> -> memref<1x128xi32, #tpu.memory_space<vmem>>
      %dma_start3A_476 = tpu.memref_squeeze %dma_start3A_475 : memref<1x128xi32, #tpu.memory_space<vmem>> -> memref<128xi32, #tpu.memory_space<vmem>>
      %dma_start3A_477 = arith.constant 0 : i32
      %dma_start3A_478 = arith.constant 0 : i32
      %dma_start3A_479 = tpu.memref_slice %arg7[%dma_start3A_477, %dma_start3A_478] : memref<10240x64xf32, #tpu.memory_space<vmem_shared>> -> memref<10240x64xf32, #tpu.memory_space<vmem_shared>>
      tpu.enqueue_indirect_dma source(%arg12 : memref<128x64xf32, #tpu.memory_space<vmem>>) target(%dma_start3A_479 : memref<10240x64xf32, #tpu.memory_space<vmem_shared>>) offsets(%dma_start3A_476 : memref<128xi32, #tpu.memory_space<vmem>>) semaphore(%arg22 : memref<!tpu.dma_semaphore, #tpu.memory_space<semaphore_mem>>) {add = true}
      %ge3A_480 = arith.constant 1 : i32
      %ge3A_481 = arith.cmpi sge, %add3A_465, %ge3A_480 : i32
      %convert_element_type3A_482 = arith.extui %ge3A_481 : i1 to i32
      %cond3A_483 = arith.constant 0 : i32
      %cond3A_484 = arith.cmpi ne, %convert_element_type3A_482, %cond3A_483 : i32
      scf.if %cond3A_484 {
        %dma_wait3A_567 = arith.constant 4 : i32
        %dma_wait3A_568 = arith.constant 0 : i32
        %dma_wait3A_569 = tpu.memref_slice %arg11[%dma_wait3A_567, %dma_wait3A_568] : memref<8x128xi32, #tpu.memory_space<vmem>> -> memref<1x128xi32, #tpu.memory_space<vmem>>
        %dma_wait3A_570 = tpu.memref_squeeze %dma_wait3A_569 : memref<1x128xi32, #tpu.memory_space<vmem>> -> memref<128xi32, #tpu.memory_space<vmem>>
        %dma_wait3A_571 = arith.constant 0 : i32
        %dma_wait3A_572 = arith.constant 0 : i32
        %dma_wait3A_573 = tpu.memref_slice %arg7[%dma_wait3A_571, %dma_wait3A_572] : memref<10240x64xf32, #tpu.memory_space<vmem_shared>> -> memref<10240x64xf32, #tpu.memory_space<vmem_shared>>
        tpu.wait_indirect_dma semaphore(%arg25 : memref<!tpu.dma_semaphore, #tpu.memory_space<semaphore_mem>>) src(%arg15 : memref<128x64xf32, #tpu.memory_space<vmem>>) dst(%dma_wait3A_573 : memref<10240x64xf32, #tpu.memory_space<vmem_shared>>)
      } else {
      }
      %dma_start3A_485 = arith.constant 7 : i32
      %dma_start3A_486 = arith.constant 0 : i32
      %dma_start3A_487 = tpu.memref_slice %arg9[%dma_start3A_485, %dma_start3A_486] : memref<8x128xi32, #tpu.memory_space<vmem>> -> memref<1x128xi32, #tpu.memory_space<vmem>>
      %dma_start3A_488 = tpu.memref_squeeze %dma_start3A_487 : memref<1x128xi32, #tpu.memory_space<vmem>> -> memref<128xi32, #tpu.memory_space<vmem>>
      %dma_start3A_489 = arith.constant 0 : i32
      %dma_start3A_490 = arith.constant 0 : i32
      %dma_start3A_491 = tpu.memref_slice %arg6[%dma_start3A_489, %dma_start3A_490] : memref<10240x64xf32, #tpu.memory_space<vmem_shared>> -> memref<10240x64xf32, #tpu.memory_space<vmem_shared>>
      tpu.enqueue_indirect_dma source(%dma_start3A_491 : memref<10240x64xf32, #tpu.memory_space<vmem_shared>>) target(%arg15 : memref<128x64xf32, #tpu.memory_space<vmem>>) offsets(%dma_start3A_488 : memref<128xi32, #tpu.memory_space<vmem>>) semaphore(%arg21 : memref<!tpu.dma_semaphore, #tpu.memory_space<semaphore_mem>>)
      %mul3A_492 = arith.constant 8 : i32
      %mul3A_493 = arith.muli %add3A_334, %mul3A_492 : i32
      %add3A_494 = arith.constant 5 : i32
      %add3A_495 = arith.addi %mul3A_493, %add3A_494 : i32
      %dma_wait3A_496 = arith.constant 5 : i32
      %dma_wait3A_497 = arith.constant 0 : i32
      %dma_wait3A_498 = tpu.memref_slice %arg9[%dma_wait3A_496, %dma_wait3A_497] : memref<8x128xi32, #tpu.memory_space<vmem>> -> memref<1x128xi32, #tpu.memory_space<vmem>>
      %dma_wait3A_499 = tpu.memref_squeeze %dma_wait3A_498 : memref<1x128xi32, #tpu.memory_space<vmem>> -> memref<128xi32, #tpu.memory_space<vmem>>
      %dma_wait3A_500 = arith.constant 0 : i32
      %dma_wait3A_501 = arith.constant 0 : i32
      %dma_wait3A_502 = tpu.memref_slice %arg6[%dma_wait3A_500, %dma_wait3A_501] : memref<10240x64xf32, #tpu.memory_space<vmem_shared>> -> memref<10240x64xf32, #tpu.memory_space<vmem_shared>>
      tpu.wait_indirect_dma semaphore(%arg19 : memref<!tpu.dma_semaphore, #tpu.memory_space<semaphore_mem>>) src(%dma_wait3A_502 : memref<10240x64xf32, #tpu.memory_space<vmem_shared>>) dst(%arg13 : memref<128x64xf32, #tpu.memory_space<vmem>>)
      %dma_start3A_503 = arith.constant 5 : i32
      %dma_start3A_504 = arith.constant 0 : i32
      %dma_start3A_505 = tpu.memref_slice %arg11[%dma_start3A_503, %dma_start3A_504] : memref<8x128xi32, #tpu.memory_space<vmem>> -> memref<1x128xi32, #tpu.memory_space<vmem>>
      %dma_start3A_506 = tpu.memref_squeeze %dma_start3A_505 : memref<1x128xi32, #tpu.memory_space<vmem>> -> memref<128xi32, #tpu.memory_space<vmem>>
      %dma_start3A_507 = arith.constant 0 : i32
      %dma_start3A_508 = arith.constant 0 : i32
      %dma_start3A_509 = tpu.memref_slice %arg7[%dma_start3A_507, %dma_start3A_508] : memref<10240x64xf32, #tpu.memory_space<vmem_shared>> -> memref<10240x64xf32, #tpu.memory_space<vmem_shared>>
      tpu.enqueue_indirect_dma source(%arg13 : memref<128x64xf32, #tpu.memory_space<vmem>>) target(%dma_start3A_509 : memref<10240x64xf32, #tpu.memory_space<vmem_shared>>) offsets(%dma_start3A_506 : memref<128xi32, #tpu.memory_space<vmem>>) semaphore(%arg23 : memref<!tpu.dma_semaphore, #tpu.memory_space<semaphore_mem>>) {add = true}
      %add3A_510 = arith.constant 1 : i32
      %add3A_511 = arith.addi %add3A_334, %add3A_510 : i32
      %lt3A_512 = arith.constant 20 : i32
      %lt3A_513 = arith.cmpi slt, %add3A_511, %lt3A_512 : i32
      %convert_element_type3A_514 = arith.extui %lt3A_513 : i1 to i32
      %cond3A_515 = arith.constant 0 : i32
      %cond3A_516 = arith.cmpi ne, %convert_element_type3A_514, %cond3A_515 : i32
      scf.if %cond3A_516 {
        %dma_wait3A_567 = arith.constant 0 : i32
        %dma_wait3A_568 = arith.constant 0 : i32
        %dma_wait3A_569 = tpu.memref_slice %arg3[%arg1, %dma_wait3A_567, %dma_wait3A_568] : memref<16x160x128xi32, #tpu.memory_space<hbm>> -> memref<1x8x128xi32, #tpu.memory_space<hbm>>
        %dma_wait3A_570 = tpu.memref_squeeze %dma_wait3A_569 : memref<1x8x128xi32, #tpu.memory_space<hbm>> -> memref<8x128xi32, #tpu.memory_space<hbm>>
        %dma_wait3A_571 = arith.constant 0 : i32
        %dma_wait3A_572 = arith.constant 0 : i32
        %dma_wait3A_573 = tpu.memref_slice %arg3[%arg1, %dma_wait3A_571, %dma_wait3A_572] : memref<16x160x128xi32, #tpu.memory_space<hbm>> -> memref<1x8x128xi32, #tpu.memory_space<hbm>>
        %dma_wait3A_574 = tpu.memref_squeeze %dma_wait3A_573 : memref<1x8x128xi32, #tpu.memory_space<hbm>> -> memref<8x128xi32, #tpu.memory_space<hbm>>
        tpu.wait_dma2 semaphore(%arg16 : memref<!tpu.dma_semaphore, #tpu.memory_space<semaphore_mem>>) src(%dma_wait3A_574 : memref<8x128xi32, #tpu.memory_space<hbm>>) dst(%arg8 : memref<8x128xi32, #tpu.memory_space<vmem>>)
        %dma_wait3A_575 = arith.constant 0 : i32
        %dma_wait3A_576 = arith.constant 0 : i32
        %dma_wait3A_577 = tpu.memref_slice %arg4[%arg1, %dma_wait3A_575, %dma_wait3A_576] : memref<16x160x128xi32, #tpu.memory_space<hbm>> -> memref<1x8x128xi32, #tpu.memory_space<hbm>>
        %dma_wait3A_578 = tpu.memref_squeeze %dma_wait3A_577 : memref<1x8x128xi32, #tpu.memory_space<hbm>> -> memref<8x128xi32, #tpu.memory_space<hbm>>
        %dma_wait3A_579 = arith.constant 0 : i32
        %dma_wait3A_580 = arith.constant 0 : i32
        %dma_wait3A_581 = tpu.memref_slice %arg4[%arg1, %dma_wait3A_579, %dma_wait3A_580] : memref<16x160x128xi32, #tpu.memory_space<hbm>> -> memref<1x8x128xi32, #tpu.memory_space<hbm>>
        %dma_wait3A_582 = tpu.memref_squeeze %dma_wait3A_581 : memref<1x8x128xi32, #tpu.memory_space<hbm>> -> memref<8x128xi32, #tpu.memory_space<hbm>>
        tpu.wait_dma2 semaphore(%arg16 : memref<!tpu.dma_semaphore, #tpu.memory_space<semaphore_mem>>) src(%dma_wait3A_582 : memref<8x128xi32, #tpu.memory_space<hbm>>) dst(%arg10 : memref<8x128xi32, #tpu.memory_space<vmem>>)
        %dma_wait3A_583 = arith.constant 5 : i32
        %dma_wait3A_584 = arith.constant 0 : i32
        %dma_wait3A_585 = tpu.memref_slice %arg11[%dma_wait3A_583, %dma_wait3A_584] : memref<8x128xi32, #tpu.memory_space<vmem>> -> memref<1x128xi32, #tpu.memory_space<vmem>>
        %dma_wait3A_586 = tpu.memref_squeeze %dma_wait3A_585 : memref<1x128xi32, #tpu.memory_space<vmem>> -> memref<128xi32, #tpu.memory_space<vmem>>
        %dma_wait3A_587 = arith.constant 0 : i32
        %dma_wait3A_588 = arith.constant 0 : i32
        %dma_wait3A_589 = tpu.memref_slice %arg7[%dma_wait3A_587, %dma_wait3A_588] : memref<10240x64xf32, #tpu.memory_space<vmem_shared>> -> memref<10240x64xf32, #tpu.memory_space<vmem_shared>>
        tpu.wait_indirect_dma semaphore(%arg22 : memref<!tpu.dma_semaphore, #tpu.memory_space<semaphore_mem>>) src(%arg12 : memref<128x64xf32, #tpu.memory_space<vmem>>) dst(%dma_wait3A_589 : memref<10240x64xf32, #tpu.memory_space<vmem_shared>>)
        %dma_start3A_590 = arith.constant 0 : i32
        %dma_start3A_591 = arith.constant 0 : i32
        %dma_start3A_592 = tpu.memref_slice %arg8[%dma_start3A_590, %dma_start3A_591] : memref<8x128xi32, #tpu.memory_space<vmem>> -> memref<1x128xi32, #tpu.memory_space<vmem>>
        %dma_start3A_593 = tpu.memref_squeeze %dma_start3A_592 : memref<1x128xi32, #tpu.memory_space<vmem>> -> memref<128xi32, #tpu.memory_space<vmem>>
        %dma_start3A_594 = arith.constant 0 : i32
        %dma_start3A_595 = arith.constant 0 : i32
        %dma_start3A_596 = tpu.memref_slice %arg6[%dma_start3A_594, %dma_start3A_595] : memref<10240x64xf32, #tpu.memory_space<vmem_shared>> -> memref<10240x64xf32, #tpu.memory_space<vmem_shared>>
        tpu.enqueue_indirect_dma source(%dma_start3A_596 : memref<10240x64xf32, #tpu.memory_space<vmem_shared>>) target(%arg12 : memref<128x64xf32, #tpu.memory_space<vmem>>) offsets(%dma_start3A_593 : memref<128xi32, #tpu.memory_space<vmem>>) semaphore(%arg18 : memref<!tpu.dma_semaphore, #tpu.memory_space<semaphore_mem>>)
      } else {
      }
      %mul3A_517 = arith.constant 8 : i32
      %mul3A_518 = arith.muli %add3A_334, %mul3A_517 : i32
      %add3A_519 = arith.constant 6 : i32
      %add3A_520 = arith.addi %mul3A_518, %add3A_519 : i32
      %dma_wait3A_521 = arith.constant 6 : i32
      %dma_wait3A_522 = arith.constant 0 : i32
      %dma_wait3A_523 = tpu.memref_slice %arg9[%dma_wait3A_521, %dma_wait3A_522] : memref<8x128xi32, #tpu.memory_space<vmem>> -> memref<1x128xi32, #tpu.memory_space<vmem>>
      %dma_wait3A_524 = tpu.memref_squeeze %dma_wait3A_523 : memref<1x128xi32, #tpu.memory_space<vmem>> -> memref<128xi32, #tpu.memory_space<vmem>>
      %dma_wait3A_525 = arith.constant 0 : i32
      %dma_wait3A_526 = arith.constant 0 : i32
      %dma_wait3A_527 = tpu.memref_slice %arg6[%dma_wait3A_525, %dma_wait3A_526] : memref<10240x64xf32, #tpu.memory_space<vmem_shared>> -> memref<10240x64xf32, #tpu.memory_space<vmem_shared>>
      tpu.wait_indirect_dma semaphore(%arg20 : memref<!tpu.dma_semaphore, #tpu.memory_space<semaphore_mem>>) src(%dma_wait3A_527 : memref<10240x64xf32, #tpu.memory_space<vmem_shared>>) dst(%arg14 : memref<128x64xf32, #tpu.memory_space<vmem>>)
      %dma_start3A_528 = arith.constant 6 : i32
      %dma_start3A_529 = arith.constant 0 : i32
      %dma_start3A_530 = tpu.memref_slice %arg11[%dma_start3A_528, %dma_start3A_529] : memref<8x128xi32, #tpu.memory_space<vmem>> -> memref<1x128xi32, #tpu.memory_space<vmem>>
      %dma_start3A_531 = tpu.memref_squeeze %dma_start3A_530 : memref<1x128xi32, #tpu.memory_space<vmem>> -> memref<128xi32, #tpu.memory_space<vmem>>
      %dma_start3A_532 = arith.constant 0 : i32
      %dma_start3A_533 = arith.constant 0 : i32
      %dma_start3A_534 = tpu.memref_slice %arg7[%dma_start3A_532, %dma_start3A_533] : memref<10240x64xf32, #tpu.memory_space<vmem_shared>> -> memref<10240x64xf32, #tpu.memory_space<vmem_shared>>
      tpu.enqueue_indirect_dma source(%arg14 : memref<128x64xf32, #tpu.memory_space<vmem>>) target(%dma_start3A_534 : memref<10240x64xf32, #tpu.memory_space<vmem_shared>>) offsets(%dma_start3A_531 : memref<128xi32, #tpu.memory_space<vmem>>) semaphore(%arg24 : memref<!tpu.dma_semaphore, #tpu.memory_space<semaphore_mem>>) {add = true}
      %add3A_535 = arith.constant 1 : i32
      %add3A_536 = arith.addi %add3A_334, %add3A_535 : i32
      %lt3A_537 = arith.constant 20 : i32
      %lt3A_538 = arith.cmpi slt, %add3A_536, %lt3A_537 : i32
      %convert_element_type3A_539 = arith.extui %lt3A_538 : i1 to i32
      %cond3A_540 = arith.constant 0 : i32
      %cond3A_541 = arith.cmpi ne, %convert_element_type3A_539, %cond3A_540 : i32
      scf.if %cond3A_541 {
        %dma_wait3A_567 = arith.constant 6 : i32
        %dma_wait3A_568 = arith.constant 0 : i32
        %dma_wait3A_569 = tpu.memref_slice %arg11[%dma_wait3A_567, %dma_wait3A_568] : memref<8x128xi32, #tpu.memory_space<vmem>> -> memref<1x128xi32, #tpu.memory_space<vmem>>
        %dma_wait3A_570 = tpu.memref_squeeze %dma_wait3A_569 : memref<1x128xi32, #tpu.memory_space<vmem>> -> memref<128xi32, #tpu.memory_space<vmem>>
        %dma_wait3A_571 = arith.constant 0 : i32
        %dma_wait3A_572 = arith.constant 0 : i32
        %dma_wait3A_573 = tpu.memref_slice %arg7[%dma_wait3A_571, %dma_wait3A_572] : memref<10240x64xf32, #tpu.memory_space<vmem_shared>> -> memref<10240x64xf32, #tpu.memory_space<vmem_shared>>
        tpu.wait_indirect_dma semaphore(%arg23 : memref<!tpu.dma_semaphore, #tpu.memory_space<semaphore_mem>>) src(%arg13 : memref<128x64xf32, #tpu.memory_space<vmem>>) dst(%dma_wait3A_573 : memref<10240x64xf32, #tpu.memory_space<vmem_shared>>)
        %dma_start3A_574 = arith.constant 1 : i32
        %dma_start3A_575 = arith.constant 0 : i32
        %dma_start3A_576 = tpu.memref_slice %arg8[%dma_start3A_574, %dma_start3A_575] : memref<8x128xi32, #tpu.memory_space<vmem>> -> memref<1x128xi32, #tpu.memory_space<vmem>>
        %dma_start3A_577 = tpu.memref_squeeze %dma_start3A_576 : memref<1x128xi32, #tpu.memory_space<vmem>> -> memref<128xi32, #tpu.memory_space<vmem>>
        %dma_start3A_578 = arith.constant 0 : i32
        %dma_start3A_579 = arith.constant 0 : i32
        %dma_start3A_580 = tpu.memref_slice %arg6[%dma_start3A_578, %dma_start3A_579] : memref<10240x64xf32, #tpu.memory_space<vmem_shared>> -> memref<10240x64xf32, #tpu.memory_space<vmem_shared>>
        tpu.enqueue_indirect_dma source(%dma_start3A_580 : memref<10240x64xf32, #tpu.memory_space<vmem_shared>>) target(%arg13 : memref<128x64xf32, #tpu.memory_space<vmem>>) offsets(%dma_start3A_577 : memref<128xi32, #tpu.memory_space<vmem>>) semaphore(%arg19 : memref<!tpu.dma_semaphore, #tpu.memory_space<semaphore_mem>>)
      } else {
      }
      %mul3A_542 = arith.constant 8 : i32
      %mul3A_543 = arith.muli %add3A_334, %mul3A_542 : i32
      %add3A_544 = arith.constant 7 : i32
      %add3A_545 = arith.addi %mul3A_543, %add3A_544 : i32
      %dma_wait3A_546 = arith.constant 7 : i32
      %dma_wait3A_547 = arith.constant 0 : i32
      %dma_wait3A_548 = tpu.memref_slice %arg9[%dma_wait3A_546, %dma_wait3A_547] : memref<8x128xi32, #tpu.memory_space<vmem>> -> memref<1x128xi32, #tpu.memory_space<vmem>>
      %dma_wait3A_549 = tpu.memref_squeeze %dma_wait3A_548 : memref<1x128xi32, #tpu.memory_space<vmem>> -> memref<128xi32, #tpu.memory_space<vmem>>
      %dma_wait3A_550 = arith.constant 0 : i32
      %dma_wait3A_551 = arith.constant 0 : i32
      %dma_wait3A_552 = tpu.memref_slice %arg6[%dma_wait3A_550, %dma_wait3A_551] : memref<10240x64xf32, #tpu.memory_space<vmem_shared>> -> memref<10240x64xf32, #tpu.memory_space<vmem_shared>>
      tpu.wait_indirect_dma semaphore(%arg21 : memref<!tpu.dma_semaphore, #tpu.memory_space<semaphore_mem>>) src(%dma_wait3A_552 : memref<10240x64xf32, #tpu.memory_space<vmem_shared>>) dst(%arg15 : memref<128x64xf32, #tpu.memory_space<vmem>>)
      %dma_start3A_553 = arith.constant 7 : i32
      %dma_start3A_554 = arith.constant 0 : i32
      %dma_start3A_555 = tpu.memref_slice %arg11[%dma_start3A_553, %dma_start3A_554] : memref<8x128xi32, #tpu.memory_space<vmem>> -> memref<1x128xi32, #tpu.memory_space<vmem>>
      %dma_start3A_556 = tpu.memref_squeeze %dma_start3A_555 : memref<1x128xi32, #tpu.memory_space<vmem>> -> memref<128xi32, #tpu.memory_space<vmem>>
      %dma_start3A_557 = arith.constant 0 : i32
      %dma_start3A_558 = arith.constant 0 : i32
      %dma_start3A_559 = tpu.memref_slice %arg7[%dma_start3A_557, %dma_start3A_558] : memref<10240x64xf32, #tpu.memory_space<vmem_shared>> -> memref<10240x64xf32, #tpu.memory_space<vmem_shared>>
      tpu.enqueue_indirect_dma source(%arg15 : memref<128x64xf32, #tpu.memory_space<vmem>>) target(%dma_start3A_559 : memref<10240x64xf32, #tpu.memory_space<vmem_shared>>) offsets(%dma_start3A_556 : memref<128xi32, #tpu.memory_space<vmem>>) semaphore(%arg25 : memref<!tpu.dma_semaphore, #tpu.memory_space<semaphore_mem>>) {add = true}
      %add3A_560 = arith.constant 1 : i32
      %add3A_561 = arith.addi %add3A_334, %add3A_560 : i32
      %lt3A_562 = arith.constant 20 : i32
      %lt3A_563 = arith.cmpi slt, %add3A_561, %lt3A_562 : i32
      %convert_element_type3A_564 = arith.extui %lt3A_563 : i1 to i32
      %cond3A_565 = arith.constant 0 : i32
      %cond3A_566 = arith.cmpi ne, %convert_element_type3A_564, %cond3A_565 : i32
      scf.if %cond3A_566 {
        %dma_wait3A_567 = arith.constant 7 : i32
        %dma_wait3A_568 = arith.constant 0 : i32
        %dma_wait3A_569 = tpu.memref_slice %arg11[%dma_wait3A_567, %dma_wait3A_568] : memref<8x128xi32, #tpu.memory_space<vmem>> -> memref<1x128xi32, #tpu.memory_space<vmem>>
        %dma_wait3A_570 = tpu.memref_squeeze %dma_wait3A_569 : memref<1x128xi32, #tpu.memory_space<vmem>> -> memref<128xi32, #tpu.memory_space<vmem>>
        %dma_wait3A_571 = arith.constant 0 : i32
        %dma_wait3A_572 = arith.constant 0 : i32
        %dma_wait3A_573 = tpu.memref_slice %arg7[%dma_wait3A_571, %dma_wait3A_572] : memref<10240x64xf32, #tpu.memory_space<vmem_shared>> -> memref<10240x64xf32, #tpu.memory_space<vmem_shared>>
        tpu.wait_indirect_dma semaphore(%arg24 : memref<!tpu.dma_semaphore, #tpu.memory_space<semaphore_mem>>) src(%arg14 : memref<128x64xf32, #tpu.memory_space<vmem>>) dst(%dma_wait3A_573 : memref<10240x64xf32, #tpu.memory_space<vmem_shared>>)
        %dma_start3A_574 = arith.constant 2 : i32
        %dma_start3A_575 = arith.constant 0 : i32
        %dma_start3A_576 = tpu.memref_slice %arg8[%dma_start3A_574, %dma_start3A_575] : memref<8x128xi32, #tpu.memory_space<vmem>> -> memref<1x128xi32, #tpu.memory_space<vmem>>
        %dma_start3A_577 = tpu.memref_squeeze %dma_start3A_576 : memref<1x128xi32, #tpu.memory_space<vmem>> -> memref<128xi32, #tpu.memory_space<vmem>>
        %dma_start3A_578 = arith.constant 0 : i32
        %dma_start3A_579 = arith.constant 0 : i32
        %dma_start3A_580 = tpu.memref_slice %arg6[%dma_start3A_578, %dma_start3A_579] : memref<10240x64xf32, #tpu.memory_space<vmem_shared>> -> memref<10240x64xf32, #tpu.memory_space<vmem_shared>>
        tpu.enqueue_indirect_dma source(%dma_start3A_580 : memref<10240x64xf32, #tpu.memory_space<vmem_shared>>) target(%arg14 : memref<128x64xf32, #tpu.memory_space<vmem>>) offsets(%dma_start3A_577 : memref<128xi32, #tpu.memory_space<vmem>>) semaphore(%arg20 : memref<!tpu.dma_semaphore, #tpu.memory_space<semaphore_mem>>)
      } else {
      }
    }
    %scan3A_67 = arith.constant 10 : i32
    %dma_wait3A_68 = arith.constant 0 : i32
    %dma_wait3A_69 = arith.constant 0 : i32
    %dma_wait3A_70 = tpu.memref_slice %arg11[%dma_wait3A_68, %dma_wait3A_69] : memref<8x128xi32, #tpu.memory_space<vmem>> -> memref<1x128xi32, #tpu.memory_space<vmem>>
    %dma_wait3A_71 = tpu.memref_squeeze %dma_wait3A_70 : memref<1x128xi32, #tpu.memory_space<vmem>> -> memref<128xi32, #tpu.memory_space<vmem>>
    %dma_wait3A_72 = arith.constant 0 : i32
    %dma_wait3A_73 = arith.constant 0 : i32
    %dma_wait3A_74 = tpu.memref_slice %arg7[%dma_wait3A_72, %dma_wait3A_73] : memref<10240x64xf32, #tpu.memory_space<vmem_shared>> -> memref<10240x64xf32, #tpu.memory_space<vmem_shared>>
    tpu.wait_indirect_dma semaphore(%arg22 : memref<!tpu.dma_semaphore, #tpu.memory_space<semaphore_mem>>) src(%arg12 : memref<128x64xf32, #tpu.memory_space<vmem>>) dst(%dma_wait3A_74 : memref<10240x64xf32, #tpu.memory_space<vmem_shared>>)
    %dma_wait3A_75 = arith.constant 1 : i32
    %dma_wait3A_76 = arith.constant 0 : i32
    %dma_wait3A_77 = tpu.memref_slice %arg11[%dma_wait3A_75, %dma_wait3A_76] : memref<8x128xi32, #tpu.memory_space<vmem>> -> memref<1x128xi32, #tpu.memory_space<vmem>>
    %dma_wait3A_78 = tpu.memref_squeeze %dma_wait3A_77 : memref<1x128xi32, #tpu.memory_space<vmem>> -> memref<128xi32, #tpu.memory_space<vmem>>
    %dma_wait3A_79 = arith.constant 0 : i32
    %dma_wait3A_80 = arith.constant 0 : i32
    %dma_wait3A_81 = tpu.memref_slice %arg7[%dma_wait3A_79, %dma_wait3A_80] : memref<10240x64xf32, #tpu.memory_space<vmem_shared>> -> memref<10240x64xf32, #tpu.memory_space<vmem_shared>>
    tpu.wait_indirect_dma semaphore(%arg23 : memref<!tpu.dma_semaphore, #tpu.memory_space<semaphore_mem>>) src(%arg13 : memref<128x64xf32, #tpu.memory_space<vmem>>) dst(%dma_wait3A_81 : memref<10240x64xf32, #tpu.memory_space<vmem_shared>>)
    %dma_wait3A_82 = arith.constant 2 : i32
    %dma_wait3A_83 = arith.constant 0 : i32
    %dma_wait3A_84 = tpu.memref_slice %arg11[%dma_wait3A_82, %dma_wait3A_83] : memref<8x128xi32, #tpu.memory_space<vmem>> -> memref<1x128xi32, #tpu.memory_space<vmem>>
    %dma_wait3A_85 = tpu.memref_squeeze %dma_wait3A_84 : memref<1x128xi32, #tpu.memory_space<vmem>> -> memref<128xi32, #tpu.memory_space<vmem>>
    %dma_wait3A_86 = arith.constant 0 : i32
    %dma_wait3A_87 = arith.constant 0 : i32
    %dma_wait3A_88 = tpu.memref_slice %arg7[%dma_wait3A_86, %dma_wait3A_87] : memref<10240x64xf32, #tpu.memory_space<vmem_shared>> -> memref<10240x64xf32, #tpu.memory_space<vmem_shared>>
    tpu.wait_indirect_dma semaphore(%arg24 : memref<!tpu.dma_semaphore, #tpu.memory_space<semaphore_mem>>) src(%arg14 : memref<128x64xf32, #tpu.memory_space<vmem>>) dst(%dma_wait3A_88 : memref<10240x64xf32, #tpu.memory_space<vmem_shared>>)
    %dma_wait3A_89 = arith.constant 3 : i32
    %dma_wait3A_90 = arith.constant 0 : i32
    %dma_wait3A_91 = tpu.memref_slice %arg11[%dma_wait3A_89, %dma_wait3A_90] : memref<8x128xi32, #tpu.memory_space<vmem>> -> memref<1x128xi32, #tpu.memory_space<vmem>>
    %dma_wait3A_92 = tpu.memref_squeeze %dma_wait3A_91 : memref<1x128xi32, #tpu.memory_space<vmem>> -> memref<128xi32, #tpu.memory_space<vmem>>
    %dma_wait3A_93 = arith.constant 0 : i32
    %dma_wait3A_94 = arith.constant 0 : i32
    %dma_wait3A_95 = tpu.memref_slice %arg7[%dma_wait3A_93, %dma_wait3A_94] : memref<10240x64xf32, #tpu.memory_space<vmem_shared>> -> memref<10240x64xf32, #tpu.memory_space<vmem_shared>>
    tpu.wait_indirect_dma semaphore(%arg25 : memref<!tpu.dma_semaphore, #tpu.memory_space<semaphore_mem>>) src(%arg15 : memref<128x64xf32, #tpu.memory_space<vmem>>) dst(%dma_wait3A_95 : memref<10240x64xf32, #tpu.memory_space<vmem_shared>>)
    %barrier3A_96 = arith.constant 0 : index
    tpu.barrier barrier_id(%barrier3A_96)
    %mul3A_97 = arith.constant 640 : i32
    %mul3A_98 = arith.muli %arg1, %mul3A_97 : i32
    %mul3A_99 = arith.constant 640 : i32
    %mul3A_100 = arith.muli %arg1, %mul3A_99 : i32
    "tpu.region"() ({
      %run_scoped3A = tpu.sem_alloc : memref<!tpu.dma_semaphore, #tpu.memory_space<semaphore_mem>>
      %dma_start3A_101 = arith.constant 0 : i32
      %dma_start3A_102 = tpu.memref_slice %arg5[%arg0, %mul3A_100, %dma_start3A_101] : memref<2x10240x64xf32, #tpu.memory_space<hbm>> -> memref<1x640x64xf32, #tpu.memory_space<hbm>>
      %dma_start3A_103 = tpu.memref_squeeze %dma_start3A_102 : memref<1x640x64xf32, #tpu.memory_space<hbm>> -> memref<640x64xf32, #tpu.memory_space<hbm>>
      %dma_start3A_104 = arith.constant 0 : i32
      %dma_start3A_105 = tpu.memref_slice %arg7[%mul3A_98, %dma_start3A_104] : memref<10240x64xf32, #tpu.memory_space<vmem_shared>> -> memref<640x64xf32, #tpu.memory_space<vmem_shared>>
      tpu.enqueue_dma source(%dma_start3A_105 : memref<640x64xf32, #tpu.memory_space<vmem_shared>>) target(%dma_start3A_103 : memref<640x64xf32, #tpu.memory_space<hbm>>) target_semaphore(%run_scoped3A : memref<!tpu.dma_semaphore, #tpu.memory_space<semaphore_mem>>)
      %dma_wait3A_106 = arith.constant 0 : i32
      %dma_wait3A_107 = tpu.memref_slice %arg5[%arg0, %mul3A_100, %dma_wait3A_106] : memref<2x10240x64xf32, #tpu.memory_space<hbm>> -> memref<1x640x64xf32, #tpu.memory_space<hbm>>
      %dma_wait3A_108 = tpu.memref_squeeze %dma_wait3A_107 : memref<1x640x64xf32, #tpu.memory_space<hbm>> -> memref<640x64xf32, #tpu.memory_space<hbm>>
      %dma_wait3A_109 = arith.constant 0 : i32
      %dma_wait3A_110 = tpu.memref_slice %arg7[%mul3A_98, %dma_wait3A_109] : memref<10240x64xf32, #tpu.memory_space<vmem_shared>> -> memref<640x64xf32, #tpu.memory_space<vmem_shared>>
      tpu.wait_dma2 semaphore(%run_scoped3A : memref<!tpu.dma_semaphore, #tpu.memory_space<semaphore_mem>>) src(%dma_wait3A_110 : memref<640x64xf32, #tpu.memory_space<vmem_shared>>) dst(%dma_wait3A_108 : memref<640x64xf32, #tpu.memory_space<hbm>>)
      tpu.yield
    }) : () -> ()
    return
  }
}

module attributes {stable_mosaic.version = 14 : i64} {
  func.func @_tc_project_body(%arg0: i32, %arg1: memref<1280x128xf32, #tpu.memory_space<vmem>>, %arg2: memref<128x128xf32, #tpu.memory_space<vmem>>, %arg3: memref<1280x1xf32, #tpu.memory_space<vmem>>, %arg4: memref<2x1280x64xf32, #tpu.memory_space<vmem>>) attributes {dimension_semantics = [#tpu.dimension_semantics<arbitrary>], iteration_bounds = array<i64: 8>, scalar_prefetch = 0 : i64, scratch_operands = 0 : i64, tpu.core_type = #tpu.core_type<tc>, window_params = [{transform_indices = @transform_0, window_bounds = array<i64: 1280, 128>}, {pipeline_mode = #tpu.pipeline_mode<synchronous>, transform_indices = @transform_1, window_bounds = array<i64: 128, 128>}, {transform_indices = @transform_2, window_bounds = array<i64: 1280, 1>}, {transform_indices = @transform_3, window_bounds = array<i64: 2, 1280, 64>}]} {
    %get3A = arith.constant 0 : index
    %get3A_0 = arith.constant 0 : index
    %get3A_1 = vector.load %arg3[%get3A, %get3A_0] : memref<1280x1xf32, #tpu.memory_space<vmem>>, vector<1280x1xf32>
    %get3A_2 = arith.constant 0 : index
    %get3A_3 = arith.constant 0 : index
    %get3A_4 = vector.load %arg1[%get3A_2, %get3A_3] : memref<1280x128xf32, #tpu.memory_space<vmem>>, vector<1280x128xf32>
    %get3A_5 = arith.constant 0 : index
    %get3A_6 = arith.constant 0 : index
    %get3A_7 = vector.load %arg2[%get3A_5, %get3A_6] : memref<128x128xf32, #tpu.memory_space<vmem>>, vector<128x128xf32>
    %dot_general3A = arith.constant dense<0.000000e+00> : vector<1280x128xf32>
    %dot_general3A_8 = tpu.matmul %get3A_4, %get3A_7, %dot_general3A {dimension_numbers = #tpu.dot_dimension_numbers<[1], [0], [0], [1], [0, 0, 1, 1], [], []>, transpose_lhs_hint = false} : vector<1280x128xf32>, vector<128x128xf32>, vector<1280x128xf32> -> vector<1280x128xf32>
    %mul3A = vector.broadcast %get3A_1 : vector<1280x1xf32> to vector<1280x128xf32>
    %mul3A_9 = arith.mulf %mul3A, %dot_general3A_8 : vector<1280x128xf32>
    %slice3A = vector.extract_strided_slice %mul3A_9 {offsets = [0, 0], sizes = [1280, 64], strides = [1, 1]} : vector<1280x128xf32> to vector<1280x64xf32>
    %swap3A = arith.constant 0 : index
    %swap3A_10 = arith.constant 0 : index
    %swap3A_11 = arith.constant 0 : index
    %swap3A_12 = vector.load %arg4[%swap3A, %swap3A_10, %swap3A_11] : memref<2x1280x64xf32, #tpu.memory_space<vmem>>, vector<1x1280x64xf32>
    %swap3A_13 = vector.shape_cast %swap3A_12 : vector<1x1280x64xf32> to vector<1280x64xf32>
    %swap3A_14 = vector.shape_cast %slice3A : vector<1280x64xf32> to vector<1x1280x64xf32>
    tpu.vector_store %arg4[%swap3A, %swap3A_10, %swap3A_11], %swap3A_14 {strides = array<i32>} : memref<2x1280x64xf32, #tpu.memory_space<vmem>>, vector<1x1280x64xf32>,
    %slice3A_15 = vector.extract_strided_slice %mul3A_9 {offsets = [0, 64], sizes = [1280, 64], strides = [1, 1]} : vector<1280x128xf32> to vector<1280x64xf32>
    %swap3A_16 = arith.constant 1 : index
    %swap3A_17 = arith.constant 0 : index
    %swap3A_18 = arith.constant 0 : index
    %swap3A_19 = vector.load %arg4[%swap3A_16, %swap3A_17, %swap3A_18] : memref<2x1280x64xf32, #tpu.memory_space<vmem>>, vector<1x1280x64xf32>
    %swap3A_20 = vector.shape_cast %swap3A_19 : vector<1x1280x64xf32> to vector<1280x64xf32>
    %swap3A_21 = vector.shape_cast %slice3A_15 : vector<1280x64xf32> to vector<1x1280x64xf32>
    tpu.vector_store %arg4[%swap3A_16, %swap3A_17, %swap3A_18], %swap3A_21 {strides = array<i32>} : memref<2x1280x64xf32, #tpu.memory_space<vmem>>, vector<1x1280x64xf32>,
    return
  }
  func.func @transform_0(%arg0: i32) -> (i32, i32) {
    %c0_i32 = arith.constant 0 : i32
    %c0_i32_0 = arith.constant 0 : i32
    return %arg0, %c0_i32 : i32, i32
  }
  func.func @transform_1(%arg0: i32) -> (i32, i32) {
    %c0_i32 = arith.constant 0 : i32
    %c0_i32_0 = arith.constant 0 : i32
    %c0_i32_1 = arith.constant 0 : i32
    return %c0_i32, %c0_i32_0 : i32, i32
  }
  func.func @transform_2(%arg0: i32) -> (i32, i32) {
    %c0_i32 = arith.constant 0 : i32
    %c0_i32_0 = arith.constant 0 : i32
    return %arg0, %c0_i32 : i32, i32
  }
  func.func @transform_3(%arg0: i32) -> (i32, i32, i32) {
    %c0_i32 = arith.constant 0 : i32
    %c0_i32_0 = arith.constant 0 : i32
    %c0_i32_1 = arith.constant 0 : i32
    return %c0_i32, %arg0, %c0_i32_0 : i32, i32, i32
  }
}

module attributes {stable_mosaic.version = 14 : i64} {
  func.func @_tc_layer_body(%arg0: i32, %arg1: memref<2x1280x64xf32, #tpu.memory_space<vmem>>, %arg2: memref<2x1280x64xf32, #tpu.memory_space<vmem>>, %arg3: memref<1280x1xf32, #tpu.memory_space<vmem>>, %arg4: memref<1x128xf32, #tpu.memory_space<vmem>>, %arg5: memref<128x128xf32, #tpu.memory_space<vmem>>, %arg6: memref<2x1280x64xf32, #tpu.memory_space<vmem>>) attributes {dimension_semantics = [#tpu.dimension_semantics<arbitrary>], iteration_bounds = array<i64: 8>, scalar_prefetch = 0 : i64, scratch_operands = 0 : i64, tpu.core_type = #tpu.core_type<tc>, window_params = [{transform_indices = @transform_0, window_bounds = array<i64: 2, 1280, 64>}, {transform_indices = @transform_1, window_bounds = array<i64: 2, 1280, 64>}, {transform_indices = @transform_2, window_bounds = array<i64: 1280, 1>}, {pipeline_mode = #tpu.pipeline_mode<synchronous>, transform_indices = @transform_3, window_bounds = array<i64: 1, 128>}, {pipeline_mode = #tpu.pipeline_mode<synchronous>, transform_indices = @transform_4, window_bounds = array<i64: 128, 128>}, {transform_indices = @transform_5, window_bounds = array<i64: 2, 1280, 64>}]} {
    %get3A = arith.constant 0 : index
    %get3A_0 = arith.constant 0 : index
    %get3A_1 = vector.load %arg3[%get3A, %get3A_0] : memref<1280x1xf32, #tpu.memory_space<vmem>>, vector<1280x1xf32>
    %get3A_2 = arith.constant 0 : index
    %get3A_3 = arith.constant 0 : index
    %get3A_4 = arith.constant 0 : index
    %get3A_5 = vector.load %arg1[%get3A_2, %get3A_3, %get3A_4] : memref<2x1280x64xf32, #tpu.memory_space<vmem>>, vector<1x1280x64xf32>
    %get3A_6 = vector.shape_cast %get3A_5 : vector<1x1280x64xf32> to vector<1280x64xf32>
    %get3A_7 = arith.constant 0 : index
    %get3A_8 = arith.constant 0 : index
    %get3A_9 = arith.constant 0 : index
    %get3A_10 = vector.load %arg2[%get3A_7, %get3A_8, %get3A_9] : memref<2x1280x64xf32, #tpu.memory_space<vmem>>, vector<1x1280x64xf32>
    %get3A_11 = vector.shape_cast %get3A_10 : vector<1x1280x64xf32> to vector<1280x64xf32>
    %add3A = arith.addf %get3A_6, %get3A_11 : vector<1280x64xf32>
    %get3A_12 = arith.constant 1 : index
    %get3A_13 = arith.constant 0 : index
    %get3A_14 = arith.constant 0 : index
    %get3A_15 = vector.load %arg1[%get3A_12, %get3A_13, %get3A_14] : memref<2x1280x64xf32, #tpu.memory_space<vmem>>, vector<1x1280x64xf32>
    %get3A_16 = vector.shape_cast %get3A_15 : vector<1x1280x64xf32> to vector<1280x64xf32>
    %get3A_17 = arith.constant 1 : index
    %get3A_18 = arith.constant 0 : index
    %get3A_19 = arith.constant 0 : index
    %get3A_20 = vector.load %arg2[%get3A_17, %get3A_18, %get3A_19] : memref<2x1280x64xf32, #tpu.memory_space<vmem>>, vector<1x1280x64xf32>
    %get3A_21 = vector.shape_cast %get3A_20 : vector<1x1280x64xf32> to vector<1280x64xf32>
    %add3A_22 = arith.addf %get3A_16, %get3A_21 : vector<1280x64xf32>
    %concatenate3A = tpu.concatenate %add3A, %add3A_22 in 1 : vector<1280x64xf32>, vector<1280x64xf32> -> vector<1280x128xf32>
    %mul3A = vector.broadcast %get3A_1 : vector<1280x1xf32> to vector<1280x128xf32>
    %mul3A_23 = arith.mulf %mul3A, %concatenate3A : vector<1280x128xf32>
    %get3A_24 = arith.constant 0 : index
    %get3A_25 = arith.constant 0 : index
    %get3A_26 = vector.load %arg4[%get3A_24, %get3A_25] : memref<1x128xf32, #tpu.memory_space<vmem>>, vector<1x128xf32>
    %add3A_27 = vector.broadcast %get3A_26 : vector<1x128xf32> to vector<1280x128xf32>
    %add3A_28 = arith.addf %mul3A_23, %add3A_27 : vector<1280x128xf32>
    %max3A = arith.constant 0.000000e+00 : f32
    %max3A_29 = vector.broadcast %max3A : f32 to vector<1280x128xf32>
    %max3A_30 = arith.maximumf %add3A_28, %max3A_29 : vector<1280x128xf32>
    %get3A_31 = arith.constant 0 : index
    %get3A_32 = arith.constant 0 : index
    %get3A_33 = vector.load %arg3[%get3A_31, %get3A_32] : memref<1280x1xf32, #tpu.memory_space<vmem>>, vector<1280x1xf32>
    %get3A_34 = arith.constant 0 : index
    %get3A_35 = arith.constant 0 : index
    %get3A_36 = vector.load %arg5[%get3A_34, %get3A_35] : memref<128x128xf32, #tpu.memory_space<vmem>>, vector<128x128xf32>
    %dot_general3A = arith.constant dense<0.000000e+00> : vector<1280x128xf32>
    %dot_general3A_37 = tpu.matmul %max3A_30, %get3A_36, %dot_general3A {dimension_numbers = #tpu.dot_dimension_numbers<[1], [0], [0], [1], [0, 0, 1, 1], [], []>, transpose_lhs_hint = false} : vector<1280x128xf32>, vector<128x128xf32>, vector<1280x128xf32> -> vector<1280x128xf32>
    %mul3A_38 = vector.broadcast %get3A_33 : vector<1280x1xf32> to vector<1280x128xf32>
    %mul3A_39 = arith.mulf %mul3A_38, %dot_general3A_37 : vector<1280x128xf32>
    %slice3A = vector.extract_strided_slice %mul3A_39 {offsets = [0, 0], sizes = [1280, 64], strides = [1, 1]} : vector<1280x128xf32> to vector<1280x64xf32>
    %swap3A = arith.constant 0 : index
    %swap3A_40 = arith.constant 0 : index
    %swap3A_41 = arith.constant 0 : index
    %swap3A_42 = vector.load %arg6[%swap3A, %swap3A_40, %swap3A_41] : memref<2x1280x64xf32, #tpu.memory_space<vmem>>, vector<1x1280x64xf32>
    %swap3A_43 = vector.shape_cast %swap3A_42 : vector<1x1280x64xf32> to vector<1280x64xf32>
    %swap3A_44 = vector.shape_cast %slice3A : vector<1280x64xf32> to vector<1x1280x64xf32>
    tpu.vector_store %arg6[%swap3A, %swap3A_40, %swap3A_41], %swap3A_44 {strides = array<i32>} : memref<2x1280x64xf32, #tpu.memory_space<vmem>>, vector<1x1280x64xf32>,
    %slice3A_45 = vector.extract_strided_slice %mul3A_39 {offsets = [0, 64], sizes = [1280, 64], strides = [1, 1]} : vector<1280x128xf32> to vector<1280x64xf32>
    %swap3A_46 = arith.constant 1 : index
    %swap3A_47 = arith.constant 0 : index
    %swap3A_48 = arith.constant 0 : index
    %swap3A_49 = vector.load %arg6[%swap3A_46, %swap3A_47, %swap3A_48] : memref<2x1280x64xf32, #tpu.memory_space<vmem>>, vector<1x1280x64xf32>
    %swap3A_50 = vector.shape_cast %swap3A_49 : vector<1x1280x64xf32> to vector<1280x64xf32>
    %swap3A_51 = vector.shape_cast %slice3A_45 : vector<1280x64xf32> to vector<1x1280x64xf32>
    tpu.vector_store %arg6[%swap3A_46, %swap3A_47, %swap3A_48], %swap3A_51 {strides = array<i32>} : memref<2x1280x64xf32, #tpu.memory_space<vmem>>, vector<1x1280x64xf32>,
    return
  }
  func.func @transform_0(%arg0: i32) -> (i32, i32, i32) {
    %c0_i32 = arith.constant 0 : i32
    %c0_i32_0 = arith.constant 0 : i32
    %c0_i32_1 = arith.constant 0 : i32
    return %c0_i32, %arg0, %c0_i32_0 : i32, i32, i32
  }
  func.func @transform_1(%arg0: i32) -> (i32, i32, i32) {
    %c0_i32 = arith.constant 0 : i32
    %c0_i32_0 = arith.constant 0 : i32
    %c0_i32_1 = arith.constant 0 : i32
    return %c0_i32, %arg0, %c0_i32_0 : i32, i32, i32
  }
  func.func @transform_2(%arg0: i32) -> (i32, i32) {
    %c0_i32 = arith.constant 0 : i32
    %c0_i32_0 = arith.constant 0 : i32
    return %arg0, %c0_i32 : i32, i32
  }
  func.func @transform_3(%arg0: i32) -> (i32, i32) {
    %c0_i32 = arith.constant 0 : i32
    %c0_i32_0 = arith.constant 0 : i32
    %c0_i32_1 = arith.constant 0 : i32
    return %c0_i32, %c0_i32_0 : i32, i32
  }
  func.func @transform_4(%arg0: i32) -> (i32, i32) {
    %c0_i32 = arith.constant 0 : i32
    %c0_i32_0 = arith.constant 0 : i32
    %c0_i32_1 = arith.constant 0 : i32
    return %c0_i32, %c0_i32_0 : i32, i32
  }
  func.func @transform_5(%arg0: i32) -> (i32, i32, i32) {
    %c0_i32 = arith.constant 0 : i32
    %c0_i32_0 = arith.constant 0 : i32
    %c0_i32_1 = arith.constant 0 : i32
    return %c0_i32, %arg0, %c0_i32_0 : i32, i32, i32
  }
}

module attributes {stable_mosaic.version = 14 : i64} {
  func.func @_tc_final_body(%arg0: i32, %arg1: memref<2x1280x64xf32, #tpu.memory_space<vmem>>, %arg2: memref<2x1280x64xf32, #tpu.memory_space<vmem>>, %arg3: memref<1280x1xf32, #tpu.memory_space<vmem>>, %arg4: memref<1x128xf32, #tpu.memory_space<vmem>>, %arg5: memref<1280x128xf32, #tpu.memory_space<vmem>>) attributes {dimension_semantics = [#tpu.dimension_semantics<arbitrary>], iteration_bounds = array<i64: 8>, scalar_prefetch = 0 : i64, scratch_operands = 0 : i64, tpu.core_type = #tpu.core_type<tc>, window_params = [{transform_indices = @transform_0, window_bounds = array<i64: 2, 1280, 64>}, {transform_indices = @transform_1, window_bounds = array<i64: 2, 1280, 64>}, {transform_indices = @transform_2, window_bounds = array<i64: 1280, 1>}, {pipeline_mode = #tpu.pipeline_mode<synchronous>, transform_indices = @transform_3, window_bounds = array<i64: 1, 128>}, {transform_indices = @transform_4, window_bounds = array<i64: 1280, 128>}]} {
    %get3A = arith.constant 0 : index
    %get3A_0 = arith.constant 0 : index
    %get3A_1 = vector.load %arg3[%get3A, %get3A_0] : memref<1280x1xf32, #tpu.memory_space<vmem>>, vector<1280x1xf32>
    %get3A_2 = arith.constant 0 : index
    %get3A_3 = arith.constant 0 : index
    %get3A_4 = arith.constant 0 : index
    %get3A_5 = vector.load %arg1[%get3A_2, %get3A_3, %get3A_4] : memref<2x1280x64xf32, #tpu.memory_space<vmem>>, vector<1x1280x64xf32>
    %get3A_6 = vector.shape_cast %get3A_5 : vector<1x1280x64xf32> to vector<1280x64xf32>
    %get3A_7 = arith.constant 0 : index
    %get3A_8 = arith.constant 0 : index
    %get3A_9 = arith.constant 0 : index
    %get3A_10 = vector.load %arg2[%get3A_7, %get3A_8, %get3A_9] : memref<2x1280x64xf32, #tpu.memory_space<vmem>>, vector<1x1280x64xf32>
    %get3A_11 = vector.shape_cast %get3A_10 : vector<1x1280x64xf32> to vector<1280x64xf32>
    %add3A = arith.addf %get3A_6, %get3A_11 : vector<1280x64xf32>
    %get3A_12 = arith.constant 1 : index
    %get3A_13 = arith.constant 0 : index
    %get3A_14 = arith.constant 0 : index
    %get3A_15 = vector.load %arg1[%get3A_12, %get3A_13, %get3A_14] : memref<2x1280x64xf32, #tpu.memory_space<vmem>>, vector<1x1280x64xf32>
    %get3A_16 = vector.shape_cast %get3A_15 : vector<1x1280x64xf32> to vector<1280x64xf32>
    %get3A_17 = arith.constant 1 : index
    %get3A_18 = arith.constant 0 : index
    %get3A_19 = arith.constant 0 : index
    %get3A_20 = vector.load %arg2[%get3A_17, %get3A_18, %get3A_19] : memref<2x1280x64xf32, #tpu.memory_space<vmem>>, vector<1x1280x64xf32>
    %get3A_21 = vector.shape_cast %get3A_20 : vector<1x1280x64xf32> to vector<1280x64xf32>
    %add3A_22 = arith.addf %get3A_16, %get3A_21 : vector<1280x64xf32>
    %concatenate3A = tpu.concatenate %add3A, %add3A_22 in 1 : vector<1280x64xf32>, vector<1280x64xf32> -> vector<1280x128xf32>
    %mul3A = vector.broadcast %get3A_1 : vector<1280x1xf32> to vector<1280x128xf32>
    %mul3A_23 = arith.mulf %mul3A, %concatenate3A : vector<1280x128xf32>
    %get3A_24 = arith.constant 0 : index
    %get3A_25 = arith.constant 0 : index
    %get3A_26 = vector.load %arg4[%get3A_24, %get3A_25] : memref<1x128xf32, #tpu.memory_space<vmem>>, vector<1x128xf32>
    %add3A_27 = vector.broadcast %get3A_26 : vector<1x128xf32> to vector<1280x128xf32>
    %add3A_28 = arith.addf %mul3A_23, %add3A_27 : vector<1280x128xf32>
    %max3A = arith.constant 0.000000e+00 : f32
    %max3A_29 = vector.broadcast %max3A : f32 to vector<1280x128xf32>
    %max3A_30 = arith.maximumf %add3A_28, %max3A_29 : vector<1280x128xf32>
    %swap3A = arith.constant 0 : index
    %swap3A_31 = arith.constant 0 : index
    %swap3A_32 = vector.load %arg5[%swap3A, %swap3A_31] : memref<1280x128xf32, #tpu.memory_space<vmem>>, vector<1280x128xf32>
    tpu.vector_store %arg5[%swap3A, %swap3A_31], %max3A_30 {strides = array<i32>} : memref<1280x128xf32, #tpu.memory_space<vmem>>, vector<1280x128xf32>,
    return
  }
  func.func @transform_0(%arg0: i32) -> (i32, i32, i32) {
    %c0_i32 = arith.constant 0 : i32
    %c0_i32_0 = arith.constant 0 : i32
    %c0_i32_1 = arith.constant 0 : i32
    return %c0_i32, %arg0, %c0_i32_0 : i32, i32, i32
  }
  func.func @transform_1(%arg0: i32) -> (i32, i32, i32) {
    %c0_i32 = arith.constant 0 : i32
    %c0_i32_0 = arith.constant 0 : i32
    %c0_i32_1 = arith.constant 0 : i32
    return %c0_i32, %arg0, %c0_i32_0 : i32, i32, i32
  }
  func.func @transform_2(%arg0: i32) -> (i32, i32) {
    %c0_i32 = arith.constant 0 : i32
    %c0_i32_0 = arith.constant 0 : i32
    return %arg0, %c0_i32 : i32, i32
  }
  func.func @transform_3(%arg0: i32) -> (i32, i32) {
    %c0_i32 = arith.constant 0 : i32
    %c0_i32_0 = arith.constant 0 : i32
    %c0_i32_1 = arith.constant 0 : i32
    return %c0_i32, %c0_i32_0 : i32, i32
  }
  func.func @transform_4(%arg0: i32) -> (i32, i32) {
    %c0_i32 = arith.constant 0 : i32
    %c0_i32_0 = arith.constant 0 : i32
    return %arg0, %c0_i32 : i32, i32
  }
}

</mosaic_0001>

<sc_bundles>
// kernel: kernel.10.cloned.1.call-start
scs
__scs_entry_jumppad:
0x0: {  	(pc) =	sbr.rel $0x88, $3  }
0x1: {  	(tag) =	ssettag $0x0;
	lr =	simm.s32 $0x1  }
0x2: {  	[smem:$0x3F99] =	sst lr;
	_ =	strace $0xD0000000  }
0x3: {  	_ = 	snop  }
0x4: {  	_ = 	snop  }
0x5: {  	_ = 	snop  }
0x6: {  	_ = 	snop  }
0x7: {  	_ = 	snop  }
__scs_overlays_trampoline_lowered:
0x8: {  	[smem:$0x3FA8] =	sst s0  }
0x9: {  	[smem:$0x3FA9] =	sst s1  }
0xa: {  	[smem:$0x3FAA] =	sst s2  }
0xb: {  	[smem:$0x3FAB] =	sst s3  }
0xc: {  	[smem:$0x3FAC] =	sst s4  }
0xd: {  	[smem:$0x3FAD] =	sst s5  }
0xe: {  	[smem:$0x3FAE] =	sst s6  }
0xf: {  	[smem:$0x3FAF] =	sst s7  }
0x10: {  	[smem:$0x3FB0] =	sst s8  }
0x11: {  	[smem:$0x3FB1] =	sst s9;
	s0 =	simm.s32 @!p0 $0x0  }
0x12: {  	s1 =	sld [smem:$0x3F97];
	s0 =	simm.s32 @p0 $0x1  }
0x13: {  	[smem:$0x3FB2] =	sst s0;
	s0 =	simm.s32 @!p1 $0x0  }
0x14: {  	s2 =	sld [smem:$0x3F96];
	s0 =	simm.s32 @p1 $0x1  }
0x15: {  	[smem:$0x3FB3] =	sst s0;
	s0 =	simm.s32 @!p2 $0x0  }
0x16: {  	s3 =	sld [smem:$0x3FDB];
	s0 =	simm.s32 @p2 $0x1  }
0x17: {  	s4 =	simm.s32 $0x1BF5;
	[smem:$0x3FB5] =	sst s0  }
0x18: {  	s0 =	sld [smem:$0x3F98];
	_ =	swait.ge [sflag:s4], $0x0  }
0x19: {  	s7 =	sld [smem:$0x3F99]  }
0x1a: {  	s8 =	sadd.s32 $0xFFFFE003, lr  }
0x1b: {  	s9 =	sadd.s32 $0xFFFFFEF7, lr;
	s5 =	simm.s32 $0xFFFFFFFF;
	p2 =	slt.u32 s8, $0xFFFFF086  }
0x1c: {  	p1 =	slt.u32 s9, $0xF7A;
	s5 =	simm.s32 @!p2 $0x0  }
0x1d: {  	s5 =	simm.s32 @p1 $0x1;
	p0 =	seq.s32 s7, s2  }
0x1e: {  	s7 =	smul.u32 @!p0 $0xF7A, s2;
	p2 =	seq.s32 @!p0 s5, $0x0  }
0x1f: {  	s9 =	smul.u32 $0xF7A, s1;
	s8 =	simm.s32 @!p0 $0x1BF5;
	p2 =	por !p2, p0  }
0x20: {  	[sflag:s8] =	ssyncset.s32 @!p0 $0xFFFFF086;
	s6 =	sadd.s32 @!p0 s3, s7;
	s7 =	simm.s32 @!p0 $0x108  }
0x21: {  	s3 =	sadd.s32 s3, s9;
	s6 =	sadd.s32 @!p0 $0x88, s6;
	s7 =	simm.s32 @p2 $0x1082  }
0x22: {  	[simem:s7], [sflag:s8] =	dma.local @!p0 [hbm:s6], $0xF7A  }
0x23: {  	s9 =	sor.u32 $0xD0000000, s2;
	s6 =	simm.s32 $0x108;
	_ =	swait.ge @!p0 [sflag:s8], $0x0  }
0x24: {  	s3 =	sadd.s32 $0x88, s3;
	s6 =	simm.s32 @!p1 $0x1082;
	[sflag:s4] =	ssyncset.s32 $0xFFFFF086  }
0x25: {  	[simem:s6], [sflag:s4] =	dma.local [hbm:s3], $0xF7A  }
0x26: {  	[smem:$0x3F99] =	sst s1;
	(tag) =	ssettag s2;
	_ =	strace s9  }
0x27: {  	s1 =	sld [smem:$0x3FA9]  }
0x28: {  	s2 =	sld [smem:$0x3FAA]  }
0x29: {  	s4 =	sld [smem:$0x3FAC]  }
0x2a: {  	p0 =	seq.s32 s5, $0x0;
	s5 =	sld [smem:$0x3FAD]  }
0x2b: {  	s6 =	sld [smem:$0x3FAE]  }
0x2c: {  	s7 =	sld [smem:$0x3FAF]  }
0x2d: {  	s3 =	simm.s32 $0x108;
	s8 =	sld [smem:$0x3FB0]  }
0x2e: {  	s3 =	simm.s32 @!p0 $0x1082;
	s9 =	sld [smem:$0x3FB1]  }
0x2f: {  	lr =	sadd.s32 s0, s3;
	s0 =	sld [smem:$0x3FA8]  }
0x30: {  	s3 =	sld [smem:$0x3FAB]  }
0x31: {  	[smem:$0x3FB4] =	sst s10  }
0x32: {  	s10 =	sld [smem:$0x3FB2];
	_ =	sdelay $0x3  }
0x33: {  	p0 =	seq.s32 s10, $0x1;
	s10 =	sld [smem:$0x3FB4];
	_ =	sdelay $0x3  }
0x34: {  	[smem:$0x3FB4] =	sst s10  }
0x35: {  	s10 =	sld [smem:$0x3FB3];
	_ =	sdelay $0x3  }
0x36: {  	p1 =	seq.s32 s10, $0x1;
	s10 =	sld [smem:$0x3FB4];
	_ =	sdelay $0x3  }
0x37: {  	[smem:$0x3FB4] =	sst s10  }
0x38: {  	s10 =	sld [smem:$0x3FB5]  }
0x39: {  	_ = 	snop;
	(pc) =	sbr.ind lr, $3  }
0x3a: {  	_ = 	snop  }
0x3b: {  	_ = 	snop  }
0x3c: {  	p2 =	seq.s32 s10, $0x1;
	s10 =	sld [smem:$0x3FB4]  }
0x3d: {  	_ =	shalt  }
0x3e: {  	_ =	shalt  }
0x3f: {  	_ =	shalt  }
0x40: {  	_ =	shalt  }
0x41: {  	_ =	shalt  }
0x42: {  	_ =	shalt  }
0x43: {  	_ =	shalt  }
0x44: {  	_ =	shalt  }
0x45: {  	_ =	shalt  }
0x46: {  	_ =	shalt  }
0x47: {  	_ =	shalt  }
0x48: {  	_ =	shalt  }
0x49: {  	_ =	shalt  }
0x4a: {  	_ =	shalt  }
0x4b: {  	_ =	shalt  }
0x4c: {  	_ =	shalt  }
0x4d: {  	_ =	shalt  }
0x4e: {  	_ =	shalt  }
0x4f: {  	_ =	shalt  }
0x50: {  	_ =	shalt  }
0x51: {  	_ =	shalt  }
0x52: {  	_ =	shalt  }
0x53: {  	_ =	shalt  }
0x54: {  	_ =	shalt  }
0x55: {  	_ =	shalt  }
0x56: {  	_ =	shalt  }
0x57: {  	_ =	shalt  }
0x58: {  	_ =	shalt  }
0x59: {  	_ =	shalt  }
0x5a: {  	_ =	shalt  }
0x5b: {  	_ =	shalt  }
0x5c: {  	_ =	shalt  }
0x5d: {  	_ =	shalt  }
0x5e: {  	_ =	shalt  }
0x5f: {  	_ =	shalt  }
0x60: {  	_ =	shalt  }
0x61: {  	_ =	shalt  }
0x62: {  	_ =	shalt  }
0x63: {  	_ =	shalt  }
0x64: {  	_ =	shalt  }
0x65: {  	_ =	shalt  }
0x66: {  	_ =	shalt  }
0x67: {  	_ =	shalt  }
0x68: {  	_ =	shalt  }
0x69: {  	_ =	shalt  }
0x6a: {  	_ =	shalt  }
0x6b: {  	_ =	shalt  }
0x6c: {  	_ =	shalt  }
0x6d: {  	_ =	shalt  }
0x6e: {  	_ =	shalt  }
0x6f: {  	_ =	shalt  }
0x70: {  	_ =	shalt  }
0x71: {  	_ =	shalt  }
0x72: {  	_ =	shalt  }
0x73: {  	_ =	shalt  }
0x74: {  	_ =	shalt  }
0x75: {  	_ =	shalt  }
0x76: {  	_ =	shalt  }
0x77: {  	_ =	shalt  }
0x78: {  	_ =	shalt  }
0x79: {  	_ =	shalt  }
0x7a: {  	_ =	shalt  }
0x7b: {  	_ =	shalt  }
0x7c: {  	_ =	shalt  }
0x7d: {  	_ =	shalt  }
0x7e: {  	_ =	shalt  }
0x7f: {  	_ =	shalt  }
0x80: {  	_ =	shalt  }
0x81: {  	_ =	shalt  }
0x82: {  	_ =	shalt  }
0x83: {  	_ =	shalt  }
0x84: {  	_ =	shalt  }
0x85: {  	_ =	shalt  }
0x86: {  	_ =	shalt  }
0x87: {  	_ =	shalt  }
.Lfunc_end0:
.L_simem_size_0:
called_computation_lowered:
.L_overlay_start_0:
0x88: {  	s2 =	sld [smem:$0x3FD9]  }
0x89: {  	s3 =	sld [smem:$0x3FFE];
	_ =	sdelay $0x1  }
0x8a: {  	s1 =	srdreg.scid  }
0x8b: {  	s0 =	sand.u32 $0x1, s1  }
0x8c: {  	s17 =	sshll.u32 s0, $0xA;
	s2 =	sadd.s32 s3, s2  }
0x8d: {  	s2 =	sadd.s32 s2, s17  }
0x8e: {  	[smem:$0x3FC0] =	sst s2  }
0x8f: {  	_ = 	snop  }
0x90: {  	s2 =	sld [smem:$0x3FD0];
	(tm) =	ssettm $0x1  }
0x91: {  	s18 =	sld [smem:$0x3FFB];
	_ =	sdelay $0x3  }
0x92: {  	_ =	strace s18  }
0x93: {  	s3 =	sld [smem:$0x3FFC];
	_ =	sdelay $0x3  }
0x94: {  	_ =	strace s3  }
0x95: {  	s3 =	sld [smem:$0x3FFD];
	_ =	sdelay $0x3  }
0x96: {  	_ =	strace s3  }
0x97: {  	_ =	strace $0x8FFFFFFF  }
0x98: {  	s19 =	sld [smem:$0x3FDB];
	_ =	sdelay $0x1  }
0x99: {  	s4 =	simm.s32 $_scs_section_size  }
0x9a: {  	s5 =	simm.s32 $_size__tile_overlayer_lowered;
	s6 =	simm.s32 $_tile_overlayer_lowered  }
0x9b: {  	s22 =	simm.s32 $0x1BFF;
	s21 =	sshll.u32 s6, $0x1;
	s3 =	sadd.s32 s4, s19  }
0x9c: {  	s7 =	simm.s32 $0x0;
	s20 =	sshll.u32 s5, $0x1;
	s5 =	sadd.s32 s21, s3  }
0x9d: {  	[timem:s7], [sflag:s22] =	dma.local [hbm:s5], s20  }
0x9e: {  	_ =	swait.ge [sflag:s22], s20  }
0x9f: {  	s4 =	ssub.s32 $0x0, s20;
	[sflag:s22] =	ssyncset.done $0x0  }
0xa0: {  	[sflag:s22] =	ssyncadd.s32 s4;
	_ =	sdelay $0x1  }
0xa1: {  	s23 =	simm.s32 $0x1B8B  }
0xa2: {  	_ =	swait.ge [sflag:s23], $0x1  }
0xa3: {  	[sflag:s23] =	ssyncset.done $0x0  }
0xa4: {  	s25 =	simm.s32 $0x1B8E;
	s24 =	sld [smem:$0x3FFE];
	[sflag:s23] =	ssyncadd.s32 $0xFFFFFFFF  }
0xa5: {  	s26 =	simm.s32 $execute0_lowered;
	[smem:$0x3FD2] =	sst s25  }
0xa6: {  	s5 =	sshll.u32 s26, $0x1;
	_ =	strace $0x80000046;
	[dreg:$0x1] =	wrdreg $0xFFFFFFFF  }
0xa7: {  	s28 =	simm.s32 $_size_execute0_lowered;
	s3 =	sadd.s32 s3, s5;
	[dreg:$0x0] =	wrdreg $0x0  }
0xa8: {  	s5 =	sshll.u32 s28, $0x1;
	[dreg:$0x2] =	wrdreg s3  }
0xa9: {  	[dreg:$0x3] =	wrdreg s5  }
0xaa: {  	[dreg:$0x4] =	wrdreg $0xC0  }
0xab: {  	_ =	task [dreg:s7], $0x5FFFF  }
0xac: {  	[dreg:$0x1] =	wrdreg $0xFFFFFFFF  }
0xad: {  	[dreg:$0x0] =	wrdreg $0x60  }
0xae: {  	[dreg:$0x2] =	wrdreg s2  }
0xaf: {  	[dreg:$0x3] =	wrdreg s24  }
0xb0: {  	[dreg:$0x4] =	wrdreg $0x0  }
0xb1: {  	[dreg:$0x5] =	wrdreg $0x9  }
0xb2: {  	_ =	task.clear_ibuf [dreg:s7], $0x6FFFF;
	_ =	strace $0x90000046  }
0xb3: {  	s29 =	simm.s32 $0x9;
	_ =	strace $0x80000048  }
0xb4: {  	_ =	swait.ge [sflag:s29], $0x1  }
0xb5: {  	[sflag:s29] =	ssyncadd.s32 $0xFFFFFFFF  }
0xb6: {  	_ =	strace $0x90000048  }
0xb7: {  	_ =	sfence  }
0xb8: {  	s30 =	sld [smem:$0x0];
	_ =	sdelay $0x2  }
0xb9: {  	s31 =	sshll.u32 s1, $0xD;
	s1 =	sshrl.u32 s1, $0x2  }
0xba: {  	s3 =	sand.u32 $0x4000, s31;
	s1 =	sadd.s32 s1, s30  }
0xbb: {  	s0 =	sor.u32 s3, s0;
	s1 =	sshll.u32 s1, $0x11  }
0xbc: {  	s0 =	sor.u32 s1, s0  }
0xbd: {  	s0 =	sadd.s32 $0x8F2B, s0  }
0xbe: {  	[sflag:s0] =	ssyncadd.remote.s32 $0x1  }
0xbf: {  	_ =	sfence.sel $0xFFFF  }
0xc0: {  	[dreg:$0x0] =	wrdreg $0xFFFFFFFF;
	(pc) =	sbr.abs _section_cstart, $3  }
0xc1: {  	[dreg:$0x1] =	wrdreg $0xFFFFFFFF  }
0xc2: {  	_ =	task.clear_ibuf [dreg:s7], $0x2FFFF;
	_ =	strace $0x9FFFFFFF  }
0xc3: {  	(tm) =	ssettm $0x7FFFFFFF  }
tec
execute0_lowered:
.L_overlay_start_1:
0x0: {  	(tag) =	ssettag $0x1  }
0x1: {  	s6 =	rddreg [dreg:$0x0]  }
0x2: {  	s0 =	srdreg.scid;
	s5 =	rddreg [dreg:$0x1]  }
0x3: {  	s2 =	rddreg [dreg:$0x2];
	s3 =	simm.s32 $0x0;
	s12 =	simm.s32 $0x280  }
0x4: {  	s13 =	simm.s32 $0x80;
	s14 =	simm.s32 $0x5280;
	s15 =	simm.s32 $0x1  }
0x5: {  	s16 =	simm.s32 $0x0;
	s4 =	sand.u32 $0x1, s0;
	s0 =	stileid.u32  }
0x6: {  	[smem:$0x7FF] =	sst s3;
	s1 =	sshll.u32 s4, $0x4;
	s8 =	smul.u32 $0xA00, s0  }
0x7: {  	s4 =	ssub.s32 $0x2, s4;
	s7 =	sor.u32 s0, s1;
	s1 =	rddreg [dreg:$0x3]  }
0x8: {  	_ =	strace $0x80000047;
	s10 =	sshrl.u32 s4, $0x1;
	s7 =	smul.u32 $0x140, s7  }
0x9: {  	s11 =	sshrl.u32 s8, $0x2;
	s10 =	ssub.s32 s4, s10;
	s6 =	sadd.s32 s6, s8  }
0xa: {  	s4 =	sadd.s32 s11, s2;
	s11 =	simm.s32 $0x2;
	s9 =	sshrl.u32 s7, $0x3  }
0xb: {  	s7 =	sadd.s32 s7, s2;
	s9 =	sadd.s32 s9, s5;
	s5 =	sadd.s32 $0x140, s4  }
0xc: {  	v0 =	vimm.f32 $1.000000000e+00;
	s8 =	sadd.s32 $0x2200, s9;
	s9 =	smax.u32 s10, $0x1;
	s10 =	simm.s32 $0x5300  }
.LBB2_1:
0xd: {  	[tilespmem:$0x5300] =	vst v0  }
0xe: {  	[tilespmem:$0x5310] =	vst v0  }
0xf: {  	[tilespmem:$0x5320] =	vst v0  }
0x10: {  	[tilespmem:$0x5330] =	vst v0  }
0x11: {  	[tilespmem:$0x5340] =	vst v0  }
0x12: {  	[tilespmem:$0x5350] =	vst v0  }
0x13: {  	[tilespmem:$0x5360] =	vst v0  }
0x14: {  	[tilespmem:$0x5370] =	vst v0  }
0x15: {  	[tilespmem:$0x5380] =	vst v0  }
0x16: {  	[tilespmem:$0x5390] =	vst v0  }
0x17: {  	[tilespmem:$0x53A0] =	vst v0  }
0x18: {  	[tilespmem:$0x53B0] =	vst v0  }
0x19: {  	[tilespmem:$0x53C0] =	vst v0  }
0x1a: {  	[tilespmem:$0x53D0] =	vst v0  }
0x1b: {  	[tilespmem:$0x53E0] =	vst v0  }
0x1c: {  	[tilespmem:$0x53F0] =	vst v0  }
0x1d: {  	[tilespmem:$0x5400] =	vst v0  }
0x1e: {  	[tilespmem:$0x5410] =	vst v0  }
0x1f: {  	[tilespmem:$0x5420] =	vst v0  }
0x20: {  	[tilespmem:$0x5430] =	vst v0  }
0x21: {  	[tilespmem:$0x5280] =	vst v0  }
0x22: {  	[tilespmem:$0x5290] =	vst v0  }
0x23: {  	[tilespmem:$0x52A0] =	vst v0  }
0x24: {  	[tilespmem:$0x52B0] =	vst v0  }
0x25: {  	[tilespmem:$0x52C0] =	vst v0  }
0x26: {  	[tilespmem:$0x52D0] =	vst v0  }
0x27: {  	[tilespmem:$0x52E0] =	vst v0  }
0x28: {  	[tilespmem:$0x52F0] =	vst v0  }
0x29: {  	[spmem:s4] =	stream.linear.scatter [tilespmem:s10], [sflag:$0x2], $0x140, $0x38;
	[tilespmem:$0x5440] =	vst v63  }
0x2a: {  	_ =	swait.ge [sflag:s11], $0x140  }
0x2b: {  	[sflag:s11] =	ssyncset.done $0x0  }
0x2c: {  	[sflag:s11] =	ssyncadd.s32 $0xFFFFFEC0  }
0x2d: {  	[spmem:s5] =	stream.linear.scatter [tilespmem:s10], [sflag:$0x2], $0x140, $0x38;
	[tilespmem:$0x5440] =	vst v63  }
0x2e: {  	_ =	swait.ge [sflag:s11], $0x140  }
0x2f: {  	[sflag:s11] =	ssyncset.done $0x0  }
0x30: {  	[sflag:s11] =	ssyncadd.s32 $0xFFFFFEC0  }
0x31: {  	[bflag:$0x0] =	sbarrier.arrive $0xFFFF  }
0x32: {  	[tilespmem:s12], [sflag:$0x2] =	stream.linear.gather [hbm4b:s6+s3], $0x5000, $0x38;
	[tilespmem:$0x5440] =	vst v63  }
0x33: {  	_ =	swait.ge [sflag:s11], $0x5000  }
0x34: {  	[sflag:s11] =	ssyncset.done $0x0  }
0x35: {  	s17 =	simm.s32 $0x0;
	[sflag:s11] =	ssyncadd.s32 $0xFFFFB000  }
.LBB2_2:
0x36: {  	p0 =	sne.s32 s17, $0x13E00  }
.Ltmp0:
0x37: {  	_ = 	snop;
	(pc) =	sbr.rel @p0 .LBB2_2-.Ltmp0, $4  }
0x38: {  	_ = 	snop  }
0x39: {  	s18 =	sshra.s32 s17, $0x2  }
0x3a: {  	s17 =	sadd.s32 $0x200, s17;
	s18 =	sadd.s32 $0x280, s18  }
0x3b: {  	[spmem:s2] =	stream.indirect.scatter.add.f32 [tilespmem:s14], [sflag:$0x1], $0x1, s18, s13, $0xb8;
	[tilespmem:$0x5440] =	vst v63  }
0x3c: {  	_ =	swait.ge [sflag:s15], $0x80  }
0x3d: {  	s17 =	simm.s32 $0x9F;
	[sflag:s15] =	ssyncset.done $0x0  }
.LBB2_4:
0x3e: {  	p0 =	sne.s32 s17, $0x1;
	s17 =	sadd.s32 $0xFFFFFFFF, s17;
	[sflag:s15] =	ssyncadd.s32 $0xFFFFFF80  }
.Ltmp1:
0x3f: {  	(pc) =	sbr.rel @p0 .LBB2_4-.Ltmp1, $3  }
0x40: {  	_ =	sdelay $0x1  }
0x41: {  	_ =	swait.ge [sflag:s15], $0x80  }
0x42: {  	[sflag:s15] =	ssyncset.done $0x0  }
0x43: {  	[sflag:s15] =	ssyncadd.s32 $0xFFFFFF80  }
0x44: {  	[bflag:$0x0] =	sbarrier.arrive $0xFFFF  }
0x45: {  	[tilespmem:s10], [sflag:$0x2] =	stream.linear.gather [spmem:s7], $0x140, $0x38;
	[tilespmem:$0x5440] =	vst v63  }
0x46: {  	_ =	swait.ge [sflag:s11], $0x140  }
0x47: {  	[sflag:s11] =	ssyncset.done $0x0  }
0x48: {  	s17 =	simm.s32 $0x0;
	s18 =	simm.s32 $0x40;
	[sflag:s11] =	ssyncadd.s32 $0xFFFFFEC0  }
.LBB2_6:
0x49: {  	p0 =	sne.s32 s18, $0x4C0;
	v1 =	vld [tilespmem:s17+$0x5300];
	_ =	sdelay $0x4  }
0x4a: {  	v2 =	vshra.s32 v1, $0x1;
	v1 =	vmul.f32 $5.000000000e-01, v1  }
0x4b: {  	v2 =	vsub.s32 $0x5F3759DF, v2  }
0x4c: {  	v3 =	vmul.f32 v2, v1;
	_ =	sdelay $0x1  }
0x4d: {  	v3 =	vmul.f32 v2, v3;
	_ =	sdelay $0x1  }
0x4e: {  	v3 =	vsub.f32 $1.500000000e+00, v3;
	_ =	sdelay $0x1  }
0x4f: {  	v2 =	vmul.f32 v2, v3;
	_ =	sdelay $0x1  }
0x50: {  	v3 =	vmul.f32 v2, v1;
	_ =	sdelay $0x1  }
0x51: {  	v3 =	vmul.f32 v3, v2;
	_ =	sdelay $0x1  }
0x52: {  	v3 =	vsub.f32 $1.500000000e+00, v3;
	_ =	sdelay $0x1  }
0x53: {  	v2 =	vmul.f32 v3, v2;
	_ =	sdelay $0x1  }
0x54: {  	v1 =	vmul.f32 v2, v1;
	_ =	sdelay $0x1  }
0x55: {  	v1 =	vmul.f32 v1, v2;
	_ =	sdelay $0x1  }
.Ltmp2:
0x56: {  	v1 =	vsub.f32 $1.500000000e+00, v1;
	(pc) =	sbr.rel @p0 .LBB2_6-.Ltmp2, $3  }
0x57: {  	_ = 	snop  }
0x58: {  	v1 =	vmul.f32 v1, v2;
	_ =	sdelay $0x1  }
0x59: {  	[tilespmem:s17+$0x5300] =	vst v1;
	s17 =	sshra.s32 s18, $0x2;
	s18 =	sadd.s32 $0x40, s18  }
0x5a: {  	v1 =	vld [tilespmem:s17+$0x5300];
	_ =	sdelay $0x4  }
0x5b: {  	v2 =	vshra.s32 v1, $0x1;
	v1 =	vmul.f32 $5.000000000e-01, v1  }
0x5c: {  	v2 =	vsub.s32 $0x5F3759DF, v2  }
0x5d: {  	v3 =	vmul.f32 v2, v1;
	_ =	sdelay $0x1  }
0x5e: {  	v3 =	vmul.f32 v2, v3;
	_ =	sdelay $0x1  }
0x5f: {  	v3 =	vsub.f32 $1.500000000e+00, v3;
	_ =	sdelay $0x1  }
0x60: {  	v2 =	vmul.f32 v2, v3;
	_ =	sdelay $0x1  }
0x61: {  	v3 =	vmul.f32 v2, v1;
	_ =	sdelay $0x1  }
0x62: {  	v3 =	vmul.f32 v3, v2;
	_ =	sdelay $0x1  }
0x63: {  	v3 =	vsub.f32 $1.500000000e+00, v3;
	_ =	sdelay $0x1  }
0x64: {  	v2 =	vmul.f32 v3, v2;
	_ =	sdelay $0x1  }
0x65: {  	v1 =	vmul.f32 v2, v1;
	_ =	sdelay $0x1  }
0x66: {  	v1 =	vmul.f32 v1, v2;
	_ =	sdelay $0x1  }
0x67: {  	v1 =	vsub.f32 $1.500000000e+00, v1;
	_ =	sdelay $0x1  }
0x68: {  	s16 =	sadd.s32 $0x1, s16;
	v1 =	vmul.f32 v1, v2  }
0x69: {  	p0 =	sne.s32 s16, s9  }
.Ltmp3:
0x6a: {  	[tilespmem:s17+$0x5300] =	vst v1;
	(pc) =	sbr.rel @p0 .LBB2_1-.Ltmp3, $4  }
0x6b: {  	[hbm4b:s8+s3] =	stream.linear.scatter [tilespmem:s10], [sflag:$0x2], $0x140, $0x38;
	[tilespmem:$0x5440] =	vst v63  }
0x6c: {  	_ =	swait.ge [sflag:s11], $0x140  }
0x6d: {  	[sflag:s11] =	ssyncset.done $0x0  }
0x6e: {  	[sflag:s11] =	ssyncadd.s32 $0xFFFFFEC0  }
0x6f: {  	_ =	sfence.sel $0x180000  }
0x70: {  	[bflag:$0x0] =	sbarrier.arrive $0xFFFF  }
0x71: {  	p0 =	sne.s32 s0, $0x0;
	_ =	strace $0x90000047  }
0x72: {  	s0 =	sadd.s32 @!p0 $0x100000, s1;
	[bflag:$0x2] =	sbarrier.arrive $0xFFFF  }
0x73: {  	[sflag:s0] =	ssyncadd.tile.s32 @!p0 $0x1;
	_ =	shalt  }
.Lfunc_end2:
_tile_overlayer_lowered:
.L_overlay_start_2:
0x74: {  	(tag) =	ssettag $0x2  }
0x75: {  	s0 =	rddreg [dreg:$0x0];
	s2 =	stileid.u32  }
0x76: {  	s1 =	rddreg [dreg:$0x1];
	p0 =	sne.s32 s2, $0x0  }
0x77: {  	s3 =	rddreg [dreg:$0x2];
	[bflag:$0x3] =	sbarrier.arrive $0xFFFF;
	s2 =	simm.s32 @!p0 $0x1C02  }
0x78: {  	[timem:s3], [sflag:s2] =	dma.local @!p0 [hbm:s0], s1  }
0x79: {  	s0 =	simm.s32 @!p0 $0x2  }
0x7a: {  	_ =	swait.ge @!p0 [sflag:s0], s1  }
0x7b: {  	s1 =	ssub.s32 @!p0 $0x0, s1;
	[sflag:s0] =	ssyncset.done @!p0 $0x0  }
0x7c: {  	[sflag:s0] =	ssyncadd.s32 @!p0 s1  }
0x7d: {  	[bflag:$0x3] =	sbarrier.arrive $0xFFFF  }
0x7e: {  	_ =	shalt  }

// kernel: kernel.13.cloned.1.call-start
scs
__scs_entry_jumppad:
0x0: {  	(pc) =	sbr.rel $0x88, $3  }
0x1: {  	(tag) =	ssettag $0x0;
	lr =	simm.s32 $0x1  }
0x2: {  	[smem:$0x3F99] =	sst lr;
	_ =	strace $0xD0000000  }
0x3: {  	_ = 	snop  }
0x4: {  	_ = 	snop  }
0x5: {  	_ = 	snop  }
0x6: {  	_ = 	snop  }
0x7: {  	_ = 	snop  }
__scs_overlays_trampoline_lowered:
0x8: {  	[smem:$0x3FA8] =	sst s0  }
0x9: {  	[smem:$0x3FA9] =	sst s1  }
0xa: {  	[smem:$0x3FAA] =	sst s2  }
0xb: {  	[smem:$0x3FAB] =	sst s3  }
0xc: {  	[smem:$0x3FAC] =	sst s4  }
0xd: {  	[smem:$0x3FAD] =	sst s5  }
0xe: {  	[smem:$0x3FAE] =	sst s6  }
0xf: {  	[smem:$0x3FAF] =	sst s7  }
0x10: {  	[smem:$0x3FB0] =	sst s8  }
0x11: {  	[smem:$0x3FB1] =	sst s9;
	s0 =	simm.s32 @!p0 $0x0  }
0x12: {  	s1 =	sld [smem:$0x3F97];
	s0 =	simm.s32 @p0 $0x1  }
0x13: {  	[smem:$0x3FB2] =	sst s0;
	s0 =	simm.s32 @!p1 $0x0  }
0x14: {  	s2 =	sld [smem:$0x3F96];
	s0 =	simm.s32 @p1 $0x1  }
0x15: {  	[smem:$0x3FB3] =	sst s0;
	s0 =	simm.s32 @!p2 $0x0  }
0x16: {  	s3 =	sld [smem:$0x3FDB];
	s0 =	simm.s32 @p2 $0x1  }
0x17: {  	s4 =	simm.s32 $0x1BF5;
	[smem:$0x3FB5] =	sst s0  }
0x18: {  	s0 =	sld [smem:$0x3F98];
	_ =	swait.ge [sflag:s4], $0x0  }
0x19: {  	s7 =	sld [smem:$0x3F99]  }
0x1a: {  	s8 =	sadd.s32 $0xFFFFE003, lr  }
0x1b: {  	s9 =	sadd.s32 $0xFFFFFEF7, lr;
	s5 =	simm.s32 $0xFFFFFFFF;
	p2 =	slt.u32 s8, $0xFFFFF086  }
0x1c: {  	p1 =	slt.u32 s9, $0xF7A;
	s5 =	simm.s32 @!p2 $0x0  }
0x1d: {  	s5 =	simm.s32 @p1 $0x1;
	p0 =	seq.s32 s7, s2  }
0x1e: {  	s7 =	smul.u32 @!p0 $0xF7A, s2;
	p2 =	seq.s32 @!p0 s5, $0x0  }
0x1f: {  	s9 =	smul.u32 $0xF7A, s1;
	s8 =	simm.s32 @!p0 $0x1BF5;
	p2 =	por !p2, p0  }
0x20: {  	[sflag:s8] =	ssyncset.s32 @!p0 $0xFFFFF086;
	s6 =	sadd.s32 @!p0 s3, s7;
	s7 =	simm.s32 @!p0 $0x108  }
0x21: {  	s3 =	sadd.s32 s3, s9;
	s6 =	sadd.s32 @!p0 $0x88, s6;
	s7 =	simm.s32 @p2 $0x1082  }
0x22: {  	[simem:s7], [sflag:s8] =	dma.local @!p0 [hbm:s6], $0xF7A  }
0x23: {  	s9 =	sor.u32 $0xD0000000, s2;
	s6 =	simm.s32 $0x108;
	_ =	swait.ge @!p0 [sflag:s8], $0x0  }
0x24: {  	s3 =	sadd.s32 $0x88, s3;
	s6 =	simm.s32 @!p1 $0x1082;
	[sflag:s4] =	ssyncset.s32 $0xFFFFF086  }
0x25: {  	[simem:s6], [sflag:s4] =	dma.local [hbm:s3], $0xF7A  }
0x26: {  	[smem:$0x3F99] =	sst s1;
	(tag) =	ssettag s2;
	_ =	strace s9  }
0x27: {  	s1 =	sld [smem:$0x3FA9]  }
0x28: {  	s2 =	sld [smem:$0x3FAA]  }
0x29: {  	s4 =	sld [smem:$0x3FAC]  }
0x2a: {  	p0 =	seq.s32 s5, $0x0;
	s5 =	sld [smem:$0x3FAD]  }
0x2b: {  	s6 =	sld [smem:$0x3FAE]  }
0x2c: {  	s7 =	sld [smem:$0x3FAF]  }
0x2d: {  	s3 =	simm.s32 $0x108;
	s8 =	sld [smem:$0x3FB0]  }
0x2e: {  	s3 =	simm.s32 @!p0 $0x1082;
	s9 =	sld [smem:$0x3FB1]  }
0x2f: {  	lr =	sadd.s32 s0, s3;
	s0 =	sld [smem:$0x3FA8]  }
0x30: {  	s3 =	sld [smem:$0x3FAB]  }
0x31: {  	[smem:$0x3FB4] =	sst s10  }
0x32: {  	s10 =	sld [smem:$0x3FB2];
	_ =	sdelay $0x3  }
0x33: {  	p0 =	seq.s32 s10, $0x1;
	s10 =	sld [smem:$0x3FB4];
	_ =	sdelay $0x3  }
0x34: {  	[smem:$0x3FB4] =	sst s10  }
0x35: {  	s10 =	sld [smem:$0x3FB3];
	_ =	sdelay $0x3  }
0x36: {  	p1 =	seq.s32 s10, $0x1;
	s10 =	sld [smem:$0x3FB4];
	_ =	sdelay $0x3  }
0x37: {  	[smem:$0x3FB4] =	sst s10  }
0x38: {  	s10 =	sld [smem:$0x3FB5]  }
0x39: {  	_ = 	snop;
	(pc) =	sbr.ind lr, $3  }
0x3a: {  	_ = 	snop  }
0x3b: {  	_ = 	snop  }
0x3c: {  	p2 =	seq.s32 s10, $0x1;
	s10 =	sld [smem:$0x3FB4]  }
0x3d: {  	_ =	shalt  }
0x3e: {  	_ =	shalt  }
0x3f: {  	_ =	shalt  }
0x40: {  	_ =	shalt  }
0x41: {  	_ =	shalt  }
0x42: {  	_ =	shalt  }
0x43: {  	_ =	shalt  }
0x44: {  	_ =	shalt  }
0x45: {  	_ =	shalt  }
0x46: {  	_ =	shalt  }
0x47: {  	_ =	shalt  }
0x48: {  	_ =	shalt  }
0x49: {  	_ =	shalt  }
0x4a: {  	_ =	shalt  }
0x4b: {  	_ =	shalt  }
0x4c: {  	_ =	shalt  }
0x4d: {  	_ =	shalt  }
0x4e: {  	_ =	shalt  }
0x4f: {  	_ =	shalt  }
0x50: {  	_ =	shalt  }
0x51: {  	_ =	shalt  }
0x52: {  	_ =	shalt  }
0x53: {  	_ =	shalt  }
0x54: {  	_ =	shalt  }
0x55: {  	_ =	shalt  }
0x56: {  	_ =	shalt  }
0x57: {  	_ =	shalt  }
0x58: {  	_ =	shalt  }
0x59: {  	_ =	shalt  }
0x5a: {  	_ =	shalt  }
0x5b: {  	_ =	shalt  }
0x5c: {  	_ =	shalt  }
0x5d: {  	_ =	shalt  }
0x5e: {  	_ =	shalt  }
0x5f: {  	_ =	shalt  }
0x60: {  	_ =	shalt  }
0x61: {  	_ =	shalt  }
0x62: {  	_ =	shalt  }
0x63: {  	_ =	shalt  }
0x64: {  	_ =	shalt  }
0x65: {  	_ =	shalt  }
0x66: {  	_ =	shalt  }
0x67: {  	_ =	shalt  }
0x68: {  	_ =	shalt  }
0x69: {  	_ =	shalt  }
0x6a: {  	_ =	shalt  }
0x6b: {  	_ =	shalt  }
0x6c: {  	_ =	shalt  }
0x6d: {  	_ =	shalt  }
0x6e: {  	_ =	shalt  }
0x6f: {  	_ =	shalt  }
0x70: {  	_ =	shalt  }
0x71: {  	_ =	shalt  }
0x72: {  	_ =	shalt  }
0x73: {  	_ =	shalt  }
0x74: {  	_ =	shalt  }
0x75: {  	_ =	shalt  }
0x76: {  	_ =	shalt  }
0x77: {  	_ =	shalt  }
0x78: {  	_ =	shalt  }
0x79: {  	_ =	shalt  }
0x7a: {  	_ =	shalt  }
0x7b: {  	_ =	shalt  }
0x7c: {  	_ =	shalt  }
0x7d: {  	_ =	shalt  }
0x7e: {  	_ =	shalt  }
0x7f: {  	_ =	shalt  }
0x80: {  	_ =	shalt  }
0x81: {  	_ =	shalt  }
0x82: {  	_ =	shalt  }
0x83: {  	_ =	shalt  }
0x84: {  	_ =	shalt  }
0x85: {  	_ =	shalt  }
0x86: {  	_ =	shalt  }
0x87: {  	_ =	shalt  }
.Lfunc_end0:
.L_simem_size_0:
called_computation.1_lowered:
.L_overlay_start_0:
0x88: {  	s2 =	sld [smem:$0x3FD9]  }
0x89: {  	s3 =	sld [smem:$0x3FFE];
	_ =	sdelay $0x1  }
0x8a: {  	s1 =	srdreg.scid  }
0x8b: {  	s0 =	sand.u32 $0x1, s1  }
0x8c: {  	s17 =	sshll.u32 s0, $0xA;
	s2 =	sadd.s32 s3, s2  }
0x8d: {  	s2 =	sadd.s32 s2, s17  }
0x8e: {  	[smem:$0x3FC0] =	sst s2  }
0x8f: {  	_ = 	snop  }
0x90: {  	s2 =	sld [smem:$0x3FD0];
	(tm) =	ssettm $0x1  }
0x91: {  	s18 =	sld [smem:$0x3FFB];
	_ =	sdelay $0x3  }
0x92: {  	_ =	strace s18  }
0x93: {  	s3 =	sld [smem:$0x3FFC];
	_ =	sdelay $0x3  }
0x94: {  	_ =	strace s3  }
0x95: {  	s3 =	sld [smem:$0x3FFD];
	_ =	sdelay $0x3  }
0x96: {  	_ =	strace s3  }
0x97: {  	_ =	strace $0x8FFFFFFF  }
0x98: {  	s19 =	sld [smem:$0x3FDB];
	_ =	sdelay $0x1  }
0x99: {  	s4 =	simm.s32 $_scs_section_size  }
0x9a: {  	s5 =	simm.s32 $_size__tile_overlayer_lowered;
	s6 =	simm.s32 $_tile_overlayer_lowered  }
0x9b: {  	s22 =	simm.s32 $0x1BFF;
	s21 =	sshll.u32 s6, $0x1;
	s3 =	sadd.s32 s4, s19  }
0x9c: {  	s7 =	simm.s32 $0x0;
	s20 =	sshll.u32 s5, $0x1;
	s5 =	sadd.s32 s21, s3  }
0x9d: {  	[timem:s7], [sflag:s22] =	dma.local [hbm:s5], s20  }
0x9e: {  	_ =	swait.ge [sflag:s22], s20  }
0x9f: {  	s4 =	ssub.s32 $0x0, s20;
	[sflag:s22] =	ssyncset.done $0x0  }
0xa0: {  	[sflag:s22] =	ssyncadd.s32 s4;
	_ =	sdelay $0x1  }
0xa1: {  	s23 =	simm.s32 $0x1B8B  }
0xa2: {  	_ =	swait.ge [sflag:s23], $0x1  }
0xa3: {  	[sflag:s23] =	ssyncset.done $0x0  }
0xa4: {  	s25 =	simm.s32 $0x1B8E;
	s24 =	sld [smem:$0x3FFE];
	[sflag:s23] =	ssyncadd.s32 $0xFFFFFFFF  }
0xa5: {  	s26 =	simm.s32 $execute0_lowered;
	[smem:$0x3FD2] =	sst s25  }
0xa6: {  	s5 =	sshll.u32 s26, $0x1;
	_ =	strace $0x80000049;
	[dreg:$0x1] =	wrdreg $0xFFFFFFFF  }
0xa7: {  	s28 =	simm.s32 $_size_execute0_lowered;
	s3 =	sadd.s32 s3, s5;
	[dreg:$0x0] =	wrdreg $0x0  }
0xa8: {  	s5 =	sshll.u32 s28, $0x1;
	[dreg:$0x2] =	wrdreg s3  }
0xa9: {  	[dreg:$0x3] =	wrdreg s5  }
0xaa: {  	[dreg:$0x4] =	wrdreg $0xC0  }
0xab: {  	_ =	task [dreg:s7], $0x5FFFF  }
0xac: {  	[dreg:$0x1] =	wrdreg $0xFFFFFFFF  }
0xad: {  	[dreg:$0x0] =	wrdreg $0x60  }
0xae: {  	[dreg:$0x2] =	wrdreg s24  }
0xaf: {  	[dreg:$0x3] =	wrdreg s2  }
0xb0: {  	[dreg:$0x4] =	wrdreg $0xA0000  }
0xb1: {  	[dreg:$0x5] =	wrdreg $0x0  }
0xb2: {  	[dreg:$0x6] =	wrdreg $0x9  }
0xb3: {  	_ =	task.clear_ibuf [dreg:s7], $0x7FFFF;
	_ =	strace $0x90000049  }
0xb4: {  	s29 =	simm.s32 $0x9;
	_ =	strace $0x8000004B  }
0xb5: {  	_ =	swait.ge [sflag:s29], $0x1  }
0xb6: {  	[sflag:s29] =	ssyncadd.s32 $0xFFFFFFFF  }
0xb7: {  	_ =	strace $0x9000004B  }
0xb8: {  	_ =	sfence  }
0xb9: {  	s30 =	sld [smem:$0x0];
	_ =	sdelay $0x2  }
0xba: {  	s31 =	sshll.u32 s1, $0xD;
	s1 =	sshrl.u32 s1, $0x2  }
0xbb: {  	s3 =	sand.u32 $0x4000, s31;
	s1 =	sadd.s32 s1, s30  }
0xbc: {  	s0 =	sor.u32 s3, s0;
	s1 =	sshll.u32 s1, $0x11  }
0xbd: {  	s0 =	sor.u32 s1, s0  }
0xbe: {  	s0 =	sadd.s32 $0x8F2B, s0  }
0xbf: {  	[sflag:s0] =	ssyncadd.remote.s32 $0x1  }
0xc0: {  	_ =	sfence.sel $0xFFFF  }
0xc1: {  	[dreg:$0x0] =	wrdreg $0xFFFFFFFF;
	(pc) =	sbr.abs _section_cstart, $3  }
0xc2: {  	[dreg:$0x1] =	wrdreg $0xFFFFFFFF  }
0xc3: {  	_ =	task.clear_ibuf [dreg:s7], $0x2FFFF;
	_ =	strace $0x9FFFFFFF  }
0xc4: {  	(tm) =	ssettm $0x7FFFFFFF  }
0xc5: {  	_ =	shalt  }
tec
execute0_lowered:
.L_overlay_start_1:
0x0: {  	(tag) =	ssettag $0x1  }
0x1: {  	s0 =	rddreg [dreg:$0x0]  }
0x2: {  	s1 =	rddreg [dreg:$0x1]  }
0x3: {  	s2 =	rddreg [dreg:$0x2]  }
0x4: {  	s3 =	rddreg [dreg:$0x3];
	s5 =	srdreg.scid  }
0x5: {  	s12 =	stileid.u32;
	s4 =	simm.s32 $0x0;
	s20 =	simm.s32 $0x14000  }
0x6: {  	s19 =	simm.s32 $0x15000;
	s28 =	simm.s32 $0xB;
	s6 =	smul.u32 $0xA000, s12  }
0x7: {  	s29 =	simm.s32 $0x19000;
	s30 =	simm.s32 $0x14400;
	s9 =	smul.u32 $0x5000, s12  }
0x8: {  	s31 =	simm.s32 $0x14C00;
	s5 =	sand.u32 $0x1, s5;
	s11 =	smul.u32 $0x28000, s12  }
0x9: {  	[smem:$0x7FF] =	sst s4;
	s8 =	sadd.s32 $0x2800, s0;
	s21 =	smul.u32 $0xA00, s12  }
0xa: {  	s12 =	simm.s32 $0x14F80;
	s7 =	smul.u32 $0xA0000, s5;
	s5 =	ssub.s32 $0x2, s5  }
0xb: {  	_ =	strace $0x8000004A;
	s10 =	sshrl.u32 s5, $0x1;
	s11 =	sshrl.u32 s11, $0x2  }
0xc: {  	s14 =	sadd.s32 s6, s3;
	s18 =	sadd.s32 s6, s2;
	s15 =	sadd.s32 s21, s1  }
0xd: {  	s16 =	sadd.s32 s21, s8;
	s21 =	simm.s32 $0x9;
	s7 =	sadd.s32 s6, s7  }
0xe: {  	s5 =	ssub.s32 s5, s10;
	s10 =	sshrl.u32 s9, $0x3;
	s13 =	sadd.s32 s11, s2  }
0xf: {  	s26 =	sshrl.u32 s14, $0x3;
	s6 =	simm.s32 $0x14E00;
	[dreg:$0x7] =	wrdreg s13  }
0x10: {  	s11 =	simm.s32 $0x14E80;
	s9 =	sadd.s32 s8, s10;
	[dreg:$0xf] =	wrdreg s26  }
0x11: {  	s14 =	simm.s32 $0x0;
	s5 =	smax.u32 s5, $0x1;
	[dreg:$0x5] =	wrdreg s9  }
0x12: {  	s7 =	sshrl.u32 s7, $0x3;
	s22 =	sadd.s32 $0x2000, s13;
	[dreg:$0xa] =	wrdreg s5  }
0x13: {  	s23 =	sadd.s32 $0x4000, s13;
	s24 =	sadd.s32 $0x6000, s13;
	[dreg:$0xb] =	wrdreg s22  }
0x14: {  	s25 =	sadd.s32 $0x8000, s13;
	s26 =	simm.s32 $0x17000;
	[dreg:$0xc] =	wrdreg s23  }
0x15: {  	s8 =	simm.s32 $0x7;
	s13 =	simm.s32 $0x6;
	[dreg:$0xd] =	wrdreg s24  }
0x16: {  	s0 =	sadd.s32 s7, s0;
	s7 =	sadd.s32 s1, s10;
	[dreg:$0xe] =	wrdreg s25  }
0x17: {  	s23 =	simm.s32 $0x80;
	s1 =	simm.s32 $0x1B000;
	s5 =	simm.s32 $0x4  }
.Ltmp0:
0x18: {  	s10 =	simm.s32 $0x5;
	s22 =	simm.s32 $0xA;
	(pc) =	sbr.rel .LBB2_1-.Ltmp0, $4  }
0x19: {  	s24 =	simm.s32 $0x14700;
	[dreg:$0x6] =	wrdreg s7;
	s17 =	sadd.s32 $0x5C800, s0  }
0x1a: {  	s9 =	simm.s32 $0x14780;
	s0 =	sadd.s32 $0x84800, s0;
	[dreg:$0x8] =	wrdreg s17  }
0x1b: {  	[dreg:$0x9] =	wrdreg s0;
	s0 =	sshrl.u32 s18, $0x3;
	s17 =	simm.s32 $0x8  }
0x1c: {  	v0 =	vimm.f32 $0.0e+00;
	s18 =	simm.s32 $0x2;
	[dreg:$0x10] =	wrdreg s0;
	s0 =	simm.s32 $0x3  }
.LBB2_6:
0x1d: {  	_ =	swait.ge [sflag:s8], $0x2000  }
0x1e: {  	[sflag:s8] =	ssyncset.done $0x0  }
0x1f: {  	[sflag:s8] =	ssyncadd.s32 $0xFFFFE000  }
0x20: {  	_ =	swait.ge [sflag:s17], $0x2000  }
0x21: {  	[sflag:s17] =	ssyncset.done $0x0  }
0x22: {  	[sflag:s17] =	ssyncadd.s32 $0xFFFFE000  }
0x23: {  	_ =	swait.ge [sflag:s21], $0x2000  }
0x24: {  	[sflag:s21] =	ssyncset.done $0x0  }
0x25: {  	[sflag:s21] =	ssyncadd.s32 $0xFFFFE000  }
0x26: {  	_ =	swait.ge [sflag:s22], $0x2000  }
0x27: {  	[sflag:s22] =	ssyncset.done $0x0  }
0x28: {  	[sflag:s22] =	ssyncadd.s32 $0xFFFFE000  }
0x29: {  	[bflag:$0x0] =	sbarrier.arrive $0xFFFF  }
0x2a: {  	s7 =	rddreg [dreg:$0x9]  }
0x2b: {  	s14 =	rddreg [dreg:$0x10]  }
0x2c: {  	s28 =	simm.s32 $0xB;
	s20 =	rddreg [dreg:$0x12]  }
0x2d: {  	[hbm:s7], [sflag:s20] =	dma.local [spmem:s14], $0x1400  }
0x2e: {  	_ =	swait.ge [sflag:s28], $0x1400  }
0x2f: {  	s20 =	rddreg [dreg:$0x11]  }
0x30: {  	s25 =	rddreg [dreg:$0xa];
	s14 =	sadd.s32 $0x1, s20  }
0x31: {  	p0 =	sne.s32 s14, s25  }
.Ltmp1:
0x32: {  	_ = 	snop;
	(pc) =	sbr.rel @!p0 .LBB2_7-.Ltmp1, $3  }
0x33: {  	_ =	sdelay $0x1  }
0x34: {  	[sflag:s28] =	ssyncset.done $0x0  }
0x35: {  	[sflag:s28] =	ssyncadd.s32 $0xFFFFEC00;
	s20 =	simm.s32 $0x14000  }
.LBB2_1:
0x36: {  	[dreg:$0x11] =	wrdreg s14  }
0x37: {  	s7 =	rddreg [dreg:$0x5]  }
0x38: {  	[tilespmem:s20], [sflag:$0x1] =	stream.linear.gather [hbm4b:s7+s4], $0x400, $0x38;
	[tilespmem:$0x1D000] =	vst v63  }
0x39: {  	s14 =	rddreg [dreg:$0x6];
	s25 =	simm.s32 $0x14800  }
0x3a: {  	[tilespmem:s25], [sflag:$0x1] =	stream.linear.gather [hbm4b:s14+s4], $0x400, $0x38;
	[tilespmem:$0x1D000] =	vst v63  }
0x3b: {  	s25 =	simm.s32 $0x100;
	s14 =	simm.s32 $0x0  }
.LBB2_2:
0x3c: {  	p0 =	sne.s32 s25, $0x7F00;
	[tilespmem:s14+$0x15030] =	vst v0;
	s7 =	smov.u32 s25;
	s25 =	sadd.s32 $0x100, s25  }
.Ltmp2:
0x3d: {  	[tilespmem:s14+$0x15020] =	vst v0;
	(pc) =	sbr.rel @p0 .LBB2_2-.Ltmp2, $3  }
0x3e: {  	[tilespmem:s14+$0x15000] =	vst v0  }
0x3f: {  	[tilespmem:s14+$0x15010] =	vst v0;
	_ =	sdelay $0x1  }
0x40: {  	s14 =	sshra.s32 s7, $0x2  }
0x41: {  	[tilespmem:s14+$0x15030] =	vst v0  }
0x42: {  	[tilespmem:s14+$0x15020] =	vst v0  }
0x43: {  	[tilespmem:s14+$0x15000] =	vst v0  }
0x44: {  	[tilespmem:s14+$0x15010] =	vst v0;
	s7 =	rddreg [dreg:$0x7]  }
0x45: {  	[spmem:s7] =	stream.linear.scatter [tilespmem:s19], [sflag:$0xB], $0x2000, $0x38;
	[tilespmem:$0x1D000] =	vst v63  }
0x46: {  	_ =	swait.ge [sflag:s28], $0x2000  }
0x47: {  	[sflag:s28] =	ssyncset.done $0x0  }
0x48: {  	s25 =	rddreg [dreg:$0xb];
	[sflag:s28] =	ssyncadd.s32 $0xFFFFE000  }
0x49: {  	[spmem:s25] =	stream.linear.scatter [tilespmem:s19], [sflag:$0xB], $0x2000, $0x38;
	[tilespmem:$0x1D000] =	vst v63  }
0x4a: {  	_ =	swait.ge [sflag:s28], $0x2000  }
0x4b: {  	[sflag:s28] =	ssyncset.done $0x0  }
0x4c: {  	s14 =	rddreg [dreg:$0xc];
	[sflag:s28] =	ssyncadd.s32 $0xFFFFE000  }
0x4d: {  	[spmem:s14] =	stream.linear.scatter [tilespmem:s19], [sflag:$0xB], $0x2000, $0x38;
	[tilespmem:$0x1D000] =	vst v63  }
0x4e: {  	_ =	swait.ge [sflag:s28], $0x2000  }
0x4f: {  	[sflag:s28] =	ssyncset.done $0x0  }
0x50: {  	s25 =	rddreg [dreg:$0xd];
	[sflag:s28] =	ssyncadd.s32 $0xFFFFE000  }
0x51: {  	[spmem:s25] =	stream.linear.scatter [tilespmem:s19], [sflag:$0xB], $0x2000, $0x38;
	[tilespmem:$0x1D000] =	vst v63  }
0x52: {  	s25 =	stileid.u32;
	_ =	swait.ge [sflag:s28], $0x2000  }
0x53: {  	s7 =	sshll.u32 s25, $0x6;
	[sflag:s28] =	ssyncset.done $0x0  }
0x54: {  	s14 =	rddreg [dreg:$0xe];
	s25 =	sor.u32 $0x1C0B, s7;
	[sflag:s28] =	ssyncadd.s32 $0xFFFFE000  }
0x55: {  	[spmem:s14] =	stream.linear.scatter [tilespmem:s19], [sflag:$0xB], $0x2000, $0x38;
	[tilespmem:$0x1D000] =	vst v63  }
0x56: {  	_ =	swait.ge [sflag:s28], $0x2000;
	[dreg:$0x12] =	wrdreg s25  }
0x57: {  	[sflag:s28] =	ssyncset.done $0x0;
	s7 =	rddreg [dreg:$0x8]  }
0x58: {  	s14 =	rddreg [dreg:$0xf];
	[sflag:s28] =	ssyncadd.s32 $0xFFFFE000  }
0x59: {  	[spmem:s14], [sflag:s25] =	dma.local [hbm:s7], $0x1400  }
0x5a: {  	_ =	swait.ge [sflag:s28], $0x1400  }
0x5b: {  	[sflag:s28] =	ssyncset.done $0x0  }
0x5c: {  	[sflag:s28] =	ssyncadd.s32 $0xFFFFEC00  }
0x5d: {  	s14 =	simm.s32 $0x1;
	[bflag:$0x0] =	sbarrier.arrive $0xFFFF  }
0x5e: {  	_ =	swait.ge [sflag:s14], $0x400  }
0x5f: {  	[sflag:s14] =	ssyncset.done $0x0  }
0x60: {  	[sflag:s14] =	ssyncadd.s32 $0xFFFFFC00  }
0x61: {  	_ =	swait.ge [sflag:s14], $0x400  }
0x62: {  	[sflag:s14] =	ssyncset.done $0x0  }
0x63: {  	[sflag:s14] =	ssyncadd.s32 $0xFFFFFC00  }
0x64: {  	[tilespmem:s19], [sflag:$0x3] =	stream.indirect.gather [spmem:s3], $0x40, s20, s23, $0xb8;
	[tilespmem:$0x1D000] =	vst v63  }
0x65: {  	s25 =	simm.s32 $0x14080  }
0x66: {  	[tilespmem:s26], [sflag:$0x4] =	stream.indirect.gather [spmem:s3], $0x40, s25, s23, $0xb8;
	[tilespmem:$0x1D000] =	vst v63  }
0x67: {  	s28 =	simm.s32 $0x14100;
	s14 =	simm.s32 $0x0  }
0x68: {  	[tilespmem:s29], [sflag:$0x5] =	stream.indirect.gather [spmem:s3], $0x40, s28, s23, $0xb8;
	[tilespmem:$0x1D000] =	vst v63  }
.LBB2_4:
0x69: {  	s7 =	sadd.s32 s14, s16  }
0x6a: {  	s28 =	sadd.s32 s14, s15;
	s7 =	sadd.s32 $0x80, s7  }
0x6b: {  	[tilespmem:s30], [sflag:$0x2] =	stream.linear.gather [hbm4b:s7+s4], $0x400, $0x38;
	[tilespmem:$0x1D000] =	vst v63  }
0x6c: {  	s7 =	sadd.s32 $0x80, s28  }
0x6d: {  	[tilespmem:s31], [sflag:$0x2] =	stream.linear.gather [hbm4b:s7+s4], $0x400, $0x38;
	[tilespmem:$0x1D000] =	vst v63  }
0x6e: {  	_ =	swait.ge [sflag:s0], $0x2000  }
0x6f: {  	p0 =	seq.s32 s14, $0x0;
	[sflag:s0] =	ssyncset.done $0x0  }
0x70: {  	s20 =	simm.s32 $0x14800;
	s7 =	simm.s32 @!p0 $0xA;
	[sflag:s0] =	ssyncadd.s32 $0xFFFFE000  }
0x71: {  	[spmem:s2] =	stream.indirect.scatter.add.f32 [tilespmem:s19], [sflag:$0x7], $0x40, s20, s23, $0xb8;
	[tilespmem:$0x1D000] =	vst v63  }
0x72: {  	_ =	swait.ge @!p0 [sflag:s7], $0x2000  }
0x73: {  	[sflag:s7] =	ssyncset.done @!p0 $0x0  }
0x74: {  	s25 =	simm.s32 $0x14180;
	[sflag:s7] =	ssyncadd.s32 @!p0 $0xFFFFE000  }
0x75: {  	[tilespmem:s1], [sflag:$0x6] =	stream.indirect.gather [spmem:s3], $0x40, s25, s23, $0xb8;
	[tilespmem:$0x1D000] =	vst v63  }
0x76: {  	_ =	swait.ge [sflag:s5], $0x2000  }
0x77: {  	[sflag:s5] =	ssyncset.done $0x0  }
0x78: {  	s28 =	simm.s32 $0x14880;
	[sflag:s5] =	ssyncadd.s32 $0xFFFFE000  }
0x79: {  	[spmem:s2] =	stream.indirect.scatter.add.f32 [tilespmem:s26], [sflag:$0x8], $0x40, s28, s23, $0xb8;
	[tilespmem:$0x1D000] =	vst v63  }
0x7a: {  	_ =	swait.ge [sflag:s8], $0x2000  }
0x7b: {  	[sflag:s8] =	ssyncset.done $0x0  }
0x7c: {  	s20 =	simm.s32 $0x14200;
	[sflag:s8] =	ssyncadd.s32 $0xFFFFE000  }
0x7d: {  	[tilespmem:s19], [sflag:$0x3] =	stream.indirect.gather [spmem:s3], $0x40, s20, s23, $0xb8;
	[tilespmem:$0x1D000] =	vst v63  }
0x7e: {  	_ =	swait.ge [sflag:s10], $0x2000  }
0x7f: {  	[sflag:s10] =	ssyncset.done $0x0  }
0x80: {  	s25 =	simm.s32 $0x14900;
	[sflag:s10] =	ssyncadd.s32 $0xFFFFE000  }
0x81: {  	[spmem:s2] =	stream.indirect.scatter.add.f32 [tilespmem:s29], [sflag:$0x9], $0x40, s25, s23, $0xb8;
	[tilespmem:$0x1D000] =	vst v63  }
0x82: {  	_ =	swait.ge [sflag:s17], $0x2000  }
0x83: {  	[sflag:s17] =	ssyncset.done $0x0  }
0x84: {  	s28 =	simm.s32 $0x14280;
	[sflag:s17] =	ssyncadd.s32 $0xFFFFE000  }
0x85: {  	[tilespmem:s26], [sflag:$0x4] =	stream.indirect.gather [spmem:s3], $0x40, s28, s23, $0xb8;
	[tilespmem:$0x1D000] =	vst v63  }
0x86: {  	_ =	swait.ge [sflag:s13], $0x2000  }
0x87: {  	[sflag:s13] =	ssyncset.done $0x0  }
0x88: {  	s20 =	simm.s32 $0x14980;
	[sflag:s13] =	ssyncadd.s32 $0xFFFFE000  }
0x89: {  	[spmem:s2] =	stream.indirect.scatter.add.f32 [tilespmem:s1], [sflag:$0xA], $0x40, s20, s23, $0xb8;
	[tilespmem:$0x1D000] =	vst v63  }
0x8a: {  	_ =	swait.ge [sflag:s21], $0x2000  }
0x8b: {  	[sflag:s21] =	ssyncset.done $0x0  }
0x8c: {  	s25 =	simm.s32 $0x14300;
	[sflag:s21] =	ssyncadd.s32 $0xFFFFE000  }
0x8d: {  	[tilespmem:s29], [sflag:$0x5] =	stream.indirect.gather [spmem:s3], $0x40, s25, s23, $0xb8;
	[tilespmem:$0x1D000] =	vst v63  }
0x8e: {  	_ =	swait.ge [sflag:s0], $0x2000  }
0x8f: {  	[sflag:s0] =	ssyncset.done $0x0  }
0x90: {  	s28 =	simm.s32 $0x14A00;
	[sflag:s0] =	ssyncadd.s32 $0xFFFFE000  }
0x91: {  	[spmem:s2] =	stream.indirect.scatter.add.f32 [tilespmem:s19], [sflag:$0x7], $0x40, s28, s23, $0xb8;
	[tilespmem:$0x1D000] =	vst v63  }
0x92: {  	_ =	swait.ge [sflag:s22], $0x2000  }
0x93: {  	[sflag:s22] =	ssyncset.done $0x0  }
0x94: {  	s20 =	simm.s32 $0x14380;
	[sflag:s22] =	ssyncadd.s32 $0xFFFFE000  }
0x95: {  	[tilespmem:s1], [sflag:$0x6] =	stream.indirect.gather [spmem:s3], $0x40, s20, s23, $0xb8;
	[tilespmem:$0x1D000] =	vst v63  }
0x96: {  	_ =	swait.ge [sflag:s5], $0x2000  }
0x97: {  	[sflag:s5] =	ssyncset.done $0x0  }
0x98: {  	s25 =	simm.s32 $0x14A80;
	[sflag:s5] =	ssyncadd.s32 $0xFFFFE000  }
0x99: {  	[spmem:s2] =	stream.indirect.scatter.add.f32 [tilespmem:s26], [sflag:$0x8], $0x40, s25, s23, $0xb8;
	[tilespmem:$0x1D000] =	vst v63  }
0x9a: {  	_ =	swait.ge [sflag:s18], $0x400  }
0x9b: {  	[sflag:s18] =	ssyncset.done $0x0  }
0x9c: {  	[sflag:s18] =	ssyncadd.s32 $0xFFFFFC00  }
0x9d: {  	_ =	swait.ge [sflag:s18], $0x400  }
0x9e: {  	[sflag:s18] =	ssyncset.done $0x0  }
0x9f: {  	[sflag:s18] =	ssyncadd.s32 $0xFFFFFC00  }
0xa0: {  	_ =	swait.ge [sflag:s8], $0x2000  }
0xa1: {  	[sflag:s8] =	ssyncset.done $0x0  }
0xa2: {  	[sflag:s8] =	ssyncadd.s32 $0xFFFFE000  }
0xa3: {  	[tilespmem:s19], [sflag:$0x3] =	stream.indirect.gather [spmem:s3], $0x40, s30, s23, $0xb8;
	[tilespmem:$0x1D000] =	vst v63  }
0xa4: {  	_ =	swait.ge [sflag:s10], $0x2000  }
0xa5: {  	[sflag:s10] =	ssyncset.done $0x0  }
0xa6: {  	s28 =	simm.s32 $0x14B00;
	[sflag:s10] =	ssyncadd.s32 $0xFFFFE000  }
0xa7: {  	[spmem:s2] =	stream.indirect.scatter.add.f32 [tilespmem:s29], [sflag:$0x9], $0x40, s28, s23, $0xb8;
	[tilespmem:$0x1D000] =	vst v63  }
0xa8: {  	_ =	swait.ge [sflag:s17], $0x2000  }
0xa9: {  	[sflag:s17] =	ssyncset.done $0x0  }
0xaa: {  	s20 =	simm.s32 $0x14480;
	[sflag:s17] =	ssyncadd.s32 $0xFFFFE000  }
0xab: {  	[tilespmem:s26], [sflag:$0x4] =	stream.indirect.gather [spmem:s3], $0x40, s20, s23, $0xb8;
	[tilespmem:$0x1D000] =	vst v63  }
0xac: {  	_ =	swait.ge [sflag:s13], $0x2000  }
0xad: {  	[sflag:s13] =	ssyncset.done $0x0  }
0xae: {  	s25 =	simm.s32 $0x14B80;
	[sflag:s13] =	ssyncadd.s32 $0xFFFFE000  }
0xaf: {  	[spmem:s2] =	stream.indirect.scatter.add.f32 [tilespmem:s1], [sflag:$0xA], $0x40, s25, s23, $0xb8;
	[tilespmem:$0x1D000] =	vst v63  }
0xb0: {  	_ =	swait.ge [sflag:s21], $0x2000  }
0xb1: {  	p0 =	seq.s32 s14, $0x900;
	[sflag:s21] =	ssyncset.done $0x0  }
0xb2: {  	s7 =	sadd.s32 @!p0 s14, s16;
	s28 =	simm.s32 $0x14500;
	[sflag:s21] =	ssyncadd.s32 $0xFFFFE000  }
0xb3: {  	[tilespmem:s29], [sflag:$0x5] =	stream.indirect.gather [spmem:s3], $0x40, s28, s23, $0xb8;
	[tilespmem:$0x1D000] =	vst v63  }
0xb4: {  	s7 =	sadd.s32 @!p0 $0x100, s7;
	s20 =	simm.s32 @!p0 $0x0;
	s25 =	simm.s32 @!p0 $0x14000  }
0xb5: {  	[tilespmem:s25], [sflag:$0x1] =	stream.linear.gather @!p0 [hbm4b:s7+s20], $0x400, $0x38;
	[tilespmem:$0x1D000] =	vst v63  }
0xb6: {  	s7 =	sadd.s32 @!p0 s14, s15  }
0xb7: {  	s28 =	simm.s32 @!p0 $0x14800;
	s7 =	sadd.s32 @!p0 $0x100, s7  }
0xb8: {  	[tilespmem:s28], [sflag:$0x1] =	stream.linear.gather @!p0 [hbm4b:s7+s20], $0x400, $0x38;
	[tilespmem:$0x1D000] =	vst v63  }
0xb9: {  	_ =	swait.ge [sflag:s0], $0x2000  }
0xba: {  	[sflag:s0] =	ssyncset.done $0x0  }
0xbb: {  	[sflag:s0] =	ssyncadd.s32 $0xFFFFE000  }
0xbc: {  	[spmem:s2] =	stream.indirect.scatter.add.f32 [tilespmem:s19], [sflag:$0x7], $0x40, s31, s23, $0xb8;
	[tilespmem:$0x1D000] =	vst v63  }
0xbd: {  	_ =	swait.ge [sflag:s22], $0x2000  }
0xbe: {  	[sflag:s22] =	ssyncset.done $0x0  }
0xbf: {  	s20 =	simm.s32 $0x14580;
	[sflag:s22] =	ssyncadd.s32 $0xFFFFE000  }
0xc0: {  	[tilespmem:s1], [sflag:$0x6] =	stream.indirect.gather [spmem:s3], $0x40, s20, s23, $0xb8;
	[tilespmem:$0x1D000] =	vst v63  }
0xc1: {  	_ =	swait.ge [sflag:s5], $0x2000  }
0xc2: {  	[sflag:s5] =	ssyncset.done $0x0  }
0xc3: {  	s28 =	simm.s32 $0x14C80;
	[sflag:s5] =	ssyncadd.s32 $0xFFFFE000  }
0xc4: {  	[spmem:s2] =	stream.indirect.scatter.add.f32 [tilespmem:s26], [sflag:$0x8], $0x40, s28, s23, $0xb8;
	[tilespmem:$0x1D000] =	vst v63  }
0xc5: {  	_ =	swait.ge [sflag:s8], $0x2000  }
0xc6: {  	[sflag:s8] =	ssyncset.done $0x0  }
0xc7: {  	s20 =	simm.s32 $0x14600;
	[sflag:s8] =	ssyncadd.s32 $0xFFFFE000  }
0xc8: {  	[tilespmem:s19], [sflag:$0x3] =	stream.indirect.gather [spmem:s3], $0x40, s20, s23, $0xb8;
	[tilespmem:$0x1D000] =	vst v63  }
0xc9: {  	_ =	swait.ge [sflag:s10], $0x2000  }
0xca: {  	[sflag:s10] =	ssyncset.done $0x0  }
0xcb: {  	s28 =	simm.s32 $0x14D00;
	[sflag:s10] =	ssyncadd.s32 $0xFFFFE000  }
0xcc: {  	[spmem:s2] =	stream.indirect.scatter.add.f32 [tilespmem:s29], [sflag:$0x9], $0x40, s28, s23, $0xb8;
	[tilespmem:$0x1D000] =	vst v63  }
0xcd: {  	_ =	swait.ge [sflag:s17], $0x2000  }
0xce: {  	[sflag:s17] =	ssyncset.done $0x0  }
0xcf: {  	s20 =	simm.s32 $0x14680;
	[sflag:s17] =	ssyncadd.s32 $0xFFFFE000  }
0xd0: {  	[tilespmem:s26], [sflag:$0x4] =	stream.indirect.gather [spmem:s3], $0x40, s20, s23, $0xb8;
	[tilespmem:$0x1D000] =	vst v63  }
0xd1: {  	_ =	swait.ge [sflag:s13], $0x2000  }
0xd2: {  	[sflag:s13] =	ssyncset.done $0x0  }
0xd3: {  	s28 =	simm.s32 $0x14D80;
	[sflag:s13] =	ssyncadd.s32 $0xFFFFE000  }
0xd4: {  	[spmem:s2] =	stream.indirect.scatter.add.f32 [tilespmem:s1], [sflag:$0xA], $0x40, s28, s23, $0xb8;
	[tilespmem:$0x1D000] =	vst v63  }
0xd5: {  	_ =	swait.ge [sflag:s21], $0x2000  }
0xd6: {  	[sflag:s21] =	ssyncset.done $0x0  }
0xd7: {  	[sflag:s21] =	ssyncadd.s32 $0xFFFFE000  }
0xd8: {  	[tilespmem:s29], [sflag:$0x5] =	stream.indirect.gather [spmem:s3], $0x40, s24, s23, $0xb8;
	[tilespmem:$0x1D000] =	vst v63  }
0xd9: {  	_ =	swait.ge [sflag:s0], $0x2000  }
0xda: {  	[sflag:s0] =	ssyncset.done $0x0  }
0xdb: {  	[sflag:s0] =	ssyncadd.s32 $0xFFFFE000  }
0xdc: {  	[spmem:s2] =	stream.indirect.scatter.add.f32 [tilespmem:s19], [sflag:$0x7], $0x40, s6, s23, $0xb8;
	[tilespmem:$0x1D000] =	vst v63  }
0xdd: {  	_ =	swait.ge [sflag:s22], $0x2000  }
0xde: {  	[sflag:s22] =	ssyncset.done $0x0  }
0xdf: {  	[sflag:s22] =	ssyncadd.s32 $0xFFFFE000  }
0xe0: {  	[tilespmem:s1], [sflag:$0x6] =	stream.indirect.gather [spmem:s3], $0x40, s9, s23, $0xb8;
	[tilespmem:$0x1D000] =	vst v63  }
0xe1: {  	_ =	swait.ge [sflag:s5], $0x2000  }
0xe2: {  	[sflag:s5] =	ssyncset.done $0x0  }
0xe3: {  	s7 =	simm.s32 @p0 $0x5;
	[sflag:s5] =	ssyncadd.s32 $0xFFFFE000  }
0xe4: {  	[spmem:s2] =	stream.indirect.scatter.add.f32 [tilespmem:s26], [sflag:$0x8], $0x40, s11, s23, $0xb8;
	[tilespmem:$0x1D000] =	vst v63  }
0xe5: {  	_ =	swait.ge @p0 [sflag:s7], $0x2000  }
0xe6: {  	s20 =	simm.s32 @p0 $0x14F00;
	[sflag:s7] =	ssyncset.done @p0 $0x0  }
0xe7: {  	s28 =	simm.s32 @p0 $0x19000;
	[sflag:s7] =	ssyncadd.s32 @p0 $0xFFFFE000;
	s7 =	simm.s32 @p0 $0x80  }
0xe8: {  	[spmem:s2] =	stream.indirect.scatter.add.f32 @p0 [tilespmem:s28], [sflag:$0x9], $0x40, s20, s7, $0xb8;
	[tilespmem:$0x1D000] =	vst v63  }
0xe9: {  	s7 =	simm.s32 @!p0 $0x1  }
0xea: {  	_ =	swait.ge @!p0 [sflag:s7], $0x400  }
0xeb: {  	[sflag:s7] =	ssyncset.done @!p0 $0x0  }
0xec: {  	[sflag:s7] =	ssyncadd.s32 @!p0 $0xFFFFFC00  }
0xed: {  	_ =	swait.ge @!p0 [sflag:s7], $0x400  }
0xee: {  	[sflag:s7] =	ssyncset.done @!p0 $0x0  }
0xef: {  	[sflag:s7] =	ssyncadd.s32 @!p0 $0xFFFFFC00;
	s7 =	simm.s32 @!p0 $0x7  }
0xf0: {  	_ =	swait.ge @!p0 [sflag:s7], $0x2000  }
0xf1: {  	[sflag:s7] =	ssyncset.done @!p0 $0x0  }
0xf2: {  	s20 =	simm.s32 @!p0 $0x15000;
	[sflag:s7] =	ssyncadd.s32 @!p0 $0xFFFFE000;
	s7 =	simm.s32 @!p0 $0x80  }
0xf3: {  	[tilespmem:s20], [sflag:$0x3] =	stream.indirect.gather @!p0 [spmem:s3], $0x40, s25, s7, $0xb8;
	[tilespmem:$0x1D000] =	vst v63  }
0xf4: {  	s20 =	simm.s32 @!p0 $0x5  }
0xf5: {  	_ =	swait.ge @!p0 [sflag:s20], $0x2000  }
0xf6: {  	[sflag:s20] =	ssyncset.done @!p0 $0x0  }
0xf7: {  	s25 =	simm.s32 @!p0 $0x19000;
	[sflag:s20] =	ssyncadd.s32 @!p0 $0xFFFFE000;
	s20 =	simm.s32 @!p0 $0x14F00  }
0xf8: {  	[spmem:s2] =	stream.indirect.scatter.add.f32 @!p0 [tilespmem:s25], [sflag:$0x9], $0x40, s20, s7, $0xb8;
	[tilespmem:$0x1D000] =	vst v63  }
0xf9: {  	s20 =	simm.s32 @!p0 $0x8  }
0xfa: {  	_ =	swait.ge @!p0 [sflag:s20], $0x2000  }
0xfb: {  	[sflag:s20] =	ssyncset.done @!p0 $0x0  }
0xfc: {  	s25 =	simm.s32 @!p0 $0x17000;
	[sflag:s20] =	ssyncadd.s32 @!p0 $0xFFFFE000;
	s20 =	simm.s32 @!p0 $0x14080  }
0xfd: {  	[tilespmem:s25], [sflag:$0x4] =	stream.indirect.gather @!p0 [spmem:s3], $0x40, s20, s7, $0xb8;
	[tilespmem:$0x1D000] =	vst v63  }
.Ltmp3:
0xfe: {  	_ = 	snop;
	(pc) =	sbr.rel @p0 .LBB2_6-.Ltmp3, $4  }
0xff: {  	_ =	swait.ge [sflag:s13], $0x2000  }
0x100: {  	[sflag:s13] =	ssyncset.done $0x0  }
0x101: {  	[sflag:s13] =	ssyncadd.s32 $0xFFFFE000  }
0x102: {  	[spmem:s2] =	stream.indirect.scatter.add.f32 [tilespmem:s1], [sflag:$0xA], $0x40, s12, s23, $0xb8;
	[tilespmem:$0x1D000] =	vst v63  }
.Ltmp4:
0x103: {  	(pc) =	sbr.rel .LBB2_4-.Ltmp4, $4  }
0x104: {  	_ =	swait.ge [sflag:s21], $0x2000  }
0x105: {  	[sflag:s21] =	ssyncset.done $0x0  }
0x106: {  	s7 =	simm.s32 $0x14100;
	s14 =	sadd.s32 $0x100, s14;
	[sflag:s21] =	ssyncadd.s32 $0xFFFFE000  }
0x107: {  	[tilespmem:s29], [sflag:$0x5] =	stream.indirect.gather [spmem:s3], $0x40, s7, s23, $0xb8;
	[tilespmem:$0x1D000] =	vst v63  }
.LBB2_7:
0x108: {  	_ =	sfence.sel $0x180000  }
0x109: {  	[bflag:$0x0] =	sbarrier.arrive $0xFFFF  }
0x10a: {  	_ =	strace $0x9000004A  }
0x10b: {  	s0 =	stileid.u32;
	[bflag:$0x2] =	sbarrier.arrive $0xFFFF  }
0x10c: {  	p0 =	sne.s32 s0, $0x0;
	s0 =	rddreg [dreg:$0x4]  }
0x10d: {  	s0 =	sadd.s32 @!p0 $0x100000, s0  }
0x10e: {  	[sflag:s0] =	ssyncadd.tile.s32 @!p0 $0x1;
	_ =	shalt  }
.Lfunc_end2:
_tile_overlayer_lowered:
.L_overlay_start_2:
0x10f: {  	(tag) =	ssettag $0x2  }
0x110: {  	s0 =	rddreg [dreg:$0x0];
	s2 =	stileid.u32  }
0x111: {  	s1 =	rddreg [dreg:$0x1];
	p0 =	sne.s32 s2, $0x0  }
0x112: {  	s3 =	rddreg [dreg:$0x2];
	[bflag:$0x3] =	sbarrier.arrive $0xFFFF;
	s2 =	simm.s32 @!p0 $0x1C0B  }
0x113: {  	[timem:s3], [sflag:s2] =	dma.local @!p0 [hbm:s0], s1  }
0x114: {  	s0 =	simm.s32 @!p0 $0xB  }
0x115: {  	_ =	swait.ge @!p0 [sflag:s0], s1  }
0x116: {  	s1 =	ssub.s32 @!p0 $0x0, s1;
	[sflag:s0] =	ssyncset.done @!p0 $0x0  }
0x117: {  	[sflag:s0] =	ssyncadd.s32 @!p0 s1  }
0x118: {  	[bflag:$0x3] =	sbarrier.arrive $0xFFFF  }
0x119: {  	_ =	shalt  }

// kernel: kernel.16.cloned.1.call-start
scs
__scs_entry_jumppad:
0x0: {  	(pc) =	sbr.rel $0x88, $3  }
0x1: {  	(tag) =	ssettag $0x0;
	lr =	simm.s32 $0x1  }
0x2: {  	[smem:$0x3F99] =	sst lr;
	_ =	strace $0xD0000000  }
0x3: {  	_ = 	snop  }
0x4: {  	_ = 	snop  }
0x5: {  	_ = 	snop  }
0x6: {  	_ = 	snop  }
0x7: {  	_ = 	snop  }
__scs_overlays_trampoline_lowered:
0x8: {  	[smem:$0x3FA8] =	sst s0  }
0x9: {  	[smem:$0x3FA9] =	sst s1  }
0xa: {  	[smem:$0x3FAA] =	sst s2  }
0xb: {  	[smem:$0x3FAB] =	sst s3  }
0xc: {  	[smem:$0x3FAC] =	sst s4  }
0xd: {  	[smem:$0x3FAD] =	sst s5  }
0xe: {  	[smem:$0x3FAE] =	sst s6  }
0xf: {  	[smem:$0x3FAF] =	sst s7  }
0x10: {  	[smem:$0x3FB0] =	sst s8  }
0x11: {  	[smem:$0x3FB1] =	sst s9;
	s0 =	simm.s32 @!p0 $0x0  }
0x12: {  	s1 =	sld [smem:$0x3F97];
	s0 =	simm.s32 @p0 $0x1  }
0x13: {  	[smem:$0x3FB2] =	sst s0;
	s0 =	simm.s32 @!p1 $0x0  }
0x14: {  	s2 =	sld [smem:$0x3F96];
	s0 =	simm.s32 @p1 $0x1  }
0x15: {  	[smem:$0x3FB3] =	sst s0;
	s0 =	simm.s32 @!p2 $0x0  }
0x16: {  	s3 =	sld [smem:$0x3FDB];
	s0 =	simm.s32 @p2 $0x1  }
0x17: {  	s4 =	simm.s32 $0x1BF5;
	[smem:$0x3FB5] =	sst s0  }
0x18: {  	s0 =	sld [smem:$0x3F98];
	_ =	swait.ge [sflag:s4], $0x0  }
0x19: {  	s7 =	sld [smem:$0x3F99]  }
0x1a: {  	s8 =	sadd.s32 $0xFFFFE003, lr  }
0x1b: {  	s9 =	sadd.s32 $0xFFFFFEF7, lr;
	s5 =	simm.s32 $0xFFFFFFFF;
	p2 =	slt.u32 s8, $0xFFFFF086  }
0x1c: {  	p1 =	slt.u32 s9, $0xF7A;
	s5 =	simm.s32 @!p2 $0x0  }
0x1d: {  	s5 =	simm.s32 @p1 $0x1;
	p0 =	seq.s32 s7, s2  }
0x1e: {  	s7 =	smul.u32 @!p0 $0xF7A, s2;
	p2 =	seq.s32 @!p0 s5, $0x0  }
0x1f: {  	s9 =	smul.u32 $0xF7A, s1;
	s8 =	simm.s32 @!p0 $0x1BF5;
	p2 =	por !p2, p0  }
0x20: {  	[sflag:s8] =	ssyncset.s32 @!p0 $0xFFFFF086;
	s6 =	sadd.s32 @!p0 s3, s7;
	s7 =	simm.s32 @!p0 $0x108  }
0x21: {  	s3 =	sadd.s32 s3, s9;
	s6 =	sadd.s32 @!p0 $0x88, s6;
	s7 =	simm.s32 @p2 $0x1082  }
0x22: {  	[simem:s7], [sflag:s8] =	dma.local @!p0 [hbm:s6], $0xF7A  }
0x23: {  	s9 =	sor.u32 $0xD0000000, s2;
	s6 =	simm.s32 $0x108;
	_ =	swait.ge @!p0 [sflag:s8], $0x0  }
0x24: {  	s3 =	sadd.s32 $0x88, s3;
	s6 =	simm.s32 @!p1 $0x1082;
	[sflag:s4] =	ssyncset.s32 $0xFFFFF086  }
0x25: {  	[simem:s6], [sflag:s4] =	dma.local [hbm:s3], $0xF7A  }
0x26: {  	[smem:$0x3F99] =	sst s1;
	(tag) =	ssettag s2;
	_ =	strace s9  }
0x27: {  	s1 =	sld [smem:$0x3FA9]  }
0x28: {  	s2 =	sld [smem:$0x3FAA]  }
0x29: {  	s4 =	sld [smem:$0x3FAC]  }
0x2a: {  	p0 =	seq.s32 s5, $0x0;
	s5 =	sld [smem:$0x3FAD]  }
0x2b: {  	s6 =	sld [smem:$0x3FAE]  }
0x2c: {  	s7 =	sld [smem:$0x3FAF]  }
0x2d: {  	s3 =	simm.s32 $0x108;
	s8 =	sld [smem:$0x3FB0]  }
0x2e: {  	s3 =	simm.s32 @!p0 $0x1082;
	s9 =	sld [smem:$0x3FB1]  }
0x2f: {  	lr =	sadd.s32 s0, s3;
	s0 =	sld [smem:$0x3FA8]  }
0x30: {  	s3 =	sld [smem:$0x3FAB]  }
0x31: {  	[smem:$0x3FB4] =	sst s10  }
0x32: {  	s10 =	sld [smem:$0x3FB2];
	_ =	sdelay $0x3  }
0x33: {  	p0 =	seq.s32 s10, $0x1;
	s10 =	sld [smem:$0x3FB4];
	_ =	sdelay $0x3  }
0x34: {  	[smem:$0x3FB4] =	sst s10  }
0x35: {  	s10 =	sld [smem:$0x3FB3];
	_ =	sdelay $0x3  }
0x36: {  	p1 =	seq.s32 s10, $0x1;
	s10 =	sld [smem:$0x3FB4];
	_ =	sdelay $0x3  }
0x37: {  	[smem:$0x3FB4] =	sst s10  }
0x38: {  	s10 =	sld [smem:$0x3FB5]  }
0x39: {  	_ = 	snop;
	(pc) =	sbr.ind lr, $3  }
0x3a: {  	_ = 	snop  }
0x3b: {  	_ = 	snop  }
0x3c: {  	p2 =	seq.s32 s10, $0x1;
	s10 =	sld [smem:$0x3FB4]  }
0x3d: {  	_ =	shalt  }
0x3e: {  	_ =	shalt  }
0x3f: {  	_ =	shalt  }
0x40: {  	_ =	shalt  }
0x41: {  	_ =	shalt  }
0x42: {  	_ =	shalt  }
0x43: {  	_ =	shalt  }
0x44: {  	_ =	shalt  }
0x45: {  	_ =	shalt  }
0x46: {  	_ =	shalt  }
0x47: {  	_ =	shalt  }
0x48: {  	_ =	shalt  }
0x49: {  	_ =	shalt  }
0x4a: {  	_ =	shalt  }
0x4b: {  	_ =	shalt  }
0x4c: {  	_ =	shalt  }
0x4d: {  	_ =	shalt  }
0x4e: {  	_ =	shalt  }
0x4f: {  	_ =	shalt  }
0x50: {  	_ =	shalt  }
0x51: {  	_ =	shalt  }
0x52: {  	_ =	shalt  }
0x53: {  	_ =	shalt  }
0x54: {  	_ =	shalt  }
0x55: {  	_ =	shalt  }
0x56: {  	_ =	shalt  }
0x57: {  	_ =	shalt  }
0x58: {  	_ =	shalt  }
0x59: {  	_ =	shalt  }
0x5a: {  	_ =	shalt  }
0x5b: {  	_ =	shalt  }
0x5c: {  	_ =	shalt  }
0x5d: {  	_ =	shalt  }
0x5e: {  	_ =	shalt  }
0x5f: {  	_ =	shalt  }
0x60: {  	_ =	shalt  }
0x61: {  	_ =	shalt  }
0x62: {  	_ =	shalt  }
0x63: {  	_ =	shalt  }
0x64: {  	_ =	shalt  }
0x65: {  	_ =	shalt  }
0x66: {  	_ =	shalt  }
0x67: {  	_ =	shalt  }
0x68: {  	_ =	shalt  }
0x69: {  	_ =	shalt  }
0x6a: {  	_ =	shalt  }
0x6b: {  	_ =	shalt  }
0x6c: {  	_ =	shalt  }
0x6d: {  	_ =	shalt  }
0x6e: {  	_ =	shalt  }
0x6f: {  	_ =	shalt  }
0x70: {  	_ =	shalt  }
0x71: {  	_ =	shalt  }
0x72: {  	_ =	shalt  }
0x73: {  	_ =	shalt  }
0x74: {  	_ =	shalt  }
0x75: {  	_ =	shalt  }
0x76: {  	_ =	shalt  }
0x77: {  	_ =	shalt  }
0x78: {  	_ =	shalt  }
0x79: {  	_ =	shalt  }
0x7a: {  	_ =	shalt  }
0x7b: {  	_ =	shalt  }
0x7c: {  	_ =	shalt  }
0x7d: {  	_ =	shalt  }
0x7e: {  	_ =	shalt  }
0x7f: {  	_ =	shalt  }
0x80: {  	_ =	shalt  }
0x81: {  	_ =	shalt  }
0x82: {  	_ =	shalt  }
0x83: {  	_ =	shalt  }
0x84: {  	_ =	shalt  }
0x85: {  	_ =	shalt  }
0x86: {  	_ =	shalt  }
0x87: {  	_ =	shalt  }
.Lfunc_end0:
.L_simem_size_0:
called_computation.2_lowered:
.L_overlay_start_0:
0x88: {  	s2 =	sld [smem:$0x3FD9]  }
0x89: {  	s3 =	sld [smem:$0x3FFE];
	_ =	sdelay $0x1  }
0x8a: {  	s1 =	srdreg.scid  }
0x8b: {  	s0 =	sand.u32 $0x1, s1  }
0x8c: {  	s17 =	sshll.u32 s0, $0xA;
	s2 =	sadd.s32 s3, s2  }
0x8d: {  	s2 =	sadd.s32 s2, s17  }
0x8e: {  	[smem:$0x3FC0] =	sst s2  }
0x8f: {  	_ = 	snop  }
0x90: {  	s2 =	sld [smem:$0x3FD0];
	(tm) =	ssettm $0x1  }
0x91: {  	s18 =	sld [smem:$0x3FFB];
	_ =	sdelay $0x3  }
0x92: {  	_ =	strace s18  }
0x93: {  	s3 =	sld [smem:$0x3FFC];
	_ =	sdelay $0x3  }
0x94: {  	_ =	strace s3  }
0x95: {  	s3 =	sld [smem:$0x3FFD];
	_ =	sdelay $0x3  }
0x96: {  	_ =	strace s3  }
0x97: {  	_ =	strace $0x8FFFFFFF  }
0x98: {  	s19 =	sld [smem:$0x3FDB];
	_ =	sdelay $0x1  }
0x99: {  	s4 =	simm.s32 $_scs_section_size  }
0x9a: {  	s5 =	simm.s32 $_size__tile_overlayer_lowered;
	s6 =	simm.s32 $_tile_overlayer_lowered  }
0x9b: {  	s22 =	simm.s32 $0x1BFF;
	s21 =	sshll.u32 s6, $0x1;
	s3 =	sadd.s32 s4, s19  }
0x9c: {  	s7 =	simm.s32 $0x0;
	s20 =	sshll.u32 s5, $0x1;
	s5 =	sadd.s32 s21, s3  }
0x9d: {  	[timem:s7], [sflag:s22] =	dma.local [hbm:s5], s20  }
0x9e: {  	_ =	swait.ge [sflag:s22], s20  }
0x9f: {  	s4 =	ssub.s32 $0x0, s20;
	[sflag:s22] =	ssyncset.done $0x0  }
0xa0: {  	[sflag:s22] =	ssyncadd.s32 s4;
	_ =	sdelay $0x1  }
0xa1: {  	s23 =	simm.s32 $0x1B8B  }
0xa2: {  	_ =	swait.ge [sflag:s23], $0x1  }
0xa3: {  	[sflag:s23] =	ssyncset.done $0x0  }
0xa4: {  	s25 =	simm.s32 $0x1B8E;
	s24 =	sld [smem:$0x3FFE];
	[sflag:s23] =	ssyncadd.s32 $0xFFFFFFFF  }
0xa5: {  	s26 =	simm.s32 $execute0_lowered;
	[smem:$0x3FD2] =	sst s25  }
0xa6: {  	s5 =	sshll.u32 s26, $0x1;
	_ =	strace $0x8000004C;
	[dreg:$0x1] =	wrdreg $0xFFFFFFFF  }
0xa7: {  	s28 =	simm.s32 $_size_execute0_lowered;
	s3 =	sadd.s32 s3, s5;
	[dreg:$0x0] =	wrdreg $0x0  }
0xa8: {  	s5 =	sshll.u32 s28, $0x1;
	[dreg:$0x2] =	wrdreg s3  }
0xa9: {  	[dreg:$0x3] =	wrdreg s5  }
0xaa: {  	[dreg:$0x4] =	wrdreg $0xC0  }
0xab: {  	_ =	task [dreg:s7], $0x5FFFF  }
0xac: {  	[dreg:$0x1] =	wrdreg $0xFFFFFFFF  }
0xad: {  	[dreg:$0x0] =	wrdreg $0x60  }
0xae: {  	[dreg:$0x2] =	wrdreg s24  }
0xaf: {  	[dreg:$0x3] =	wrdreg s2  }
0xb0: {  	[dreg:$0x4] =	wrdreg $0xA0000  }
0xb1: {  	[dreg:$0x5] =	wrdreg $0x0  }
0xb2: {  	[dreg:$0x6] =	wrdreg $0x9  }
0xb3: {  	_ =	task.clear_ibuf [dreg:s7], $0x7FFFF;
	_ =	strace $0x9000004C  }
0xb4: {  	s29 =	simm.s32 $0x9;
	_ =	strace $0x8000004E  }
0xb5: {  	_ =	swait.ge [sflag:s29], $0x1  }
0xb6: {  	[sflag:s29] =	ssyncadd.s32 $0xFFFFFFFF  }
0xb7: {  	_ =	strace $0x9000004E  }
0xb8: {  	_ =	sfence  }
0xb9: {  	s30 =	sld [smem:$0x0];
	_ =	sdelay $0x2  }
0xba: {  	s31 =	sshll.u32 s1, $0xD;
	s1 =	sshrl.u32 s1, $0x2  }
0xbb: {  	s3 =	sand.u32 $0x4000, s31;
	s1 =	sadd.s32 s1, s30  }
0xbc: {  	s0 =	sor.u32 s3, s0;
	s1 =	sshll.u32 s1, $0x11  }
0xbd: {  	s0 =	sor.u32 s1, s0  }
0xbe: {  	s0 =	sadd.s32 $0x8F2B, s0  }
0xbf: {  	[sflag:s0] =	ssyncadd.remote.s32 $0x1  }
0xc0: {  	_ =	sfence.sel $0xFFFF  }
0xc1: {  	[dreg:$0x0] =	wrdreg $0xFFFFFFFF;
	(pc) =	sbr.abs _section_cstart, $3  }
0xc2: {  	[dreg:$0x1] =	wrdreg $0xFFFFFFFF  }
0xc3: {  	_ =	task.clear_ibuf [dreg:s7], $0x2FFFF;
	_ =	strace $0x9FFFFFFF  }
0xc4: {  	(tm) =	ssettm $0x7FFFFFFF  }
0xc5: {  	_ =	shalt  }
tec
execute0_lowered:
.L_overlay_start_1:
0x0: {  	(tag) =	ssettag $0x1  }
0x1: {  	s0 =	rddreg [dreg:$0x0]  }
0x2: {  	s1 =	rddreg [dreg:$0x1]  }
0x3: {  	s2 =	rddreg [dreg:$0x2]  }
0x4: {  	s3 =	rddreg [dreg:$0x3];
	s5 =	srdreg.scid  }
0x5: {  	s12 =	stileid.u32;
	s4 =	simm.s32 $0x0;
	s20 =	simm.s32 $0x14000  }
0x6: {  	s19 =	simm.s32 $0x15000;
	s28 =	simm.s32 $0xB;
	s6 =	smul.u32 $0xA000, s12  }
0x7: {  	s29 =	simm.s32 $0x19000;
	s30 =	simm.s32 $0x14400;
	s9 =	smul.u32 $0x5000, s12  }
0x8: {  	s31 =	simm.s32 $0x14C00;
	s5 =	sand.u32 $0x1, s5;
	s11 =	smul.u32 $0x28000, s12  }
0x9: {  	[smem:$0x7FF] =	sst s4;
	s8 =	sadd.s32 $0x2800, s0;
	s21 =	smul.u32 $0xA00, s12  }
0xa: {  	s12 =	simm.s32 $0x14F80;
	s7 =	smul.u32 $0xA0000, s5;
	s5 =	ssub.s32 $0x2, s5  }
0xb: {  	_ =	strace $0x8000004D;
	s10 =	sshrl.u32 s5, $0x1;
	s11 =	sshrl.u32 s11, $0x2  }
0xc: {  	s14 =	sadd.s32 s6, s3;
	s18 =	sadd.s32 s6, s2;
	s15 =	sadd.s32 s21, s1  }
0xd: {  	s16 =	sadd.s32 s21, s8;
	s21 =	simm.s32 $0x9;
	s7 =	sadd.s32 s6, s7  }
0xe: {  	s5 =	ssub.s32 s5, s10;
	s10 =	sshrl.u32 s9, $0x3;
	s13 =	sadd.s32 s11, s2  }
0xf: {  	s26 =	sshrl.u32 s14, $0x3;
	s6 =	simm.s32 $0x14E00;
	[dreg:$0x7] =	wrdreg s13  }
0x10: {  	s11 =	simm.s32 $0x14E80;
	s9 =	sadd.s32 s8, s10;
	[dreg:$0xf] =	wrdreg s26  }
0x11: {  	s14 =	simm.s32 $0x0;
	s5 =	smax.u32 s5, $0x1;
	[dreg:$0x5] =	wrdreg s9  }
0x12: {  	s7 =	sshrl.u32 s7, $0x3;
	s22 =	sadd.s32 $0x2000, s13;
	[dreg:$0xa] =	wrdreg s5  }
0x13: {  	s23 =	sadd.s32 $0x4000, s13;
	s24 =	sadd.s32 $0x6000, s13;
	[dreg:$0xb] =	wrdreg s22  }
0x14: {  	s25 =	sadd.s32 $0x8000, s13;
	s26 =	simm.s32 $0x17000;
	[dreg:$0xc] =	wrdreg s23  }
0x15: {  	s8 =	simm.s32 $0x7;
	s13 =	simm.s32 $0x6;
	[dreg:$0xd] =	wrdreg s24  }
0x16: {  	s0 =	sadd.s32 s7, s0;
	s7 =	sadd.s32 s1, s10;
	[dreg:$0xe] =	wrdreg s25  }
0x17: {  	s23 =	simm.s32 $0x80;
	s1 =	simm.s32 $0x1B000;
	s5 =	simm.s32 $0x4  }
.Ltmp0:
0x18: {  	s10 =	simm.s32 $0x5;
	s22 =	simm.s32 $0xA;
	(pc) =	sbr.rel .LBB2_1-.Ltmp0, $4  }
0x19: {  	s24 =	simm.s32 $0x14700;
	[dreg:$0x6] =	wrdreg s7;
	s17 =	sadd.s32 $0x5C800, s0  }
0x1a: {  	s9 =	simm.s32 $0x14780;
	s0 =	sadd.s32 $0x84800, s0;
	[dreg:$0x8] =	wrdreg s17  }
0x1b: {  	[dreg:$0x9] =	wrdreg s0;
	s0 =	sshrl.u32 s18, $0x3;
	s17 =	simm.s32 $0x8  }
0x1c: {  	v0 =	vimm.f32 $0.0e+00;
	s18 =	simm.s32 $0x2;
	[dreg:$0x10] =	wrdreg s0;
	s0 =	simm.s32 $0x3  }
.LBB2_6:
0x1d: {  	_ =	swait.ge [sflag:s8], $0x2000  }
0x1e: {  	[sflag:s8] =	ssyncset.done $0x0  }
0x1f: {  	[sflag:s8] =	ssyncadd.s32 $0xFFFFE000  }
0x20: {  	_ =	swait.ge [sflag:s17], $0x2000  }
0x21: {  	[sflag:s17] =	ssyncset.done $0x0  }
0x22: {  	[sflag:s17] =	ssyncadd.s32 $0xFFFFE000  }
0x23: {  	_ =	swait.ge [sflag:s21], $0x2000  }
0x24: {  	[sflag:s21] =	ssyncset.done $0x0  }
0x25: {  	[sflag:s21] =	ssyncadd.s32 $0xFFFFE000  }
0x26: {  	_ =	swait.ge [sflag:s22], $0x2000  }
0x27: {  	[sflag:s22] =	ssyncset.done $0x0  }
0x28: {  	[sflag:s22] =	ssyncadd.s32 $0xFFFFE000  }
0x29: {  	[bflag:$0x0] =	sbarrier.arrive $0xFFFF  }
0x2a: {  	s7 =	rddreg [dreg:$0x9]  }
0x2b: {  	s14 =	rddreg [dreg:$0x10]  }
0x2c: {  	s28 =	simm.s32 $0xB;
	s20 =	rddreg [dreg:$0x12]  }
0x2d: {  	[hbm:s7], [sflag:s20] =	dma.local [spmem:s14], $0x1400  }
0x2e: {  	_ =	swait.ge [sflag:s28], $0x1400  }
0x2f: {  	s20 =	rddreg [dreg:$0x11]  }
0x30: {  	s25 =	rddreg [dreg:$0xa];
	s14 =	sadd.s32 $0x1, s20  }
0x31: {  	p0 =	sne.s32 s14, s25  }
.Ltmp1:
0x32: {  	_ = 	snop;
	(pc) =	sbr.rel @!p0 .LBB2_7-.Ltmp1, $3  }
0x33: {  	_ =	sdelay $0x1  }
0x34: {  	[sflag:s28] =	ssyncset.done $0x0  }
0x35: {  	[sflag:s28] =	ssyncadd.s32 $0xFFFFEC00;
	s20 =	simm.s32 $0x14000  }
.LBB2_1:
0x36: {  	[dreg:$0x11] =	wrdreg s14  }
0x37: {  	s7 =	rddreg [dreg:$0x5]  }
0x38: {  	[tilespmem:s20], [sflag:$0x1] =	stream.linear.gather [hbm4b:s7+s4], $0x400, $0x38;
	[tilespmem:$0x1D000] =	vst v63  }
0x39: {  	s14 =	rddreg [dreg:$0x6];
	s25 =	simm.s32 $0x14800  }
0x3a: {  	[tilespmem:s25], [sflag:$0x1] =	stream.linear.gather [hbm4b:s14+s4], $0x400, $0x38;
	[tilespmem:$0x1D000] =	vst v63  }
0x3b: {  	s25 =	simm.s32 $0x100;
	s14 =	simm.s32 $0x0  }
.LBB2_2:
0x3c: {  	p0 =	sne.s32 s25, $0x7F00;
	[tilespmem:s14+$0x15030] =	vst v0;
	s7 =	smov.u32 s25;
	s25 =	sadd.s32 $0x100, s25  }
.Ltmp2:
0x3d: {  	[tilespmem:s14+$0x15020] =	vst v0;
	(pc) =	sbr.rel @p0 .LBB2_2-.Ltmp2, $3  }
0x3e: {  	[tilespmem:s14+$0x15000] =	vst v0  }
0x3f: {  	[tilespmem:s14+$0x15010] =	vst v0;
	_ =	sdelay $0x1  }
0x40: {  	s14 =	sshra.s32 s7, $0x2  }
0x41: {  	[tilespmem:s14+$0x15030] =	vst v0  }
0x42: {  	[tilespmem:s14+$0x15020] =	vst v0  }
0x43: {  	[tilespmem:s14+$0x15000] =	vst v0  }
0x44: {  	[tilespmem:s14+$0x15010] =	vst v0;
	s7 =	rddreg [dreg:$0x7]  }
0x45: {  	[spmem:s7] =	stream.linear.scatter [tilespmem:s19], [sflag:$0xB], $0x2000, $0x38;
	[tilespmem:$0x1D000] =	vst v63  }
0x46: {  	_ =	swait.ge [sflag:s28], $0x2000  }
0x47: {  	[sflag:s28] =	ssyncset.done $0x0  }
0x48: {  	s25 =	rddreg [dreg:$0xb];
	[sflag:s28] =	ssyncadd.s32 $0xFFFFE000  }
0x49: {  	[spmem:s25] =	stream.linear.scatter [tilespmem:s19], [sflag:$0xB], $0x2000, $0x38;
	[tilespmem:$0x1D000] =	vst v63  }
0x4a: {  	_ =	swait.ge [sflag:s28], $0x2000  }
0x4b: {  	[sflag:s28] =	ssyncset.done $0x0  }
0x4c: {  	s14 =	rddreg [dreg:$0xc];
	[sflag:s28] =	ssyncadd.s32 $0xFFFFE000  }
0x4d: {  	[spmem:s14] =	stream.linear.scatter [tilespmem:s19], [sflag:$0xB], $0x2000, $0x38;
	[tilespmem:$0x1D000] =	vst v63  }
0x4e: {  	_ =	swait.ge [sflag:s28], $0x2000  }
0x4f: {  	[sflag:s28] =	ssyncset.done $0x0  }
0x50: {  	s25 =	rddreg [dreg:$0xd];
	[sflag:s28] =	ssyncadd.s32 $0xFFFFE000  }
0x51: {  	[spmem:s25] =	stream.linear.scatter [tilespmem:s19], [sflag:$0xB], $0x2000, $0x38;
	[tilespmem:$0x1D000] =	vst v63  }
0x52: {  	s25 =	stileid.u32;
	_ =	swait.ge [sflag:s28], $0x2000  }
0x53: {  	s7 =	sshll.u32 s25, $0x6;
	[sflag:s28] =	ssyncset.done $0x0  }
0x54: {  	s14 =	rddreg [dreg:$0xe];
	s25 =	sor.u32 $0x1C0B, s7;
	[sflag:s28] =	ssyncadd.s32 $0xFFFFE000  }
0x55: {  	[spmem:s14] =	stream.linear.scatter [tilespmem:s19], [sflag:$0xB], $0x2000, $0x38;
	[tilespmem:$0x1D000] =	vst v63  }
0x56: {  	_ =	swait.ge [sflag:s28], $0x2000;
	[dreg:$0x12] =	wrdreg s25  }
0x57: {  	[sflag:s28] =	ssyncset.done $0x0;
	s7 =	rddreg [dreg:$0x8]  }
0x58: {  	s14 =	rddreg [dreg:$0xf];
	[sflag:s28] =	ssyncadd.s32 $0xFFFFE000  }
0x59: {  	[spmem:s14], [sflag:s25] =	dma.local [hbm:s7], $0x1400  }
0x5a: {  	_ =	swait.ge [sflag:s28], $0x1400  }
0x5b: {  	[sflag:s28] =	ssyncset.done $0x0  }
0x5c: {  	[sflag:s28] =	ssyncadd.s32 $0xFFFFEC00  }
0x5d: {  	s14 =	simm.s32 $0x1;
	[bflag:$0x0] =	sbarrier.arrive $0xFFFF  }
0x5e: {  	_ =	swait.ge [sflag:s14], $0x400  }
0x5f: {  	[sflag:s14] =	ssyncset.done $0x0  }
0x60: {  	[sflag:s14] =	ssyncadd.s32 $0xFFFFFC00  }
0x61: {  	_ =	swait.ge [sflag:s14], $0x400  }
0x62: {  	[sflag:s14] =	ssyncset.done $0x0  }
0x63: {  	[sflag:s14] =	ssyncadd.s32 $0xFFFFFC00  }
0x64: {  	[tilespmem:s19], [sflag:$0x3] =	stream.indirect.gather [spmem:s3], $0x40, s20, s23, $0xb8;
	[tilespmem:$0x1D000] =	vst v63  }
0x65: {  	s25 =	simm.s32 $0x14080  }
0x66: {  	[tilespmem:s26], [sflag:$0x4] =	stream.indirect.gather [spmem:s3], $0x40, s25, s23, $0xb8;
	[tilespmem:$0x1D000] =	vst v63  }
0x67: {  	s28 =	simm.s32 $0x14100;
	s14 =	simm.s32 $0x0  }
0x68: {  	[tilespmem:s29], [sflag:$0x5] =	stream.indirect.gather [spmem:s3], $0x40, s28, s23, $0xb8;
	[tilespmem:$0x1D000] =	vst v63  }
.LBB2_4:
0x69: {  	s7 =	sadd.s32 s14, s16  }
0x6a: {  	s28 =	sadd.s32 s14, s15;
	s7 =	sadd.s32 $0x80, s7  }
0x6b: {  	[tilespmem:s30], [sflag:$0x2] =	stream.linear.gather [hbm4b:s7+s4], $0x400, $0x38;
	[tilespmem:$0x1D000] =	vst v63  }
0x6c: {  	s7 =	sadd.s32 $0x80, s28  }
0x6d: {  	[tilespmem:s31], [sflag:$0x2] =	stream.linear.gather [hbm4b:s7+s4], $0x400, $0x38;
	[tilespmem:$0x1D000] =	vst v63  }
0x6e: {  	_ =	swait.ge [sflag:s0], $0x2000  }
0x6f: {  	p0 =	seq.s32 s14, $0x0;
	[sflag:s0] =	ssyncset.done $0x0  }
0x70: {  	s20 =	simm.s32 $0x14800;
	s7 =	simm.s32 @!p0 $0xA;
	[sflag:s0] =	ssyncadd.s32 $0xFFFFE000  }
0x71: {  	[spmem:s2] =	stream.indirect.scatter.add.f32 [tilespmem:s19], [sflag:$0x7], $0x40, s20, s23, $0xb8;
	[tilespmem:$0x1D000] =	vst v63  }
0x72: {  	_ =	swait.ge @!p0 [sflag:s7], $0x2000  }
0x73: {  	[sflag:s7] =	ssyncset.done @!p0 $0x0  }
0x74: {  	s25 =	simm.s32 $0x14180;
	[sflag:s7] =	ssyncadd.s32 @!p0 $0xFFFFE000  }
0x75: {  	[tilespmem:s1], [sflag:$0x6] =	stream.indirect.gather [spmem:s3], $0x40, s25, s23, $0xb8;
	[tilespmem:$0x1D000] =	vst v63  }
0x76: {  	_ =	swait.ge [sflag:s5], $0x2000  }
0x77: {  	[sflag:s5] =	ssyncset.done $0x0  }
0x78: {  	s28 =	simm.s32 $0x14880;
	[sflag:s5] =	ssyncadd.s32 $0xFFFFE000  }
0x79: {  	[spmem:s2] =	stream.indirect.scatter.add.f32 [tilespmem:s26], [sflag:$0x8], $0x40, s28, s23, $0xb8;
	[tilespmem:$0x1D000] =	vst v63  }
0x7a: {  	_ =	swait.ge [sflag:s8], $0x2000  }
0x7b: {  	[sflag:s8] =	ssyncset.done $0x0  }
0x7c: {  	s20 =	simm.s32 $0x14200;
	[sflag:s8] =	ssyncadd.s32 $0xFFFFE000  }
0x7d: {  	[tilespmem:s19], [sflag:$0x3] =	stream.indirect.gather [spmem:s3], $0x40, s20, s23, $0xb8;
	[tilespmem:$0x1D000] =	vst v63  }
0x7e: {  	_ =	swait.ge [sflag:s10], $0x2000  }
0x7f: {  	[sflag:s10] =	ssyncset.done $0x0  }
0x80: {  	s25 =	simm.s32 $0x14900;
	[sflag:s10] =	ssyncadd.s32 $0xFFFFE000  }
0x81: {  	[spmem:s2] =	stream.indirect.scatter.add.f32 [tilespmem:s29], [sflag:$0x9], $0x40, s25, s23, $0xb8;
	[tilespmem:$0x1D000] =	vst v63  }
0x82: {  	_ =	swait.ge [sflag:s17], $0x2000  }
0x83: {  	[sflag:s17] =	ssyncset.done $0x0  }
0x84: {  	s28 =	simm.s32 $0x14280;
	[sflag:s17] =	ssyncadd.s32 $0xFFFFE000  }
0x85: {  	[tilespmem:s26], [sflag:$0x4] =	stream.indirect.gather [spmem:s3], $0x40, s28, s23, $0xb8;
	[tilespmem:$0x1D000] =	vst v63  }
0x86: {  	_ =	swait.ge [sflag:s13], $0x2000  }
0x87: {  	[sflag:s13] =	ssyncset.done $0x0  }
0x88: {  	s20 =	simm.s32 $0x14980;
	[sflag:s13] =	ssyncadd.s32 $0xFFFFE000  }
0x89: {  	[spmem:s2] =	stream.indirect.scatter.add.f32 [tilespmem:s1], [sflag:$0xA], $0x40, s20, s23, $0xb8;
	[tilespmem:$0x1D000] =	vst v63  }
0x8a: {  	_ =	swait.ge [sflag:s21], $0x2000  }
0x8b: {  	[sflag:s21] =	ssyncset.done $0x0  }
0x8c: {  	s25 =	simm.s32 $0x14300;
	[sflag:s21] =	ssyncadd.s32 $0xFFFFE000  }
0x8d: {  	[tilespmem:s29], [sflag:$0x5] =	stream.indirect.gather [spmem:s3], $0x40, s25, s23, $0xb8;
	[tilespmem:$0x1D000] =	vst v63  }
0x8e: {  	_ =	swait.ge [sflag:s0], $0x2000  }
0x8f: {  	[sflag:s0] =	ssyncset.done $0x0  }
0x90: {  	s28 =	simm.s32 $0x14A00;
	[sflag:s0] =	ssyncadd.s32 $0xFFFFE000  }
0x91: {  	[spmem:s2] =	stream.indirect.scatter.add.f32 [tilespmem:s19], [sflag:$0x7], $0x40, s28, s23, $0xb8;
	[tilespmem:$0x1D000] =	vst v63  }
0x92: {  	_ =	swait.ge [sflag:s22], $0x2000  }
0x93: {  	[sflag:s22] =	ssyncset.done $0x0  }
0x94: {  	s20 =	simm.s32 $0x14380;
	[sflag:s22] =	ssyncadd.s32 $0xFFFFE000  }
0x95: {  	[tilespmem:s1], [sflag:$0x6] =	stream.indirect.gather [spmem:s3], $0x40, s20, s23, $0xb8;
	[tilespmem:$0x1D000] =	vst v63  }
0x96: {  	_ =	swait.ge [sflag:s5], $0x2000  }
0x97: {  	[sflag:s5] =	ssyncset.done $0x0  }
0x98: {  	s25 =	simm.s32 $0x14A80;
	[sflag:s5] =	ssyncadd.s32 $0xFFFFE000  }
0x99: {  	[spmem:s2] =	stream.indirect.scatter.add.f32 [tilespmem:s26], [sflag:$0x8], $0x40, s25, s23, $0xb8;
	[tilespmem:$0x1D000] =	vst v63  }
0x9a: {  	_ =	swait.ge [sflag:s18], $0x400  }
0x9b: {  	[sflag:s18] =	ssyncset.done $0x0  }
0x9c: {  	[sflag:s18] =	ssyncadd.s32 $0xFFFFFC00  }
0x9d: {  	_ =	swait.ge [sflag:s18], $0x400  }
0x9e: {  	[sflag:s18] =	ssyncset.done $0x0  }
0x9f: {  	[sflag:s18] =	ssyncadd.s32 $0xFFFFFC00  }
0xa0: {  	_ =	swait.ge [sflag:s8], $0x2000  }
0xa1: {  	[sflag:s8] =	ssyncset.done $0x0  }
0xa2: {  	[sflag:s8] =	ssyncadd.s32 $0xFFFFE000  }
0xa3: {  	[tilespmem:s19], [sflag:$0x3] =	stream.indirect.gather [spmem:s3], $0x40, s30, s23, $0xb8;
	[tilespmem:$0x1D000] =	vst v63  }
0xa4: {  	_ =	swait.ge [sflag:s10], $0x2000  }
0xa5: {  	[sflag:s10] =	ssyncset.done $0x0  }
0xa6: {  	s28 =	simm.s32 $0x14B00;
	[sflag:s10] =	ssyncadd.s32 $0xFFFFE000  }
0xa7: {  	[spmem:s2] =	stream.indirect.scatter.add.f32 [tilespmem:s29], [sflag:$0x9], $0x40, s28, s23, $0xb8;
	[tilespmem:$0x1D000] =	vst v63  }
0xa8: {  	_ =	swait.ge [sflag:s17], $0x2000  }
0xa9: {  	[sflag:s17] =	ssyncset.done $0x0  }
0xaa: {  	s20 =	simm.s32 $0x14480;
	[sflag:s17] =	ssyncadd.s32 $0xFFFFE000  }
0xab: {  	[tilespmem:s26], [sflag:$0x4] =	stream.indirect.gather [spmem:s3], $0x40, s20, s23, $0xb8;
	[tilespmem:$0x1D000] =	vst v63  }
0xac: {  	_ =	swait.ge [sflag:s13], $0x2000  }
0xad: {  	[sflag:s13] =	ssyncset.done $0x0  }
0xae: {  	s25 =	simm.s32 $0x14B80;
	[sflag:s13] =	ssyncadd.s32 $0xFFFFE000  }
0xaf: {  	[spmem:s2] =	stream.indirect.scatter.add.f32 [tilespmem:s1], [sflag:$0xA], $0x40, s25, s23, $0xb8;
	[tilespmem:$0x1D000] =	vst v63  }
0xb0: {  	_ =	swait.ge [sflag:s21], $0x2000  }
0xb1: {  	p0 =	seq.s32 s14, $0x900;
	[sflag:s21] =	ssyncset.done $0x0  }
0xb2: {  	s7 =	sadd.s32 @!p0 s14, s16;
	s28 =	simm.s32 $0x14500;
	[sflag:s21] =	ssyncadd.s32 $0xFFFFE000  }
0xb3: {  	[tilespmem:s29], [sflag:$0x5] =	stream.indirect.gather [spmem:s3], $0x40, s28, s23, $0xb8;
	[tilespmem:$0x1D000] =	vst v63  }
0xb4: {  	s7 =	sadd.s32 @!p0 $0x100, s7;
	s20 =	simm.s32 @!p0 $0x0;
	s25 =	simm.s32 @!p0 $0x14000  }
0xb5: {  	[tilespmem:s25], [sflag:$0x1] =	stream.linear.gather @!p0 [hbm4b:s7+s20], $0x400, $0x38;
	[tilespmem:$0x1D000] =	vst v63  }
0xb6: {  	s7 =	sadd.s32 @!p0 s14, s15  }
0xb7: {  	s28 =	simm.s32 @!p0 $0x14800;
	s7 =	sadd.s32 @!p0 $0x100, s7  }
0xb8: {  	[tilespmem:s28], [sflag:$0x1] =	stream.linear.gather @!p0 [hbm4b:s7+s20], $0x400, $0x38;
	[tilespmem:$0x1D000] =	vst v63  }
0xb9: {  	_ =	swait.ge [sflag:s0], $0x2000  }
0xba: {  	[sflag:s0] =	ssyncset.done $0x0  }
0xbb: {  	[sflag:s0] =	ssyncadd.s32 $0xFFFFE000  }
0xbc: {  	[spmem:s2] =	stream.indirect.scatter.add.f32 [tilespmem:s19], [sflag:$0x7], $0x40, s31, s23, $0xb8;
	[tilespmem:$0x1D000] =	vst v63  }
0xbd: {  	_ =	swait.ge [sflag:s22], $0x2000  }
0xbe: {  	[sflag:s22] =	ssyncset.done $0x0  }
0xbf: {  	s20 =	simm.s32 $0x14580;
	[sflag:s22] =	ssyncadd.s32 $0xFFFFE000  }
0xc0: {  	[tilespmem:s1], [sflag:$0x6] =	stream.indirect.gather [spmem:s3], $0x40, s20, s23, $0xb8;
	[tilespmem:$0x1D000] =	vst v63  }
0xc1: {  	_ =	swait.ge [sflag:s5], $0x2000  }
0xc2: {  	[sflag:s5] =	ssyncset.done $0x0  }
0xc3: {  	s28 =	simm.s32 $0x14C80;
	[sflag:s5] =	ssyncadd.s32 $0xFFFFE000  }
0xc4: {  	[spmem:s2] =	stream.indirect.scatter.add.f32 [tilespmem:s26], [sflag:$0x8], $0x40, s28, s23, $0xb8;
	[tilespmem:$0x1D000] =	vst v63  }
0xc5: {  	_ =	swait.ge [sflag:s8], $0x2000  }
0xc6: {  	[sflag:s8] =	ssyncset.done $0x0  }
0xc7: {  	s20 =	simm.s32 $0x14600;
	[sflag:s8] =	ssyncadd.s32 $0xFFFFE000  }
0xc8: {  	[tilespmem:s19], [sflag:$0x3] =	stream.indirect.gather [spmem:s3], $0x40, s20, s23, $0xb8;
	[tilespmem:$0x1D000] =	vst v63  }
0xc9: {  	_ =	swait.ge [sflag:s10], $0x2000  }
0xca: {  	[sflag:s10] =	ssyncset.done $0x0  }
0xcb: {  	s28 =	simm.s32 $0x14D00;
	[sflag:s10] =	ssyncadd.s32 $0xFFFFE000  }
0xcc: {  	[spmem:s2] =	stream.indirect.scatter.add.f32 [tilespmem:s29], [sflag:$0x9], $0x40, s28, s23, $0xb8;
	[tilespmem:$0x1D000] =	vst v63  }
0xcd: {  	_ =	swait.ge [sflag:s17], $0x2000  }
0xce: {  	[sflag:s17] =	ssyncset.done $0x0  }
0xcf: {  	s20 =	simm.s32 $0x14680;
	[sflag:s17] =	ssyncadd.s32 $0xFFFFE000  }
0xd0: {  	[tilespmem:s26], [sflag:$0x4] =	stream.indirect.gather [spmem:s3], $0x40, s20, s23, $0xb8;
	[tilespmem:$0x1D000] =	vst v63  }
0xd1: {  	_ =	swait.ge [sflag:s13], $0x2000  }
0xd2: {  	[sflag:s13] =	ssyncset.done $0x0  }
0xd3: {  	s28 =	simm.s32 $0x14D80;
	[sflag:s13] =	ssyncadd.s32 $0xFFFFE000  }
0xd4: {  	[spmem:s2] =	stream.indirect.scatter.add.f32 [tilespmem:s1], [sflag:$0xA], $0x40, s28, s23, $0xb8;
	[tilespmem:$0x1D000] =	vst v63  }
0xd5: {  	_ =	swait.ge [sflag:s21], $0x2000  }
0xd6: {  	[sflag:s21] =	ssyncset.done $0x0  }
0xd7: {  	[sflag:s21] =	ssyncadd.s32 $0xFFFFE000  }
0xd8: {  	[tilespmem:s29], [sflag:$0x5] =	stream.indirect.gather [spmem:s3], $0x40, s24, s23, $0xb8;
	[tilespmem:$0x1D000] =	vst v63  }
0xd9: {  	_ =	swait.ge [sflag:s0], $0x2000  }
0xda: {  	[sflag:s0] =	ssyncset.done $0x0  }
0xdb: {  	[sflag:s0] =	ssyncadd.s32 $0xFFFFE000  }
0xdc: {  	[spmem:s2] =	stream.indirect.scatter.add.f32 [tilespmem:s19], [sflag:$0x7], $0x40, s6, s23, $0xb8;
	[tilespmem:$0x1D000] =	vst v63  }
0xdd: {  	_ =	swait.ge [sflag:s22], $0x2000  }
0xde: {  	[sflag:s22] =	ssyncset.done $0x0  }
0xdf: {  	[sflag:s22] =	ssyncadd.s32 $0xFFFFE000  }
0xe0: {  	[tilespmem:s1], [sflag:$0x6] =	stream.indirect.gather [spmem:s3], $0x40, s9, s23, $0xb8;
	[tilespmem:$0x1D000] =	vst v63  }
0xe1: {  	_ =	swait.ge [sflag:s5], $0x2000  }
0xe2: {  	[sflag:s5] =	ssyncset.done $0x0  }
0xe3: {  	s7 =	simm.s32 @p0 $0x5;
	[sflag:s5] =	ssyncadd.s32 $0xFFFFE000  }
0xe4: {  	[spmem:s2] =	stream.indirect.scatter.add.f32 [tilespmem:s26], [sflag:$0x8], $0x40, s11, s23, $0xb8;
	[tilespmem:$0x1D000] =	vst v63  }
0xe5: {  	_ =	swait.ge @p0 [sflag:s7], $0x2000  }
0xe6: {  	s20 =	simm.s32 @p0 $0x14F00;
	[sflag:s7] =	ssyncset.done @p0 $0x0  }
0xe7: {  	s28 =	simm.s32 @p0 $0x19000;
	[sflag:s7] =	ssyncadd.s32 @p0 $0xFFFFE000;
	s7 =	simm.s32 @p0 $0x80  }
0xe8: {  	[spmem:s2] =	stream.indirect.scatter.add.f32 @p0 [tilespmem:s28], [sflag:$0x9], $0x40, s20, s7, $0xb8;
	[tilespmem:$0x1D000] =	vst v63  }
0xe9: {  	s7 =	simm.s32 @!p0 $0x1  }
0xea: {  	_ =	swait.ge @!p0 [sflag:s7], $0x400  }
0xeb: {  	[sflag:s7] =	ssyncset.done @!p0 $0x0  }
0xec: {  	[sflag:s7] =	ssyncadd.s32 @!p0 $0xFFFFFC00  }
0xed: {  	_ =	swait.ge @!p0 [sflag:s7], $0x400  }
0xee: {  	[sflag:s7] =	ssyncset.done @!p0 $0x0  }
0xef: {  	[sflag:s7] =	ssyncadd.s32 @!p0 $0xFFFFFC00;
	s7 =	simm.s32 @!p0 $0x7  }
0xf0: {  	_ =	swait.ge @!p0 [sflag:s7], $0x2000  }
0xf1: {  	[sflag:s7] =	ssyncset.done @!p0 $0x0  }
0xf2: {  	s20 =	simm.s32 @!p0 $0x15000;
	[sflag:s7] =	ssyncadd.s32 @!p0 $0xFFFFE000;
	s7 =	simm.s32 @!p0 $0x80  }
0xf3: {  	[tilespmem:s20], [sflag:$0x3] =	stream.indirect.gather @!p0 [spmem:s3], $0x40, s25, s7, $0xb8;
	[tilespmem:$0x1D000] =	vst v63  }
0xf4: {  	s20 =	simm.s32 @!p0 $0x5  }
0xf5: {  	_ =	swait.ge @!p0 [sflag:s20], $0x2000  }
0xf6: {  	[sflag:s20] =	ssyncset.done @!p0 $0x0  }
0xf7: {  	s25 =	simm.s32 @!p0 $0x19000;
	[sflag:s20] =	ssyncadd.s32 @!p0 $0xFFFFE000;
	s20 =	simm.s32 @!p0 $0x14F00  }
0xf8: {  	[spmem:s2] =	stream.indirect.scatter.add.f32 @!p0 [tilespmem:s25], [sflag:$0x9], $0x40, s20, s7, $0xb8;
	[tilespmem:$0x1D000] =	vst v63  }
0xf9: {  	s20 =	simm.s32 @!p0 $0x8  }
0xfa: {  	_ =	swait.ge @!p0 [sflag:s20], $0x2000  }
0xfb: {  	[sflag:s20] =	ssyncset.done @!p0 $0x0  }
0xfc: {  	s25 =	simm.s32 @!p0 $0x17000;
	[sflag:s20] =	ssyncadd.s32 @!p0 $0xFFFFE000;
	s20 =	simm.s32 @!p0 $0x14080  }
0xfd: {  	[tilespmem:s25], [sflag:$0x4] =	stream.indirect.gather @!p0 [spmem:s3], $0x40, s20, s7, $0xb8;
	[tilespmem:$0x1D000] =	vst v63  }
.Ltmp3:
0xfe: {  	_ = 	snop;
	(pc) =	sbr.rel @p0 .LBB2_6-.Ltmp3, $4  }
0xff: {  	_ =	swait.ge [sflag:s13], $0x2000  }
0x100: {  	[sflag:s13] =	ssyncset.done $0x0  }
0x101: {  	[sflag:s13] =	ssyncadd.s32 $0xFFFFE000  }
0x102: {  	[spmem:s2] =	stream.indirect.scatter.add.f32 [tilespmem:s1], [sflag:$0xA], $0x40, s12, s23, $0xb8;
	[tilespmem:$0x1D000] =	vst v63  }
.Ltmp4:
0x103: {  	(pc) =	sbr.rel .LBB2_4-.Ltmp4, $4  }
0x104: {  	_ =	swait.ge [sflag:s21], $0x2000  }
0x105: {  	[sflag:s21] =	ssyncset.done $0x0  }
0x106: {  	s7 =	simm.s32 $0x14100;
	s14 =	sadd.s32 $0x100, s14;
	[sflag:s21] =	ssyncadd.s32 $0xFFFFE000  }
0x107: {  	[tilespmem:s29], [sflag:$0x5] =	stream.indirect.gather [spmem:s3], $0x40, s7, s23, $0xb8;
	[tilespmem:$0x1D000] =	vst v63  }
.LBB2_7:
0x108: {  	_ =	sfence.sel $0x180000  }
0x109: {  	[bflag:$0x0] =	sbarrier.arrive $0xFFFF  }
0x10a: {  	_ =	strace $0x9000004D  }
0x10b: {  	s0 =	stileid.u32;
	[bflag:$0x2] =	sbarrier.arrive $0xFFFF  }
0x10c: {  	p0 =	sne.s32 s0, $0x0;
	s0 =	rddreg [dreg:$0x4]  }
0x10d: {  	s0 =	sadd.s32 @!p0 $0x100000, s0  }
0x10e: {  	[sflag:s0] =	ssyncadd.tile.s32 @!p0 $0x1;
	_ =	shalt  }
.Lfunc_end2:
_tile_overlayer_lowered:
.L_overlay_start_2:
0x10f: {  	(tag) =	ssettag $0x2  }
0x110: {  	s0 =	rddreg [dreg:$0x0];
	s2 =	stileid.u32  }
0x111: {  	s1 =	rddreg [dreg:$0x1];
	p0 =	sne.s32 s2, $0x0  }
0x112: {  	s3 =	rddreg [dreg:$0x2];
	[bflag:$0x3] =	sbarrier.arrive $0xFFFF;
	s2 =	simm.s32 @!p0 $0x1C0B  }
0x113: {  	[timem:s3], [sflag:s2] =	dma.local @!p0 [hbm:s0], s1  }
0x114: {  	s0 =	simm.s32 @!p0 $0xB  }
0x115: {  	_ =	swait.ge @!p0 [sflag:s0], s1  }
0x116: {  	s1 =	ssub.s32 @!p0 $0x0, s1;
	[sflag:s0] =	ssyncset.done @!p0 $0x0  }
0x117: {  	[sflag:s0] =	ssyncadd.s32 @!p0 s1  }
0x118: {  	[bflag:$0x3] =	sbarrier.arrive $0xFFFF  }
0x119: {  	_ =	shalt  }

// kernel: kernel.19.cloned.1.call-start
scs
__scs_entry_jumppad:
0x0: {  	(pc) =	sbr.rel $0x88, $3  }
0x1: {  	(tag) =	ssettag $0x0;
	lr =	simm.s32 $0x1  }
0x2: {  	[smem:$0x3F99] =	sst lr;
	_ =	strace $0xD0000000  }
0x3: {  	_ = 	snop  }
0x4: {  	_ = 	snop  }
0x5: {  	_ = 	snop  }
0x6: {  	_ = 	snop  }
0x7: {  	_ = 	snop  }
__scs_overlays_trampoline_lowered:
0x8: {  	[smem:$0x3FA8] =	sst s0  }
0x9: {  	[smem:$0x3FA9] =	sst s1  }
0xa: {  	[smem:$0x3FAA] =	sst s2  }
0xb: {  	[smem:$0x3FAB] =	sst s3  }
0xc: {  	[smem:$0x3FAC] =	sst s4  }
0xd: {  	[smem:$0x3FAD] =	sst s5  }
0xe: {  	[smem:$0x3FAE] =	sst s6  }
0xf: {  	[smem:$0x3FAF] =	sst s7  }
0x10: {  	[smem:$0x3FB0] =	sst s8  }
0x11: {  	[smem:$0x3FB1] =	sst s9;
	s0 =	simm.s32 @!p0 $0x0  }
0x12: {  	s1 =	sld [smem:$0x3F97];
	s0 =	simm.s32 @p0 $0x1  }
0x13: {  	[smem:$0x3FB2] =	sst s0;
	s0 =	simm.s32 @!p1 $0x0  }
0x14: {  	s2 =	sld [smem:$0x3F96];
	s0 =	simm.s32 @p1 $0x1  }
0x15: {  	[smem:$0x3FB3] =	sst s0;
	s0 =	simm.s32 @!p2 $0x0  }
0x16: {  	s3 =	sld [smem:$0x3FDB];
	s0 =	simm.s32 @p2 $0x1  }
0x17: {  	s4 =	simm.s32 $0x1BF5;
	[smem:$0x3FB5] =	sst s0  }
0x18: {  	s0 =	sld [smem:$0x3F98];
	_ =	swait.ge [sflag:s4], $0x0  }
0x19: {  	s7 =	sld [smem:$0x3F99]  }
0x1a: {  	s8 =	sadd.s32 $0xFFFFE003, lr  }
0x1b: {  	s9 =	sadd.s32 $0xFFFFFEF7, lr;
	s5 =	simm.s32 $0xFFFFFFFF;
	p2 =	slt.u32 s8, $0xFFFFF086  }
0x1c: {  	p1 =	slt.u32 s9, $0xF7A;
	s5 =	simm.s32 @!p2 $0x0  }
0x1d: {  	s5 =	simm.s32 @p1 $0x1;
	p0 =	seq.s32 s7, s2  }
0x1e: {  	s7 =	smul.u32 @!p0 $0xF7A, s2;
	p2 =	seq.s32 @!p0 s5, $0x0  }
0x1f: {  	s9 =	smul.u32 $0xF7A, s1;
	s8 =	simm.s32 @!p0 $0x1BF5;
	p2 =	por !p2, p0  }
0x20: {  	[sflag:s8] =	ssyncset.s32 @!p0 $0xFFFFF086;
	s6 =	sadd.s32 @!p0 s3, s7;
	s7 =	simm.s32 @!p0 $0x108  }
0x21: {  	s3 =	sadd.s32 s3, s9;
	s6 =	sadd.s32 @!p0 $0x88, s6;
	s7 =	simm.s32 @p2 $0x1082  }
0x22: {  	[simem:s7], [sflag:s8] =	dma.local @!p0 [hbm:s6], $0xF7A  }
0x23: {  	s9 =	sor.u32 $0xD0000000, s2;
	s6 =	simm.s32 $0x108;
	_ =	swait.ge @!p0 [sflag:s8], $0x0  }
0x24: {  	s3 =	sadd.s32 $0x88, s3;
	s6 =	simm.s32 @!p1 $0x1082;
	[sflag:s4] =	ssyncset.s32 $0xFFFFF086  }
0x25: {  	[simem:s6], [sflag:s4] =	dma.local [hbm:s3], $0xF7A  }
0x26: {  	[smem:$0x3F99] =	sst s1;
	(tag) =	ssettag s2;
	_ =	strace s9  }
0x27: {  	s1 =	sld [smem:$0x3FA9]  }
0x28: {  	s2 =	sld [smem:$0x3FAA]  }
0x29: {  	s4 =	sld [smem:$0x3FAC]  }
0x2a: {  	p0 =	seq.s32 s5, $0x0;
	s5 =	sld [smem:$0x3FAD]  }
0x2b: {  	s6 =	sld [smem:$0x3FAE]  }
0x2c: {  	s7 =	sld [smem:$0x3FAF]  }
0x2d: {  	s3 =	simm.s32 $0x108;
	s8 =	sld [smem:$0x3FB0]  }
0x2e: {  	s3 =	simm.s32 @!p0 $0x1082;
	s9 =	sld [smem:$0x3FB1]  }
0x2f: {  	lr =	sadd.s32 s0, s3;
	s0 =	sld [smem:$0x3FA8]  }
0x30: {  	s3 =	sld [smem:$0x3FAB]  }
0x31: {  	[smem:$0x3FB4] =	sst s10  }
0x32: {  	s10 =	sld [smem:$0x3FB2];
	_ =	sdelay $0x3  }
0x33: {  	p0 =	seq.s32 s10, $0x1;
	s10 =	sld [smem:$0x3FB4];
	_ =	sdelay $0x3  }
0x34: {  	[smem:$0x3FB4] =	sst s10  }
0x35: {  	s10 =	sld [smem:$0x3FB3];
	_ =	sdelay $0x3  }
0x36: {  	p1 =	seq.s32 s10, $0x1;
	s10 =	sld [smem:$0x3FB4];
	_ =	sdelay $0x3  }
0x37: {  	[smem:$0x3FB4] =	sst s10  }
0x38: {  	s10 =	sld [smem:$0x3FB5]  }
0x39: {  	_ = 	snop;
	(pc) =	sbr.ind lr, $3  }
0x3a: {  	_ = 	snop  }
0x3b: {  	_ = 	snop  }
0x3c: {  	p2 =	seq.s32 s10, $0x1;
	s10 =	sld [smem:$0x3FB4]  }
0x3d: {  	_ =	shalt  }
0x3e: {  	_ =	shalt  }
0x3f: {  	_ =	shalt  }
0x40: {  	_ =	shalt  }
0x41: {  	_ =	shalt  }
0x42: {  	_ =	shalt  }
0x43: {  	_ =	shalt  }
0x44: {  	_ =	shalt  }
0x45: {  	_ =	shalt  }
0x46: {  	_ =	shalt  }
0x47: {  	_ =	shalt  }
0x48: {  	_ =	shalt  }
0x49: {  	_ =	shalt  }
0x4a: {  	_ =	shalt  }
0x4b: {  	_ =	shalt  }
0x4c: {  	_ =	shalt  }
0x4d: {  	_ =	shalt  }
0x4e: {  	_ =	shalt  }
0x4f: {  	_ =	shalt  }
0x50: {  	_ =	shalt  }
0x51: {  	_ =	shalt  }
0x52: {  	_ =	shalt  }
0x53: {  	_ =	shalt  }
0x54: {  	_ =	shalt  }
0x55: {  	_ =	shalt  }
0x56: {  	_ =	shalt  }
0x57: {  	_ =	shalt  }
0x58: {  	_ =	shalt  }
0x59: {  	_ =	shalt  }
0x5a: {  	_ =	shalt  }
0x5b: {  	_ =	shalt  }
0x5c: {  	_ =	shalt  }
0x5d: {  	_ =	shalt  }
0x5e: {  	_ =	shalt  }
0x5f: {  	_ =	shalt  }
0x60: {  	_ =	shalt  }
0x61: {  	_ =	shalt  }
0x62: {  	_ =	shalt  }
0x63: {  	_ =	shalt  }
0x64: {  	_ =	shalt  }
0x65: {  	_ =	shalt  }
0x66: {  	_ =	shalt  }
0x67: {  	_ =	shalt  }
0x68: {  	_ =	shalt  }
0x69: {  	_ =	shalt  }
0x6a: {  	_ =	shalt  }
0x6b: {  	_ =	shalt  }
0x6c: {  	_ =	shalt  }
0x6d: {  	_ =	shalt  }
0x6e: {  	_ =	shalt  }
0x6f: {  	_ =	shalt  }
0x70: {  	_ =	shalt  }
0x71: {  	_ =	shalt  }
0x72: {  	_ =	shalt  }
0x73: {  	_ =	shalt  }
0x74: {  	_ =	shalt  }
0x75: {  	_ =	shalt  }
0x76: {  	_ =	shalt  }
0x77: {  	_ =	shalt  }
0x78: {  	_ =	shalt  }
0x79: {  	_ =	shalt  }
0x7a: {  	_ =	shalt  }
0x7b: {  	_ =	shalt  }
0x7c: {  	_ =	shalt  }
0x7d: {  	_ =	shalt  }
0x7e: {  	_ =	shalt  }
0x7f: {  	_ =	shalt  }
0x80: {  	_ =	shalt  }
0x81: {  	_ =	shalt  }
0x82: {  	_ =	shalt  }
0x83: {  	_ =	shalt  }
0x84: {  	_ =	shalt  }
0x85: {  	_ =	shalt  }
0x86: {  	_ =	shalt  }
0x87: {  	_ =	shalt  }
.Lfunc_end0:
.L_simem_size_0:
called_computation.3_lowered:
.L_overlay_start_0:
0x88: {  	s2 =	sld [smem:$0x3FD9]  }
0x89: {  	s3 =	sld [smem:$0x3FFE];
	_ =	sdelay $0x1  }
0x8a: {  	s1 =	srdreg.scid  }
0x8b: {  	s0 =	sand.u32 $0x1, s1  }
0x8c: {  	s17 =	sshll.u32 s0, $0xA;
	s2 =	sadd.s32 s3, s2  }
0x8d: {  	s2 =	sadd.s32 s2, s17  }
0x8e: {  	[smem:$0x3FC0] =	sst s2  }
0x8f: {  	_ = 	snop  }
0x90: {  	s2 =	sld [smem:$0x3FD0];
	(tm) =	ssettm $0x1  }
0x91: {  	s18 =	sld [smem:$0x3FFB];
	_ =	sdelay $0x3  }
0x92: {  	_ =	strace s18  }
0x93: {  	s3 =	sld [smem:$0x3FFC];
	_ =	sdelay $0x3  }
0x94: {  	_ =	strace s3  }
0x95: {  	s3 =	sld [smem:$0x3FFD];
	_ =	sdelay $0x3  }
0x96: {  	_ =	strace s3  }
0x97: {  	_ =	strace $0x8FFFFFFF  }
0x98: {  	s19 =	sld [smem:$0x3FDB];
	_ =	sdelay $0x1  }
0x99: {  	s4 =	simm.s32 $_scs_section_size  }
0x9a: {  	s5 =	simm.s32 $_size__tile_overlayer_lowered;
	s6 =	simm.s32 $_tile_overlayer_lowered  }
0x9b: {  	s22 =	simm.s32 $0x1BFF;
	s21 =	sshll.u32 s6, $0x1;
	s3 =	sadd.s32 s4, s19  }
0x9c: {  	s7 =	simm.s32 $0x0;
	s20 =	sshll.u32 s5, $0x1;
	s5 =	sadd.s32 s21, s3  }
0x9d: {  	[timem:s7], [sflag:s22] =	dma.local [hbm:s5], s20  }
0x9e: {  	_ =	swait.ge [sflag:s22], s20  }
0x9f: {  	s4 =	ssub.s32 $0x0, s20;
	[sflag:s22] =	ssyncset.done $0x0  }
0xa0: {  	[sflag:s22] =	ssyncadd.s32 s4;
	_ =	sdelay $0x1  }
0xa1: {  	s23 =	simm.s32 $0x1B8B  }
0xa2: {  	_ =	swait.ge [sflag:s23], $0x1  }
0xa3: {  	[sflag:s23] =	ssyncset.done $0x0  }
0xa4: {  	s25 =	simm.s32 $0x1B8E;
	s24 =	sld [smem:$0x3FFE];
	[sflag:s23] =	ssyncadd.s32 $0xFFFFFFFF  }
0xa5: {  	s26 =	simm.s32 $execute0_lowered;
	[smem:$0x3FD2] =	sst s25  }
0xa6: {  	s5 =	sshll.u32 s26, $0x1;
	_ =	strace $0x8000004F;
	[dreg:$0x1] =	wrdreg $0xFFFFFFFF  }
0xa7: {  	s28 =	simm.s32 $_size_execute0_lowered;
	s3 =	sadd.s32 s3, s5;
	[dreg:$0x0] =	wrdreg $0x0  }
0xa8: {  	s5 =	sshll.u32 s28, $0x1;
	[dreg:$0x2] =	wrdreg s3  }
0xa9: {  	[dreg:$0x3] =	wrdreg s5  }
0xaa: {  	[dreg:$0x4] =	wrdreg $0xC0  }
0xab: {  	_ =	task [dreg:s7], $0x5FFFF  }
0xac: {  	[dreg:$0x1] =	wrdreg $0xFFFFFFFF  }
0xad: {  	[dreg:$0x0] =	wrdreg $0x60  }
0xae: {  	[dreg:$0x2] =	wrdreg s24  }
0xaf: {  	[dreg:$0x3] =	wrdreg s2  }
0xb0: {  	[dreg:$0x4] =	wrdreg $0xA0000  }
0xb1: {  	[dreg:$0x5] =	wrdreg $0x0  }
0xb2: {  	[dreg:$0x6] =	wrdreg $0x9  }
0xb3: {  	_ =	task.clear_ibuf [dreg:s7], $0x7FFFF;
	_ =	strace $0x9000004F  }
0xb4: {  	s29 =	simm.s32 $0x9;
	_ =	strace $0x80000051  }
0xb5: {  	_ =	swait.ge [sflag:s29], $0x1  }
0xb6: {  	[sflag:s29] =	ssyncadd.s32 $0xFFFFFFFF  }
0xb7: {  	_ =	strace $0x90000051  }
0xb8: {  	_ =	sfence  }
0xb9: {  	s30 =	sld [smem:$0x0];
	_ =	sdelay $0x2  }
0xba: {  	s31 =	sshll.u32 s1, $0xD;
	s1 =	sshrl.u32 s1, $0x2  }
0xbb: {  	s3 =	sand.u32 $0x4000, s31;
	s1 =	sadd.s32 s1, s30  }
0xbc: {  	s0 =	sor.u32 s3, s0;
	s1 =	sshll.u32 s1, $0x11  }
0xbd: {  	s0 =	sor.u32 s1, s0  }
0xbe: {  	s0 =	sadd.s32 $0x8F2B, s0  }
0xbf: {  	[sflag:s0] =	ssyncadd.remote.s32 $0x1  }
0xc0: {  	_ =	sfence.sel $0xFFFF  }
0xc1: {  	[dreg:$0x0] =	wrdreg $0xFFFFFFFF;
	(pc) =	sbr.abs _section_cstart, $3  }
0xc2: {  	[dreg:$0x1] =	wrdreg $0xFFFFFFFF  }
0xc3: {  	_ =	task.clear_ibuf [dreg:s7], $0x2FFFF;
	_ =	strace $0x9FFFFFFF  }
0xc4: {  	(tm) =	ssettm $0x7FFFFFFF  }
0xc5: {  	_ =	shalt  }
tec
execute0_lowered:
.L_overlay_start_1:
0x0: {  	(tag) =	ssettag $0x1  }
0x1: {  	s0 =	rddreg [dreg:$0x0]  }
0x2: {  	s1 =	rddreg [dreg:$0x1]  }
0x3: {  	s2 =	rddreg [dreg:$0x2]  }
0x4: {  	s3 =	rddreg [dreg:$0x3];
	s5 =	srdreg.scid  }
0x5: {  	s12 =	stileid.u32;
	s4 =	simm.s32 $0x0;
	s20 =	simm.s32 $0x14000  }
0x6: {  	s19 =	simm.s32 $0x15000;
	s28 =	simm.s32 $0xB;
	s6 =	smul.u32 $0xA000, s12  }
0x7: {  	s29 =	simm.s32 $0x19000;
	s30 =	simm.s32 $0x14400;
	s9 =	smul.u32 $0x5000, s12  }
0x8: {  	s31 =	simm.s32 $0x14C00;
	s5 =	sand.u32 $0x1, s5;
	s11 =	smul.u32 $0x28000, s12  }
0x9: {  	[smem:$0x7FF] =	sst s4;
	s8 =	sadd.s32 $0x2800, s0;
	s21 =	smul.u32 $0xA00, s12  }
0xa: {  	s12 =	simm.s32 $0x14F80;
	s7 =	smul.u32 $0xA0000, s5;
	s5 =	ssub.s32 $0x2, s5  }
0xb: {  	_ =	strace $0x80000050;
	s10 =	sshrl.u32 s5, $0x1;
	s11 =	sshrl.u32 s11, $0x2  }
0xc: {  	s14 =	sadd.s32 s6, s3;
	s18 =	sadd.s32 s6, s2;
	s15 =	sadd.s32 s21, s1  }
0xd: {  	s16 =	sadd.s32 s21, s8;
	s21 =	simm.s32 $0x9;
	s7 =	sadd.s32 s6, s7  }
0xe: {  	s5 =	ssub.s32 s5, s10;
	s10 =	sshrl.u32 s9, $0x3;
	s13 =	sadd.s32 s11, s2  }
0xf: {  	s26 =	sshrl.u32 s14, $0x3;
	s6 =	simm.s32 $0x14E00;
	[dreg:$0x7] =	wrdreg s13  }
0x10: {  	s11 =	simm.s32 $0x14E80;
	s9 =	sadd.s32 s8, s10;
	[dreg:$0xf] =	wrdreg s26  }
0x11: {  	s14 =	simm.s32 $0x0;
	s5 =	smax.u32 s5, $0x1;
	[dreg:$0x5] =	wrdreg s9  }
0x12: {  	s7 =	sshrl.u32 s7, $0x3;
	s22 =	sadd.s32 $0x2000, s13;
	[dreg:$0xa] =	wrdreg s5  }
0x13: {  	s23 =	sadd.s32 $0x4000, s13;
	s24 =	sadd.s32 $0x6000, s13;
	[dreg:$0xb] =	wrdreg s22  }
0x14: {  	s25 =	sadd.s32 $0x8000, s13;
	s26 =	simm.s32 $0x17000;
	[dreg:$0xc] =	wrdreg s23  }
0x15: {  	s8 =	simm.s32 $0x7;
	s13 =	simm.s32 $0x6;
	[dreg:$0xd] =	wrdreg s24  }
0x16: {  	s0 =	sadd.s32 s7, s0;
	s7 =	sadd.s32 s1, s10;
	[dreg:$0xe] =	wrdreg s25  }
0x17: {  	s23 =	simm.s32 $0x80;
	s1 =	simm.s32 $0x1B000;
	s5 =	simm.s32 $0x4  }
.Ltmp0:
0x18: {  	s10 =	simm.s32 $0x5;
	s22 =	simm.s32 $0xA;
	(pc) =	sbr.rel .LBB2_1-.Ltmp0, $4  }
0x19: {  	s24 =	simm.s32 $0x14700;
	[dreg:$0x6] =	wrdreg s7;
	s17 =	sadd.s32 $0x5C800, s0  }
0x1a: {  	s9 =	simm.s32 $0x14780;
	s0 =	sadd.s32 $0x84800, s0;
	[dreg:$0x8] =	wrdreg s17  }
0x1b: {  	[dreg:$0x9] =	wrdreg s0;
	s0 =	sshrl.u32 s18, $0x3;
	s17 =	simm.s32 $0x8  }
0x1c: {  	v0 =	vimm.f32 $0.0e+00;
	s18 =	simm.s32 $0x2;
	[dreg:$0x10] =	wrdreg s0;
	s0 =	simm.s32 $0x3  }
.LBB2_6:
0x1d: {  	_ =	swait.ge [sflag:s8], $0x2000  }
0x1e: {  	[sflag:s8] =	ssyncset.done $0x0  }
0x1f: {  	[sflag:s8] =	ssyncadd.s32 $0xFFFFE000  }
0x20: {  	_ =	swait.ge [sflag:s17], $0x2000  }
0x21: {  	[sflag:s17] =	ssyncset.done $0x0  }
0x22: {  	[sflag:s17] =	ssyncadd.s32 $0xFFFFE000  }
0x23: {  	_ =	swait.ge [sflag:s21], $0x2000  }
0x24: {  	[sflag:s21] =	ssyncset.done $0x0  }
0x25: {  	[sflag:s21] =	ssyncadd.s32 $0xFFFFE000  }
0x26: {  	_ =	swait.ge [sflag:s22], $0x2000  }
0x27: {  	[sflag:s22] =	ssyncset.done $0x0  }
0x28: {  	[sflag:s22] =	ssyncadd.s32 $0xFFFFE000  }
0x29: {  	[bflag:$0x0] =	sbarrier.arrive $0xFFFF  }
0x2a: {  	s7 =	rddreg [dreg:$0x9]  }
0x2b: {  	s14 =	rddreg [dreg:$0x10]  }
0x2c: {  	s28 =	simm.s32 $0xB;
	s20 =	rddreg [dreg:$0x12]  }
0x2d: {  	[hbm:s7], [sflag:s20] =	dma.local [spmem:s14], $0x1400  }
0x2e: {  	_ =	swait.ge [sflag:s28], $0x1400  }
0x2f: {  	s20 =	rddreg [dreg:$0x11]  }
0x30: {  	s25 =	rddreg [dreg:$0xa];
	s14 =	sadd.s32 $0x1, s20  }
0x31: {  	p0 =	sne.s32 s14, s25  }
.Ltmp1:
0x32: {  	_ = 	snop;
	(pc) =	sbr.rel @!p0 .LBB2_7-.Ltmp1, $3  }
0x33: {  	_ =	sdelay $0x1  }
0x34: {  	[sflag:s28] =	ssyncset.done $0x0  }
0x35: {  	[sflag:s28] =	ssyncadd.s32 $0xFFFFEC00;
	s20 =	simm.s32 $0x14000  }
.LBB2_1:
0x36: {  	[dreg:$0x11] =	wrdreg s14  }
0x37: {  	s7 =	rddreg [dreg:$0x5]  }
0x38: {  	[tilespmem:s20], [sflag:$0x1] =	stream.linear.gather [hbm4b:s7+s4], $0x400, $0x38;
	[tilespmem:$0x1D000] =	vst v63  }
0x39: {  	s14 =	rddreg [dreg:$0x6];
	s25 =	simm.s32 $0x14800  }
0x3a: {  	[tilespmem:s25], [sflag:$0x1] =	stream.linear.gather [hbm4b:s14+s4], $0x400, $0x38;
	[tilespmem:$0x1D000] =	vst v63  }
0x3b: {  	s25 =	simm.s32 $0x100;
	s14 =	simm.s32 $0x0  }
.LBB2_2:
0x3c: {  	p0 =	sne.s32 s25, $0x7F00;
	[tilespmem:s14+$0x15030] =	vst v0;
	s7 =	smov.u32 s25;
	s25 =	sadd.s32 $0x100, s25  }
.Ltmp2:
0x3d: {  	[tilespmem:s14+$0x15020] =	vst v0;
	(pc) =	sbr.rel @p0 .LBB2_2-.Ltmp2, $3  }
0x3e: {  	[tilespmem:s14+$0x15000] =	vst v0  }
0x3f: {  	[tilespmem:s14+$0x15010] =	vst v0;
	_ =	sdelay $0x1  }
0x40: {  	s14 =	sshra.s32 s7, $0x2  }
0x41: {  	[tilespmem:s14+$0x15030] =	vst v0  }
0x42: {  	[tilespmem:s14+$0x15020] =	vst v0  }
0x43: {  	[tilespmem:s14+$0x15000] =	vst v0  }
0x44: {  	[tilespmem:s14+$0x15010] =	vst v0;
	s7 =	rddreg [dreg:$0x7]  }
0x45: {  	[spmem:s7] =	stream.linear.scatter [tilespmem:s19], [sflag:$0xB], $0x2000, $0x38;
	[tilespmem:$0x1D000] =	vst v63  }
0x46: {  	_ =	swait.ge [sflag:s28], $0x2000  }
0x47: {  	[sflag:s28] =	ssyncset.done $0x0  }
0x48: {  	s25 =	rddreg [dreg:$0xb];
	[sflag:s28] =	ssyncadd.s32 $0xFFFFE000  }
0x49: {  	[spmem:s25] =	stream.linear.scatter [tilespmem:s19], [sflag:$0xB], $0x2000, $0x38;
	[tilespmem:$0x1D000] =	vst v63  }
0x4a: {  	_ =	swait.ge [sflag:s28], $0x2000  }
0x4b: {  	[sflag:s28] =	ssyncset.done $0x0  }
0x4c: {  	s14 =	rddreg [dreg:$0xc];
	[sflag:s28] =	ssyncadd.s32 $0xFFFFE000  }
0x4d: {  	[spmem:s14] =	stream.linear.scatter [tilespmem:s19], [sflag:$0xB], $0x2000, $0x38;
	[tilespmem:$0x1D000] =	vst v63  }
0x4e: {  	_ =	swait.ge [sflag:s28], $0x2000  }
0x4f: {  	[sflag:s28] =	ssyncset.done $0x0  }
0x50: {  	s25 =	rddreg [dreg:$0xd];
	[sflag:s28] =	ssyncadd.s32 $0xFFFFE000  }
0x51: {  	[spmem:s25] =	stream.linear.scatter [tilespmem:s19], [sflag:$0xB], $0x2000, $0x38;
	[tilespmem:$0x1D000] =	vst v63  }
0x52: {  	s25 =	stileid.u32;
	_ =	swait.ge [sflag:s28], $0x2000  }
0x53: {  	s7 =	sshll.u32 s25, $0x6;
	[sflag:s28] =	ssyncset.done $0x0  }
0x54: {  	s14 =	rddreg [dreg:$0xe];
	s25 =	sor.u32 $0x1C0B, s7;
	[sflag:s28] =	ssyncadd.s32 $0xFFFFE000  }
0x55: {  	[spmem:s14] =	stream.linear.scatter [tilespmem:s19], [sflag:$0xB], $0x2000, $0x38;
	[tilespmem:$0x1D000] =	vst v63  }
0x56: {  	_ =	swait.ge [sflag:s28], $0x2000;
	[dreg:$0x12] =	wrdreg s25  }
0x57: {  	[sflag:s28] =	ssyncset.done $0x0;
	s7 =	rddreg [dreg:$0x8]  }
0x58: {  	s14 =	rddreg [dreg:$0xf];
	[sflag:s28] =	ssyncadd.s32 $0xFFFFE000  }
0x59: {  	[spmem:s14], [sflag:s25] =	dma.local [hbm:s7], $0x1400  }
0x5a: {  	_ =	swait.ge [sflag:s28], $0x1400  }
0x5b: {  	[sflag:s28] =	ssyncset.done $0x0  }
0x5c: {  	[sflag:s28] =	ssyncadd.s32 $0xFFFFEC00  }
0x5d: {  	s14 =	simm.s32 $0x1;
	[bflag:$0x0] =	sbarrier.arrive $0xFFFF  }
0x5e: {  	_ =	swait.ge [sflag:s14], $0x400  }
0x5f: {  	[sflag:s14] =	ssyncset.done $0x0  }
0x60: {  	[sflag:s14] =	ssyncadd.s32 $0xFFFFFC00  }
0x61: {  	_ =	swait.ge [sflag:s14], $0x400  }
0x62: {  	[sflag:s14] =	ssyncset.done $0x0  }
0x63: {  	[sflag:s14] =	ssyncadd.s32 $0xFFFFFC00  }
0x64: {  	[tilespmem:s19], [sflag:$0x3] =	stream.indirect.gather [spmem:s3], $0x40, s20, s23, $0xb8;
	[tilespmem:$0x1D000] =	vst v63  }
0x65: {  	s25 =	simm.s32 $0x14080  }
0x66: {  	[tilespmem:s26], [sflag:$0x4] =	stream.indirect.gather [spmem:s3], $0x40, s25, s23, $0xb8;
	[tilespmem:$0x1D000] =	vst v63  }
0x67: {  	s28 =	simm.s32 $0x14100;
	s14 =	simm.s32 $0x0  }
0x68: {  	[tilespmem:s29], [sflag:$0x5] =	stream.indirect.gather [spmem:s3], $0x40, s28, s23, $0xb8;
	[tilespmem:$0x1D000] =	vst v63  }
.LBB2_4:
0x69: {  	s7 =	sadd.s32 s14, s16  }
0x6a: {  	s28 =	sadd.s32 s14, s15;
	s7 =	sadd.s32 $0x80, s7  }
0x6b: {  	[tilespmem:s30], [sflag:$0x2] =	stream.linear.gather [hbm4b:s7+s4], $0x400, $0x38;
	[tilespmem:$0x1D000] =	vst v63  }
0x6c: {  	s7 =	sadd.s32 $0x80, s28  }
0x6d: {  	[tilespmem:s31], [sflag:$0x2] =	stream.linear.gather [hbm4b:s7+s4], $0x400, $0x38;
	[tilespmem:$0x1D000] =	vst v63  }
0x6e: {  	_ =	swait.ge [sflag:s0], $0x2000  }
0x6f: {  	p0 =	seq.s32 s14, $0x0;
	[sflag:s0] =	ssyncset.done $0x0  }
0x70: {  	s20 =	simm.s32 $0x14800;
	s7 =	simm.s32 @!p0 $0xA;
	[sflag:s0] =	ssyncadd.s32 $0xFFFFE000  }
0x71: {  	[spmem:s2] =	stream.indirect.scatter.add.f32 [tilespmem:s19], [sflag:$0x7], $0x40, s20, s23, $0xb8;
	[tilespmem:$0x1D000] =	vst v63  }
0x72: {  	_ =	swait.ge @!p0 [sflag:s7], $0x2000  }
0x73: {  	[sflag:s7] =	ssyncset.done @!p0 $0x0  }
0x74: {  	s25 =	simm.s32 $0x14180;
	[sflag:s7] =	ssyncadd.s32 @!p0 $0xFFFFE000  }
0x75: {  	[tilespmem:s1], [sflag:$0x6] =	stream.indirect.gather [spmem:s3], $0x40, s25, s23, $0xb8;
	[tilespmem:$0x1D000] =	vst v63  }
0x76: {  	_ =	swait.ge [sflag:s5], $0x2000  }
0x77: {  	[sflag:s5] =	ssyncset.done $0x0  }
0x78: {  	s28 =	simm.s32 $0x14880;
	[sflag:s5] =	ssyncadd.s32 $0xFFFFE000  }
0x79: {  	[spmem:s2] =	stream.indirect.scatter.add.f32 [tilespmem:s26], [sflag:$0x8], $0x40, s28, s23, $0xb8;
	[tilespmem:$0x1D000] =	vst v63  }
0x7a: {  	_ =	swait.ge [sflag:s8], $0x2000  }
0x7b: {  	[sflag:s8] =	ssyncset.done $0x0  }
0x7c: {  	s20 =	simm.s32 $0x14200;
	[sflag:s8] =	ssyncadd.s32 $0xFFFFE000  }
0x7d: {  	[tilespmem:s19], [sflag:$0x3] =	stream.indirect.gather [spmem:s3], $0x40, s20, s23, $0xb8;
	[tilespmem:$0x1D000] =	vst v63  }
0x7e: {  	_ =	swait.ge [sflag:s10], $0x2000  }
0x7f: {  	[sflag:s10] =	ssyncset.done $0x0  }
0x80: {  	s25 =	simm.s32 $0x14900;
	[sflag:s10] =	ssyncadd.s32 $0xFFFFE000  }
0x81: {  	[spmem:s2] =	stream.indirect.scatter.add.f32 [tilespmem:s29], [sflag:$0x9], $0x40, s25, s23, $0xb8;
	[tilespmem:$0x1D000] =	vst v63  }
0x82: {  	_ =	swait.ge [sflag:s17], $0x2000  }
0x83: {  	[sflag:s17] =	ssyncset.done $0x0  }
0x84: {  	s28 =	simm.s32 $0x14280;
	[sflag:s17] =	ssyncadd.s32 $0xFFFFE000  }
0x85: {  	[tilespmem:s26], [sflag:$0x4] =	stream.indirect.gather [spmem:s3], $0x40, s28, s23, $0xb8;
	[tilespmem:$0x1D000] =	vst v63  }
0x86: {  	_ =	swait.ge [sflag:s13], $0x2000  }
0x87: {  	[sflag:s13] =	ssyncset.done $0x0  }
0x88: {  	s20 =	simm.s32 $0x14980;
	[sflag:s13] =	ssyncadd.s32 $0xFFFFE000  }
0x89: {  	[spmem:s2] =	stream.indirect.scatter.add.f32 [tilespmem:s1], [sflag:$0xA], $0x40, s20, s23, $0xb8;
	[tilespmem:$0x1D000] =	vst v63  }
0x8a: {  	_ =	swait.ge [sflag:s21], $0x2000  }
0x8b: {  	[sflag:s21] =	ssyncset.done $0x0  }
0x8c: {  	s25 =	simm.s32 $0x14300;
	[sflag:s21] =	ssyncadd.s32 $0xFFFFE000  }
0x8d: {  	[tilespmem:s29], [sflag:$0x5] =	stream.indirect.gather [spmem:s3], $0x40, s25, s23, $0xb8;
	[tilespmem:$0x1D000] =	vst v63  }
0x8e: {  	_ =	swait.ge [sflag:s0], $0x2000  }
0x8f: {  	[sflag:s0] =	ssyncset.done $0x0  }
0x90: {  	s28 =	simm.s32 $0x14A00;
	[sflag:s0] =	ssyncadd.s32 $0xFFFFE000  }
0x91: {  	[spmem:s2] =	stream.indirect.scatter.add.f32 [tilespmem:s19], [sflag:$0x7], $0x40, s28, s23, $0xb8;
	[tilespmem:$0x1D000] =	vst v63  }
0x92: {  	_ =	swait.ge [sflag:s22], $0x2000  }
0x93: {  	[sflag:s22] =	ssyncset.done $0x0  }
0x94: {  	s20 =	simm.s32 $0x14380;
	[sflag:s22] =	ssyncadd.s32 $0xFFFFE000  }
0x95: {  	[tilespmem:s1], [sflag:$0x6] =	stream.indirect.gather [spmem:s3], $0x40, s20, s23, $0xb8;
	[tilespmem:$0x1D000] =	vst v63  }
0x96: {  	_ =	swait.ge [sflag:s5], $0x2000  }
0x97: {  	[sflag:s5] =	ssyncset.done $0x0  }
0x98: {  	s25 =	simm.s32 $0x14A80;
	[sflag:s5] =	ssyncadd.s32 $0xFFFFE000  }
0x99: {  	[spmem:s2] =	stream.indirect.scatter.add.f32 [tilespmem:s26], [sflag:$0x8], $0x40, s25, s23, $0xb8;
	[tilespmem:$0x1D000] =	vst v63  }
0x9a: {  	_ =	swait.ge [sflag:s18], $0x400  }
0x9b: {  	[sflag:s18] =	ssyncset.done $0x0  }
0x9c: {  	[sflag:s18] =	ssyncadd.s32 $0xFFFFFC00  }
0x9d: {  	_ =	swait.ge [sflag:s18], $0x400  }
0x9e: {  	[sflag:s18] =	ssyncset.done $0x0  }
0x9f: {  	[sflag:s18] =	ssyncadd.s32 $0xFFFFFC00  }
0xa0: {  	_ =	swait.ge [sflag:s8], $0x2000  }
0xa1: {  	[sflag:s8] =	ssyncset.done $0x0  }
0xa2: {  	[sflag:s8] =	ssyncadd.s32 $0xFFFFE000  }
0xa3: {  	[tilespmem:s19], [sflag:$0x3] =	stream.indirect.gather [spmem:s3], $0x40, s30, s23, $0xb8;
	[tilespmem:$0x1D000] =	vst v63  }
0xa4: {  	_ =	swait.ge [sflag:s10], $0x2000  }
0xa5: {  	[sflag:s10] =	ssyncset.done $0x0  }
0xa6: {  	s28 =	simm.s32 $0x14B00;
	[sflag:s10] =	ssyncadd.s32 $0xFFFFE000  }
0xa7: {  	[spmem:s2] =	stream.indirect.scatter.add.f32 [tilespmem:s29], [sflag:$0x9], $0x40, s28, s23, $0xb8;
	[tilespmem:$0x1D000] =	vst v63  }
0xa8: {  	_ =	swait.ge [sflag:s17], $0x2000  }
0xa9: {  	[sflag:s17] =	ssyncset.done $0x0  }
0xaa: {  	s20 =	simm.s32 $0x14480;
	[sflag:s17] =	ssyncadd.s32 $0xFFFFE000  }
0xab: {  	[tilespmem:s26], [sflag:$0x4] =	stream.indirect.gather [spmem:s3], $0x40, s20, s23, $0xb8;
	[tilespmem:$0x1D000] =	vst v63  }
0xac: {  	_ =	swait.ge [sflag:s13], $0x2000  }
0xad: {  	[sflag:s13] =	ssyncset.done $0x0  }
0xae: {  	s25 =	simm.s32 $0x14B80;
	[sflag:s13] =	ssyncadd.s32 $0xFFFFE000  }
0xaf: {  	[spmem:s2] =	stream.indirect.scatter.add.f32 [tilespmem:s1], [sflag:$0xA], $0x40, s25, s23, $0xb8;
	[tilespmem:$0x1D000] =	vst v63  }
0xb0: {  	_ =	swait.ge [sflag:s21], $0x2000  }
0xb1: {  	p0 =	seq.s32 s14, $0x900;
	[sflag:s21] =	ssyncset.done $0x0  }
0xb2: {  	s7 =	sadd.s32 @!p0 s14, s16;
	s28 =	simm.s32 $0x14500;
	[sflag:s21] =	ssyncadd.s32 $0xFFFFE000  }
0xb3: {  	[tilespmem:s29], [sflag:$0x5] =	stream.indirect.gather [spmem:s3], $0x40, s28, s23, $0xb8;
	[tilespmem:$0x1D000] =	vst v63  }
0xb4: {  	s7 =	sadd.s32 @!p0 $0x100, s7;
	s20 =	simm.s32 @!p0 $0x0;
	s25 =	simm.s32 @!p0 $0x14000  }
0xb5: {  	[tilespmem:s25], [sflag:$0x1] =	stream.linear.gather @!p0 [hbm4b:s7+s20], $0x400, $0x38;
	[tilespmem:$0x1D000] =	vst v63  }
0xb6: {  	s7 =	sadd.s32 @!p0 s14, s15  }
0xb7: {  	s28 =	simm.s32 @!p0 $0x14800;
	s7 =	sadd.s32 @!p0 $0x100, s7  }
0xb8: {  	[tilespmem:s28], [sflag:$0x1] =	stream.linear.gather @!p0 [hbm4b:s7+s20], $0x400, $0x38;
	[tilespmem:$0x1D000] =	vst v63  }
0xb9: {  	_ =	swait.ge [sflag:s0], $0x2000  }
0xba: {  	[sflag:s0] =	ssyncset.done $0x0  }
0xbb: {  	[sflag:s0] =	ssyncadd.s32 $0xFFFFE000  }
0xbc: {  	[spmem:s2] =	stream.indirect.scatter.add.f32 [tilespmem:s19], [sflag:$0x7], $0x40, s31, s23, $0xb8;
	[tilespmem:$0x1D000] =	vst v63  }
0xbd: {  	_ =	swait.ge [sflag:s22], $0x2000  }
0xbe: {  	[sflag:s22] =	ssyncset.done $0x0  }
0xbf: {  	s20 =	simm.s32 $0x14580;
	[sflag:s22] =	ssyncadd.s32 $0xFFFFE000  }
0xc0: {  	[tilespmem:s1], [sflag:$0x6] =	stream.indirect.gather [spmem:s3], $0x40, s20, s23, $0xb8;
	[tilespmem:$0x1D000] =	vst v63  }
0xc1: {  	_ =	swait.ge [sflag:s5], $0x2000  }
0xc2: {  	[sflag:s5] =	ssyncset.done $0x0  }
0xc3: {  	s28 =	simm.s32 $0x14C80;
	[sflag:s5] =	ssyncadd.s32 $0xFFFFE000  }
0xc4: {  	[spmem:s2] =	stream.indirect.scatter.add.f32 [tilespmem:s26], [sflag:$0x8], $0x40, s28, s23, $0xb8;
	[tilespmem:$0x1D000] =	vst v63  }
0xc5: {  	_ =	swait.ge [sflag:s8], $0x2000  }
0xc6: {  	[sflag:s8] =	ssyncset.done $0x0  }
0xc7: {  	s20 =	simm.s32 $0x14600;
	[sflag:s8] =	ssyncadd.s32 $0xFFFFE000  }
0xc8: {  	[tilespmem:s19], [sflag:$0x3] =	stream.indirect.gather [spmem:s3], $0x40, s20, s23, $0xb8;
	[tilespmem:$0x1D000] =	vst v63  }
0xc9: {  	_ =	swait.ge [sflag:s10], $0x2000  }
0xca: {  	[sflag:s10] =	ssyncset.done $0x0  }
0xcb: {  	s28 =	simm.s32 $0x14D00;
	[sflag:s10] =	ssyncadd.s32 $0xFFFFE000  }
0xcc: {  	[spmem:s2] =	stream.indirect.scatter.add.f32 [tilespmem:s29], [sflag:$0x9], $0x40, s28, s23, $0xb8;
	[tilespmem:$0x1D000] =	vst v63  }
0xcd: {  	_ =	swait.ge [sflag:s17], $0x2000  }
0xce: {  	[sflag:s17] =	ssyncset.done $0x0  }
0xcf: {  	s20 =	simm.s32 $0x14680;
	[sflag:s17] =	ssyncadd.s32 $0xFFFFE000  }
0xd0: {  	[tilespmem:s26], [sflag:$0x4] =	stream.indirect.gather [spmem:s3], $0x40, s20, s23, $0xb8;
	[tilespmem:$0x1D000] =	vst v63  }
0xd1: {  	_ =	swait.ge [sflag:s13], $0x2000  }
0xd2: {  	[sflag:s13] =	ssyncset.done $0x0  }
0xd3: {  	s28 =	simm.s32 $0x14D80;
	[sflag:s13] =	ssyncadd.s32 $0xFFFFE000  }
0xd4: {  	[spmem:s2] =	stream.indirect.scatter.add.f32 [tilespmem:s1], [sflag:$0xA], $0x40, s28, s23, $0xb8;
	[tilespmem:$0x1D000] =	vst v63  }
0xd5: {  	_ =	swait.ge [sflag:s21], $0x2000  }
0xd6: {  	[sflag:s21] =	ssyncset.done $0x0  }
0xd7: {  	[sflag:s21] =	ssyncadd.s32 $0xFFFFE000  }
0xd8: {  	[tilespmem:s29], [sflag:$0x5] =	stream.indirect.gather [spmem:s3], $0x40, s24, s23, $0xb8;
	[tilespmem:$0x1D000] =	vst v63  }
0xd9: {  	_ =	swait.ge [sflag:s0], $0x2000  }
0xda: {  	[sflag:s0] =	ssyncset.done $0x0  }
0xdb: {  	[sflag:s0] =	ssyncadd.s32 $0xFFFFE000  }
0xdc: {  	[spmem:s2] =	stream.indirect.scatter.add.f32 [tilespmem:s19], [sflag:$0x7], $0x40, s6, s23, $0xb8;
	[tilespmem:$0x1D000] =	vst v63  }
0xdd: {  	_ =	swait.ge [sflag:s22], $0x2000  }
0xde: {  	[sflag:s22] =	ssyncset.done $0x0  }
0xdf: {  	[sflag:s22] =	ssyncadd.s32 $0xFFFFE000  }
0xe0: {  	[tilespmem:s1], [sflag:$0x6] =	stream.indirect.gather [spmem:s3], $0x40, s9, s23, $0xb8;
	[tilespmem:$0x1D000] =	vst v63  }
0xe1: {  	_ =	swait.ge [sflag:s5], $0x2000  }
0xe2: {  	[sflag:s5] =	ssyncset.done $0x0  }
0xe3: {  	s7 =	simm.s32 @p0 $0x5;
	[sflag:s5] =	ssyncadd.s32 $0xFFFFE000  }
0xe4: {  	[spmem:s2] =	stream.indirect.scatter.add.f32 [tilespmem:s26], [sflag:$0x8], $0x40, s11, s23, $0xb8;
	[tilespmem:$0x1D000] =	vst v63  }
0xe5: {  	_ =	swait.ge @p0 [sflag:s7], $0x2000  }
0xe6: {  	s20 =	simm.s32 @p0 $0x14F00;
	[sflag:s7] =	ssyncset.done @p0 $0x0  }
0xe7: {  	s28 =	simm.s32 @p0 $0x19000;
	[sflag:s7] =	ssyncadd.s32 @p0 $0xFFFFE000;
	s7 =	simm.s32 @p0 $0x80  }
0xe8: {  	[spmem:s2] =	stream.indirect.scatter.add.f32 @p0 [tilespmem:s28], [sflag:$0x9], $0x40, s20, s7, $0xb8;
	[tilespmem:$0x1D000] =	vst v63  }
0xe9: {  	s7 =	simm.s32 @!p0 $0x1  }
0xea: {  	_ =	swait.ge @!p0 [sflag:s7], $0x400  }
0xeb: {  	[sflag:s7] =	ssyncset.done @!p0 $0x0  }
0xec: {  	[sflag:s7] =	ssyncadd.s32 @!p0 $0xFFFFFC00  }
0xed: {  	_ =	swait.ge @!p0 [sflag:s7], $0x400  }
0xee: {  	[sflag:s7] =	ssyncset.done @!p0 $0x0  }
0xef: {  	[sflag:s7] =	ssyncadd.s32 @!p0 $0xFFFFFC00;
	s7 =	simm.s32 @!p0 $0x7  }
0xf0: {  	_ =	swait.ge @!p0 [sflag:s7], $0x2000  }
0xf1: {  	[sflag:s7] =	ssyncset.done @!p0 $0x0  }
0xf2: {  	s20 =	simm.s32 @!p0 $0x15000;
	[sflag:s7] =	ssyncadd.s32 @!p0 $0xFFFFE000;
	s7 =	simm.s32 @!p0 $0x80  }
0xf3: {  	[tilespmem:s20], [sflag:$0x3] =	stream.indirect.gather @!p0 [spmem:s3], $0x40, s25, s7, $0xb8;
	[tilespmem:$0x1D000] =	vst v63  }
0xf4: {  	s20 =	simm.s32 @!p0 $0x5  }
0xf5: {  	_ =	swait.ge @!p0 [sflag:s20], $0x2000  }
0xf6: {  	[sflag:s20] =	ssyncset.done @!p0 $0x0  }
0xf7: {  	s25 =	simm.s32 @!p0 $0x19000;
	[sflag:s20] =	ssyncadd.s32 @!p0 $0xFFFFE000;
	s20 =	simm.s32 @!p0 $0x14F00  }
0xf8: {  	[spmem:s2] =	stream.indirect.scatter.add.f32 @!p0 [tilespmem:s25], [sflag:$0x9], $0x40, s20, s7, $0xb8;
	[tilespmem:$0x1D000] =	vst v63  }
0xf9: {  	s20 =	simm.s32 @!p0 $0x8  }
0xfa: {  	_ =	swait.ge @!p0 [sflag:s20], $0x2000  }
0xfb: {  	[sflag:s20] =	ssyncset.done @!p0 $0x0  }
0xfc: {  	s25 =	simm.s32 @!p0 $0x17000;
	[sflag:s20] =	ssyncadd.s32 @!p0 $0xFFFFE000;
	s20 =	simm.s32 @!p0 $0x14080  }
0xfd: {  	[tilespmem:s25], [sflag:$0x4] =	stream.indirect.gather @!p0 [spmem:s3], $0x40, s20, s7, $0xb8;
	[tilespmem:$0x1D000] =	vst v63  }
.Ltmp3:
0xfe: {  	_ = 	snop;
	(pc) =	sbr.rel @p0 .LBB2_6-.Ltmp3, $4  }
0xff: {  	_ =	swait.ge [sflag:s13], $0x2000  }
0x100: {  	[sflag:s13] =	ssyncset.done $0x0  }
0x101: {  	[sflag:s13] =	ssyncadd.s32 $0xFFFFE000  }
0x102: {  	[spmem:s2] =	stream.indirect.scatter.add.f32 [tilespmem:s1], [sflag:$0xA], $0x40, s12, s23, $0xb8;
	[tilespmem:$0x1D000] =	vst v63  }
.Ltmp4:
0x103: {  	(pc) =	sbr.rel .LBB2_4-.Ltmp4, $4  }
0x104: {  	_ =	swait.ge [sflag:s21], $0x2000  }
0x105: {  	[sflag:s21] =	ssyncset.done $0x0  }
0x106: {  	s7 =	simm.s32 $0x14100;
	s14 =	sadd.s32 $0x100, s14;
	[sflag:s21] =	ssyncadd.s32 $0xFFFFE000  }
0x107: {  	[tilespmem:s29], [sflag:$0x5] =	stream.indirect.gather [spmem:s3], $0x40, s7, s23, $0xb8;
	[tilespmem:$0x1D000] =	vst v63  }
.LBB2_7:
0x108: {  	_ =	sfence.sel $0x180000  }
0x109: {  	[bflag:$0x0] =	sbarrier.arrive $0xFFFF  }
0x10a: {  	_ =	strace $0x90000050  }
0x10b: {  	s0 =	stileid.u32;
	[bflag:$0x2] =	sbarrier.arrive $0xFFFF  }
0x10c: {  	p0 =	sne.s32 s0, $0x0;
	s0 =	rddreg [dreg:$0x4]  }
0x10d: {  	s0 =	sadd.s32 @!p0 $0x100000, s0  }
0x10e: {  	[sflag:s0] =	ssyncadd.tile.s32 @!p0 $0x1;
	_ =	shalt  }
.Lfunc_end2:
_tile_overlayer_lowered:
.L_overlay_start_2:
0x10f: {  	(tag) =	ssettag $0x2  }
0x110: {  	s0 =	rddreg [dreg:$0x0];
	s2 =	stileid.u32  }
0x111: {  	s1 =	rddreg [dreg:$0x1];
	p0 =	sne.s32 s2, $0x0  }
0x112: {  	s3 =	rddreg [dreg:$0x2];
	[bflag:$0x3] =	sbarrier.arrive $0xFFFF;
	s2 =	simm.s32 @!p0 $0x1C0B  }
0x113: {  	[timem:s3], [sflag:s2] =	dma.local @!p0 [hbm:s0], s1  }
0x114: {  	s0 =	simm.s32 @!p0 $0xB  }
0x115: {  	_ =	swait.ge @!p0 [sflag:s0], s1  }
0x116: {  	s1 =	ssub.s32 @!p0 $0x0, s1;
	[sflag:s0] =	ssyncset.done @!p0 $0x0  }
0x117: {  	[sflag:s0] =	ssyncadd.s32 @!p0 s1  }
0x118: {  	[bflag:$0x3] =	sbarrier.arrive $0xFFFF  }
0x119: {  	_ =	shalt  }

</sc_bundles>
